<compile_context>
chip_gen: v7x
topology: tpu7x:2x2x1
jax: 0.10.2.dev20260603
libtpu: 0.0.44.dev20260713+nightly
codegen_flags: <defaults>
</compile_context>

<pallas_src>
import jax
import jax.numpy as jnp
from jax import lax
from jax.experimental import pallas as pl
from jax.experimental.pallas import tpu as pltpu
from jax.experimental.pallas import tpu_sc as plsc

H = 1024
F = 3584
E = 8
T = 2048
A = 2 * T
B = 512
NB = A // B + E
NBP = 32
P = NB * B
KF = 896
NKF = F // KF

NC = 2
NS = 16
NW = NC * NS
APW = A // NW
CH = 64
NCH = APW // CH
CCH = 32
TPW = T // NW
H2 = H // 2



def _router_body(x_ref, gw_ref, rw_ref, pos_ref, bexp_ref, xp_ref):
    x = x_ref[...]
    logits = lax.dot_general(x, gw_ref[...], (((1,), (1,)), ((), ())),
                             preferred_element_type=jnp.float32)
    m = jnp.max(logits, axis=1, keepdims=True)
    ex = jnp.exp(logits - m)
    probs = ex / jnp.sum(ex, axis=1, keepdims=True)
    lane = lax.broadcasted_iota(jnp.int32, (T, E), 1)
    m1 = jnp.max(probs, axis=1, keepdims=True)
    a1 = jnp.min(jnp.where(probs == m1, lane, E), axis=1, keepdims=True)
    pm = jnp.where(lane == a1, -1.0, probs)
    m2 = jnp.max(pm, axis=1, keepdims=True)
    a2 = jnp.min(jnp.where(pm == m2, lane, E), axis=1, keepdims=True)
    s = m1 + m2
    rw_ref[...] = jnp.concatenate([m1 / s, m2 / s], axis=1)

    oh1 = (lane == a1).astype(jnp.float32)
    oh2 = (lane == a2).astype(jnp.float32)
    tot = oh1 + oh2
    csum = tot
    shift = 1
    while shift < T:
        top = jnp.zeros((shift, E), jnp.float32)
        csum = csum + jnp.concatenate([top, csum[: T - shift, :]], axis=0)
        shift *= 2
    cexcl = csum - tot
    counts = csum[T - 1 : T, :]
    blocks = jnp.floor((counts + float(B - 1)) * (1.0 / B))
    bincl = blocks
    shift = 1
    while shift < E:
        left = jnp.zeros((1, shift), jnp.float32)
        bincl = bincl + jnp.concatenate([left, bincl[:, : E - shift]], axis=1)
        shift *= 2
    off = (bincl - blocks) * float(B)
    posf = off + cexcl
    p1 = jnp.sum(oh1 * posf, axis=1, keepdims=True)
    p2 = jnp.sum(oh2 * posf, axis=1, keepdims=True)
    pos_ref[...] = jnp.concatenate([p1, p2], axis=1).astype(jnp.int32)

    bv = lax.broadcasted_iota(jnp.int32, (1, NBP), 1).astype(jnp.float32)
    acc = jnp.zeros((1, NBP), jnp.float32)
    for e in range(E):
        acc = acc + (bv >= bincl[:, e : e + 1]).astype(jnp.float32)
    bexp_ref[...] = jnp.where(acc > E - 0.5, -1.0, acc).astype(jnp.int32)

    lo = lax.bitcast_convert_type(
        x[:, :H2].astype(jnp.bfloat16).astype(jnp.float32), jnp.int32)
    hi = lax.bitcast_convert_type(
        x[:, H2:].astype(jnp.bfloat16).astype(jnp.float32), jnp.int32)
    xp_ref[...] = jnp.bitwise_or(
        lax.shift_right_logical(lo, 16), jnp.bitwise_and(hi, jnp.int32(-65536)))


def _router(x, gate_w):
    return pl.pallas_call(
        _router_body,
        out_shape=[
            jax.ShapeDtypeStruct((T, 2), jnp.float32),
            jax.ShapeDtypeStruct((T, 2), jnp.int32),
            jax.ShapeDtypeStruct((1, NBP), jnp.int32),
            jax.ShapeDtypeStruct((T, H2), jnp.int32),
        ],
    )(x, gate_w)



def _dispatch_body(x_hbm, pos_hbm, w_hbm, xs_hbm, sw_hbm,
                   pos_v, w_v, tok_v, rows_v, sem_w, sem_g, sem_s):
    wid = lax.axis_index("s") * NC + lax.axis_index("c")
    base = wid * APW
    for j in range(NCH):
        pltpu.sync_copy(pos_hbm.at[pl.ds(base + j * CH, CH)], pos_v.at[j])
        pltpu.sync_copy(w_hbm.at[pl.ds(base + j * CH, CH)], w_v.at[j])
        for h in range(CH // 16):
            a16 = base + j * CH + h * 16 + lax.iota(jnp.int32, 16)
            tok_v[j, pl.ds(h * 16, 16)] = lax.shift_right_logical(a16, 1)
    wd = [pltpu.async_copy(w_v.at[j], sw_hbm.at[pos_v.at[j]], sem_w)
          for j in range(NCH)]
    gd = [pltpu.async_copy(x_hbm.at[tok_v.at[j]], rows_v.at[j], sem_g)
          for j in range(NCH)]
    sd = []
    for j in range(NCH):
        gd[j].wait()
        sd.append(pltpu.async_copy(rows_v.at[j], xs_hbm.at[pos_v.at[j]], sem_s))
    for d in sd:
        d.wait()
    for d in wd:
        d.wait()


def _dispatch(x_packed, pos_flat, w_flat):
    mesh = plsc.VectorSubcoreMesh(core_axis_name="c", subcore_axis_name="s")
    return pl.kernel(
        _dispatch_body,
        out_type=[
            jax.ShapeDtypeStruct((P, H2), jnp.int32),
            jax.ShapeDtypeStruct((P,), jnp.float32),
        ],
        mesh=mesh,
        scratch_types=[
            pltpu.VMEM((NCH, CH), jnp.int32),
            pltpu.VMEM((NCH, CH), jnp.float32),
            pltpu.VMEM((NCH, CH), jnp.int32),
            pltpu.VMEM((NCH, CH, H2), jnp.int32),
            pltpu.SemaphoreType.DMA,
            pltpu.SemaphoreType.DMA,
            pltpu.SemaphoreType.DMA,
        ],
    )(x_packed, pos_flat, w_flat)



def _ffn_body(bexp_ref, xs_ref, w1_ref, w3_ref, w2_ref, sw_ref, out_ref):
    kf = pl.program_id(0)
    b = pl.program_id(1)
    valid = bexp_ref[0, b] >= 0

    @pl.when(valid)
    def _():
        xi = xs_ref[...]
        xlo = lax.bitcast_convert_type(lax.shift_left(xi, 16), jnp.float32)
        xhi = lax.bitcast_convert_type(
            jnp.bitwise_and(xi, jnp.int32(-65536)), jnp.float32)
        x = jnp.concatenate([xlo, xhi], axis=1).astype(jnp.bfloat16)
        g = lax.dot_general(x, w1_ref[0].astype(jnp.bfloat16),
                            (((1,), (1,)), ((), ())),
                            preferred_element_type=jnp.float32)
        u = lax.dot_general(x, w3_ref[0].astype(jnp.bfloat16),
                            (((1,), (1,)), ((), ())),
                            preferred_element_type=jnp.float32)
        hh = g * (1.0 / (1.0 + jnp.exp(-g))) * u * sw_ref[...]
        y = lax.dot_general(hh.astype(jnp.bfloat16),
                            w2_ref[0].astype(jnp.bfloat16),
                            (((1,), (1,)), ((), ())),
                            preferred_element_type=jnp.float32)
        rows = pl.ds(b * B, B)

        @pl.when(kf == 0)
        def _():
            out_ref[rows, :] = y

        @pl.when(kf > 0)
        def _():
            out_ref[rows, :] += y


def _ffn(xs, w1_w3, w2, sw_col, bexp_flat):
    def _we(b, bexp):
        return jnp.maximum(bexp[0, b], 0)

    grid_spec = pltpu.PrefetchScalarGridSpec(
        num_scalar_prefetch=1,
        grid=(NKF, NB),
        in_specs=[
            pl.BlockSpec((B, H2), lambda kf, b, bexp: (b, 0)),
            pl.BlockSpec((1, KF, H), lambda kf, b, bexp: (_we(b, bexp), kf, 0)),
            pl.BlockSpec((1, KF, H), lambda kf, b, bexp: (_we(b, bexp), NKF + kf, 0)),
            pl.BlockSpec((1, H, KF), lambda kf, b, bexp: (_we(b, bexp), 0, kf)),
            pl.BlockSpec((B, 1), lambda kf, b, bexp: (b, 0)),
        ],
        out_specs=pl.BlockSpec((P, H), lambda kf, b, bexp: (0, 0)),
    )
    return pl.pallas_call(
        _ffn_body,
        grid_spec=grid_spec,
        out_shape=jax.ShapeDtypeStruct((P, H), jnp.float32),
        compiler_params=pltpu.CompilerParams(
            dimension_semantics=("arbitrary", "arbitrary"),
            vmem_limit_bytes=100 * 1024 * 1024),
    )(bexp_flat.reshape(1, NBP), xs, w1_w3, w1_w3, w2, sw_col)



def _combine_body(rows_hbm, p0_hbm, p1_hbm, out_hbm,
                  i0_v, i1_v, r0_v, r1_v, acc_v, sem):
    wid = lax.axis_index("s") * NC + lax.axis_index("c")
    tbase = wid * TPW
    for j in range(TPW // CCH):
        tb = tbase + j * CCH
        pltpu.sync_copy(p0_hbm.at[pl.ds(tb, CCH)], i0_v)
        pltpu.sync_copy(p1_hbm.at[pl.ds(tb, CCH)], i1_v)
        pltpu.async_copy(rows_hbm.at[i0_v], r0_v, sem).wait()
        pltpu.async_copy(rows_hbm.at[i1_v], r1_v, sem).wait()

        def body(i, _):
            for k in range(H // 16):
                sl = pl.ds(k * 16, 16)
                acc_v[i, sl] = r0_v[i, sl] + r1_v[i, sl]
            return _

        lax.fori_loop(0, CCH, body, None)
        pltpu.sync_copy(acc_v, out_hbm.at[pl.ds(tb, CCH)])


def _combine(rows, p0, p1):
    mesh = plsc.VectorSubcoreMesh(core_axis_name="c", subcore_axis_name="s")
    return pl.kernel(
        _combine_body,
        out_type=jax.ShapeDtypeStruct((T, H), jnp.float32),
        mesh=mesh,
        scratch_types=[
            pltpu.VMEM((CCH,), jnp.int32),
            pltpu.VMEM((CCH,), jnp.int32),
            pltpu.VMEM((CCH, H), jnp.float32),
            pltpu.VMEM((CCH, H), jnp.float32),
            pltpu.VMEM((CCH, H), jnp.float32),
            pltpu.SemaphoreType.DMA,
        ],
    )(rows, p0, p1)



def kernel(hidden_states, gate_w, w1_w3, w2):
    rw, pos, bexp, xp = _router(hidden_states, gate_w)
    pos_flat = pos.reshape(A)
    w_flat = rw.reshape(A)
    xs, sw = _dispatch(xp, pos_flat, w_flat)
    rows = _ffn(xs, w1_w3, w2, sw.reshape(P, 1), bexp.reshape(1, NBP))
    out = _combine(rows, pos[:, 0], pos[:, 1])
    return out, rw

# --- scband reference (transcript-rebuilt; emitter-appended) ---
"""Pipeline reference for scband-mixtral-sparse-moe-block-ours-4861902979225 (READ-ONLY COPY).

The authoritative reference and input builder live on the scoring server;
editing this copy changes nothing except your own understanding.
"""

import jax, jax.numpy as jnp
import numpy as np

HIDDEN = 1024
FFN = 3584
NUM_EXPERTS = 8
TOP_K = 2
NUM_TOKENS = 2048


def setup_inputs(seed: int = 0) -> dict:
    key = jax.random.key(seed)
    k1, k2, k3, k4 = jax.random.split(key, 4)
    return {
        "hidden_states": jax.random.normal(k1, (NUM_TOKENS, HIDDEN), dtype=jnp.float32),
        # gate: nn.Linear(hidden_dim, num_experts, bias=False) -> weight [E, hidden]
        "gate_w": jax.random.normal(k2, (NUM_EXPERTS, HIDDEN), dtype=jnp.float32) * 0.02,
        # w1_w3: per-expert fused gate/up projection, out_features = 2*ffn -> [E, 2*ffn, hidden]
        "w1_w3": jax.random.normal(k3, (NUM_EXPERTS, 2 * FFN, HIDDEN), dtype=jnp.float32) * 0.02,
        # w2: per-expert down projection -> [E, hidden, ffn]
        "w2": jax.random.normal(k4, (NUM_EXPERTS, HIDDEN, FFN), dtype=jnp.float32) * 0.02,
    }


def reference(hidden_states, gate_w, w1_w3, w2):
    # Dequantized-equivalent Mixtral sparse MoE block (full capacity, no token drop).
    x = hidden_states
    num_tokens, hidden_dim = x.shape

    # Router: gate logits in float32, top-k gating softmax
    router_logits = (x @ gate_w.T).astype(jnp.float32)
    probs = jax.nn.softmax(router_logits, axis=-1)
    routing_weights, expert_indices = jax.lax.top_k(probs, TOP_K)  # [T, k]
    routing_weights = routing_weights / jnp.sum(routing_weights, axis=-1, keepdims=True)

    # Combine weights [T, E]: weight for each (token, expert), zero if not routed
    onehot = jax.nn.one_hot(expert_indices, NUM_EXPERTS, dtype=x.dtype)  # [T, k, E]
    combine = jnp.einsum('tke,tk->te', onehot, routing_weights)  # [T, E]

    # Expert FFNs: SwiGLU (SiluAndMul) then down projection, weighted combine
    out = jnp.zeros((num_tokens, hidden_dim), dtype=x.dtype)
    for e in range(NUM_EXPERTS):
        gu = x @ w1_w3[e].T  # [T, 2*FFN]
        gate_part = gu[:, :FFN]
        up_part = gu[:, FFN:]
        h = jax.nn.silu(gate_part) * up_part  # SiluAndMul
        ye = h @ w2[e].T  # [T, hidden]
        out = out + combine[:, e:e + 1] * ye

    return out, routing_weights

if __name__ == "__main__":
    import jax
    _d = setup_inputs()
    print(jax.jit(kernel)(*tuple(_d.values())))

</pallas_src>

<mosaic_0001>
#map = affine_map<(d0, d1) -> (0, 0)>
#map1 = affine_map<(d0, d1) -> (0)>
module attributes {stable_mosaic.version = 14 : i64} {
  func.func @_dispatch_body(%arg0: i32, %arg1: i32, %arg2: memref<2048x512xi32, #tpu.memory_space<hbm>>, %arg3: memref<4096xi32, #tpu.memory_space<hbm>>, %arg4: memref<4096xf32, #tpu.memory_space<hbm>>, %arg5: memref<8192x512xi32, #tpu.memory_space<hbm>>, %arg6: memref<8192xf32, #tpu.memory_space<hbm>>, %arg7: memref<2x64xi32, #tpu.memory_space<vmem>>, %arg8: memref<2x64xf32, #tpu.memory_space<vmem>>, %arg9: memref<2x64xi32, #tpu.memory_space<vmem>>, %arg10: memref<2x64x512xi32, #tpu.memory_space<vmem>>, %arg11: memref<!tpu.dma_semaphore, #tpu.memory_space<semaphore_mem>>, %arg12: memref<!tpu.dma_semaphore, #tpu.memory_space<semaphore_mem>>, %arg13: memref<!tpu.dma_semaphore, #tpu.memory_space<semaphore_mem>>) attributes {dimension_semantics = [#tpu.dimension_semantics<core_parallel>, #tpu.dimension_semantics<subcore_parallel>], iteration_bounds = array<i64: 2, 16>, scalar_prefetch = 0 : i64, scratch_operands = 7 : i64, tpu.core_type = #tpu.core_type<sc_vector_subcore>, window_params = [{transform_indices = #map}, {transform_indices = #map1}, {transform_indices = #map1}, {transform_indices = #map}, {transform_indices = #map1}]} {
    %mul3A = arith.constant 2 : i32
    %mul3A_0 = arith.muli %arg1, %mul3A : i32
    %add3A = arith.addi %mul3A_0, %arg0 : i32
    %mul3A_1 = arith.constant 128 : i32
    %mul3A_2 = arith.muli %add3A, %mul3A_1 : i32
    %add3A_3 = arith.constant 0 : i32
    %add3A_4 = arith.addi %mul3A_2, %add3A_3 : i32
    %run_scoped3A = arith.constant 0 : i32
    "tpu.region"() ({
      %run_scoped3A_273 = tpu.sem_alloc : memref<!tpu.dma_semaphore, #tpu.memory_space<semaphore_mem>>
      %dma_start3A_274 = arith.constant 0 : i32
      %dma_start3A_275 = tpu.memref_slice %arg7[%run_scoped3A, %dma_start3A_274] : memref<2x64xi32, #tpu.memory_space<vmem>> -> memref<1x64xi32, #tpu.memory_space<vmem>>
      %dma_start3A_276 = tpu.memref_squeeze %dma_start3A_275 : memref<1x64xi32, #tpu.memory_space<vmem>> -> memref<64xi32, #tpu.memory_space<vmem>>
      %dma_start3A_277 = tpu.memref_slice %arg3[%add3A_4] : memref<4096xi32, #tpu.memory_space<hbm>> -> memref<64xi32, #tpu.memory_space<hbm>>
      %dma_start3A_278 = arith.constant 0 : i32
      %dma_start3A_279 = tpu.memref_slice %arg7[%run_scoped3A, %dma_start3A_278] : memref<2x64xi32, #tpu.memory_space<vmem>> -> memref<1x64xi32, #tpu.memory_space<vmem>>
      %dma_start3A_280 = tpu.memref_squeeze %dma_start3A_279 : memref<1x64xi32, #tpu.memory_space<vmem>> -> memref<64xi32, #tpu.memory_space<vmem>>
      %dma_start3A_281 = tpu.memref_slice %arg3[%add3A_4] : memref<4096xi32, #tpu.memory_space<hbm>> -> memref<64xi32, #tpu.memory_space<hbm>>
      tpu.enqueue_dma source(%dma_start3A_281 : memref<64xi32, #tpu.memory_space<hbm>>) target(%dma_start3A_280 : memref<64xi32, #tpu.memory_space<vmem>>) target_semaphore(%run_scoped3A_273 : memref<!tpu.dma_semaphore, #tpu.memory_space<semaphore_mem>>)
      %dma_wait3A_282 = arith.constant 0 : i32
      %dma_wait3A_283 = tpu.memref_slice %arg7[%run_scoped3A, %dma_wait3A_282] : memref<2x64xi32, #tpu.memory_space<vmem>> -> memref<1x64xi32, #tpu.memory_space<vmem>>
      %dma_wait3A_284 = tpu.memref_squeeze %dma_wait3A_283 : memref<1x64xi32, #tpu.memory_space<vmem>> -> memref<64xi32, #tpu.memory_space<vmem>>
      %dma_wait3A_285 = tpu.memref_slice %arg3[%add3A_4] : memref<4096xi32, #tpu.memory_space<hbm>> -> memref<64xi32, #tpu.memory_space<hbm>>
      %dma_wait3A_286 = arith.constant 0 : i32
      %dma_wait3A_287 = tpu.memref_slice %arg7[%run_scoped3A, %dma_wait3A_286] : memref<2x64xi32, #tpu.memory_space<vmem>> -> memref<1x64xi32, #tpu.memory_space<vmem>>
      %dma_wait3A_288 = tpu.memref_squeeze %dma_wait3A_287 : memref<1x64xi32, #tpu.memory_space<vmem>> -> memref<64xi32, #tpu.memory_space<vmem>>
      %dma_wait3A_289 = tpu.memref_slice %arg3[%add3A_4] : memref<4096xi32, #tpu.memory_space<hbm>> -> memref<64xi32, #tpu.memory_space<hbm>>
      tpu.wait_dma2 semaphore(%run_scoped3A_273 : memref<!tpu.dma_semaphore, #tpu.memory_space<semaphore_mem>>) src(%dma_wait3A_289 : memref<64xi32, #tpu.memory_space<hbm>>) dst(%dma_wait3A_288 : memref<64xi32, #tpu.memory_space<vmem>>)
      tpu.yield
    }) : () -> ()
    %add3A_5 = arith.constant 0 : i32
    %add3A_6 = arith.addi %mul3A_2, %add3A_5 : i32
    %run_scoped3A_7 = arith.constant 0 : i32
    "tpu.region"() ({
      %run_scoped3A_273 = tpu.sem_alloc : memref<!tpu.dma_semaphore, #tpu.memory_space<semaphore_mem>>
      %dma_start3A_274 = arith.constant 0 : i32
      %dma_start3A_275 = tpu.memref_slice %arg8[%run_scoped3A_7, %dma_start3A_274] : memref<2x64xf32, #tpu.memory_space<vmem>> -> memref<1x64xf32, #tpu.memory_space<vmem>>
      %dma_start3A_276 = tpu.memref_squeeze %dma_start3A_275 : memref<1x64xf32, #tpu.memory_space<vmem>> -> memref<64xf32, #tpu.memory_space<vmem>>
      %dma_start3A_277 = tpu.memref_slice %arg4[%add3A_6] : memref<4096xf32, #tpu.memory_space<hbm>> -> memref<64xf32, #tpu.memory_space<hbm>>
      %dma_start3A_278 = arith.constant 0 : i32
      %dma_start3A_279 = tpu.memref_slice %arg8[%run_scoped3A_7, %dma_start3A_278] : memref<2x64xf32, #tpu.memory_space<vmem>> -> memref<1x64xf32, #tpu.memory_space<vmem>>
      %dma_start3A_280 = tpu.memref_squeeze %dma_start3A_279 : memref<1x64xf32, #tpu.memory_space<vmem>> -> memref<64xf32, #tpu.memory_space<vmem>>
      %dma_start3A_281 = tpu.memref_slice %arg4[%add3A_6] : memref<4096xf32, #tpu.memory_space<hbm>> -> memref<64xf32, #tpu.memory_space<hbm>>
      tpu.enqueue_dma source(%dma_start3A_281 : memref<64xf32, #tpu.memory_space<hbm>>) target(%dma_start3A_280 : memref<64xf32, #tpu.memory_space<vmem>>) target_semaphore(%run_scoped3A_273 : memref<!tpu.dma_semaphore, #tpu.memory_space<semaphore_mem>>)
      %dma_wait3A_282 = arith.constant 0 : i32
      %dma_wait3A_283 = tpu.memref_slice %arg8[%run_scoped3A_7, %dma_wait3A_282] : memref<2x64xf32, #tpu.memory_space<vmem>> -> memref<1x64xf32, #tpu.memory_space<vmem>>
      %dma_wait3A_284 = tpu.memref_squeeze %dma_wait3A_283 : memref<1x64xf32, #tpu.memory_space<vmem>> -> memref<64xf32, #tpu.memory_space<vmem>>
      %dma_wait3A_285 = tpu.memref_slice %arg4[%add3A_6] : memref<4096xf32, #tpu.memory_space<hbm>> -> memref<64xf32, #tpu.memory_space<hbm>>
      %dma_wait3A_286 = arith.constant 0 : i32
      %dma_wait3A_287 = tpu.memref_slice %arg8[%run_scoped3A_7, %dma_wait3A_286] : memref<2x64xf32, #tpu.memory_space<vmem>> -> memref<1x64xf32, #tpu.memory_space<vmem>>
      %dma_wait3A_288 = tpu.memref_squeeze %dma_wait3A_287 : memref<1x64xf32, #tpu.memory_space<vmem>> -> memref<64xf32, #tpu.memory_space<vmem>>
      %dma_wait3A_289 = tpu.memref_slice %arg4[%add3A_6] : memref<4096xf32, #tpu.memory_space<hbm>> -> memref<64xf32, #tpu.memory_space<hbm>>
      tpu.wait_dma2 semaphore(%run_scoped3A_273 : memref<!tpu.dma_semaphore, #tpu.memory_space<semaphore_mem>>) src(%dma_wait3A_289 : memref<64xf32, #tpu.memory_space<hbm>>) dst(%dma_wait3A_288 : memref<64xf32, #tpu.memory_space<vmem>>)
      tpu.yield
    }) : () -> ()
    %add3A_8 = arith.constant 0 : i32
    %add3A_9 = arith.addi %mul3A_2, %add3A_8 : i32
    %add3A_10 = arith.constant 0 : i32
    %add3A_11 = arith.addi %add3A_9, %add3A_10 : i32
    %iota3A = tpu.iota {dimensions = array<i32: 0>} : vector<16xi32>
    %add3A_12 = vector.broadcast %add3A_11 : i32 to vector<16xi32>
    %add3A_13 = arith.addi %add3A_12, %iota3A : vector<16xi32>
    %shift_right_logical3A = arith.constant 1 : i32
    %shift_right_logical3A_14 = vector.broadcast %shift_right_logical3A : i32 to vector<16xi32>
    %shift_right_logical3A_15 = arith.shrui %add3A_13, %shift_right_logical3A_14 : vector<16xi32>
    %swap3A = arith.constant 0 : i32
    %swap3A_16 = arith.index_cast %swap3A : i32 to index
    %swap3A_17 = arith.constant 0 : index
    %swap3A_18 = tpu.vector_load %arg9[%swap3A_16, %swap3A_17] {strides = array<i32>} : memref<2x64xi32, #tpu.memory_space<vmem>>, vector<1x16xi32>,
    %swap3A_19 = vector.shape_cast %swap3A_18 : vector<1x16xi32> to vector<16xi32>
    %swap3A_20 = vector.shape_cast %shift_right_logical3A_15 : vector<16xi32> to vector<1x16xi32>
    tpu.vector_store %arg9[%swap3A_16, %swap3A_17], %swap3A_20 {strides = array<i32>} : memref<2x64xi32, #tpu.memory_space<vmem>>, vector<1x16xi32>,
    %add3A_21 = arith.constant 0 : i32
    %add3A_22 = arith.addi %mul3A_2, %add3A_21 : i32
    %add3A_23 = arith.constant 16 : i32
    %add3A_24 = arith.addi %add3A_22, %add3A_23 : i32
    %iota3A_25 = tpu.iota {dimensions = array<i32: 0>} : vector<16xi32>
    %add3A_26 = vector.broadcast %add3A_24 : i32 to vector<16xi32>
    %add3A_27 = arith.addi %add3A_26, %iota3A_25 : vector<16xi32>
    %shift_right_logical3A_28 = arith.constant 1 : i32
    %shift_right_logical3A_29 = vector.broadcast %shift_right_logical3A_28 : i32 to vector<16xi32>
    %shift_right_logical3A_30 = arith.shrui %add3A_27, %shift_right_logical3A_29 : vector<16xi32>
    %swap3A_31 = arith.constant 0 : i32
    %swap3A_32 = arith.index_cast %swap3A_31 : i32 to index
    %swap3A_33 = arith.constant 16 : index
    %swap3A_34 = tpu.vector_load %arg9[%swap3A_32, %swap3A_33] {strides = array<i32>} : memref<2x64xi32, #tpu.memory_space<vmem>>, vector<1x16xi32>,
    %swap3A_35 = vector.shape_cast %swap3A_34 : vector<1x16xi32> to vector<16xi32>
    %swap3A_36 = vector.shape_cast %shift_right_logical3A_30 : vector<16xi32> to vector<1x16xi32>
    tpu.vector_store %arg9[%swap3A_32, %swap3A_33], %swap3A_36 {strides = array<i32>} : memref<2x64xi32, #tpu.memory_space<vmem>>, vector<1x16xi32>,
    %add3A_37 = arith.constant 0 : i32
    %add3A_38 = arith.addi %mul3A_2, %add3A_37 : i32
    %add3A_39 = arith.constant 32 : i32
    %add3A_40 = arith.addi %add3A_38, %add3A_39 : i32
    %iota3A_41 = tpu.iota {dimensions = array<i32: 0>} : vector<16xi32>
    %add3A_42 = vector.broadcast %add3A_40 : i32 to vector<16xi32>
    %add3A_43 = arith.addi %add3A_42, %iota3A_41 : vector<16xi32>
    %shift_right_logical3A_44 = arith.constant 1 : i32
    %shift_right_logical3A_45 = vector.broadcast %shift_right_logical3A_44 : i32 to vector<16xi32>
    %shift_right_logical3A_46 = arith.shrui %add3A_43, %shift_right_logical3A_45 : vector<16xi32>
    %swap3A_47 = arith.constant 0 : i32
    %swap3A_48 = arith.index_cast %swap3A_47 : i32 to index
    %swap3A_49 = arith.constant 32 : index
    %swap3A_50 = tpu.vector_load %arg9[%swap3A_48, %swap3A_49] {strides = array<i32>} : memref<2x64xi32, #tpu.memory_space<vmem>>, vector<1x16xi32>,
    %swap3A_51 = vector.shape_cast %swap3A_50 : vector<1x16xi32> to vector<16xi32>
    %swap3A_52 = vector.shape_cast %shift_right_logical3A_46 : vector<16xi32> to vector<1x16xi32>
    tpu.vector_store %arg9[%swap3A_48, %swap3A_49], %swap3A_52 {strides = array<i32>} : memref<2x64xi32, #tpu.memory_space<vmem>>, vector<1x16xi32>,
    %add3A_53 = arith.constant 0 : i32
    %add3A_54 = arith.addi %mul3A_2, %add3A_53 : i32
    %add3A_55 = arith.constant 48 : i32
    %add3A_56 = arith.addi %add3A_54, %add3A_55 : i32
    %iota3A_57 = tpu.iota {dimensions = array<i32: 0>} : vector<16xi32>
    %add3A_58 = vector.broadcast %add3A_56 : i32 to vector<16xi32>
    %add3A_59 = arith.addi %add3A_58, %iota3A_57 : vector<16xi32>
    %shift_right_logical3A_60 = arith.constant 1 : i32
    %shift_right_logical3A_61 = vector.broadcast %shift_right_logical3A_60 : i32 to vector<16xi32>
    %shift_right_logical3A_62 = arith.shrui %add3A_59, %shift_right_logical3A_61 : vector<16xi32>
    %swap3A_63 = arith.constant 0 : i32
    %swap3A_64 = arith.index_cast %swap3A_63 : i32 to index
    %swap3A_65 = arith.constant 48 : index
    %swap3A_66 = tpu.vector_load %arg9[%swap3A_64, %swap3A_65] {strides = array<i32>} : memref<2x64xi32, #tpu.memory_space<vmem>>, vector<1x16xi32>,
    %swap3A_67 = vector.shape_cast %swap3A_66 : vector<1x16xi32> to vector<16xi32>
    %swap3A_68 = vector.shape_cast %shift_right_logical3A_62 : vector<16xi32> to vector<1x16xi32>
    tpu.vector_store %arg9[%swap3A_64, %swap3A_65], %swap3A_68 {strides = array<i32>} : memref<2x64xi32, #tpu.memory_space<vmem>>, vector<1x16xi32>,
    %add3A_69 = arith.constant 64 : i32
    %add3A_70 = arith.addi %mul3A_2, %add3A_69 : i32
    %run_scoped3A_71 = arith.constant 1 : i32
    "tpu.region"() ({
      %run_scoped3A_273 = tpu.sem_alloc : memref<!tpu.dma_semaphore, #tpu.memory_space<semaphore_mem>>
      %dma_start3A_274 = arith.constant 0 : i32
      %dma_start3A_275 = tpu.memref_slice %arg7[%run_scoped3A_71, %dma_start3A_274] : memref<2x64xi32, #tpu.memory_space<vmem>> -> memref<1x64xi32, #tpu.memory_space<vmem>>
      %dma_start3A_276 = tpu.memref_squeeze %dma_start3A_275 : memref<1x64xi32, #tpu.memory_space<vmem>> -> memref<64xi32, #tpu.memory_space<vmem>>
      %dma_start3A_277 = tpu.memref_slice %arg3[%add3A_70] : memref<4096xi32, #tpu.memory_space<hbm>> -> memref<64xi32, #tpu.memory_space<hbm>>
      %dma_start3A_278 = arith.constant 0 : i32
      %dma_start3A_279 = tpu.memref_slice %arg7[%run_scoped3A_71, %dma_start3A_278] : memref<2x64xi32, #tpu.memory_space<vmem>> -> memref<1x64xi32, #tpu.memory_space<vmem>>
      %dma_start3A_280 = tpu.memref_squeeze %dma_start3A_279 : memref<1x64xi32, #tpu.memory_space<vmem>> -> memref<64xi32, #tpu.memory_space<vmem>>
      %dma_start3A_281 = tpu.memref_slice %arg3[%add3A_70] : memref<4096xi32, #tpu.memory_space<hbm>> -> memref<64xi32, #tpu.memory_space<hbm>>
      tpu.enqueue_dma source(%dma_start3A_281 : memref<64xi32, #tpu.memory_space<hbm>>) target(%dma_start3A_280 : memref<64xi32, #tpu.memory_space<vmem>>) target_semaphore(%run_scoped3A_273 : memref<!tpu.dma_semaphore, #tpu.memory_space<semaphore_mem>>)
      %dma_wait3A_282 = arith.constant 0 : i32
      %dma_wait3A_283 = tpu.memref_slice %arg7[%run_scoped3A_71, %dma_wait3A_282] : memref<2x64xi32, #tpu.memory_space<vmem>> -> memref<1x64xi32, #tpu.memory_space<vmem>>
      %dma_wait3A_284 = tpu.memref_squeeze %dma_wait3A_283 : memref<1x64xi32, #tpu.memory_space<vmem>> -> memref<64xi32, #tpu.memory_space<vmem>>
      %dma_wait3A_285 = tpu.memref_slice %arg3[%add3A_70] : memref<4096xi32, #tpu.memory_space<hbm>> -> memref<64xi32, #tpu.memory_space<hbm>>
      %dma_wait3A_286 = arith.constant 0 : i32
      %dma_wait3A_287 = tpu.memref_slice %arg7[%run_scoped3A_71, %dma_wait3A_286] : memref<2x64xi32, #tpu.memory_space<vmem>> -> memref<1x64xi32, #tpu.memory_space<vmem>>
      %dma_wait3A_288 = tpu.memref_squeeze %dma_wait3A_287 : memref<1x64xi32, #tpu.memory_space<vmem>> -> memref<64xi32, #tpu.memory_space<vmem>>
      %dma_wait3A_289 = tpu.memref_slice %arg3[%add3A_70] : memref<4096xi32, #tpu.memory_space<hbm>> -> memref<64xi32, #tpu.memory_space<hbm>>
      tpu.wait_dma2 semaphore(%run_scoped3A_273 : memref<!tpu.dma_semaphore, #tpu.memory_space<semaphore_mem>>) src(%dma_wait3A_289 : memref<64xi32, #tpu.memory_space<hbm>>) dst(%dma_wait3A_288 : memref<64xi32, #tpu.memory_space<vmem>>)
      tpu.yield
    }) : () -> ()
    %add3A_72 = arith.constant 64 : i32
    %add3A_73 = arith.addi %mul3A_2, %add3A_72 : i32
    %run_scoped3A_74 = arith.constant 1 : i32
    "tpu.region"() ({
      %run_scoped3A_273 = tpu.sem_alloc : memref<!tpu.dma_semaphore, #tpu.memory_space<semaphore_mem>>
      %dma_start3A_274 = arith.constant 0 : i32
      %dma_start3A_275 = tpu.memref_slice %arg8[%run_scoped3A_74, %dma_start3A_274] : memref<2x64xf32, #tpu.memory_space<vmem>> -> memref<1x64xf32, #tpu.memory_space<vmem>>
      %dma_start3A_276 = tpu.memref_squeeze %dma_start3A_275 : memref<1x64xf32, #tpu.memory_space<vmem>> -> memref<64xf32, #tpu.memory_space<vmem>>
      %dma_start3A_277 = tpu.memref_slice %arg4[%add3A_73] : memref<4096xf32, #tpu.memory_space<hbm>> -> memref<64xf32, #tpu.memory_space<hbm>>
      %dma_start3A_278 = arith.constant 0 : i32
      %dma_start3A_279 = tpu.memref_slice %arg8[%run_scoped3A_74, %dma_start3A_278] : memref<2x64xf32, #tpu.memory_space<vmem>> -> memref<1x64xf32, #tpu.memory_space<vmem>>
      %dma_start3A_280 = tpu.memref_squeeze %dma_start3A_279 : memref<1x64xf32, #tpu.memory_space<vmem>> -> memref<64xf32, #tpu.memory_space<vmem>>
      %dma_start3A_281 = tpu.memref_slice %arg4[%add3A_73] : memref<4096xf32, #tpu.memory_space<hbm>> -> memref<64xf32, #tpu.memory_space<hbm>>
      tpu.enqueue_dma source(%dma_start3A_281 : memref<64xf32, #tpu.memory_space<hbm>>) target(%dma_start3A_280 : memref<64xf32, #tpu.memory_space<vmem>>) target_semaphore(%run_scoped3A_273 : memref<!tpu.dma_semaphore, #tpu.memory_space<semaphore_mem>>)
      %dma_wait3A_282 = arith.constant 0 : i32
      %dma_wait3A_283 = tpu.memref_slice %arg8[%run_scoped3A_74, %dma_wait3A_282] : memref<2x64xf32, #tpu.memory_space<vmem>> -> memref<1x64xf32, #tpu.memory_space<vmem>>
      %dma_wait3A_284 = tpu.memref_squeeze %dma_wait3A_283 : memref<1x64xf32, #tpu.memory_space<vmem>> -> memref<64xf32, #tpu.memory_space<vmem>>
      %dma_wait3A_285 = tpu.memref_slice %arg4[%add3A_73] : memref<4096xf32, #tpu.memory_space<hbm>> -> memref<64xf32, #tpu.memory_space<hbm>>
      %dma_wait3A_286 = arith.constant 0 : i32
      %dma_wait3A_287 = tpu.memref_slice %arg8[%run_scoped3A_74, %dma_wait3A_286] : memref<2x64xf32, #tpu.memory_space<vmem>> -> memref<1x64xf32, #tpu.memory_space<vmem>>
      %dma_wait3A_288 = tpu.memref_squeeze %dma_wait3A_287 : memref<1x64xf32, #tpu.memory_space<vmem>> -> memref<64xf32, #tpu.memory_space<vmem>>
      %dma_wait3A_289 = tpu.memref_slice %arg4[%add3A_73] : memref<4096xf32, #tpu.memory_space<hbm>> -> memref<64xf32, #tpu.memory_space<hbm>>
      tpu.wait_dma2 semaphore(%run_scoped3A_273 : memref<!tpu.dma_semaphore, #tpu.memory_space<semaphore_mem>>) src(%dma_wait3A_289 : memref<64xf32, #tpu.memory_space<hbm>>) dst(%dma_wait3A_288 : memref<64xf32, #tpu.memory_space<vmem>>)
      tpu.yield
    }) : () -> ()
    %add3A_75 = arith.constant 64 : i32
    %add3A_76 = arith.addi %mul3A_2, %add3A_75 : i32
    %add3A_77 = arith.constant 0 : i32
    %add3A_78 = arith.addi %add3A_76, %add3A_77 : i32
    %iota3A_79 = tpu.iota {dimensions = array<i32: 0>} : vector<16xi32>
    %add3A_80 = vector.broadcast %add3A_78 : i32 to vector<16xi32>
    %add3A_81 = arith.addi %add3A_80, %iota3A_79 : vector<16xi32>
    %shift_right_logical3A_82 = arith.constant 1 : i32
    %shift_right_logical3A_83 = vector.broadcast %shift_right_logical3A_82 : i32 to vector<16xi32>
    %shift_right_logical3A_84 = arith.shrui %add3A_81, %shift_right_logical3A_83 : vector<16xi32>
    %swap3A_85 = arith.constant 1 : i32
    %swap3A_86 = arith.index_cast %swap3A_85 : i32 to index
    %swap3A_87 = arith.constant 0 : index
    %swap3A_88 = tpu.vector_load %arg9[%swap3A_86, %swap3A_87] {strides = array<i32>} : memref<2x64xi32, #tpu.memory_space<vmem>>, vector<1x16xi32>,
    %swap3A_89 = vector.shape_cast %swap3A_88 : vector<1x16xi32> to vector<16xi32>
    %swap3A_90 = vector.shape_cast %shift_right_logical3A_84 : vector<16xi32> to vector<1x16xi32>
    tpu.vector_store %arg9[%swap3A_86, %swap3A_87], %swap3A_90 {strides = array<i32>} : memref<2x64xi32, #tpu.memory_space<vmem>>, vector<1x16xi32>,
    %add3A_91 = arith.constant 64 : i32
    %add3A_92 = arith.addi %mul3A_2, %add3A_91 : i32
    %add3A_93 = arith.constant 16 : i32
    %add3A_94 = arith.addi %add3A_92, %add3A_93 : i32
    %iota3A_95 = tpu.iota {dimensions = array<i32: 0>} : vector<16xi32>
    %add3A_96 = vector.broadcast %add3A_94 : i32 to vector<16xi32>
    %add3A_97 = arith.addi %add3A_96, %iota3A_95 : vector<16xi32>
    %shift_right_logical3A_98 = arith.constant 1 : i32
    %shift_right_logical3A_99 = vector.broadcast %shift_right_logical3A_98 : i32 to vector<16xi32>
    %shift_right_logical3A_100 = arith.shrui %add3A_97, %shift_right_logical3A_99 : vector<16xi32>
    %swap3A_101 = arith.constant 1 : i32
    %swap3A_102 = arith.index_cast %swap3A_101 : i32 to index
    %swap3A_103 = arith.constant 16 : index
    %swap3A_104 = tpu.vector_load %arg9[%swap3A_102, %swap3A_103] {strides = array<i32>} : memref<2x64xi32, #tpu.memory_space<vmem>>, vector<1x16xi32>,
    %swap3A_105 = vector.shape_cast %swap3A_104 : vector<1x16xi32> to vector<16xi32>
    %swap3A_106 = vector.shape_cast %shift_right_logical3A_100 : vector<16xi32> to vector<1x16xi32>
    tpu.vector_store %arg9[%swap3A_102, %swap3A_103], %swap3A_106 {strides = array<i32>} : memref<2x64xi32, #tpu.memory_space<vmem>>, vector<1x16xi32>,
    %add3A_107 = arith.constant 64 : i32
    %add3A_108 = arith.addi %mul3A_2, %add3A_107 : i32
    %add3A_109 = arith.constant 32 : i32
    %add3A_110 = arith.addi %add3A_108, %add3A_109 : i32
    %iota3A_111 = tpu.iota {dimensions = array<i32: 0>} : vector<16xi32>
    %add3A_112 = vector.broadcast %add3A_110 : i32 to vector<16xi32>
    %add3A_113 = arith.addi %add3A_112, %iota3A_111 : vector<16xi32>
    %shift_right_logical3A_114 = arith.constant 1 : i32
    %shift_right_logical3A_115 = vector.broadcast %shift_right_logical3A_114 : i32 to vector<16xi32>
    %shift_right_logical3A_116 = arith.shrui %add3A_113, %shift_right_logical3A_115 : vector<16xi32>
    %swap3A_117 = arith.constant 1 : i32
    %swap3A_118 = arith.index_cast %swap3A_117 : i32 to index
    %swap3A_119 = arith.constant 32 : index
    %swap3A_120 = tpu.vector_load %arg9[%swap3A_118, %swap3A_119] {strides = array<i32>} : memref<2x64xi32, #tpu.memory_space<vmem>>, vector<1x16xi32>,
    %swap3A_121 = vector.shape_cast %swap3A_120 : vector<1x16xi32> to vector<16xi32>
    %swap3A_122 = vector.shape_cast %shift_right_logical3A_116 : vector<16xi32> to vector<1x16xi32>
    tpu.vector_store %arg9[%swap3A_118, %swap3A_119], %swap3A_122 {strides = array<i32>} : memref<2x64xi32, #tpu.memory_space<vmem>>, vector<1x16xi32>,
    %add3A_123 = arith.constant 64 : i32
    %add3A_124 = arith.addi %mul3A_2, %add3A_123 : i32
    %add3A_125 = arith.constant 48 : i32
    %add3A_126 = arith.addi %add3A_124, %add3A_125 : i32
    %iota3A_127 = tpu.iota {dimensions = array<i32: 0>} : vector<16xi32>
    %add3A_128 = vector.broadcast %add3A_126 : i32 to vector<16xi32>
    %add3A_129 = arith.addi %add3A_128, %iota3A_127 : vector<16xi32>
    %shift_right_logical3A_130 = arith.constant 1 : i32
    %shift_right_logical3A_131 = vector.broadcast %shift_right_logical3A_130 : i32 to vector<16xi32>
    %shift_right_logical3A_132 = arith.shrui %add3A_129, %shift_right_logical3A_131 : vector<16xi32>
    %swap3A_133 = arith.constant 1 : i32
    %swap3A_134 = arith.index_cast %swap3A_133 : i32 to index
    %swap3A_135 = arith.constant 48 : index
    %swap3A_136 = tpu.vector_load %arg9[%swap3A_134, %swap3A_135] {strides = array<i32>} : memref<2x64xi32, #tpu.memory_space<vmem>>, vector<1x16xi32>,
    %swap3A_137 = vector.shape_cast %swap3A_136 : vector<1x16xi32> to vector<16xi32>
    %swap3A_138 = vector.shape_cast %shift_right_logical3A_132 : vector<16xi32> to vector<1x16xi32>
    tpu.vector_store %arg9[%swap3A_134, %swap3A_135], %swap3A_138 {strides = array<i32>} : memref<2x64xi32, #tpu.memory_space<vmem>>, vector<1x16xi32>,
    %dma_start3A = arith.constant 0 : i32
    %dma_start3A_139 = arith.constant 0 : i32
    %dma_start3A_140 = arith.constant 0 : i32
    %dma_start3A_141 = tpu.memref_slice %arg8[%dma_start3A, %dma_start3A_140] : memref<2x64xf32, #tpu.memory_space<vmem>> -> memref<1x64xf32, #tpu.memory_space<vmem>>
    %dma_start3A_142 = tpu.memref_squeeze %dma_start3A_141 : memref<1x64xf32, #tpu.memory_space<vmem>> -> memref<64xf32, #tpu.memory_space<vmem>>
    %dma_start3A_143 = arith.constant 0 : i32
    %dma_start3A_144 = tpu.memref_slice %arg7[%dma_start3A_139, %dma_start3A_143] : memref<2x64xi32, #tpu.memory_space<vmem>> -> memref<1x64xi32, #tpu.memory_space<vmem>>
    %dma_start3A_145 = tpu.memref_squeeze %dma_start3A_144 : memref<1x64xi32, #tpu.memory_space<vmem>> -> memref<64xi32, #tpu.memory_space<vmem>>
    %dma_start3A_146 = arith.constant 0 : i32
    %dma_start3A_147 = tpu.memref_slice %arg6[%dma_start3A_146] : memref<8192xf32, #tpu.memory_space<hbm>> -> memref<8192xf32, #tpu.memory_space<hbm>>
    tpu.enqueue_indirect_dma source(%dma_start3A_142 : memref<64xf32, #tpu.memory_space<vmem>>) target(%dma_start3A_147 : memref<8192xf32, #tpu.memory_space<hbm>>) offsets(%dma_start3A_145 : memref<64xi32, #tpu.memory_space<vmem>>) semaphore(%arg11 : memref<!tpu.dma_semaphore, #tpu.memory_space<semaphore_mem>>)
    %dma_start3A_148 = arith.constant 1 : i32
    %dma_start3A_149 = arith.constant 1 : i32
    %dma_start3A_150 = arith.constant 0 : i32
    %dma_start3A_151 = tpu.memref_slice %arg8[%dma_start3A_148, %dma_start3A_150] : memref<2x64xf32, #tpu.memory_space<vmem>> -> memref<1x64xf32, #tpu.memory_space<vmem>>
    %dma_start3A_152 = tpu.memref_squeeze %dma_start3A_151 : memref<1x64xf32, #tpu.memory_space<vmem>> -> memref<64xf32, #tpu.memory_space<vmem>>
    %dma_start3A_153 = arith.constant 0 : i32
    %dma_start3A_154 = tpu.memref_slice %arg7[%dma_start3A_149, %dma_start3A_153] : memref<2x64xi32, #tpu.memory_space<vmem>> -> memref<1x64xi32, #tpu.memory_space<vmem>>
    %dma_start3A_155 = tpu.memref_squeeze %dma_start3A_154 : memref<1x64xi32, #tpu.memory_space<vmem>> -> memref<64xi32, #tpu.memory_space<vmem>>
    %dma_start3A_156 = arith.constant 0 : i32
    %dma_start3A_157 = tpu.memref_slice %arg6[%dma_start3A_156] : memref<8192xf32, #tpu.memory_space<hbm>> -> memref<8192xf32, #tpu.memory_space<hbm>>
    tpu.enqueue_indirect_dma source(%dma_start3A_152 : memref<64xf32, #tpu.memory_space<vmem>>) target(%dma_start3A_157 : memref<8192xf32, #tpu.memory_space<hbm>>) offsets(%dma_start3A_155 : memref<64xi32, #tpu.memory_space<vmem>>) semaphore(%arg11 : memref<!tpu.dma_semaphore, #tpu.memory_space<semaphore_mem>>)
    %dma_start3A_158 = arith.constant 0 : i32
    %dma_start3A_159 = arith.constant 0 : i32
    %dma_start3A_160 = arith.constant 0 : i32
    %dma_start3A_161 = arith.constant 0 : i32
    %dma_start3A_162 = tpu.memref_slice %arg10[%dma_start3A_159, %dma_start3A_160, %dma_start3A_161] : memref<2x64x512xi32, #tpu.memory_space<vmem>> -> memref<1x64x512xi32, #tpu.memory_space<vmem>>
    %dma_start3A_163 = tpu.memref_squeeze %dma_start3A_162 : memref<1x64x512xi32, #tpu.memory_space<vmem>> -> memref<64x512xi32, #tpu.memory_space<vmem>>
    %dma_start3A_164 = arith.constant 0 : i32
    %dma_start3A_165 = tpu.memref_slice %arg9[%dma_start3A_158, %dma_start3A_164] : memref<2x64xi32, #tpu.memory_space<vmem>> -> memref<1x64xi32, #tpu.memory_space<vmem>>
    %dma_start3A_166 = tpu.memref_squeeze %dma_start3A_165 : memref<1x64xi32, #tpu.memory_space<vmem>> -> memref<64xi32, #tpu.memory_space<vmem>>
    %dma_start3A_167 = arith.constant 0 : i32
    %dma_start3A_168 = arith.constant 0 : i32
    %dma_start3A_169 = tpu.memref_slice %arg2[%dma_start3A_167, %dma_start3A_168] : memref<2048x512xi32, #tpu.memory_space<hbm>> -> memref<2048x512xi32, #tpu.memory_space<hbm>>
    tpu.enqueue_indirect_dma source(%dma_start3A_169 : memref<2048x512xi32, #tpu.memory_space<hbm>>) target(%dma_start3A_163 : memref<64x512xi32, #tpu.memory_space<vmem>>) offsets(%dma_start3A_166 : memref<64xi32, #tpu.memory_space<vmem>>) semaphore(%arg12 : memref<!tpu.dma_semaphore, #tpu.memory_space<semaphore_mem>>)
    %dma_start3A_170 = arith.constant 1 : i32
    %dma_start3A_171 = arith.constant 1 : i32
    %dma_start3A_172 = arith.constant 0 : i32
    %dma_start3A_173 = arith.constant 0 : i32
    %dma_start3A_174 = tpu.memref_slice %arg10[%dma_start3A_171, %dma_start3A_172, %dma_start3A_173] : memref<2x64x512xi32, #tpu.memory_space<vmem>> -> memref<1x64x512xi32, #tpu.memory_space<vmem>>
    %dma_start3A_175 = tpu.memref_squeeze %dma_start3A_174 : memref<1x64x512xi32, #tpu.memory_space<vmem>> -> memref<64x512xi32, #tpu.memory_space<vmem>>
    %dma_start3A_176 = arith.constant 0 : i32
    %dma_start3A_177 = tpu.memref_slice %arg9[%dma_start3A_170, %dma_start3A_176] : memref<2x64xi32, #tpu.memory_space<vmem>> -> memref<1x64xi32, #tpu.memory_space<vmem>>
    %dma_start3A_178 = tpu.memref_squeeze %dma_start3A_177 : memref<1x64xi32, #tpu.memory_space<vmem>> -> memref<64xi32, #tpu.memory_space<vmem>>
    %dma_start3A_179 = arith.constant 0 : i32
    %dma_start3A_180 = arith.constant 0 : i32
    %dma_start3A_181 = tpu.memref_slice %arg2[%dma_start3A_179, %dma_start3A_180] : memref<2048x512xi32, #tpu.memory_space<hbm>> -> memref<2048x512xi32, #tpu.memory_space<hbm>>
    tpu.enqueue_indirect_dma source(%dma_start3A_181 : memref<2048x512xi32, #tpu.memory_space<hbm>>) target(%dma_start3A_175 : memref<64x512xi32, #tpu.memory_space<vmem>>) offsets(%dma_start3A_178 : memref<64xi32, #tpu.memory_space<vmem>>) semaphore(%arg12 : memref<!tpu.dma_semaphore, #tpu.memory_space<semaphore_mem>>)
    %dma_wait3A = arith.constant 0 : i32
    %dma_wait3A_182 = arith.constant 0 : i32
    %dma_wait3A_183 = arith.constant 0 : i32
    %dma_wait3A_184 = arith.constant 0 : i32
    %dma_wait3A_185 = tpu.memref_slice %arg10[%dma_wait3A_182, %dma_wait3A_183, %dma_wait3A_184] : memref<2x64x512xi32, #tpu.memory_space<vmem>> -> memref<1x64x512xi32, #tpu.memory_space<vmem>>
    %dma_wait3A_186 = tpu.memref_squeeze %dma_wait3A_185 : memref<1x64x512xi32, #tpu.memory_space<vmem>> -> memref<64x512xi32, #tpu.memory_space<vmem>>
    %dma_wait3A_187 = arith.constant 0 : i32
    %dma_wait3A_188 = tpu.memref_slice %arg9[%dma_wait3A, %dma_wait3A_187] : memref<2x64xi32, #tpu.memory_space<vmem>> -> memref<1x64xi32, #tpu.memory_space<vmem>>
    %dma_wait3A_189 = tpu.memref_squeeze %dma_wait3A_188 : memref<1x64xi32, #tpu.memory_space<vmem>> -> memref<64xi32, #tpu.memory_space<vmem>>
    %dma_wait3A_190 = arith.constant 0 : i32
    %dma_wait3A_191 = arith.constant 0 : i32
    %dma_wait3A_192 = tpu.memref_slice %arg2[%dma_wait3A_190, %dma_wait3A_191] : memref<2048x512xi32, #tpu.memory_space<hbm>> -> memref<2048x512xi32, #tpu.memory_space<hbm>>
    tpu.wait_indirect_dma semaphore(%arg12 : memref<!tpu.dma_semaphore, #tpu.memory_space<semaphore_mem>>) src(%dma_wait3A_192 : memref<2048x512xi32, #tpu.memory_space<hbm>>) dst(%dma_wait3A_186 : memref<64x512xi32, #tpu.memory_space<vmem>>)
    %dma_start3A_193 = arith.constant 0 : i32
    %dma_start3A_194 = arith.constant 0 : i32
    %dma_start3A_195 = arith.constant 0 : i32
    %dma_start3A_196 = arith.constant 0 : i32
    %dma_start3A_197 = tpu.memref_slice %arg10[%dma_start3A_193, %dma_start3A_195, %dma_start3A_196] : memref<2x64x512xi32, #tpu.memory_space<vmem>> -> memref<1x64x512xi32, #tpu.memory_space<vmem>>
    %dma_start3A_198 = tpu.memref_squeeze %dma_start3A_197 : memref<1x64x512xi32, #tpu.memory_space<vmem>> -> memref<64x512xi32, #tpu.memory_space<vmem>>
    %dma_start3A_199 = arith.constant 0 : i32
    %dma_start3A_200 = tpu.memref_slice %arg7[%dma_start3A_194, %dma_start3A_199] : memref<2x64xi32, #tpu.memory_space<vmem>> -> memref<1x64xi32, #tpu.memory_space<vmem>>
    %dma_start3A_201 = tpu.memref_squeeze %dma_start3A_200 : memref<1x64xi32, #tpu.memory_space<vmem>> -> memref<64xi32, #tpu.memory_space<vmem>>
    %dma_start3A_202 = arith.constant 0 : i32
    %dma_start3A_203 = arith.constant 0 : i32
    %dma_start3A_204 = tpu.memref_slice %arg5[%dma_start3A_202, %dma_start3A_203] : memref<8192x512xi32, #tpu.memory_space<hbm>> -> memref<8192x512xi32, #tpu.memory_space<hbm>>
    tpu.enqueue_indirect_dma source(%dma_start3A_198 : memref<64x512xi32, #tpu.memory_space<vmem>>) target(%dma_start3A_204 : memref<8192x512xi32, #tpu.memory_space<hbm>>) offsets(%dma_start3A_201 : memref<64xi32, #tpu.memory_space<vmem>>) semaphore(%arg13 : memref<!tpu.dma_semaphore, #tpu.memory_space<semaphore_mem>>)
    %dma_wait3A_205 = arith.constant 1 : i32
    %dma_wait3A_206 = arith.constant 1 : i32
    %dma_wait3A_207 = arith.constant 0 : i32
    %dma_wait3A_208 = arith.constant 0 : i32
    %dma_wait3A_209 = tpu.memref_slice %arg10[%dma_wait3A_206, %dma_wait3A_207, %dma_wait3A_208] : memref<2x64x512xi32, #tpu.memory_space<vmem>> -> memref<1x64x512xi32, #tpu.memory_space<vmem>>
    %dma_wait3A_210 = tpu.memref_squeeze %dma_wait3A_209 : memref<1x64x512xi32, #tpu.memory_space<vmem>> -> memref<64x512xi32, #tpu.memory_space<vmem>>
    %dma_wait3A_211 = arith.constant 0 : i32
    %dma_wait3A_212 = tpu.memref_slice %arg9[%dma_wait3A_205, %dma_wait3A_211] : memref<2x64xi32, #tpu.memory_space<vmem>> -> memref<1x64xi32, #tpu.memory_space<vmem>>
    %dma_wait3A_213 = tpu.memref_squeeze %dma_wait3A_212 : memref<1x64xi32, #tpu.memory_space<vmem>> -> memref<64xi32, #tpu.memory_space<vmem>>
    %dma_wait3A_214 = arith.constant 0 : i32
    %dma_wait3A_215 = arith.constant 0 : i32
    %dma_wait3A_216 = tpu.memref_slice %arg2[%dma_wait3A_214, %dma_wait3A_215] : memref<2048x512xi32, #tpu.memory_space<hbm>> -> memref<2048x512xi32, #tpu.memory_space<hbm>>
    tpu.wait_indirect_dma semaphore(%arg12 : memref<!tpu.dma_semaphore, #tpu.memory_space<semaphore_mem>>) src(%dma_wait3A_216 : memref<2048x512xi32, #tpu.memory_space<hbm>>) dst(%dma_wait3A_210 : memref<64x512xi32, #tpu.memory_space<vmem>>)
    %dma_start3A_217 = arith.constant 1 : i32
    %dma_start3A_218 = arith.constant 1 : i32
    %dma_start3A_219 = arith.constant 0 : i32
    %dma_start3A_220 = arith.constant 0 : i32
    %dma_start3A_221 = tpu.memref_slice %arg10[%dma_start3A_217, %dma_start3A_219, %dma_start3A_220] : memref<2x64x512xi32, #tpu.memory_space<vmem>> -> memref<1x64x512xi32, #tpu.memory_space<vmem>>
    %dma_start3A_222 = tpu.memref_squeeze %dma_start3A_221 : memref<1x64x512xi32, #tpu.memory_space<vmem>> -> memref<64x512xi32, #tpu.memory_space<vmem>>
    %dma_start3A_223 = arith.constant 0 : i32
    %dma_start3A_224 = tpu.memref_slice %arg7[%dma_start3A_218, %dma_start3A_223] : memref<2x64xi32, #tpu.memory_space<vmem>> -> memref<1x64xi32, #tpu.memory_space<vmem>>
    %dma_start3A_225 = tpu.memref_squeeze %dma_start3A_224 : memref<1x64xi32, #tpu.memory_space<vmem>> -> memref<64xi32, #tpu.memory_space<vmem>>
    %dma_start3A_226 = arith.constant 0 : i32
    %dma_start3A_227 = arith.constant 0 : i32
    %dma_start3A_228 = tpu.memref_slice %arg5[%dma_start3A_226, %dma_start3A_227] : memref<8192x512xi32, #tpu.memory_space<hbm>> -> memref<8192x512xi32, #tpu.memory_space<hbm>>
    tpu.enqueue_indirect_dma source(%dma_start3A_222 : memref<64x512xi32, #tpu.memory_space<vmem>>) target(%dma_start3A_228 : memref<8192x512xi32, #tpu.memory_space<hbm>>) offsets(%dma_start3A_225 : memref<64xi32, #tpu.memory_space<vmem>>) semaphore(%arg13 : memref<!tpu.dma_semaphore, #tpu.memory_space<semaphore_mem>>)
    %dma_wait3A_229 = arith.constant 0 : i32
    %dma_wait3A_230 = arith.constant 0 : i32
    %dma_wait3A_231 = arith.constant 0 : i32
    %dma_wait3A_232 = arith.constant 0 : i32
    %dma_wait3A_233 = tpu.memref_slice %arg10[%dma_wait3A_229, %dma_wait3A_231, %dma_wait3A_232] : memref<2x64x512xi32, #tpu.memory_space<vmem>> -> memref<1x64x512xi32, #tpu.memory_space<vmem>>
    %dma_wait3A_234 = tpu.memref_squeeze %dma_wait3A_233 : memref<1x64x512xi32, #tpu.memory_space<vmem>> -> memref<64x512xi32, #tpu.memory_space<vmem>>
    %dma_wait3A_235 = arith.constant 0 : i32
    %dma_wait3A_236 = tpu.memref_slice %arg7[%dma_wait3A_230, %dma_wait3A_235] : memref<2x64xi32, #tpu.memory_space<vmem>> -> memref<1x64xi32, #tpu.memory_space<vmem>>
    %dma_wait3A_237 = tpu.memref_squeeze %dma_wait3A_236 : memref<1x64xi32, #tpu.memory_space<vmem>> -> memref<64xi32, #tpu.memory_space<vmem>>
    %dma_wait3A_238 = arith.constant 0 : i32
    %dma_wait3A_239 = arith.constant 0 : i32
    %dma_wait3A_240 = tpu.memref_slice %arg5[%dma_wait3A_238, %dma_wait3A_239] : memref<8192x512xi32, #tpu.memory_space<hbm>> -> memref<8192x512xi32, #tpu.memory_space<hbm>>
    tpu.wait_indirect_dma semaphore(%arg13 : memref<!tpu.dma_semaphore, #tpu.memory_space<semaphore_mem>>) src(%dma_wait3A_234 : memref<64x512xi32, #tpu.memory_space<vmem>>) dst(%dma_wait3A_240 : memref<8192x512xi32, #tpu.memory_space<hbm>>)
    %dma_wait3A_241 = arith.constant 1 : i32
    %dma_wait3A_242 = arith.constant 1 : i32
    %dma_wait3A_243 = arith.constant 0 : i32
    %dma_wait3A_244 = arith.constant 0 : i32
    %dma_wait3A_245 = tpu.memref_slice %arg10[%dma_wait3A_241, %dma_wait3A_243, %dma_wait3A_244] : memref<2x64x512xi32, #tpu.memory_space<vmem>> -> memref<1x64x512xi32, #tpu.memory_space<vmem>>
    %dma_wait3A_246 = tpu.memref_squeeze %dma_wait3A_245 : memref<1x64x512xi32, #tpu.memory_space<vmem>> -> memref<64x512xi32, #tpu.memory_space<vmem>>
    %dma_wait3A_247 = arith.constant 0 : i32
    %dma_wait3A_248 = tpu.memref_slice %arg7[%dma_wait3A_242, %dma_wait3A_247] : memref<2x64xi32, #tpu.memory_space<vmem>> -> memref<1x64xi32, #tpu.memory_space<vmem>>
    %dma_wait3A_249 = tpu.memref_squeeze %dma_wait3A_248 : memref<1x64xi32, #tpu.memory_space<vmem>> -> memref<64xi32, #tpu.memory_space<vmem>>
    %dma_wait3A_250 = arith.constant 0 : i32
    %dma_wait3A_251 = arith.constant 0 : i32
    %dma_wait3A_252 = tpu.memref_slice %arg5[%dma_wait3A_250, %dma_wait3A_251] : memref<8192x512xi32, #tpu.memory_space<hbm>> -> memref<8192x512xi32, #tpu.memory_space<hbm>>
    tpu.wait_indirect_dma semaphore(%arg13 : memref<!tpu.dma_semaphore, #tpu.memory_space<semaphore_mem>>) src(%dma_wait3A_246 : memref<64x512xi32, #tpu.memory_space<vmem>>) dst(%dma_wait3A_252 : memref<8192x512xi32, #tpu.memory_space<hbm>>)
    %dma_wait3A_253 = arith.constant 0 : i32
    %dma_wait3A_254 = arith.constant 0 : i32
    %dma_wait3A_255 = arith.constant 0 : i32
    %dma_wait3A_256 = tpu.memref_slice %arg8[%dma_wait3A_253, %dma_wait3A_255] : memref<2x64xf32, #tpu.memory_space<vmem>> -> memref<1x64xf32, #tpu.memory_space<vmem>>
    %dma_wait3A_257 = tpu.memref_squeeze %dma_wait3A_256 : memref<1x64xf32, #tpu.memory_space<vmem>> -> memref<64xf32, #tpu.memory_space<vmem>>
    %dma_wait3A_258 = arith.constant 0 : i32
    %dma_wait3A_259 = tpu.memref_slice %arg7[%dma_wait3A_254, %dma_wait3A_258] : memref<2x64xi32, #tpu.memory_space<vmem>> -> memref<1x64xi32, #tpu.memory_space<vmem>>
    %dma_wait3A_260 = tpu.memref_squeeze %dma_wait3A_259 : memref<1x64xi32, #tpu.memory_space<vmem>> -> memref<64xi32, #tpu.memory_space<vmem>>
    %dma_wait3A_261 = arith.constant 0 : i32
    %dma_wait3A_262 = tpu.memref_slice %arg6[%dma_wait3A_261] : memref<8192xf32, #tpu.memory_space<hbm>> -> memref<8192xf32, #tpu.memory_space<hbm>>
    tpu.wait_indirect_dma semaphore(%arg11 : memref<!tpu.dma_semaphore, #tpu.memory_space<semaphore_mem>>) src(%dma_wait3A_257 : memref<64xf32, #tpu.memory_space<vmem>>) dst(%dma_wait3A_262 : memref<8192xf32, #tpu.memory_space<hbm>>)
    %dma_wait3A_263 = arith.constant 1 : i32
    %dma_wait3A_264 = arith.constant 1 : i32
    %dma_wait3A_265 = arith.constant 0 : i32
    %dma_wait3A_266 = tpu.memref_slice %arg8[%dma_wait3A_263, %dma_wait3A_265] : memref<2x64xf32, #tpu.memory_space<vmem>> -> memref<1x64xf32, #tpu.memory_space<vmem>>
    %dma_wait3A_267 = tpu.memref_squeeze %dma_wait3A_266 : memref<1x64xf32, #tpu.memory_space<vmem>> -> memref<64xf32, #tpu.memory_space<vmem>>
    %dma_wait3A_268 = arith.constant 0 : i32
    %dma_wait3A_269 = tpu.memref_slice %arg7[%dma_wait3A_264, %dma_wait3A_268] : memref<2x64xi32, #tpu.memory_space<vmem>> -> memref<1x64xi32, #tpu.memory_space<vmem>>
    %dma_wait3A_270 = tpu.memref_squeeze %dma_wait3A_269 : memref<1x64xi32, #tpu.memory_space<vmem>> -> memref<64xi32, #tpu.memory_space<vmem>>
    %dma_wait3A_271 = arith.constant 0 : i32
    %dma_wait3A_272 = tpu.memref_slice %arg6[%dma_wait3A_271] : memref<8192xf32, #tpu.memory_space<hbm>> -> memref<8192xf32, #tpu.memory_space<hbm>>
    tpu.wait_indirect_dma semaphore(%arg11 : memref<!tpu.dma_semaphore, #tpu.memory_space<semaphore_mem>>) src(%dma_wait3A_267 : memref<64xf32, #tpu.memory_space<vmem>>) dst(%dma_wait3A_272 : memref<8192xf32, #tpu.memory_space<hbm>>)
    return
  }
}

#map = affine_map<(d0, d1) -> (0, 0)>
#map1 = affine_map<(d0, d1) -> (0)>
module attributes {stable_mosaic.version = 14 : i64} {
  func.func @_combine_body(%arg0: i32, %arg1: i32, %arg2: memref<8192x1024xf32, #tpu.memory_space<hbm>>, %arg3: memref<2048xi32, #tpu.memory_space<hbm>>, %arg4: memref<2048xi32, #tpu.memory_space<hbm>>, %arg5: memref<2048x1024xf32, #tpu.memory_space<hbm>>, %arg6: memref<32xi32, #tpu.memory_space<vmem>>, %arg7: memref<32xi32, #tpu.memory_space<vmem>>, %arg8: memref<32x1024xf32, #tpu.memory_space<vmem>>, %arg9: memref<32x1024xf32, #tpu.memory_space<vmem>>, %arg10: memref<32x1024xf32, #tpu.memory_space<vmem>>, %arg11: memref<!tpu.dma_semaphore, #tpu.memory_space<semaphore_mem>>) attributes {dimension_semantics = [#tpu.dimension_semantics<core_parallel>, #tpu.dimension_semantics<subcore_parallel>], iteration_bounds = array<i64: 2, 16>, scalar_prefetch = 0 : i64, scratch_operands = 6 : i64, tpu.core_type = #tpu.core_type<sc_vector_subcore>, window_params = [{transform_indices = #map}, {transform_indices = #map1}, {transform_indices = #map1}, {transform_indices = #map}]} {
    %mul3A = arith.constant 2 : i32
    %mul3A_0 = arith.muli %arg1, %mul3A : i32
    %add3A = arith.addi %mul3A_0, %arg0 : i32
    %mul3A_1 = arith.constant 64 : i32
    %mul3A_2 = arith.muli %add3A, %mul3A_1 : i32
    %add3A_3 = arith.constant 0 : i32
    %add3A_4 = arith.addi %mul3A_2, %add3A_3 : i32
    "tpu.region"() ({
      %run_scoped3A = tpu.sem_alloc : memref<!tpu.dma_semaphore, #tpu.memory_space<semaphore_mem>>
      %dma_start3A_38 = tpu.memref_slice %arg3[%add3A_4] : memref<2048xi32, #tpu.memory_space<hbm>> -> memref<32xi32, #tpu.memory_space<hbm>>
      %dma_start3A_39 = tpu.memref_slice %arg3[%add3A_4] : memref<2048xi32, #tpu.memory_space<hbm>> -> memref<32xi32, #tpu.memory_space<hbm>>
      tpu.enqueue_dma source(%dma_start3A_39 : memref<32xi32, #tpu.memory_space<hbm>>) target(%arg6 : memref<32xi32, #tpu.memory_space<vmem>>) target_semaphore(%run_scoped3A : memref<!tpu.dma_semaphore, #tpu.memory_space<semaphore_mem>>)
      %dma_wait3A_40 = tpu.memref_slice %arg3[%add3A_4] : memref<2048xi32, #tpu.memory_space<hbm>> -> memref<32xi32, #tpu.memory_space<hbm>>
      %dma_wait3A_41 = tpu.memref_slice %arg3[%add3A_4] : memref<2048xi32, #tpu.memory_space<hbm>> -> memref<32xi32, #tpu.memory_space<hbm>>
      tpu.wait_dma2 semaphore(%run_scoped3A : memref<!tpu.dma_semaphore, #tpu.memory_space<semaphore_mem>>) src(%dma_wait3A_41 : memref<32xi32, #tpu.memory_space<hbm>>) dst(%arg6 : memref<32xi32, #tpu.memory_space<vmem>>)
      tpu.yield
    }) : () -> ()
    "tpu.region"() ({
      %run_scoped3A = tpu.sem_alloc : memref<!tpu.dma_semaphore, #tpu.memory_space<semaphore_mem>>
      %dma_start3A_38 = tpu.memref_slice %arg4[%add3A_4] : memref<2048xi32, #tpu.memory_space<hbm>> -> memref<32xi32, #tpu.memory_space<hbm>>
      %dma_start3A_39 = tpu.memref_slice %arg4[%add3A_4] : memref<2048xi32, #tpu.memory_space<hbm>> -> memref<32xi32, #tpu.memory_space<hbm>>
      tpu.enqueue_dma source(%dma_start3A_39 : memref<32xi32, #tpu.memory_space<hbm>>) target(%arg7 : memref<32xi32, #tpu.memory_space<vmem>>) target_semaphore(%run_scoped3A : memref<!tpu.dma_semaphore, #tpu.memory_space<semaphore_mem>>)
      %dma_wait3A_40 = tpu.memref_slice %arg4[%add3A_4] : memref<2048xi32, #tpu.memory_space<hbm>> -> memref<32xi32, #tpu.memory_space<hbm>>
      %dma_wait3A_41 = tpu.memref_slice %arg4[%add3A_4] : memref<2048xi32, #tpu.memory_space<hbm>> -> memref<32xi32, #tpu.memory_space<hbm>>
      tpu.wait_dma2 semaphore(%run_scoped3A : memref<!tpu.dma_semaphore, #tpu.memory_space<semaphore_mem>>) src(%dma_wait3A_41 : memref<32xi32, #tpu.memory_space<hbm>>) dst(%arg7 : memref<32xi32, #tpu.memory_space<vmem>>)
      tpu.yield
    }) : () -> ()
    %dma_start3A = arith.constant 0 : i32
    %dma_start3A_5 = arith.constant 0 : i32
    %dma_start3A_6 = tpu.memref_slice %arg2[%dma_start3A, %dma_start3A_5] : memref<8192x1024xf32, #tpu.memory_space<hbm>> -> memref<8192x1024xf32, #tpu.memory_space<hbm>>
    tpu.enqueue_indirect_dma source(%dma_start3A_6 : memref<8192x1024xf32, #tpu.memory_space<hbm>>) target(%arg8 : memref<32x1024xf32, #tpu.memory_space<vmem>>) offsets(%arg6 : memref<32xi32, #tpu.memory_space<vmem>>) semaphore(%arg11 : memref<!tpu.dma_semaphore, #tpu.memory_space<semaphore_mem>>)
    %dma_wait3A = arith.constant 0 : i32
    %dma_wait3A_7 = arith.constant 0 : i32
    %dma_wait3A_8 = tpu.memref_slice %arg2[%dma_wait3A, %dma_wait3A_7] : memref<8192x1024xf32, #tpu.memory_space<hbm>> -> memref<8192x1024xf32, #tpu.memory_space<hbm>>
    tpu.wait_indirect_dma semaphore(%arg11 : memref<!tpu.dma_semaphore, #tpu.memory_space<semaphore_mem>>) src(%dma_wait3A_8 : memref<8192x1024xf32, #tpu.memory_space<hbm>>) dst(%arg8 : memref<32x1024xf32, #tpu.memory_space<vmem>>)
    %dma_start3A_9 = arith.constant 0 : i32
    %dma_start3A_10 = arith.constant 0 : i32
    %dma_start3A_11 = tpu.memref_slice %arg2[%dma_start3A_9, %dma_start3A_10] : memref<8192x1024xf32, #tpu.memory_space<hbm>> -> memref<8192x1024xf32, #tpu.memory_space<hbm>>
    tpu.enqueue_indirect_dma source(%dma_start3A_11 : memref<8192x1024xf32, #tpu.memory_space<hbm>>) target(%arg9 : memref<32x1024xf32, #tpu.memory_space<vmem>>) offsets(%arg7 : memref<32xi32, #tpu.memory_space<vmem>>) semaphore(%arg11 : memref<!tpu.dma_semaphore, #tpu.memory_space<semaphore_mem>>)
    %dma_wait3A_12 = arith.constant 0 : i32
    %dma_wait3A_13 = arith.constant 0 : i32
    %dma_wait3A_14 = tpu.memref_slice %arg2[%dma_wait3A_12, %dma_wait3A_13] : memref<8192x1024xf32, #tpu.memory_space<hbm>> -> memref<8192x1024xf32, #tpu.memory_space<hbm>>
    tpu.wait_indirect_dma semaphore(%arg11 : memref<!tpu.dma_semaphore, #tpu.memory_space<semaphore_mem>>) src(%dma_wait3A_14 : memref<8192x1024xf32, #tpu.memory_space<hbm>>) dst(%arg9 : memref<32x1024xf32, #tpu.memory_space<vmem>>)
    %scan3A = arith.constant 0 : i32
    %scan3A_15 = arith.constant 32 : i32
    %scan3A_16 = arith.addi %scan3A, %scan3A_15 : i32
    %scan3A_17 = arith.constant 1 : i32
    scf.for %scan3A_38 = %scan3A to %scan3A_16 step %scan3A_17  : i32 {
      %get3A = arith.index_cast %scan3A_38 : i32 to index
      %get3A_39 = arith.constant 0 : index
      %get3A_40 = tpu.vector_load %arg8[%get3A, %get3A_39] {strides = array<i32>} : memref<32x1024xf32, #tpu.memory_space<vmem>>, vector<1x16xf32>,
      %get3A_41 = vector.shape_cast %get3A_40 : vector<1x16xf32> to vector<16xf32>
      %get3A_42 = arith.index_cast %scan3A_38 : i32 to index
      %get3A_43 = arith.constant 0 : index
      %get3A_44 = tpu.vector_load %arg9[%get3A_42, %get3A_43] {strides = array<i32>} : memref<32x1024xf32, #tpu.memory_space<vmem>>, vector<1x16xf32>,
      %get3A_45 = vector.shape_cast %get3A_44 : vector<1x16xf32> to vector<16xf32>
      %add3A_46 = arith.addf %get3A_41, %get3A_45 : vector<16xf32>
      %swap3A = arith.index_cast %scan3A_38 : i32 to index
      %swap3A_47 = arith.constant 0 : index
      %swap3A_48 = tpu.vector_load %arg10[%swap3A, %swap3A_47] {strides = array<i32>} : memref<32x1024xf32, #tpu.memory_space<vmem>>, vector<1x16xf32>,
      %swap3A_49 = vector.shape_cast %swap3A_48 : vector<1x16xf32> to vector<16xf32>
      %swap3A_50 = vector.shape_cast %add3A_46 : vector<16xf32> to vector<1x16xf32>
      tpu.vector_store %arg10[%swap3A, %swap3A_47], %swap3A_50 {strides = array<i32>} : memref<32x1024xf32, #tpu.memory_space<vmem>>, vector<1x16xf32>,
      %get3A_51 = arith.index_cast %scan3A_38 : i32 to index
      %get3A_52 = arith.constant 16 : index
      %get3A_53 = tpu.vector_load %arg8[%get3A_51, %get3A_52] {strides = array<i32>} : memref<32x1024xf32, #tpu.memory_space<vmem>>, vector<1x16xf32>,
      %get3A_54 = vector.shape_cast %get3A_53 : vector<1x16xf32> to vector<16xf32>
      %get3A_55 = arith.index_cast %scan3A_38 : i32 to index
      %get3A_56 = arith.constant 16 : index
      %get3A_57 = tpu.vector_load %arg9[%get3A_55, %get3A_56] {strides = array<i32>} : memref<32x1024xf32, #tpu.memory_space<vmem>>, vector<1x16xf32>,
      %get3A_58 = vector.shape_cast %get3A_57 : vector<1x16xf32> to vector<16xf32>
      %add3A_59 = arith.addf %get3A_54, %get3A_58 : vector<16xf32>
      %swap3A_60 = arith.index_cast %scan3A_38 : i32 to index
      %swap3A_61 = arith.constant 16 : index
      %swap3A_62 = tpu.vector_load %arg10[%swap3A_60, %swap3A_61] {strides = array<i32>} : memref<32x1024xf32, #tpu.memory_space<vmem>>, vector<1x16xf32>,
      %swap3A_63 = vector.shape_cast %swap3A_62 : vector<1x16xf32> to vector<16xf32>
      %swap3A_64 = vector.shape_cast %add3A_59 : vector<16xf32> to vector<1x16xf32>
      tpu.vector_store %arg10[%swap3A_60, %swap3A_61], %swap3A_64 {strides = array<i32>} : memref<32x1024xf32, #tpu.memory_space<vmem>>, vector<1x16xf32>,
      %get3A_65 = arith.index_cast %scan3A_38 : i32 to index
      %get3A_66 = arith.constant 32 : index
      %get3A_67 = tpu.vector_load %arg8[%get3A_65, %get3A_66] {strides = array<i32>} : memref<32x1024xf32, #tpu.memory_space<vmem>>, vector<1x16xf32>,
      %get3A_68 = vector.shape_cast %get3A_67 : vector<1x16xf32> to vector<16xf32>
      %get3A_69 = arith.index_cast %scan3A_38 : i32 to index
      %get3A_70 = arith.constant 32 : index
      %get3A_71 = tpu.vector_load %arg9[%get3A_69, %get3A_70] {strides = array<i32>} : memref<32x1024xf32, #tpu.memory_space<vmem>>, vector<1x16xf32>,
      %get3A_72 = vector.shape_cast %get3A_71 : vector<1x16xf32> to vector<16xf32>
      %add3A_73 = arith.addf %get3A_68, %get3A_72 : vector<16xf32>
      %swap3A_74 = arith.index_cast %scan3A_38 : i32 to index
      %swap3A_75 = arith.constant 32 : index
      %swap3A_76 = tpu.vector_load %arg10[%swap3A_74, %swap3A_75] {strides = array<i32>} : memref<32x1024xf32, #tpu.memory_space<vmem>>, vector<1x16xf32>,
      %swap3A_77 = vector.shape_cast %swap3A_76 : vector<1x16xf32> to vector<16xf32>
      %swap3A_78 = vector.shape_cast %add3A_73 : vector<16xf32> to vector<1x16xf32>
      tpu.vector_store %arg10[%swap3A_74, %swap3A_75], %swap3A_78 {strides = array<i32>} : memref<32x1024xf32, #tpu.memory_space<vmem>>, vector<1x16xf32>,
      %get3A_79 = arith.index_cast %scan3A_38 : i32 to index
      %get3A_80 = arith.constant 48 : index
      %get3A_81 = tpu.vector_load %arg8[%get3A_79, %get3A_80] {strides = array<i32>} : memref<32x1024xf32, #tpu.memory_space<vmem>>, vector<1x16xf32>,
      %get3A_82 = vector.shape_cast %get3A_81 : vector<1x16xf32> to vector<16xf32>
      %get3A_83 = arith.index_cast %scan3A_38 : i32 to index
      %get3A_84 = arith.constant 48 : index
      %get3A_85 = tpu.vector_load %arg9[%get3A_83, %get3A_84] {strides = array<i32>} : memref<32x1024xf32, #tpu.memory_space<vmem>>, vector<1x16xf32>,
      %get3A_86 = vector.shape_cast %get3A_85 : vector<1x16xf32> to vector<16xf32>
      %add3A_87 = arith.addf %get3A_82, %get3A_86 : vector<16xf32>
      %swap3A_88 = arith.index_cast %scan3A_38 : i32 to index
      %swap3A_89 = arith.constant 48 : index
      %swap3A_90 = tpu.vector_load %arg10[%swap3A_88, %swap3A_89] {strides = array<i32>} : memref<32x1024xf32, #tpu.memory_space<vmem>>, vector<1x16xf32>,
      %swap3A_91 = vector.shape_cast %swap3A_90 : vector<1x16xf32> to vector<16xf32>
      %swap3A_92 = vector.shape_cast %add3A_87 : vector<16xf32> to vector<1x16xf32>
      tpu.vector_store %arg10[%swap3A_88, %swap3A_89], %swap3A_92 {strides = array<i32>} : memref<32x1024xf32, #tpu.memory_space<vmem>>, vector<1x16xf32>,
      %get3A_93 = arith.index_cast %scan3A_38 : i32 to index
      %get3A_94 = arith.constant 64 : index
      %get3A_95 = tpu.vector_load %arg8[%get3A_93, %get3A_94] {strides = array<i32>} : memref<32x1024xf32, #tpu.memory_space<vmem>>, vector<1x16xf32>,
      %get3A_96 = vector.shape_cast %get3A_95 : vector<1x16xf32> to vector<16xf32>
      %get3A_97 = arith.index_cast %scan3A_38 : i32 to index
      %get3A_98 = arith.constant 64 : index
      %get3A_99 = tpu.vector_load %arg9[%get3A_97, %get3A_98] {strides = array<i32>} : memref<32x1024xf32, #tpu.memory_space<vmem>>, vector<1x16xf32>,
      %get3A_100 = vector.shape_cast %get3A_99 : vector<1x16xf32> to vector<16xf32>
      %add3A_101 = arith.addf %get3A_96, %get3A_100 : vector<16xf32>
      %swap3A_102 = arith.index_cast %scan3A_38 : i32 to index
      %swap3A_103 = arith.constant 64 : index
      %swap3A_104 = tpu.vector_load %arg10[%swap3A_102, %swap3A_103] {strides = array<i32>} : memref<32x1024xf32, #tpu.memory_space<vmem>>, vector<1x16xf32>,
      %swap3A_105 = vector.shape_cast %swap3A_104 : vector<1x16xf32> to vector<16xf32>
      %swap3A_106 = vector.shape_cast %add3A_101 : vector<16xf32> to vector<1x16xf32>
      tpu.vector_store %arg10[%swap3A_102, %swap3A_103], %swap3A_106 {strides = array<i32>} : memref<32x1024xf32, #tpu.memory_space<vmem>>, vector<1x16xf32>,
      %get3A_107 = arith.index_cast %scan3A_38 : i32 to index
      %get3A_108 = arith.constant 80 : index
      %get3A_109 = tpu.vector_load %arg8[%get3A_107, %get3A_108] {strides = array<i32>} : memref<32x1024xf32, #tpu.memory_space<vmem>>, vector<1x16xf32>,
      %get3A_110 = vector.shape_cast %get3A_109 : vector<1x16xf32> to vector<16xf32>
      %get3A_111 = arith.index_cast %scan3A_38 : i32 to index
      %get3A_112 = arith.constant 80 : index
      %get3A_113 = tpu.vector_load %arg9[%get3A_111, %get3A_112] {strides = array<i32>} : memref<32x1024xf32, #tpu.memory_space<vmem>>, vector<1x16xf32>,
      %get3A_114 = vector.shape_cast %get3A_113 : vector<1x16xf32> to vector<16xf32>
      %add3A_115 = arith.addf %get3A_110, %get3A_114 : vector<16xf32>
      %swap3A_116 = arith.index_cast %scan3A_38 : i32 to index
      %swap3A_117 = arith.constant 80 : index
      %swap3A_118 = tpu.vector_load %arg10[%swap3A_116, %swap3A_117] {strides = array<i32>} : memref<32x1024xf32, #tpu.memory_space<vmem>>, vector<1x16xf32>,
      %swap3A_119 = vector.shape_cast %swap3A_118 : vector<1x16xf32> to vector<16xf32>
      %swap3A_120 = vector.shape_cast %add3A_115 : vector<16xf32> to vector<1x16xf32>
      tpu.vector_store %arg10[%swap3A_116, %swap3A_117], %swap3A_120 {strides = array<i32>} : memref<32x1024xf32, #tpu.memory_space<vmem>>, vector<1x16xf32>,
      %get3A_121 = arith.index_cast %scan3A_38 : i32 to index
      %get3A_122 = arith.constant 96 : index
      %get3A_123 = tpu.vector_load %arg8[%get3A_121, %get3A_122] {strides = array<i32>} : memref<32x1024xf32, #tpu.memory_space<vmem>>, vector<1x16xf32>,
      %get3A_124 = vector.shape_cast %get3A_123 : vector<1x16xf32> to vector<16xf32>
      %get3A_125 = arith.index_cast %scan3A_38 : i32 to index
      %get3A_126 = arith.constant 96 : index
      %get3A_127 = tpu.vector_load %arg9[%get3A_125, %get3A_126] {strides = array<i32>} : memref<32x1024xf32, #tpu.memory_space<vmem>>, vector<1x16xf32>,
      %get3A_128 = vector.shape_cast %get3A_127 : vector<1x16xf32> to vector<16xf32>
      %add3A_129 = arith.addf %get3A_124, %get3A_128 : vector<16xf32>
      %swap3A_130 = arith.index_cast %scan3A_38 : i32 to index
      %swap3A_131 = arith.constant 96 : index
      %swap3A_132 = tpu.vector_load %arg10[%swap3A_130, %swap3A_131] {strides = array<i32>} : memref<32x1024xf32, #tpu.memory_space<vmem>>, vector<1x16xf32>,
      %swap3A_133 = vector.shape_cast %swap3A_132 : vector<1x16xf32> to vector<16xf32>
      %swap3A_134 = vector.shape_cast %add3A_129 : vector<16xf32> to vector<1x16xf32>
      tpu.vector_store %arg10[%swap3A_130, %swap3A_131], %swap3A_134 {strides = array<i32>} : memref<32x1024xf32, #tpu.memory_space<vmem>>, vector<1x16xf32>,
      %get3A_135 = arith.index_cast %scan3A_38 : i32 to index
      %get3A_136 = arith.constant 112 : index
      %get3A_137 = tpu.vector_load %arg8[%get3A_135, %get3A_136] {strides = array<i32>} : memref<32x1024xf32, #tpu.memory_space<vmem>>, vector<1x16xf32>,
      %get3A_138 = vector.shape_cast %get3A_137 : vector<1x16xf32> to vector<16xf32>
      %get3A_139 = arith.index_cast %scan3A_38 : i32 to index
      %get3A_140 = arith.constant 112 : index
      %get3A_141 = tpu.vector_load %arg9[%get3A_139, %get3A_140] {strides = array<i32>} : memref<32x1024xf32, #tpu.memory_space<vmem>>, vector<1x16xf32>,
      %get3A_142 = vector.shape_cast %get3A_141 : vector<1x16xf32> to vector<16xf32>
      %add3A_143 = arith.addf %get3A_138, %get3A_142 : vector<16xf32>
      %swap3A_144 = arith.index_cast %scan3A_38 : i32 to index
      %swap3A_145 = arith.constant 112 : index
      %swap3A_146 = tpu.vector_load %arg10[%swap3A_144, %swap3A_145] {strides = array<i32>} : memref<32x1024xf32, #tpu.memory_space<vmem>>, vector<1x16xf32>,
      %swap3A_147 = vector.shape_cast %swap3A_146 : vector<1x16xf32> to vector<16xf32>
      %swap3A_148 = vector.shape_cast %add3A_143 : vector<16xf32> to vector<1x16xf32>
      tpu.vector_store %arg10[%swap3A_144, %swap3A_145], %swap3A_148 {strides = array<i32>} : memref<32x1024xf32, #tpu.memory_space<vmem>>, vector<1x16xf32>,
      %get3A_149 = arith.index_cast %scan3A_38 : i32 to index
      %get3A_150 = arith.constant 128 : index
      %get3A_151 = tpu.vector_load %arg8[%get3A_149, %get3A_150] {strides = array<i32>} : memref<32x1024xf32, #tpu.memory_space<vmem>>, vector<1x16xf32>,
      %get3A_152 = vector.shape_cast %get3A_151 : vector<1x16xf32> to vector<16xf32>
      %get3A_153 = arith.index_cast %scan3A_38 : i32 to index
      %get3A_154 = arith.constant 128 : index
      %get3A_155 = tpu.vector_load %arg9[%get3A_153, %get3A_154] {strides = array<i32>} : memref<32x1024xf32, #tpu.memory_space<vmem>>, vector<1x16xf32>,
      %get3A_156 = vector.shape_cast %get3A_155 : vector<1x16xf32> to vector<16xf32>
      %add3A_157 = arith.addf %get3A_152, %get3A_156 : vector<16xf32>
      %swap3A_158 = arith.index_cast %scan3A_38 : i32 to index
      %swap3A_159 = arith.constant 128 : index
      %swap3A_160 = tpu.vector_load %arg10[%swap3A_158, %swap3A_159] {strides = array<i32>} : memref<32x1024xf32, #tpu.memory_space<vmem>>, vector<1x16xf32>,
      %swap3A_161 = vector.shape_cast %swap3A_160 : vector<1x16xf32> to vector<16xf32>
      %swap3A_162 = vector.shape_cast %add3A_157 : vector<16xf32> to vector<1x16xf32>
      tpu.vector_store %arg10[%swap3A_158, %swap3A_159], %swap3A_162 {strides = array<i32>} : memref<32x1024xf32, #tpu.memory_space<vmem>>, vector<1x16xf32>,
      %get3A_163 = arith.index_cast %scan3A_38 : i32 to index
      %get3A_164 = arith.constant 144 : index
      %get3A_165 = tpu.vector_load %arg8[%get3A_163, %get3A_164] {strides = array<i32>} : memref<32x1024xf32, #tpu.memory_space<vmem>>, vector<1x16xf32>,
      %get3A_166 = vector.shape_cast %get3A_165 : vector<1x16xf32> to vector<16xf32>
      %get3A_167 = arith.index_cast %scan3A_38 : i32 to index
      %get3A_168 = arith.constant 144 : index
      %get3A_169 = tpu.vector_load %arg9[%get3A_167, %get3A_168] {strides = array<i32>} : memref<32x1024xf32, #tpu.memory_space<vmem>>, vector<1x16xf32>,
      %get3A_170 = vector.shape_cast %get3A_169 : vector<1x16xf32> to vector<16xf32>
      %add3A_171 = arith.addf %get3A_166, %get3A_170 : vector<16xf32>
      %swap3A_172 = arith.index_cast %scan3A_38 : i32 to index
      %swap3A_173 = arith.constant 144 : index
      %swap3A_174 = tpu.vector_load %arg10[%swap3A_172, %swap3A_173] {strides = array<i32>} : memref<32x1024xf32, #tpu.memory_space<vmem>>, vector<1x16xf32>,
      %swap3A_175 = vector.shape_cast %swap3A_174 : vector<1x16xf32> to vector<16xf32>
      %swap3A_176 = vector.shape_cast %add3A_171 : vector<16xf32> to vector<1x16xf32>
      tpu.vector_store %arg10[%swap3A_172, %swap3A_173], %swap3A_176 {strides = array<i32>} : memref<32x1024xf32, #tpu.memory_space<vmem>>, vector<1x16xf32>,
      %get3A_177 = arith.index_cast %scan3A_38 : i32 to index
      %get3A_178 = arith.constant 160 : index
      %get3A_179 = tpu.vector_load %arg8[%get3A_177, %get3A_178] {strides = array<i32>} : memref<32x1024xf32, #tpu.memory_space<vmem>>, vector<1x16xf32>,
      %get3A_180 = vector.shape_cast %get3A_179 : vector<1x16xf32> to vector<16xf32>
      %get3A_181 = arith.index_cast %scan3A_38 : i32 to index
      %get3A_182 = arith.constant 160 : index
      %get3A_183 = tpu.vector_load %arg9[%get3A_181, %get3A_182] {strides = array<i32>} : memref<32x1024xf32, #tpu.memory_space<vmem>>, vector<1x16xf32>,
      %get3A_184 = vector.shape_cast %get3A_183 : vector<1x16xf32> to vector<16xf32>
      %add3A_185 = arith.addf %get3A_180, %get3A_184 : vector<16xf32>
      %swap3A_186 = arith.index_cast %scan3A_38 : i32 to index
      %swap3A_187 = arith.constant 160 : index
      %swap3A_188 = tpu.vector_load %arg10[%swap3A_186, %swap3A_187] {strides = array<i32>} : memref<32x1024xf32, #tpu.memory_space<vmem>>, vector<1x16xf32>,
      %swap3A_189 = vector.shape_cast %swap3A_188 : vector<1x16xf32> to vector<16xf32>
      %swap3A_190 = vector.shape_cast %add3A_185 : vector<16xf32> to vector<1x16xf32>
      tpu.vector_store %arg10[%swap3A_186, %swap3A_187], %swap3A_190 {strides = array<i32>} : memref<32x1024xf32, #tpu.memory_space<vmem>>, vector<1x16xf32>,
      %get3A_191 = arith.index_cast %scan3A_38 : i32 to index
      %get3A_192 = arith.constant 176 : index
      %get3A_193 = tpu.vector_load %arg8[%get3A_191, %get3A_192] {strides = array<i32>} : memref<32x1024xf32, #tpu.memory_space<vmem>>, vector<1x16xf32>,
      %get3A_194 = vector.shape_cast %get3A_193 : vector<1x16xf32> to vector<16xf32>
      %get3A_195 = arith.index_cast %scan3A_38 : i32 to index
      %get3A_196 = arith.constant 176 : index
      %get3A_197 = tpu.vector_load %arg9[%get3A_195, %get3A_196] {strides = array<i32>} : memref<32x1024xf32, #tpu.memory_space<vmem>>, vector<1x16xf32>,
      %get3A_198 = vector.shape_cast %get3A_197 : vector<1x16xf32> to vector<16xf32>
      %add3A_199 = arith.addf %get3A_194, %get3A_198 : vector<16xf32>
      %swap3A_200 = arith.index_cast %scan3A_38 : i32 to index
      %swap3A_201 = arith.constant 176 : index
      %swap3A_202 = tpu.vector_load %arg10[%swap3A_200, %swap3A_201] {strides = array<i32>} : memref<32x1024xf32, #tpu.memory_space<vmem>>, vector<1x16xf32>,
      %swap3A_203 = vector.shape_cast %swap3A_202 : vector<1x16xf32> to vector<16xf32>
      %swap3A_204 = vector.shape_cast %add3A_199 : vector<16xf32> to vector<1x16xf32>
      tpu.vector_store %arg10[%swap3A_200, %swap3A_201], %swap3A_204 {strides = array<i32>} : memref<32x1024xf32, #tpu.memory_space<vmem>>, vector<1x16xf32>,
      %get3A_205 = arith.index_cast %scan3A_38 : i32 to index
      %get3A_206 = arith.constant 192 : index
      %get3A_207 = tpu.vector_load %arg8[%get3A_205, %get3A_206] {strides = array<i32>} : memref<32x1024xf32, #tpu.memory_space<vmem>>, vector<1x16xf32>,
      %get3A_208 = vector.shape_cast %get3A_207 : vector<1x16xf32> to vector<16xf32>
      %get3A_209 = arith.index_cast %scan3A_38 : i32 to index
      %get3A_210 = arith.constant 192 : index
      %get3A_211 = tpu.vector_load %arg9[%get3A_209, %get3A_210] {strides = array<i32>} : memref<32x1024xf32, #tpu.memory_space<vmem>>, vector<1x16xf32>,
      %get3A_212 = vector.shape_cast %get3A_211 : vector<1x16xf32> to vector<16xf32>
      %add3A_213 = arith.addf %get3A_208, %get3A_212 : vector<16xf32>
      %swap3A_214 = arith.index_cast %scan3A_38 : i32 to index
      %swap3A_215 = arith.constant 192 : index
      %swap3A_216 = tpu.vector_load %arg10[%swap3A_214, %swap3A_215] {strides = array<i32>} : memref<32x1024xf32, #tpu.memory_space<vmem>>, vector<1x16xf32>,
      %swap3A_217 = vector.shape_cast %swap3A_216 : vector<1x16xf32> to vector<16xf32>
      %swap3A_218 = vector.shape_cast %add3A_213 : vector<16xf32> to vector<1x16xf32>
      tpu.vector_store %arg10[%swap3A_214, %swap3A_215], %swap3A_218 {strides = array<i32>} : memref<32x1024xf32, #tpu.memory_space<vmem>>, vector<1x16xf32>,
      %get3A_219 = arith.index_cast %scan3A_38 : i32 to index
      %get3A_220 = arith.constant 208 : index
      %get3A_221 = tpu.vector_load %arg8[%get3A_219, %get3A_220] {strides = array<i32>} : memref<32x1024xf32, #tpu.memory_space<vmem>>, vector<1x16xf32>,
      %get3A_222 = vector.shape_cast %get3A_221 : vector<1x16xf32> to vector<16xf32>
      %get3A_223 = arith.index_cast %scan3A_38 : i32 to index
      %get3A_224 = arith.constant 208 : index
      %get3A_225 = tpu.vector_load %arg9[%get3A_223, %get3A_224] {strides = array<i32>} : memref<32x1024xf32, #tpu.memory_space<vmem>>, vector<1x16xf32>,
      %get3A_226 = vector.shape_cast %get3A_225 : vector<1x16xf32> to vector<16xf32>
      %add3A_227 = arith.addf %get3A_222, %get3A_226 : vector<16xf32>
      %swap3A_228 = arith.index_cast %scan3A_38 : i32 to index
      %swap3A_229 = arith.constant 208 : index
      %swap3A_230 = tpu.vector_load %arg10[%swap3A_228, %swap3A_229] {strides = array<i32>} : memref<32x1024xf32, #tpu.memory_space<vmem>>, vector<1x16xf32>,
      %swap3A_231 = vector.shape_cast %swap3A_230 : vector<1x16xf32> to vector<16xf32>
      %swap3A_232 = vector.shape_cast %add3A_227 : vector<16xf32> to vector<1x16xf32>
      tpu.vector_store %arg10[%swap3A_228, %swap3A_229], %swap3A_232 {strides = array<i32>} : memref<32x1024xf32, #tpu.memory_space<vmem>>, vector<1x16xf32>,
      %get3A_233 = arith.index_cast %scan3A_38 : i32 to index
      %get3A_234 = arith.constant 224 : index
      %get3A_235 = tpu.vector_load %arg8[%get3A_233, %get3A_234] {strides = array<i32>} : memref<32x1024xf32, #tpu.memory_space<vmem>>, vector<1x16xf32>,
      %get3A_236 = vector.shape_cast %get3A_235 : vector<1x16xf32> to vector<16xf32>
      %get3A_237 = arith.index_cast %scan3A_38 : i32 to index
      %get3A_238 = arith.constant 224 : index
      %get3A_239 = tpu.vector_load %arg9[%get3A_237, %get3A_238] {strides = array<i32>} : memref<32x1024xf32, #tpu.memory_space<vmem>>, vector<1x16xf32>,
      %get3A_240 = vector.shape_cast %get3A_239 : vector<1x16xf32> to vector<16xf32>
      %add3A_241 = arith.addf %get3A_236, %get3A_240 : vector<16xf32>
      %swap3A_242 = arith.index_cast %scan3A_38 : i32 to index
      %swap3A_243 = arith.constant 224 : index
      %swap3A_244 = tpu.vector_load %arg10[%swap3A_242, %swap3A_243] {strides = array<i32>} : memref<32x1024xf32, #tpu.memory_space<vmem>>, vector<1x16xf32>,
      %swap3A_245 = vector.shape_cast %swap3A_244 : vector<1x16xf32> to vector<16xf32>
      %swap3A_246 = vector.shape_cast %add3A_241 : vector<16xf32> to vector<1x16xf32>
      tpu.vector_store %arg10[%swap3A_242, %swap3A_243], %swap3A_246 {strides = array<i32>} : memref<32x1024xf32, #tpu.memory_space<vmem>>, vector<1x16xf32>,
      %get3A_247 = arith.index_cast %scan3A_38 : i32 to index
      %get3A_248 = arith.constant 240 : index
      %get3A_249 = tpu.vector_load %arg8[%get3A_247, %get3A_248] {strides = array<i32>} : memref<32x1024xf32, #tpu.memory_space<vmem>>, vector<1x16xf32>,
      %get3A_250 = vector.shape_cast %get3A_249 : vector<1x16xf32> to vector<16xf32>
      %get3A_251 = arith.index_cast %scan3A_38 : i32 to index
      %get3A_252 = arith.constant 240 : index
      %get3A_253 = tpu.vector_load %arg9[%get3A_251, %get3A_252] {strides = array<i32>} : memref<32x1024xf32, #tpu.memory_space<vmem>>, vector<1x16xf32>,
      %get3A_254 = vector.shape_cast %get3A_253 : vector<1x16xf32> to vector<16xf32>
      %add3A_255 = arith.addf %get3A_250, %get3A_254 : vector<16xf32>
      %swap3A_256 = arith.index_cast %scan3A_38 : i32 to index
      %swap3A_257 = arith.constant 240 : index
      %swap3A_258 = tpu.vector_load %arg10[%swap3A_256, %swap3A_257] {strides = array<i32>} : memref<32x1024xf32, #tpu.memory_space<vmem>>, vector<1x16xf32>,
      %swap3A_259 = vector.shape_cast %swap3A_258 : vector<1x16xf32> to vector<16xf32>
      %swap3A_260 = vector.shape_cast %add3A_255 : vector<16xf32> to vector<1x16xf32>
      tpu.vector_store %arg10[%swap3A_256, %swap3A_257], %swap3A_260 {strides = array<i32>} : memref<32x1024xf32, #tpu.memory_space<vmem>>, vector<1x16xf32>,
      %get3A_261 = arith.index_cast %scan3A_38 : i32 to index
      %get3A_262 = arith.constant 256 : index
      %get3A_263 = tpu.vector_load %arg8[%get3A_261, %get3A_262] {strides = array<i32>} : memref<32x1024xf32, #tpu.memory_space<vmem>>, vector<1x16xf32>,
      %get3A_264 = vector.shape_cast %get3A_263 : vector<1x16xf32> to vector<16xf32>
      %get3A_265 = arith.index_cast %scan3A_38 : i32 to index
      %get3A_266 = arith.constant 256 : index
      %get3A_267 = tpu.vector_load %arg9[%get3A_265, %get3A_266] {strides = array<i32>} : memref<32x1024xf32, #tpu.memory_space<vmem>>, vector<1x16xf32>,
      %get3A_268 = vector.shape_cast %get3A_267 : vector<1x16xf32> to vector<16xf32>
      %add3A_269 = arith.addf %get3A_264, %get3A_268 : vector<16xf32>
      %swap3A_270 = arith.index_cast %scan3A_38 : i32 to index
      %swap3A_271 = arith.constant 256 : index
      %swap3A_272 = tpu.vector_load %arg10[%swap3A_270, %swap3A_271] {strides = array<i32>} : memref<32x1024xf32, #tpu.memory_space<vmem>>, vector<1x16xf32>,
      %swap3A_273 = vector.shape_cast %swap3A_272 : vector<1x16xf32> to vector<16xf32>
      %swap3A_274 = vector.shape_cast %add3A_269 : vector<16xf32> to vector<1x16xf32>
      tpu.vector_store %arg10[%swap3A_270, %swap3A_271], %swap3A_274 {strides = array<i32>} : memref<32x1024xf32, #tpu.memory_space<vmem>>, vector<1x16xf32>,
      %get3A_275 = arith.index_cast %scan3A_38 : i32 to index
      %get3A_276 = arith.constant 272 : index
      %get3A_277 = tpu.vector_load %arg8[%get3A_275, %get3A_276] {strides = array<i32>} : memref<32x1024xf32, #tpu.memory_space<vmem>>, vector<1x16xf32>,
      %get3A_278 = vector.shape_cast %get3A_277 : vector<1x16xf32> to vector<16xf32>
      %get3A_279 = arith.index_cast %scan3A_38 : i32 to index
      %get3A_280 = arith.constant 272 : index
      %get3A_281 = tpu.vector_load %arg9[%get3A_279, %get3A_280] {strides = array<i32>} : memref<32x1024xf32, #tpu.memory_space<vmem>>, vector<1x16xf32>,
      %get3A_282 = vector.shape_cast %get3A_281 : vector<1x16xf32> to vector<16xf32>
      %add3A_283 = arith.addf %get3A_278, %get3A_282 : vector<16xf32>
      %swap3A_284 = arith.index_cast %scan3A_38 : i32 to index
      %swap3A_285 = arith.constant 272 : index
      %swap3A_286 = tpu.vector_load %arg10[%swap3A_284, %swap3A_285] {strides = array<i32>} : memref<32x1024xf32, #tpu.memory_space<vmem>>, vector<1x16xf32>,
      %swap3A_287 = vector.shape_cast %swap3A_286 : vector<1x16xf32> to vector<16xf32>
      %swap3A_288 = vector.shape_cast %add3A_283 : vector<16xf32> to vector<1x16xf32>
      tpu.vector_store %arg10[%swap3A_284, %swap3A_285], %swap3A_288 {strides = array<i32>} : memref<32x1024xf32, #tpu.memory_space<vmem>>, vector<1x16xf32>,
      %get3A_289 = arith.index_cast %scan3A_38 : i32 to index
      %get3A_290 = arith.constant 288 : index
      %get3A_291 = tpu.vector_load %arg8[%get3A_289, %get3A_290] {strides = array<i32>} : memref<32x1024xf32, #tpu.memory_space<vmem>>, vector<1x16xf32>,
      %get3A_292 = vector.shape_cast %get3A_291 : vector<1x16xf32> to vector<16xf32>
      %get3A_293 = arith.index_cast %scan3A_38 : i32 to index
      %get3A_294 = arith.constant 288 : index
      %get3A_295 = tpu.vector_load %arg9[%get3A_293, %get3A_294] {strides = array<i32>} : memref<32x1024xf32, #tpu.memory_space<vmem>>, vector<1x16xf32>,
      %get3A_296 = vector.shape_cast %get3A_295 : vector<1x16xf32> to vector<16xf32>
      %add3A_297 = arith.addf %get3A_292, %get3A_296 : vector<16xf32>
      %swap3A_298 = arith.index_cast %scan3A_38 : i32 to index
      %swap3A_299 = arith.constant 288 : index
      %swap3A_300 = tpu.vector_load %arg10[%swap3A_298, %swap3A_299] {strides = array<i32>} : memref<32x1024xf32, #tpu.memory_space<vmem>>, vector<1x16xf32>,
      %swap3A_301 = vector.shape_cast %swap3A_300 : vector<1x16xf32> to vector<16xf32>
      %swap3A_302 = vector.shape_cast %add3A_297 : vector<16xf32> to vector<1x16xf32>
      tpu.vector_store %arg10[%swap3A_298, %swap3A_299], %swap3A_302 {strides = array<i32>} : memref<32x1024xf32, #tpu.memory_space<vmem>>, vector<1x16xf32>,
      %get3A_303 = arith.index_cast %scan3A_38 : i32 to index
      %get3A_304 = arith.constant 304 : index
      %get3A_305 = tpu.vector_load %arg8[%get3A_303, %get3A_304] {strides = array<i32>} : memref<32x1024xf32, #tpu.memory_space<vmem>>, vector<1x16xf32>,
      %get3A_306 = vector.shape_cast %get3A_305 : vector<1x16xf32> to vector<16xf32>
      %get3A_307 = arith.index_cast %scan3A_38 : i32 to index
      %get3A_308 = arith.constant 304 : index
      %get3A_309 = tpu.vector_load %arg9[%get3A_307, %get3A_308] {strides = array<i32>} : memref<32x1024xf32, #tpu.memory_space<vmem>>, vector<1x16xf32>,
      %get3A_310 = vector.shape_cast %get3A_309 : vector<1x16xf32> to vector<16xf32>
      %add3A_311 = arith.addf %get3A_306, %get3A_310 : vector<16xf32>
      %swap3A_312 = arith.index_cast %scan3A_38 : i32 to index
      %swap3A_313 = arith.constant 304 : index
      %swap3A_314 = tpu.vector_load %arg10[%swap3A_312, %swap3A_313] {strides = array<i32>} : memref<32x1024xf32, #tpu.memory_space<vmem>>, vector<1x16xf32>,
      %swap3A_315 = vector.shape_cast %swap3A_314 : vector<1x16xf32> to vector<16xf32>
      %swap3A_316 = vector.shape_cast %add3A_311 : vector<16xf32> to vector<1x16xf32>
      tpu.vector_store %arg10[%swap3A_312, %swap3A_313], %swap3A_316 {strides = array<i32>} : memref<32x1024xf32, #tpu.memory_space<vmem>>, vector<1x16xf32>,
      %get3A_317 = arith.index_cast %scan3A_38 : i32 to index
      %get3A_318 = arith.constant 320 : index
      %get3A_319 = tpu.vector_load %arg8[%get3A_317, %get3A_318] {strides = array<i32>} : memref<32x1024xf32, #tpu.memory_space<vmem>>, vector<1x16xf32>,
      %get3A_320 = vector.shape_cast %get3A_319 : vector<1x16xf32> to vector<16xf32>
      %get3A_321 = arith.index_cast %scan3A_38 : i32 to index
      %get3A_322 = arith.constant 320 : index
      %get3A_323 = tpu.vector_load %arg9[%get3A_321, %get3A_322] {strides = array<i32>} : memref<32x1024xf32, #tpu.memory_space<vmem>>, vector<1x16xf32>,
      %get3A_324 = vector.shape_cast %get3A_323 : vector<1x16xf32> to vector<16xf32>
      %add3A_325 = arith.addf %get3A_320, %get3A_324 : vector<16xf32>
      %swap3A_326 = arith.index_cast %scan3A_38 : i32 to index
      %swap3A_327 = arith.constant 320 : index
      %swap3A_328 = tpu.vector_load %arg10[%swap3A_326, %swap3A_327] {strides = array<i32>} : memref<32x1024xf32, #tpu.memory_space<vmem>>, vector<1x16xf32>,
      %swap3A_329 = vector.shape_cast %swap3A_328 : vector<1x16xf32> to vector<16xf32>
      %swap3A_330 = vector.shape_cast %add3A_325 : vector<16xf32> to vector<1x16xf32>
      tpu.vector_store %arg10[%swap3A_326, %swap3A_327], %swap3A_330 {strides = array<i32>} : memref<32x1024xf32, #tpu.memory_space<vmem>>, vector<1x16xf32>,
      %get3A_331 = arith.index_cast %scan3A_38 : i32 to index
      %get3A_332 = arith.constant 336 : index
      %get3A_333 = tpu.vector_load %arg8[%get3A_331, %get3A_332] {strides = array<i32>} : memref<32x1024xf32, #tpu.memory_space<vmem>>, vector<1x16xf32>,
      %get3A_334 = vector.shape_cast %get3A_333 : vector<1x16xf32> to vector<16xf32>
      %get3A_335 = arith.index_cast %scan3A_38 : i32 to index
      %get3A_336 = arith.constant 336 : index
      %get3A_337 = tpu.vector_load %arg9[%get3A_335, %get3A_336] {strides = array<i32>} : memref<32x1024xf32, #tpu.memory_space<vmem>>, vector<1x16xf32>,
      %get3A_338 = vector.shape_cast %get3A_337 : vector<1x16xf32> to vector<16xf32>
      %add3A_339 = arith.addf %get3A_334, %get3A_338 : vector<16xf32>
      %swap3A_340 = arith.index_cast %scan3A_38 : i32 to index
      %swap3A_341 = arith.constant 336 : index
      %swap3A_342 = tpu.vector_load %arg10[%swap3A_340, %swap3A_341] {strides = array<i32>} : memref<32x1024xf32, #tpu.memory_space<vmem>>, vector<1x16xf32>,
      %swap3A_343 = vector.shape_cast %swap3A_342 : vector<1x16xf32> to vector<16xf32>
      %swap3A_344 = vector.shape_cast %add3A_339 : vector<16xf32> to vector<1x16xf32>
      tpu.vector_store %arg10[%swap3A_340, %swap3A_341], %swap3A_344 {strides = array<i32>} : memref<32x1024xf32, #tpu.memory_space<vmem>>, vector<1x16xf32>,
      %get3A_345 = arith.index_cast %scan3A_38 : i32 to index
      %get3A_346 = arith.constant 352 : index
      %get3A_347 = tpu.vector_load %arg8[%get3A_345, %get3A_346] {strides = array<i32>} : memref<32x1024xf32, #tpu.memory_space<vmem>>, vector<1x16xf32>,
      %get3A_348 = vector.shape_cast %get3A_347 : vector<1x16xf32> to vector<16xf32>
      %get3A_349 = arith.index_cast %scan3A_38 : i32 to index
      %get3A_350 = arith.constant 352 : index
      %get3A_351 = tpu.vector_load %arg9[%get3A_349, %get3A_350] {strides = array<i32>} : memref<32x1024xf32, #tpu.memory_space<vmem>>, vector<1x16xf32>,
      %get3A_352 = vector.shape_cast %get3A_351 : vector<1x16xf32> to vector<16xf32>
      %add3A_353 = arith.addf %get3A_348, %get3A_352 : vector<16xf32>
      %swap3A_354 = arith.index_cast %scan3A_38 : i32 to index
      %swap3A_355 = arith.constant 352 : index
      %swap3A_356 = tpu.vector_load %arg10[%swap3A_354, %swap3A_355] {strides = array<i32>} : memref<32x1024xf32, #tpu.memory_space<vmem>>, vector<1x16xf32>,
      %swap3A_357 = vector.shape_cast %swap3A_356 : vector<1x16xf32> to vector<16xf32>
      %swap3A_358 = vector.shape_cast %add3A_353 : vector<16xf32> to vector<1x16xf32>
      tpu.vector_store %arg10[%swap3A_354, %swap3A_355], %swap3A_358 {strides = array<i32>} : memref<32x1024xf32, #tpu.memory_space<vmem>>, vector<1x16xf32>,
      %get3A_359 = arith.index_cast %scan3A_38 : i32 to index
      %get3A_360 = arith.constant 368 : index
      %get3A_361 = tpu.vector_load %arg8[%get3A_359, %get3A_360] {strides = array<i32>} : memref<32x1024xf32, #tpu.memory_space<vmem>>, vector<1x16xf32>,
      %get3A_362 = vector.shape_cast %get3A_361 : vector<1x16xf32> to vector<16xf32>
      %get3A_363 = arith.index_cast %scan3A_38 : i32 to index
      %get3A_364 = arith.constant 368 : index
      %get3A_365 = tpu.vector_load %arg9[%get3A_363, %get3A_364] {strides = array<i32>} : memref<32x1024xf32, #tpu.memory_space<vmem>>, vector<1x16xf32>,
      %get3A_366 = vector.shape_cast %get3A_365 : vector<1x16xf32> to vector<16xf32>
      %add3A_367 = arith.addf %get3A_362, %get3A_366 : vector<16xf32>
      %swap3A_368 = arith.index_cast %scan3A_38 : i32 to index
      %swap3A_369 = arith.constant 368 : index
      %swap3A_370 = tpu.vector_load %arg10[%swap3A_368, %swap3A_369] {strides = array<i32>} : memref<32x1024xf32, #tpu.memory_space<vmem>>, vector<1x16xf32>,
      %swap3A_371 = vector.shape_cast %swap3A_370 : vector<1x16xf32> to vector<16xf32>
      %swap3A_372 = vector.shape_cast %add3A_367 : vector<16xf32> to vector<1x16xf32>
      tpu.vector_store %arg10[%swap3A_368, %swap3A_369], %swap3A_372 {strides = array<i32>} : memref<32x1024xf32, #tpu.memory_space<vmem>>, vector<1x16xf32>,
      %get3A_373 = arith.index_cast %scan3A_38 : i32 to index
      %get3A_374 = arith.constant 384 : index
      %get3A_375 = tpu.vector_load %arg8[%get3A_373, %get3A_374] {strides = array<i32>} : memref<32x1024xf32, #tpu.memory_space<vmem>>, vector<1x16xf32>,
      %get3A_376 = vector.shape_cast %get3A_375 : vector<1x16xf32> to vector<16xf32>
      %get3A_377 = arith.index_cast %scan3A_38 : i32 to index
      %get3A_378 = arith.constant 384 : index
      %get3A_379 = tpu.vector_load %arg9[%get3A_377, %get3A_378] {strides = array<i32>} : memref<32x1024xf32, #tpu.memory_space<vmem>>, vector<1x16xf32>,
      %get3A_380 = vector.shape_cast %get3A_379 : vector<1x16xf32> to vector<16xf32>
      %add3A_381 = arith.addf %get3A_376, %get3A_380 : vector<16xf32>
      %swap3A_382 = arith.index_cast %scan3A_38 : i32 to index
      %swap3A_383 = arith.constant 384 : index
      %swap3A_384 = tpu.vector_load %arg10[%swap3A_382, %swap3A_383] {strides = array<i32>} : memref<32x1024xf32, #tpu.memory_space<vmem>>, vector<1x16xf32>,
      %swap3A_385 = vector.shape_cast %swap3A_384 : vector<1x16xf32> to vector<16xf32>
      %swap3A_386 = vector.shape_cast %add3A_381 : vector<16xf32> to vector<1x16xf32>
      tpu.vector_store %arg10[%swap3A_382, %swap3A_383], %swap3A_386 {strides = array<i32>} : memref<32x1024xf32, #tpu.memory_space<vmem>>, vector<1x16xf32>,
      %get3A_387 = arith.index_cast %scan3A_38 : i32 to index
      %get3A_388 = arith.constant 400 : index
      %get3A_389 = tpu.vector_load %arg8[%get3A_387, %get3A_388] {strides = array<i32>} : memref<32x1024xf32, #tpu.memory_space<vmem>>, vector<1x16xf32>,
      %get3A_390 = vector.shape_cast %get3A_389 : vector<1x16xf32> to vector<16xf32>
      %get3A_391 = arith.index_cast %scan3A_38 : i32 to index
      %get3A_392 = arith.constant 400 : index
      %get3A_393 = tpu.vector_load %arg9[%get3A_391, %get3A_392] {strides = array<i32>} : memref<32x1024xf32, #tpu.memory_space<vmem>>, vector<1x16xf32>,
      %get3A_394 = vector.shape_cast %get3A_393 : vector<1x16xf32> to vector<16xf32>
      %add3A_395 = arith.addf %get3A_390, %get3A_394 : vector<16xf32>
      %swap3A_396 = arith.index_cast %scan3A_38 : i32 to index
      %swap3A_397 = arith.constant 400 : index
      %swap3A_398 = tpu.vector_load %arg10[%swap3A_396, %swap3A_397] {strides = array<i32>} : memref<32x1024xf32, #tpu.memory_space<vmem>>, vector<1x16xf32>,
      %swap3A_399 = vector.shape_cast %swap3A_398 : vector<1x16xf32> to vector<16xf32>
      %swap3A_400 = vector.shape_cast %add3A_395 : vector<16xf32> to vector<1x16xf32>
      tpu.vector_store %arg10[%swap3A_396, %swap3A_397], %swap3A_400 {strides = array<i32>} : memref<32x1024xf32, #tpu.memory_space<vmem>>, vector<1x16xf32>,
      %get3A_401 = arith.index_cast %scan3A_38 : i32 to index
      %get3A_402 = arith.constant 416 : index
      %get3A_403 = tpu.vector_load %arg8[%get3A_401, %get3A_402] {strides = array<i32>} : memref<32x1024xf32, #tpu.memory_space<vmem>>, vector<1x16xf32>,
      %get3A_404 = vector.shape_cast %get3A_403 : vector<1x16xf32> to vector<16xf32>
      %get3A_405 = arith.index_cast %scan3A_38 : i32 to index
      %get3A_406 = arith.constant 416 : index
      %get3A_407 = tpu.vector_load %arg9[%get3A_405, %get3A_406] {strides = array<i32>} : memref<32x1024xf32, #tpu.memory_space<vmem>>, vector<1x16xf32>,
      %get3A_408 = vector.shape_cast %get3A_407 : vector<1x16xf32> to vector<16xf32>
      %add3A_409 = arith.addf %get3A_404, %get3A_408 : vector<16xf32>
      %swap3A_410 = arith.index_cast %scan3A_38 : i32 to index
      %swap3A_411 = arith.constant 416 : index
      %swap3A_412 = tpu.vector_load %arg10[%swap3A_410, %swap3A_411] {strides = array<i32>} : memref<32x1024xf32, #tpu.memory_space<vmem>>, vector<1x16xf32>,
      %swap3A_413 = vector.shape_cast %swap3A_412 : vector<1x16xf32> to vector<16xf32>
      %swap3A_414 = vector.shape_cast %add3A_409 : vector<16xf32> to vector<1x16xf32>
      tpu.vector_store %arg10[%swap3A_410, %swap3A_411], %swap3A_414 {strides = array<i32>} : memref<32x1024xf32, #tpu.memory_space<vmem>>, vector<1x16xf32>,
      %get3A_415 = arith.index_cast %scan3A_38 : i32 to index
      %get3A_416 = arith.constant 432 : index
      %get3A_417 = tpu.vector_load %arg8[%get3A_415, %get3A_416] {strides = array<i32>} : memref<32x1024xf32, #tpu.memory_space<vmem>>, vector<1x16xf32>,
      %get3A_418 = vector.shape_cast %get3A_417 : vector<1x16xf32> to vector<16xf32>
      %get3A_419 = arith.index_cast %scan3A_38 : i32 to index
      %get3A_420 = arith.constant 432 : index
      %get3A_421 = tpu.vector_load %arg9[%get3A_419, %get3A_420] {strides = array<i32>} : memref<32x1024xf32, #tpu.memory_space<vmem>>, vector<1x16xf32>,
      %get3A_422 = vector.shape_cast %get3A_421 : vector<1x16xf32> to vector<16xf32>
      %add3A_423 = arith.addf %get3A_418, %get3A_422 : vector<16xf32>
      %swap3A_424 = arith.index_cast %scan3A_38 : i32 to index
      %swap3A_425 = arith.constant 432 : index
      %swap3A_426 = tpu.vector_load %arg10[%swap3A_424, %swap3A_425] {strides = array<i32>} : memref<32x1024xf32, #tpu.memory_space<vmem>>, vector<1x16xf32>,
      %swap3A_427 = vector.shape_cast %swap3A_426 : vector<1x16xf32> to vector<16xf32>
      %swap3A_428 = vector.shape_cast %add3A_423 : vector<16xf32> to vector<1x16xf32>
      tpu.vector_store %arg10[%swap3A_424, %swap3A_425], %swap3A_428 {strides = array<i32>} : memref<32x1024xf32, #tpu.memory_space<vmem>>, vector<1x16xf32>,
      %get3A_429 = arith.index_cast %scan3A_38 : i32 to index
      %get3A_430 = arith.constant 448 : index
      %get3A_431 = tpu.vector_load %arg8[%get3A_429, %get3A_430] {strides = array<i32>} : memref<32x1024xf32, #tpu.memory_space<vmem>>, vector<1x16xf32>,
      %get3A_432 = vector.shape_cast %get3A_431 : vector<1x16xf32> to vector<16xf32>
      %get3A_433 = arith.index_cast %scan3A_38 : i32 to index
      %get3A_434 = arith.constant 448 : index
      %get3A_435 = tpu.vector_load %arg9[%get3A_433, %get3A_434] {strides = array<i32>} : memref<32x1024xf32, #tpu.memory_space<vmem>>, vector<1x16xf32>,
      %get3A_436 = vector.shape_cast %get3A_435 : vector<1x16xf32> to vector<16xf32>
      %add3A_437 = arith.addf %get3A_432, %get3A_436 : vector<16xf32>
      %swap3A_438 = arith.index_cast %scan3A_38 : i32 to index
      %swap3A_439 = arith.constant 448 : index
      %swap3A_440 = tpu.vector_load %arg10[%swap3A_438, %swap3A_439] {strides = array<i32>} : memref<32x1024xf32, #tpu.memory_space<vmem>>, vector<1x16xf32>,
      %swap3A_441 = vector.shape_cast %swap3A_440 : vector<1x16xf32> to vector<16xf32>
      %swap3A_442 = vector.shape_cast %add3A_437 : vector<16xf32> to vector<1x16xf32>
      tpu.vector_store %arg10[%swap3A_438, %swap3A_439], %swap3A_442 {strides = array<i32>} : memref<32x1024xf32, #tpu.memory_space<vmem>>, vector<1x16xf32>,
      %get3A_443 = arith.index_cast %scan3A_38 : i32 to index
      %get3A_444 = arith.constant 464 : index
      %get3A_445 = tpu.vector_load %arg8[%get3A_443, %get3A_444] {strides = array<i32>} : memref<32x1024xf32, #tpu.memory_space<vmem>>, vector<1x16xf32>,
      %get3A_446 = vector.shape_cast %get3A_445 : vector<1x16xf32> to vector<16xf32>
      %get3A_447 = arith.index_cast %scan3A_38 : i32 to index
      %get3A_448 = arith.constant 464 : index
      %get3A_449 = tpu.vector_load %arg9[%get3A_447, %get3A_448] {strides = array<i32>} : memref<32x1024xf32, #tpu.memory_space<vmem>>, vector<1x16xf32>,
      %get3A_450 = vector.shape_cast %get3A_449 : vector<1x16xf32> to vector<16xf32>
      %add3A_451 = arith.addf %get3A_446, %get3A_450 : vector<16xf32>
      %swap3A_452 = arith.index_cast %scan3A_38 : i32 to index
      %swap3A_453 = arith.constant 464 : index
      %swap3A_454 = tpu.vector_load %arg10[%swap3A_452, %swap3A_453] {strides = array<i32>} : memref<32x1024xf32, #tpu.memory_space<vmem>>, vector<1x16xf32>,
      %swap3A_455 = vector.shape_cast %swap3A_454 : vector<1x16xf32> to vector<16xf32>
      %swap3A_456 = vector.shape_cast %add3A_451 : vector<16xf32> to vector<1x16xf32>
      tpu.vector_store %arg10[%swap3A_452, %swap3A_453], %swap3A_456 {strides = array<i32>} : memref<32x1024xf32, #tpu.memory_space<vmem>>, vector<1x16xf32>,
      %get3A_457 = arith.index_cast %scan3A_38 : i32 to index
      %get3A_458 = arith.constant 480 : index
      %get3A_459 = tpu.vector_load %arg8[%get3A_457, %get3A_458] {strides = array<i32>} : memref<32x1024xf32, #tpu.memory_space<vmem>>, vector<1x16xf32>,
      %get3A_460 = vector.shape_cast %get3A_459 : vector<1x16xf32> to vector<16xf32>
      %get3A_461 = arith.index_cast %scan3A_38 : i32 to index
      %get3A_462 = arith.constant 480 : index
      %get3A_463 = tpu.vector_load %arg9[%get3A_461, %get3A_462] {strides = array<i32>} : memref<32x1024xf32, #tpu.memory_space<vmem>>, vector<1x16xf32>,
      %get3A_464 = vector.shape_cast %get3A_463 : vector<1x16xf32> to vector<16xf32>
      %add3A_465 = arith.addf %get3A_460, %get3A_464 : vector<16xf32>
      %swap3A_466 = arith.index_cast %scan3A_38 : i32 to index
      %swap3A_467 = arith.constant 480 : index
      %swap3A_468 = tpu.vector_load %arg10[%swap3A_466, %swap3A_467] {strides = array<i32>} : memref<32x1024xf32, #tpu.memory_space<vmem>>, vector<1x16xf32>,
      %swap3A_469 = vector.shape_cast %swap3A_468 : vector<1x16xf32> to vector<16xf32>
      %swap3A_470 = vector.shape_cast %add3A_465 : vector<16xf32> to vector<1x16xf32>
      tpu.vector_store %arg10[%swap3A_466, %swap3A_467], %swap3A_470 {strides = array<i32>} : memref<32x1024xf32, #tpu.memory_space<vmem>>, vector<1x16xf32>,
      %get3A_471 = arith.index_cast %scan3A_38 : i32 to index
      %get3A_472 = arith.constant 496 : index
      %get3A_473 = tpu.vector_load %arg8[%get3A_471, %get3A_472] {strides = array<i32>} : memref<32x1024xf32, #tpu.memory_space<vmem>>, vector<1x16xf32>,
      %get3A_474 = vector.shape_cast %get3A_473 : vector<1x16xf32> to vector<16xf32>
      %get3A_475 = arith.index_cast %scan3A_38 : i32 to index
      %get3A_476 = arith.constant 496 : index
      %get3A_477 = tpu.vector_load %arg9[%get3A_475, %get3A_476] {strides = array<i32>} : memref<32x1024xf32, #tpu.memory_space<vmem>>, vector<1x16xf32>,
      %get3A_478 = vector.shape_cast %get3A_477 : vector<1x16xf32> to vector<16xf32>
      %add3A_479 = arith.addf %get3A_474, %get3A_478 : vector<16xf32>
      %swap3A_480 = arith.index_cast %scan3A_38 : i32 to index
      %swap3A_481 = arith.constant 496 : index
      %swap3A_482 = tpu.vector_load %arg10[%swap3A_480, %swap3A_481] {strides = array<i32>} : memref<32x1024xf32, #tpu.memory_space<vmem>>, vector<1x16xf32>,
      %swap3A_483 = vector.shape_cast %swap3A_482 : vector<1x16xf32> to vector<16xf32>
      %swap3A_484 = vector.shape_cast %add3A_479 : vector<16xf32> to vector<1x16xf32>
      tpu.vector_store %arg10[%swap3A_480, %swap3A_481], %swap3A_484 {strides = array<i32>} : memref<32x1024xf32, #tpu.memory_space<vmem>>, vector<1x16xf32>,
      %get3A_485 = arith.index_cast %scan3A_38 : i32 to index
      %get3A_486 = arith.constant 512 : index
      %get3A_487 = tpu.vector_load %arg8[%get3A_485, %get3A_486] {strides = array<i32>} : memref<32x1024xf32, #tpu.memory_space<vmem>>, vector<1x16xf32>,
      %get3A_488 = vector.shape_cast %get3A_487 : vector<1x16xf32> to vector<16xf32>
      %get3A_489 = arith.index_cast %scan3A_38 : i32 to index
      %get3A_490 = arith.constant 512 : index
      %get3A_491 = tpu.vector_load %arg9[%get3A_489, %get3A_490] {strides = array<i32>} : memref<32x1024xf32, #tpu.memory_space<vmem>>, vector<1x16xf32>,
      %get3A_492 = vector.shape_cast %get3A_491 : vector<1x16xf32> to vector<16xf32>
      %add3A_493 = arith.addf %get3A_488, %get3A_492 : vector<16xf32>
      %swap3A_494 = arith.index_cast %scan3A_38 : i32 to index
      %swap3A_495 = arith.constant 512 : index
      %swap3A_496 = tpu.vector_load %arg10[%swap3A_494, %swap3A_495] {strides = array<i32>} : memref<32x1024xf32, #tpu.memory_space<vmem>>, vector<1x16xf32>,
      %swap3A_497 = vector.shape_cast %swap3A_496 : vector<1x16xf32> to vector<16xf32>
      %swap3A_498 = vector.shape_cast %add3A_493 : vector<16xf32> to vector<1x16xf32>
      tpu.vector_store %arg10[%swap3A_494, %swap3A_495], %swap3A_498 {strides = array<i32>} : memref<32x1024xf32, #tpu.memory_space<vmem>>, vector<1x16xf32>,
      %get3A_499 = arith.index_cast %scan3A_38 : i32 to index
      %get3A_500 = arith.constant 528 : index
      %get3A_501 = tpu.vector_load %arg8[%get3A_499, %get3A_500] {strides = array<i32>} : memref<32x1024xf32, #tpu.memory_space<vmem>>, vector<1x16xf32>,
      %get3A_502 = vector.shape_cast %get3A_501 : vector<1x16xf32> to vector<16xf32>
      %get3A_503 = arith.index_cast %scan3A_38 : i32 to index
      %get3A_504 = arith.constant 528 : index
      %get3A_505 = tpu.vector_load %arg9[%get3A_503, %get3A_504] {strides = array<i32>} : memref<32x1024xf32, #tpu.memory_space<vmem>>, vector<1x16xf32>,
      %get3A_506 = vector.shape_cast %get3A_505 : vector<1x16xf32> to vector<16xf32>
      %add3A_507 = arith.addf %get3A_502, %get3A_506 : vector<16xf32>
      %swap3A_508 = arith.index_cast %scan3A_38 : i32 to index
      %swap3A_509 = arith.constant 528 : index
      %swap3A_510 = tpu.vector_load %arg10[%swap3A_508, %swap3A_509] {strides = array<i32>} : memref<32x1024xf32, #tpu.memory_space<vmem>>, vector<1x16xf32>,
      %swap3A_511 = vector.shape_cast %swap3A_510 : vector<1x16xf32> to vector<16xf32>
      %swap3A_512 = vector.shape_cast %add3A_507 : vector<16xf32> to vector<1x16xf32>
      tpu.vector_store %arg10[%swap3A_508, %swap3A_509], %swap3A_512 {strides = array<i32>} : memref<32x1024xf32, #tpu.memory_space<vmem>>, vector<1x16xf32>,
      %get3A_513 = arith.index_cast %scan3A_38 : i32 to index
      %get3A_514 = arith.constant 544 : index
      %get3A_515 = tpu.vector_load %arg8[%get3A_513, %get3A_514] {strides = array<i32>} : memref<32x1024xf32, #tpu.memory_space<vmem>>, vector<1x16xf32>,
      %get3A_516 = vector.shape_cast %get3A_515 : vector<1x16xf32> to vector<16xf32>
      %get3A_517 = arith.index_cast %scan3A_38 : i32 to index
      %get3A_518 = arith.constant 544 : index
      %get3A_519 = tpu.vector_load %arg9[%get3A_517, %get3A_518] {strides = array<i32>} : memref<32x1024xf32, #tpu.memory_space<vmem>>, vector<1x16xf32>,
      %get3A_520 = vector.shape_cast %get3A_519 : vector<1x16xf32> to vector<16xf32>
      %add3A_521 = arith.addf %get3A_516, %get3A_520 : vector<16xf32>
      %swap3A_522 = arith.index_cast %scan3A_38 : i32 to index
      %swap3A_523 = arith.constant 544 : index
      %swap3A_524 = tpu.vector_load %arg10[%swap3A_522, %swap3A_523] {strides = array<i32>} : memref<32x1024xf32, #tpu.memory_space<vmem>>, vector<1x16xf32>,
      %swap3A_525 = vector.shape_cast %swap3A_524 : vector<1x16xf32> to vector<16xf32>
      %swap3A_526 = vector.shape_cast %add3A_521 : vector<16xf32> to vector<1x16xf32>
      tpu.vector_store %arg10[%swap3A_522, %swap3A_523], %swap3A_526 {strides = array<i32>} : memref<32x1024xf32, #tpu.memory_space<vmem>>, vector<1x16xf32>,
      %get3A_527 = arith.index_cast %scan3A_38 : i32 to index
      %get3A_528 = arith.constant 560 : index
      %get3A_529 = tpu.vector_load %arg8[%get3A_527, %get3A_528] {strides = array<i32>} : memref<32x1024xf32, #tpu.memory_space<vmem>>, vector<1x16xf32>,
      %get3A_530 = vector.shape_cast %get3A_529 : vector<1x16xf32> to vector<16xf32>
      %get3A_531 = arith.index_cast %scan3A_38 : i32 to index
      %get3A_532 = arith.constant 560 : index
      %get3A_533 = tpu.vector_load %arg9[%get3A_531, %get3A_532] {strides = array<i32>} : memref<32x1024xf32, #tpu.memory_space<vmem>>, vector<1x16xf32>,
      %get3A_534 = vector.shape_cast %get3A_533 : vector<1x16xf32> to vector<16xf32>
      %add3A_535 = arith.addf %get3A_530, %get3A_534 : vector<16xf32>
      %swap3A_536 = arith.index_cast %scan3A_38 : i32 to index
      %swap3A_537 = arith.constant 560 : index
      %swap3A_538 = tpu.vector_load %arg10[%swap3A_536, %swap3A_537] {strides = array<i32>} : memref<32x1024xf32, #tpu.memory_space<vmem>>, vector<1x16xf32>,
      %swap3A_539 = vector.shape_cast %swap3A_538 : vector<1x16xf32> to vector<16xf32>
      %swap3A_540 = vector.shape_cast %add3A_535 : vector<16xf32> to vector<1x16xf32>
      tpu.vector_store %arg10[%swap3A_536, %swap3A_537], %swap3A_540 {strides = array<i32>} : memref<32x1024xf32, #tpu.memory_space<vmem>>, vector<1x16xf32>,
      %get3A_541 = arith.index_cast %scan3A_38 : i32 to index
      %get3A_542 = arith.constant 576 : index
      %get3A_543 = tpu.vector_load %arg8[%get3A_541, %get3A_542] {strides = array<i32>} : memref<32x1024xf32, #tpu.memory_space<vmem>>, vector<1x16xf32>,
      %get3A_544 = vector.shape_cast %get3A_543 : vector<1x16xf32> to vector<16xf32>
      %get3A_545 = arith.index_cast %scan3A_38 : i32 to index
      %get3A_546 = arith.constant 576 : index
      %get3A_547 = tpu.vector_load %arg9[%get3A_545, %get3A_546] {strides = array<i32>} : memref<32x1024xf32, #tpu.memory_space<vmem>>, vector<1x16xf32>,
      %get3A_548 = vector.shape_cast %get3A_547 : vector<1x16xf32> to vector<16xf32>
      %add3A_549 = arith.addf %get3A_544, %get3A_548 : vector<16xf32>
      %swap3A_550 = arith.index_cast %scan3A_38 : i32 to index
      %swap3A_551 = arith.constant 576 : index
      %swap3A_552 = tpu.vector_load %arg10[%swap3A_550, %swap3A_551] {strides = array<i32>} : memref<32x1024xf32, #tpu.memory_space<vmem>>, vector<1x16xf32>,
      %swap3A_553 = vector.shape_cast %swap3A_552 : vector<1x16xf32> to vector<16xf32>
      %swap3A_554 = vector.shape_cast %add3A_549 : vector<16xf32> to vector<1x16xf32>
      tpu.vector_store %arg10[%swap3A_550, %swap3A_551], %swap3A_554 {strides = array<i32>} : memref<32x1024xf32, #tpu.memory_space<vmem>>, vector<1x16xf32>,
      %get3A_555 = arith.index_cast %scan3A_38 : i32 to index
      %get3A_556 = arith.constant 592 : index
      %get3A_557 = tpu.vector_load %arg8[%get3A_555, %get3A_556] {strides = array<i32>} : memref<32x1024xf32, #tpu.memory_space<vmem>>, vector<1x16xf32>,
      %get3A_558 = vector.shape_cast %get3A_557 : vector<1x16xf32> to vector<16xf32>
      %get3A_559 = arith.index_cast %scan3A_38 : i32 to index
      %get3A_560 = arith.constant 592 : index
      %get3A_561 = tpu.vector_load %arg9[%get3A_559, %get3A_560] {strides = array<i32>} : memref<32x1024xf32, #tpu.memory_space<vmem>>, vector<1x16xf32>,
      %get3A_562 = vector.shape_cast %get3A_561 : vector<1x16xf32> to vector<16xf32>
      %add3A_563 = arith.addf %get3A_558, %get3A_562 : vector<16xf32>
      %swap3A_564 = arith.index_cast %scan3A_38 : i32 to index
      %swap3A_565 = arith.constant 592 : index
      %swap3A_566 = tpu.vector_load %arg10[%swap3A_564, %swap3A_565] {strides = array<i32>} : memref<32x1024xf32, #tpu.memory_space<vmem>>, vector<1x16xf32>,
      %swap3A_567 = vector.shape_cast %swap3A_566 : vector<1x16xf32> to vector<16xf32>
      %swap3A_568 = vector.shape_cast %add3A_563 : vector<16xf32> to vector<1x16xf32>
      tpu.vector_store %arg10[%swap3A_564, %swap3A_565], %swap3A_568 {strides = array<i32>} : memref<32x1024xf32, #tpu.memory_space<vmem>>, vector<1x16xf32>,
      %get3A_569 = arith.index_cast %scan3A_38 : i32 to index
      %get3A_570 = arith.constant 608 : index
      %get3A_571 = tpu.vector_load %arg8[%get3A_569, %get3A_570] {strides = array<i32>} : memref<32x1024xf32, #tpu.memory_space<vmem>>, vector<1x16xf32>,
      %get3A_572 = vector.shape_cast %get3A_571 : vector<1x16xf32> to vector<16xf32>
      %get3A_573 = arith.index_cast %scan3A_38 : i32 to index
      %get3A_574 = arith.constant 608 : index
      %get3A_575 = tpu.vector_load %arg9[%get3A_573, %get3A_574] {strides = array<i32>} : memref<32x1024xf32, #tpu.memory_space<vmem>>, vector<1x16xf32>,
      %get3A_576 = vector.shape_cast %get3A_575 : vector<1x16xf32> to vector<16xf32>
      %add3A_577 = arith.addf %get3A_572, %get3A_576 : vector<16xf32>
      %swap3A_578 = arith.index_cast %scan3A_38 : i32 to index
      %swap3A_579 = arith.constant 608 : index
      %swap3A_580 = tpu.vector_load %arg10[%swap3A_578, %swap3A_579] {strides = array<i32>} : memref<32x1024xf32, #tpu.memory_space<vmem>>, vector<1x16xf32>,
      %swap3A_581 = vector.shape_cast %swap3A_580 : vector<1x16xf32> to vector<16xf32>
      %swap3A_582 = vector.shape_cast %add3A_577 : vector<16xf32> to vector<1x16xf32>
      tpu.vector_store %arg10[%swap3A_578, %swap3A_579], %swap3A_582 {strides = array<i32>} : memref<32x1024xf32, #tpu.memory_space<vmem>>, vector<1x16xf32>,
      %get3A_583 = arith.index_cast %scan3A_38 : i32 to index
      %get3A_584 = arith.constant 624 : index
      %get3A_585 = tpu.vector_load %arg8[%get3A_583, %get3A_584] {strides = array<i32>} : memref<32x1024xf32, #tpu.memory_space<vmem>>, vector<1x16xf32>,
      %get3A_586 = vector.shape_cast %get3A_585 : vector<1x16xf32> to vector<16xf32>
      %get3A_587 = arith.index_cast %scan3A_38 : i32 to index
      %get3A_588 = arith.constant 624 : index
      %get3A_589 = tpu.vector_load %arg9[%get3A_587, %get3A_588] {strides = array<i32>} : memref<32x1024xf32, #tpu.memory_space<vmem>>, vector<1x16xf32>,
      %get3A_590 = vector.shape_cast %get3A_589 : vector<1x16xf32> to vector<16xf32>
      %add3A_591 = arith.addf %get3A_586, %get3A_590 : vector<16xf32>
      %swap3A_592 = arith.index_cast %scan3A_38 : i32 to index
      %swap3A_593 = arith.constant 624 : index
      %swap3A_594 = tpu.vector_load %arg10[%swap3A_592, %swap3A_593] {strides = array<i32>} : memref<32x1024xf32, #tpu.memory_space<vmem>>, vector<1x16xf32>,
      %swap3A_595 = vector.shape_cast %swap3A_594 : vector<1x16xf32> to vector<16xf32>
      %swap3A_596 = vector.shape_cast %add3A_591 : vector<16xf32> to vector<1x16xf32>
      tpu.vector_store %arg10[%swap3A_592, %swap3A_593], %swap3A_596 {strides = array<i32>} : memref<32x1024xf32, #tpu.memory_space<vmem>>, vector<1x16xf32>,
      %get3A_597 = arith.index_cast %scan3A_38 : i32 to index
      %get3A_598 = arith.constant 640 : index
      %get3A_599 = tpu.vector_load %arg8[%get3A_597, %get3A_598] {strides = array<i32>} : memref<32x1024xf32, #tpu.memory_space<vmem>>, vector<1x16xf32>,
      %get3A_600 = vector.shape_cast %get3A_599 : vector<1x16xf32> to vector<16xf32>
      %get3A_601 = arith.index_cast %scan3A_38 : i32 to index
      %get3A_602 = arith.constant 640 : index
      %get3A_603 = tpu.vector_load %arg9[%get3A_601, %get3A_602] {strides = array<i32>} : memref<32x1024xf32, #tpu.memory_space<vmem>>, vector<1x16xf32>,
      %get3A_604 = vector.shape_cast %get3A_603 : vector<1x16xf32> to vector<16xf32>
      %add3A_605 = arith.addf %get3A_600, %get3A_604 : vector<16xf32>
      %swap3A_606 = arith.index_cast %scan3A_38 : i32 to index
      %swap3A_607 = arith.constant 640 : index
      %swap3A_608 = tpu.vector_load %arg10[%swap3A_606, %swap3A_607] {strides = array<i32>} : memref<32x1024xf32, #tpu.memory_space<vmem>>, vector<1x16xf32>,
      %swap3A_609 = vector.shape_cast %swap3A_608 : vector<1x16xf32> to vector<16xf32>
      %swap3A_610 = vector.shape_cast %add3A_605 : vector<16xf32> to vector<1x16xf32>
      tpu.vector_store %arg10[%swap3A_606, %swap3A_607], %swap3A_610 {strides = array<i32>} : memref<32x1024xf32, #tpu.memory_space<vmem>>, vector<1x16xf32>,
      %get3A_611 = arith.index_cast %scan3A_38 : i32 to index
      %get3A_612 = arith.constant 656 : index
      %get3A_613 = tpu.vector_load %arg8[%get3A_611, %get3A_612] {strides = array<i32>} : memref<32x1024xf32, #tpu.memory_space<vmem>>, vector<1x16xf32>,
      %get3A_614 = vector.shape_cast %get3A_613 : vector<1x16xf32> to vector<16xf32>
      %get3A_615 = arith.index_cast %scan3A_38 : i32 to index
      %get3A_616 = arith.constant 656 : index
      %get3A_617 = tpu.vector_load %arg9[%get3A_615, %get3A_616] {strides = array<i32>} : memref<32x1024xf32, #tpu.memory_space<vmem>>, vector<1x16xf32>,
      %get3A_618 = vector.shape_cast %get3A_617 : vector<1x16xf32> to vector<16xf32>
      %add3A_619 = arith.addf %get3A_614, %get3A_618 : vector<16xf32>
      %swap3A_620 = arith.index_cast %scan3A_38 : i32 to index
      %swap3A_621 = arith.constant 656 : index
      %swap3A_622 = tpu.vector_load %arg10[%swap3A_620, %swap3A_621] {strides = array<i32>} : memref<32x1024xf32, #tpu.memory_space<vmem>>, vector<1x16xf32>,
      %swap3A_623 = vector.shape_cast %swap3A_622 : vector<1x16xf32> to vector<16xf32>
      %swap3A_624 = vector.shape_cast %add3A_619 : vector<16xf32> to vector<1x16xf32>
      tpu.vector_store %arg10[%swap3A_620, %swap3A_621], %swap3A_624 {strides = array<i32>} : memref<32x1024xf32, #tpu.memory_space<vmem>>, vector<1x16xf32>,
      %get3A_625 = arith.index_cast %scan3A_38 : i32 to index
      %get3A_626 = arith.constant 672 : index
      %get3A_627 = tpu.vector_load %arg8[%get3A_625, %get3A_626] {strides = array<i32>} : memref<32x1024xf32, #tpu.memory_space<vmem>>, vector<1x16xf32>,
      %get3A_628 = vector.shape_cast %get3A_627 : vector<1x16xf32> to vector<16xf32>
      %get3A_629 = arith.index_cast %scan3A_38 : i32 to index
      %get3A_630 = arith.constant 672 : index
      %get3A_631 = tpu.vector_load %arg9[%get3A_629, %get3A_630] {strides = array<i32>} : memref<32x1024xf32, #tpu.memory_space<vmem>>, vector<1x16xf32>,
      %get3A_632 = vector.shape_cast %get3A_631 : vector<1x16xf32> to vector<16xf32>
      %add3A_633 = arith.addf %get3A_628, %get3A_632 : vector<16xf32>
      %swap3A_634 = arith.index_cast %scan3A_38 : i32 to index
      %swap3A_635 = arith.constant 672 : index
      %swap3A_636 = tpu.vector_load %arg10[%swap3A_634, %swap3A_635] {strides = array<i32>} : memref<32x1024xf32, #tpu.memory_space<vmem>>, vector<1x16xf32>,
      %swap3A_637 = vector.shape_cast %swap3A_636 : vector<1x16xf32> to vector<16xf32>
      %swap3A_638 = vector.shape_cast %add3A_633 : vector<16xf32> to vector<1x16xf32>
      tpu.vector_store %arg10[%swap3A_634, %swap3A_635], %swap3A_638 {strides = array<i32>} : memref<32x1024xf32, #tpu.memory_space<vmem>>, vector<1x16xf32>,
      %get3A_639 = arith.index_cast %scan3A_38 : i32 to index
      %get3A_640 = arith.constant 688 : index
      %get3A_641 = tpu.vector_load %arg8[%get3A_639, %get3A_640] {strides = array<i32>} : memref<32x1024xf32, #tpu.memory_space<vmem>>, vector<1x16xf32>,
      %get3A_642 = vector.shape_cast %get3A_641 : vector<1x16xf32> to vector<16xf32>
      %get3A_643 = arith.index_cast %scan3A_38 : i32 to index
      %get3A_644 = arith.constant 688 : index
      %get3A_645 = tpu.vector_load %arg9[%get3A_643, %get3A_644] {strides = array<i32>} : memref<32x1024xf32, #tpu.memory_space<vmem>>, vector<1x16xf32>,
      %get3A_646 = vector.shape_cast %get3A_645 : vector<1x16xf32> to vector<16xf32>
      %add3A_647 = arith.addf %get3A_642, %get3A_646 : vector<16xf32>
      %swap3A_648 = arith.index_cast %scan3A_38 : i32 to index
      %swap3A_649 = arith.constant 688 : index
      %swap3A_650 = tpu.vector_load %arg10[%swap3A_648, %swap3A_649] {strides = array<i32>} : memref<32x1024xf32, #tpu.memory_space<vmem>>, vector<1x16xf32>,
      %swap3A_651 = vector.shape_cast %swap3A_650 : vector<1x16xf32> to vector<16xf32>
      %swap3A_652 = vector.shape_cast %add3A_647 : vector<16xf32> to vector<1x16xf32>
      tpu.vector_store %arg10[%swap3A_648, %swap3A_649], %swap3A_652 {strides = array<i32>} : memref<32x1024xf32, #tpu.memory_space<vmem>>, vector<1x16xf32>,
      %get3A_653 = arith.index_cast %scan3A_38 : i32 to index
      %get3A_654 = arith.constant 704 : index
      %get3A_655 = tpu.vector_load %arg8[%get3A_653, %get3A_654] {strides = array<i32>} : memref<32x1024xf32, #tpu.memory_space<vmem>>, vector<1x16xf32>,
      %get3A_656 = vector.shape_cast %get3A_655 : vector<1x16xf32> to vector<16xf32>
      %get3A_657 = arith.index_cast %scan3A_38 : i32 to index
      %get3A_658 = arith.constant 704 : index
      %get3A_659 = tpu.vector_load %arg9[%get3A_657, %get3A_658] {strides = array<i32>} : memref<32x1024xf32, #tpu.memory_space<vmem>>, vector<1x16xf32>,
      %get3A_660 = vector.shape_cast %get3A_659 : vector<1x16xf32> to vector<16xf32>
      %add3A_661 = arith.addf %get3A_656, %get3A_660 : vector<16xf32>
      %swap3A_662 = arith.index_cast %scan3A_38 : i32 to index
      %swap3A_663 = arith.constant 704 : index
      %swap3A_664 = tpu.vector_load %arg10[%swap3A_662, %swap3A_663] {strides = array<i32>} : memref<32x1024xf32, #tpu.memory_space<vmem>>, vector<1x16xf32>,
      %swap3A_665 = vector.shape_cast %swap3A_664 : vector<1x16xf32> to vector<16xf32>
      %swap3A_666 = vector.shape_cast %add3A_661 : vector<16xf32> to vector<1x16xf32>
      tpu.vector_store %arg10[%swap3A_662, %swap3A_663], %swap3A_666 {strides = array<i32>} : memref<32x1024xf32, #tpu.memory_space<vmem>>, vector<1x16xf32>,
      %get3A_667 = arith.index_cast %scan3A_38 : i32 to index
      %get3A_668 = arith.constant 720 : index
      %get3A_669 = tpu.vector_load %arg8[%get3A_667, %get3A_668] {strides = array<i32>} : memref<32x1024xf32, #tpu.memory_space<vmem>>, vector<1x16xf32>,
      %get3A_670 = vector.shape_cast %get3A_669 : vector<1x16xf32> to vector<16xf32>
      %get3A_671 = arith.index_cast %scan3A_38 : i32 to index
      %get3A_672 = arith.constant 720 : index
      %get3A_673 = tpu.vector_load %arg9[%get3A_671, %get3A_672] {strides = array<i32>} : memref<32x1024xf32, #tpu.memory_space<vmem>>, vector<1x16xf32>,
      %get3A_674 = vector.shape_cast %get3A_673 : vector<1x16xf32> to vector<16xf32>
      %add3A_675 = arith.addf %get3A_670, %get3A_674 : vector<16xf32>
      %swap3A_676 = arith.index_cast %scan3A_38 : i32 to index
      %swap3A_677 = arith.constant 720 : index
      %swap3A_678 = tpu.vector_load %arg10[%swap3A_676, %swap3A_677] {strides = array<i32>} : memref<32x1024xf32, #tpu.memory_space<vmem>>, vector<1x16xf32>,
      %swap3A_679 = vector.shape_cast %swap3A_678 : vector<1x16xf32> to vector<16xf32>
      %swap3A_680 = vector.shape_cast %add3A_675 : vector<16xf32> to vector<1x16xf32>
      tpu.vector_store %arg10[%swap3A_676, %swap3A_677], %swap3A_680 {strides = array<i32>} : memref<32x1024xf32, #tpu.memory_space<vmem>>, vector<1x16xf32>,
      %get3A_681 = arith.index_cast %scan3A_38 : i32 to index
      %get3A_682 = arith.constant 736 : index
      %get3A_683 = tpu.vector_load %arg8[%get3A_681, %get3A_682] {strides = array<i32>} : memref<32x1024xf32, #tpu.memory_space<vmem>>, vector<1x16xf32>,
      %get3A_684 = vector.shape_cast %get3A_683 : vector<1x16xf32> to vector<16xf32>
      %get3A_685 = arith.index_cast %scan3A_38 : i32 to index
      %get3A_686 = arith.constant 736 : index
      %get3A_687 = tpu.vector_load %arg9[%get3A_685, %get3A_686] {strides = array<i32>} : memref<32x1024xf32, #tpu.memory_space<vmem>>, vector<1x16xf32>,
      %get3A_688 = vector.shape_cast %get3A_687 : vector<1x16xf32> to vector<16xf32>
      %add3A_689 = arith.addf %get3A_684, %get3A_688 : vector<16xf32>
      %swap3A_690 = arith.index_cast %scan3A_38 : i32 to index
      %swap3A_691 = arith.constant 736 : index
      %swap3A_692 = tpu.vector_load %arg10[%swap3A_690, %swap3A_691] {strides = array<i32>} : memref<32x1024xf32, #tpu.memory_space<vmem>>, vector<1x16xf32>,
      %swap3A_693 = vector.shape_cast %swap3A_692 : vector<1x16xf32> to vector<16xf32>
      %swap3A_694 = vector.shape_cast %add3A_689 : vector<16xf32> to vector<1x16xf32>
      tpu.vector_store %arg10[%swap3A_690, %swap3A_691], %swap3A_694 {strides = array<i32>} : memref<32x1024xf32, #tpu.memory_space<vmem>>, vector<1x16xf32>,
      %get3A_695 = arith.index_cast %scan3A_38 : i32 to index
      %get3A_696 = arith.constant 752 : index
      %get3A_697 = tpu.vector_load %arg8[%get3A_695, %get3A_696] {strides = array<i32>} : memref<32x1024xf32, #tpu.memory_space<vmem>>, vector<1x16xf32>,
      %get3A_698 = vector.shape_cast %get3A_697 : vector<1x16xf32> to vector<16xf32>
      %get3A_699 = arith.index_cast %scan3A_38 : i32 to index
      %get3A_700 = arith.constant 752 : index
      %get3A_701 = tpu.vector_load %arg9[%get3A_699, %get3A_700] {strides = array<i32>} : memref<32x1024xf32, #tpu.memory_space<vmem>>, vector<1x16xf32>,
      %get3A_702 = vector.shape_cast %get3A_701 : vector<1x16xf32> to vector<16xf32>
      %add3A_703 = arith.addf %get3A_698, %get3A_702 : vector<16xf32>
      %swap3A_704 = arith.index_cast %scan3A_38 : i32 to index
      %swap3A_705 = arith.constant 752 : index
      %swap3A_706 = tpu.vector_load %arg10[%swap3A_704, %swap3A_705] {strides = array<i32>} : memref<32x1024xf32, #tpu.memory_space<vmem>>, vector<1x16xf32>,
      %swap3A_707 = vector.shape_cast %swap3A_706 : vector<1x16xf32> to vector<16xf32>
      %swap3A_708 = vector.shape_cast %add3A_703 : vector<16xf32> to vector<1x16xf32>
      tpu.vector_store %arg10[%swap3A_704, %swap3A_705], %swap3A_708 {strides = array<i32>} : memref<32x1024xf32, #tpu.memory_space<vmem>>, vector<1x16xf32>,
      %get3A_709 = arith.index_cast %scan3A_38 : i32 to index
      %get3A_710 = arith.constant 768 : index
      %get3A_711 = tpu.vector_load %arg8[%get3A_709, %get3A_710] {strides = array<i32>} : memref<32x1024xf32, #tpu.memory_space<vmem>>, vector<1x16xf32>,
      %get3A_712 = vector.shape_cast %get3A_711 : vector<1x16xf32> to vector<16xf32>
      %get3A_713 = arith.index_cast %scan3A_38 : i32 to index
      %get3A_714 = arith.constant 768 : index
      %get3A_715 = tpu.vector_load %arg9[%get3A_713, %get3A_714] {strides = array<i32>} : memref<32x1024xf32, #tpu.memory_space<vmem>>, vector<1x16xf32>,
      %get3A_716 = vector.shape_cast %get3A_715 : vector<1x16xf32> to vector<16xf32>
      %add3A_717 = arith.addf %get3A_712, %get3A_716 : vector<16xf32>
      %swap3A_718 = arith.index_cast %scan3A_38 : i32 to index
      %swap3A_719 = arith.constant 768 : index
      %swap3A_720 = tpu.vector_load %arg10[%swap3A_718, %swap3A_719] {strides = array<i32>} : memref<32x1024xf32, #tpu.memory_space<vmem>>, vector<1x16xf32>,
      %swap3A_721 = vector.shape_cast %swap3A_720 : vector<1x16xf32> to vector<16xf32>
      %swap3A_722 = vector.shape_cast %add3A_717 : vector<16xf32> to vector<1x16xf32>
      tpu.vector_store %arg10[%swap3A_718, %swap3A_719], %swap3A_722 {strides = array<i32>} : memref<32x1024xf32, #tpu.memory_space<vmem>>, vector<1x16xf32>,
      %get3A_723 = arith.index_cast %scan3A_38 : i32 to index
      %get3A_724 = arith.constant 784 : index
      %get3A_725 = tpu.vector_load %arg8[%get3A_723, %get3A_724] {strides = array<i32>} : memref<32x1024xf32, #tpu.memory_space<vmem>>, vector<1x16xf32>,
      %get3A_726 = vector.shape_cast %get3A_725 : vector<1x16xf32> to vector<16xf32>
      %get3A_727 = arith.index_cast %scan3A_38 : i32 to index
      %get3A_728 = arith.constant 784 : index
      %get3A_729 = tpu.vector_load %arg9[%get3A_727, %get3A_728] {strides = array<i32>} : memref<32x1024xf32, #tpu.memory_space<vmem>>, vector<1x16xf32>,
      %get3A_730 = vector.shape_cast %get3A_729 : vector<1x16xf32> to vector<16xf32>
      %add3A_731 = arith.addf %get3A_726, %get3A_730 : vector<16xf32>
      %swap3A_732 = arith.index_cast %scan3A_38 : i32 to index
      %swap3A_733 = arith.constant 784 : index
      %swap3A_734 = tpu.vector_load %arg10[%swap3A_732, %swap3A_733] {strides = array<i32>} : memref<32x1024xf32, #tpu.memory_space<vmem>>, vector<1x16xf32>,
      %swap3A_735 = vector.shape_cast %swap3A_734 : vector<1x16xf32> to vector<16xf32>
      %swap3A_736 = vector.shape_cast %add3A_731 : vector<16xf32> to vector<1x16xf32>
      tpu.vector_store %arg10[%swap3A_732, %swap3A_733], %swap3A_736 {strides = array<i32>} : memref<32x1024xf32, #tpu.memory_space<vmem>>, vector<1x16xf32>,
      %get3A_737 = arith.index_cast %scan3A_38 : i32 to index
      %get3A_738 = arith.constant 800 : index
      %get3A_739 = tpu.vector_load %arg8[%get3A_737, %get3A_738] {strides = array<i32>} : memref<32x1024xf32, #tpu.memory_space<vmem>>, vector<1x16xf32>,
      %get3A_740 = vector.shape_cast %get3A_739 : vector<1x16xf32> to vector<16xf32>
      %get3A_741 = arith.index_cast %scan3A_38 : i32 to index
      %get3A_742 = arith.constant 800 : index
      %get3A_743 = tpu.vector_load %arg9[%get3A_741, %get3A_742] {strides = array<i32>} : memref<32x1024xf32, #tpu.memory_space<vmem>>, vector<1x16xf32>,
      %get3A_744 = vector.shape_cast %get3A_743 : vector<1x16xf32> to vector<16xf32>
      %add3A_745 = arith.addf %get3A_740, %get3A_744 : vector<16xf32>
      %swap3A_746 = arith.index_cast %scan3A_38 : i32 to index
      %swap3A_747 = arith.constant 800 : index
      %swap3A_748 = tpu.vector_load %arg10[%swap3A_746, %swap3A_747] {strides = array<i32>} : memref<32x1024xf32, #tpu.memory_space<vmem>>, vector<1x16xf32>,
      %swap3A_749 = vector.shape_cast %swap3A_748 : vector<1x16xf32> to vector<16xf32>
      %swap3A_750 = vector.shape_cast %add3A_745 : vector<16xf32> to vector<1x16xf32>
      tpu.vector_store %arg10[%swap3A_746, %swap3A_747], %swap3A_750 {strides = array<i32>} : memref<32x1024xf32, #tpu.memory_space<vmem>>, vector<1x16xf32>,
      %get3A_751 = arith.index_cast %scan3A_38 : i32 to index
      %get3A_752 = arith.constant 816 : index
      %get3A_753 = tpu.vector_load %arg8[%get3A_751, %get3A_752] {strides = array<i32>} : memref<32x1024xf32, #tpu.memory_space<vmem>>, vector<1x16xf32>,
      %get3A_754 = vector.shape_cast %get3A_753 : vector<1x16xf32> to vector<16xf32>
      %get3A_755 = arith.index_cast %scan3A_38 : i32 to index
      %get3A_756 = arith.constant 816 : index
      %get3A_757 = tpu.vector_load %arg9[%get3A_755, %get3A_756] {strides = array<i32>} : memref<32x1024xf32, #tpu.memory_space<vmem>>, vector<1x16xf32>,
      %get3A_758 = vector.shape_cast %get3A_757 : vector<1x16xf32> to vector<16xf32>
      %add3A_759 = arith.addf %get3A_754, %get3A_758 : vector<16xf32>
      %swap3A_760 = arith.index_cast %scan3A_38 : i32 to index
      %swap3A_761 = arith.constant 816 : index
      %swap3A_762 = tpu.vector_load %arg10[%swap3A_760, %swap3A_761] {strides = array<i32>} : memref<32x1024xf32, #tpu.memory_space<vmem>>, vector<1x16xf32>,
      %swap3A_763 = vector.shape_cast %swap3A_762 : vector<1x16xf32> to vector<16xf32>
      %swap3A_764 = vector.shape_cast %add3A_759 : vector<16xf32> to vector<1x16xf32>
      tpu.vector_store %arg10[%swap3A_760, %swap3A_761], %swap3A_764 {strides = array<i32>} : memref<32x1024xf32, #tpu.memory_space<vmem>>, vector<1x16xf32>,
      %get3A_765 = arith.index_cast %scan3A_38 : i32 to index
      %get3A_766 = arith.constant 832 : index
      %get3A_767 = tpu.vector_load %arg8[%get3A_765, %get3A_766] {strides = array<i32>} : memref<32x1024xf32, #tpu.memory_space<vmem>>, vector<1x16xf32>,
      %get3A_768 = vector.shape_cast %get3A_767 : vector<1x16xf32> to vector<16xf32>
      %get3A_769 = arith.index_cast %scan3A_38 : i32 to index
      %get3A_770 = arith.constant 832 : index
      %get3A_771 = tpu.vector_load %arg9[%get3A_769, %get3A_770] {strides = array<i32>} : memref<32x1024xf32, #tpu.memory_space<vmem>>, vector<1x16xf32>,
      %get3A_772 = vector.shape_cast %get3A_771 : vector<1x16xf32> to vector<16xf32>
      %add3A_773 = arith.addf %get3A_768, %get3A_772 : vector<16xf32>
      %swap3A_774 = arith.index_cast %scan3A_38 : i32 to index
      %swap3A_775 = arith.constant 832 : index
      %swap3A_776 = tpu.vector_load %arg10[%swap3A_774, %swap3A_775] {strides = array<i32>} : memref<32x1024xf32, #tpu.memory_space<vmem>>, vector<1x16xf32>,
      %swap3A_777 = vector.shape_cast %swap3A_776 : vector<1x16xf32> to vector<16xf32>
      %swap3A_778 = vector.shape_cast %add3A_773 : vector<16xf32> to vector<1x16xf32>
      tpu.vector_store %arg10[%swap3A_774, %swap3A_775], %swap3A_778 {strides = array<i32>} : memref<32x1024xf32, #tpu.memory_space<vmem>>, vector<1x16xf32>,
      %get3A_779 = arith.index_cast %scan3A_38 : i32 to index
      %get3A_780 = arith.constant 848 : index
      %get3A_781 = tpu.vector_load %arg8[%get3A_779, %get3A_780] {strides = array<i32>} : memref<32x1024xf32, #tpu.memory_space<vmem>>, vector<1x16xf32>,
      %get3A_782 = vector.shape_cast %get3A_781 : vector<1x16xf32> to vector<16xf32>
      %get3A_783 = arith.index_cast %scan3A_38 : i32 to index
      %get3A_784 = arith.constant 848 : index
      %get3A_785 = tpu.vector_load %arg9[%get3A_783, %get3A_784] {strides = array<i32>} : memref<32x1024xf32, #tpu.memory_space<vmem>>, vector<1x16xf32>,
      %get3A_786 = vector.shape_cast %get3A_785 : vector<1x16xf32> to vector<16xf32>
      %add3A_787 = arith.addf %get3A_782, %get3A_786 : vector<16xf32>
      %swap3A_788 = arith.index_cast %scan3A_38 : i32 to index
      %swap3A_789 = arith.constant 848 : index
      %swap3A_790 = tpu.vector_load %arg10[%swap3A_788, %swap3A_789] {strides = array<i32>} : memref<32x1024xf32, #tpu.memory_space<vmem>>, vector<1x16xf32>,
      %swap3A_791 = vector.shape_cast %swap3A_790 : vector<1x16xf32> to vector<16xf32>
      %swap3A_792 = vector.shape_cast %add3A_787 : vector<16xf32> to vector<1x16xf32>
      tpu.vector_store %arg10[%swap3A_788, %swap3A_789], %swap3A_792 {strides = array<i32>} : memref<32x1024xf32, #tpu.memory_space<vmem>>, vector<1x16xf32>,
      %get3A_793 = arith.index_cast %scan3A_38 : i32 to index
      %get3A_794 = arith.constant 864 : index
      %get3A_795 = tpu.vector_load %arg8[%get3A_793, %get3A_794] {strides = array<i32>} : memref<32x1024xf32, #tpu.memory_space<vmem>>, vector<1x16xf32>,
      %get3A_796 = vector.shape_cast %get3A_795 : vector<1x16xf32> to vector<16xf32>
      %get3A_797 = arith.index_cast %scan3A_38 : i32 to index
      %get3A_798 = arith.constant 864 : index
      %get3A_799 = tpu.vector_load %arg9[%get3A_797, %get3A_798] {strides = array<i32>} : memref<32x1024xf32, #tpu.memory_space<vmem>>, vector<1x16xf32>,
      %get3A_800 = vector.shape_cast %get3A_799 : vector<1x16xf32> to vector<16xf32>
      %add3A_801 = arith.addf %get3A_796, %get3A_800 : vector<16xf32>
      %swap3A_802 = arith.index_cast %scan3A_38 : i32 to index
      %swap3A_803 = arith.constant 864 : index
      %swap3A_804 = tpu.vector_load %arg10[%swap3A_802, %swap3A_803] {strides = array<i32>} : memref<32x1024xf32, #tpu.memory_space<vmem>>, vector<1x16xf32>,
      %swap3A_805 = vector.shape_cast %swap3A_804 : vector<1x16xf32> to vector<16xf32>
      %swap3A_806 = vector.shape_cast %add3A_801 : vector<16xf32> to vector<1x16xf32>
      tpu.vector_store %arg10[%swap3A_802, %swap3A_803], %swap3A_806 {strides = array<i32>} : memref<32x1024xf32, #tpu.memory_space<vmem>>, vector<1x16xf32>,
      %get3A_807 = arith.index_cast %scan3A_38 : i32 to index
      %get3A_808 = arith.constant 880 : index
      %get3A_809 = tpu.vector_load %arg8[%get3A_807, %get3A_808] {strides = array<i32>} : memref<32x1024xf32, #tpu.memory_space<vmem>>, vector<1x16xf32>,
      %get3A_810 = vector.shape_cast %get3A_809 : vector<1x16xf32> to vector<16xf32>
      %get3A_811 = arith.index_cast %scan3A_38 : i32 to index
      %get3A_812 = arith.constant 880 : index
      %get3A_813 = tpu.vector_load %arg9[%get3A_811, %get3A_812] {strides = array<i32>} : memref<32x1024xf32, #tpu.memory_space<vmem>>, vector<1x16xf32>,
      %get3A_814 = vector.shape_cast %get3A_813 : vector<1x16xf32> to vector<16xf32>
      %add3A_815 = arith.addf %get3A_810, %get3A_814 : vector<16xf32>
      %swap3A_816 = arith.index_cast %scan3A_38 : i32 to index
      %swap3A_817 = arith.constant 880 : index
      %swap3A_818 = tpu.vector_load %arg10[%swap3A_816, %swap3A_817] {strides = array<i32>} : memref<32x1024xf32, #tpu.memory_space<vmem>>, vector<1x16xf32>,
      %swap3A_819 = vector.shape_cast %swap3A_818 : vector<1x16xf32> to vector<16xf32>
      %swap3A_820 = vector.shape_cast %add3A_815 : vector<16xf32> to vector<1x16xf32>
      tpu.vector_store %arg10[%swap3A_816, %swap3A_817], %swap3A_820 {strides = array<i32>} : memref<32x1024xf32, #tpu.memory_space<vmem>>, vector<1x16xf32>,
      %get3A_821 = arith.index_cast %scan3A_38 : i32 to index
      %get3A_822 = arith.constant 896 : index
      %get3A_823 = tpu.vector_load %arg8[%get3A_821, %get3A_822] {strides = array<i32>} : memref<32x1024xf32, #tpu.memory_space<vmem>>, vector<1x16xf32>,
      %get3A_824 = vector.shape_cast %get3A_823 : vector<1x16xf32> to vector<16xf32>
      %get3A_825 = arith.index_cast %scan3A_38 : i32 to index
      %get3A_826 = arith.constant 896 : index
      %get3A_827 = tpu.vector_load %arg9[%get3A_825, %get3A_826] {strides = array<i32>} : memref<32x1024xf32, #tpu.memory_space<vmem>>, vector<1x16xf32>,
      %get3A_828 = vector.shape_cast %get3A_827 : vector<1x16xf32> to vector<16xf32>
      %add3A_829 = arith.addf %get3A_824, %get3A_828 : vector<16xf32>
      %swap3A_830 = arith.index_cast %scan3A_38 : i32 to index
      %swap3A_831 = arith.constant 896 : index
      %swap3A_832 = tpu.vector_load %arg10[%swap3A_830, %swap3A_831] {strides = array<i32>} : memref<32x1024xf32, #tpu.memory_space<vmem>>, vector<1x16xf32>,
      %swap3A_833 = vector.shape_cast %swap3A_832 : vector<1x16xf32> to vector<16xf32>
      %swap3A_834 = vector.shape_cast %add3A_829 : vector<16xf32> to vector<1x16xf32>
      tpu.vector_store %arg10[%swap3A_830, %swap3A_831], %swap3A_834 {strides = array<i32>} : memref<32x1024xf32, #tpu.memory_space<vmem>>, vector<1x16xf32>,
      %get3A_835 = arith.index_cast %scan3A_38 : i32 to index
      %get3A_836 = arith.constant 912 : index
      %get3A_837 = tpu.vector_load %arg8[%get3A_835, %get3A_836] {strides = array<i32>} : memref<32x1024xf32, #tpu.memory_space<vmem>>, vector<1x16xf32>,
      %get3A_838 = vector.shape_cast %get3A_837 : vector<1x16xf32> to vector<16xf32>
      %get3A_839 = arith.index_cast %scan3A_38 : i32 to index
      %get3A_840 = arith.constant 912 : index
      %get3A_841 = tpu.vector_load %arg9[%get3A_839, %get3A_840] {strides = array<i32>} : memref<32x1024xf32, #tpu.memory_space<vmem>>, vector<1x16xf32>,
      %get3A_842 = vector.shape_cast %get3A_841 : vector<1x16xf32> to vector<16xf32>
      %add3A_843 = arith.addf %get3A_838, %get3A_842 : vector<16xf32>
      %swap3A_844 = arith.index_cast %scan3A_38 : i32 to index
      %swap3A_845 = arith.constant 912 : index
      %swap3A_846 = tpu.vector_load %arg10[%swap3A_844, %swap3A_845] {strides = array<i32>} : memref<32x1024xf32, #tpu.memory_space<vmem>>, vector<1x16xf32>,
      %swap3A_847 = vector.shape_cast %swap3A_846 : vector<1x16xf32> to vector<16xf32>
      %swap3A_848 = vector.shape_cast %add3A_843 : vector<16xf32> to vector<1x16xf32>
      tpu.vector_store %arg10[%swap3A_844, %swap3A_845], %swap3A_848 {strides = array<i32>} : memref<32x1024xf32, #tpu.memory_space<vmem>>, vector<1x16xf32>,
      %get3A_849 = arith.index_cast %scan3A_38 : i32 to index
      %get3A_850 = arith.constant 928 : index
      %get3A_851 = tpu.vector_load %arg8[%get3A_849, %get3A_850] {strides = array<i32>} : memref<32x1024xf32, #tpu.memory_space<vmem>>, vector<1x16xf32>,
      %get3A_852 = vector.shape_cast %get3A_851 : vector<1x16xf32> to vector<16xf32>
      %get3A_853 = arith.index_cast %scan3A_38 : i32 to index
      %get3A_854 = arith.constant 928 : index
      %get3A_855 = tpu.vector_load %arg9[%get3A_853, %get3A_854] {strides = array<i32>} : memref<32x1024xf32, #tpu.memory_space<vmem>>, vector<1x16xf32>,
      %get3A_856 = vector.shape_cast %get3A_855 : vector<1x16xf32> to vector<16xf32>
      %add3A_857 = arith.addf %get3A_852, %get3A_856 : vector<16xf32>
      %swap3A_858 = arith.index_cast %scan3A_38 : i32 to index
      %swap3A_859 = arith.constant 928 : index
      %swap3A_860 = tpu.vector_load %arg10[%swap3A_858, %swap3A_859] {strides = array<i32>} : memref<32x1024xf32, #tpu.memory_space<vmem>>, vector<1x16xf32>,
      %swap3A_861 = vector.shape_cast %swap3A_860 : vector<1x16xf32> to vector<16xf32>
      %swap3A_862 = vector.shape_cast %add3A_857 : vector<16xf32> to vector<1x16xf32>
      tpu.vector_store %arg10[%swap3A_858, %swap3A_859], %swap3A_862 {strides = array<i32>} : memref<32x1024xf32, #tpu.memory_space<vmem>>, vector<1x16xf32>,
      %get3A_863 = arith.index_cast %scan3A_38 : i32 to index
      %get3A_864 = arith.constant 944 : index
      %get3A_865 = tpu.vector_load %arg8[%get3A_863, %get3A_864] {strides = array<i32>} : memref<32x1024xf32, #tpu.memory_space<vmem>>, vector<1x16xf32>,
      %get3A_866 = vector.shape_cast %get3A_865 : vector<1x16xf32> to vector<16xf32>
      %get3A_867 = arith.index_cast %scan3A_38 : i32 to index
      %get3A_868 = arith.constant 944 : index
      %get3A_869 = tpu.vector_load %arg9[%get3A_867, %get3A_868] {strides = array<i32>} : memref<32x1024xf32, #tpu.memory_space<vmem>>, vector<1x16xf32>,
      %get3A_870 = vector.shape_cast %get3A_869 : vector<1x16xf32> to vector<16xf32>
      %add3A_871 = arith.addf %get3A_866, %get3A_870 : vector<16xf32>
      %swap3A_872 = arith.index_cast %scan3A_38 : i32 to index
      %swap3A_873 = arith.constant 944 : index
      %swap3A_874 = tpu.vector_load %arg10[%swap3A_872, %swap3A_873] {strides = array<i32>} : memref<32x1024xf32, #tpu.memory_space<vmem>>, vector<1x16xf32>,
      %swap3A_875 = vector.shape_cast %swap3A_874 : vector<1x16xf32> to vector<16xf32>
      %swap3A_876 = vector.shape_cast %add3A_871 : vector<16xf32> to vector<1x16xf32>
      tpu.vector_store %arg10[%swap3A_872, %swap3A_873], %swap3A_876 {strides = array<i32>} : memref<32x1024xf32, #tpu.memory_space<vmem>>, vector<1x16xf32>,
      %get3A_877 = arith.index_cast %scan3A_38 : i32 to index
      %get3A_878 = arith.constant 960 : index
      %get3A_879 = tpu.vector_load %arg8[%get3A_877, %get3A_878] {strides = array<i32>} : memref<32x1024xf32, #tpu.memory_space<vmem>>, vector<1x16xf32>,
      %get3A_880 = vector.shape_cast %get3A_879 : vector<1x16xf32> to vector<16xf32>
      %get3A_881 = arith.index_cast %scan3A_38 : i32 to index
      %get3A_882 = arith.constant 960 : index
      %get3A_883 = tpu.vector_load %arg9[%get3A_881, %get3A_882] {strides = array<i32>} : memref<32x1024xf32, #tpu.memory_space<vmem>>, vector<1x16xf32>,
      %get3A_884 = vector.shape_cast %get3A_883 : vector<1x16xf32> to vector<16xf32>
      %add3A_885 = arith.addf %get3A_880, %get3A_884 : vector<16xf32>
      %swap3A_886 = arith.index_cast %scan3A_38 : i32 to index
      %swap3A_887 = arith.constant 960 : index
      %swap3A_888 = tpu.vector_load %arg10[%swap3A_886, %swap3A_887] {strides = array<i32>} : memref<32x1024xf32, #tpu.memory_space<vmem>>, vector<1x16xf32>,
      %swap3A_889 = vector.shape_cast %swap3A_888 : vector<1x16xf32> to vector<16xf32>
      %swap3A_890 = vector.shape_cast %add3A_885 : vector<16xf32> to vector<1x16xf32>
      tpu.vector_store %arg10[%swap3A_886, %swap3A_887], %swap3A_890 {strides = array<i32>} : memref<32x1024xf32, #tpu.memory_space<vmem>>, vector<1x16xf32>,
      %get3A_891 = arith.index_cast %scan3A_38 : i32 to index
      %get3A_892 = arith.constant 976 : index
      %get3A_893 = tpu.vector_load %arg8[%get3A_891, %get3A_892] {strides = array<i32>} : memref<32x1024xf32, #tpu.memory_space<vmem>>, vector<1x16xf32>,
      %get3A_894 = vector.shape_cast %get3A_893 : vector<1x16xf32> to vector<16xf32>
      %get3A_895 = arith.index_cast %scan3A_38 : i32 to index
      %get3A_896 = arith.constant 976 : index
      %get3A_897 = tpu.vector_load %arg9[%get3A_895, %get3A_896] {strides = array<i32>} : memref<32x1024xf32, #tpu.memory_space<vmem>>, vector<1x16xf32>,
      %get3A_898 = vector.shape_cast %get3A_897 : vector<1x16xf32> to vector<16xf32>
      %add3A_899 = arith.addf %get3A_894, %get3A_898 : vector<16xf32>
      %swap3A_900 = arith.index_cast %scan3A_38 : i32 to index
      %swap3A_901 = arith.constant 976 : index
      %swap3A_902 = tpu.vector_load %arg10[%swap3A_900, %swap3A_901] {strides = array<i32>} : memref<32x1024xf32, #tpu.memory_space<vmem>>, vector<1x16xf32>,
      %swap3A_903 = vector.shape_cast %swap3A_902 : vector<1x16xf32> to vector<16xf32>
      %swap3A_904 = vector.shape_cast %add3A_899 : vector<16xf32> to vector<1x16xf32>
      tpu.vector_store %arg10[%swap3A_900, %swap3A_901], %swap3A_904 {strides = array<i32>} : memref<32x1024xf32, #tpu.memory_space<vmem>>, vector<1x16xf32>,
      %get3A_905 = arith.index_cast %scan3A_38 : i32 to index
      %get3A_906 = arith.constant 992 : index
      %get3A_907 = tpu.vector_load %arg8[%get3A_905, %get3A_906] {strides = array<i32>} : memref<32x1024xf32, #tpu.memory_space<vmem>>, vector<1x16xf32>,
      %get3A_908 = vector.shape_cast %get3A_907 : vector<1x16xf32> to vector<16xf32>
      %get3A_909 = arith.index_cast %scan3A_38 : i32 to index
      %get3A_910 = arith.constant 992 : index
      %get3A_911 = tpu.vector_load %arg9[%get3A_909, %get3A_910] {strides = array<i32>} : memref<32x1024xf32, #tpu.memory_space<vmem>>, vector<1x16xf32>,
      %get3A_912 = vector.shape_cast %get3A_911 : vector<1x16xf32> to vector<16xf32>
      %add3A_913 = arith.addf %get3A_908, %get3A_912 : vector<16xf32>
      %swap3A_914 = arith.index_cast %scan3A_38 : i32 to index
      %swap3A_915 = arith.constant 992 : index
      %swap3A_916 = tpu.vector_load %arg10[%swap3A_914, %swap3A_915] {strides = array<i32>} : memref<32x1024xf32, #tpu.memory_space<vmem>>, vector<1x16xf32>,
      %swap3A_917 = vector.shape_cast %swap3A_916 : vector<1x16xf32> to vector<16xf32>
      %swap3A_918 = vector.shape_cast %add3A_913 : vector<16xf32> to vector<1x16xf32>
      tpu.vector_store %arg10[%swap3A_914, %swap3A_915], %swap3A_918 {strides = array<i32>} : memref<32x1024xf32, #tpu.memory_space<vmem>>, vector<1x16xf32>,
      %get3A_919 = arith.index_cast %scan3A_38 : i32 to index
      %get3A_920 = arith.constant 1008 : index
      %get3A_921 = tpu.vector_load %arg8[%get3A_919, %get3A_920] {strides = array<i32>} : memref<32x1024xf32, #tpu.memory_space<vmem>>, vector<1x16xf32>,
      %get3A_922 = vector.shape_cast %get3A_921 : vector<1x16xf32> to vector<16xf32>
      %get3A_923 = arith.index_cast %scan3A_38 : i32 to index
      %get3A_924 = arith.constant 1008 : index
      %get3A_925 = tpu.vector_load %arg9[%get3A_923, %get3A_924] {strides = array<i32>} : memref<32x1024xf32, #tpu.memory_space<vmem>>, vector<1x16xf32>,
      %get3A_926 = vector.shape_cast %get3A_925 : vector<1x16xf32> to vector<16xf32>
      %add3A_927 = arith.addf %get3A_922, %get3A_926 : vector<16xf32>
      %swap3A_928 = arith.index_cast %scan3A_38 : i32 to index
      %swap3A_929 = arith.constant 1008 : index
      %swap3A_930 = tpu.vector_load %arg10[%swap3A_928, %swap3A_929] {strides = array<i32>} : memref<32x1024xf32, #tpu.memory_space<vmem>>, vector<1x16xf32>,
      %swap3A_931 = vector.shape_cast %swap3A_930 : vector<1x16xf32> to vector<16xf32>
      %swap3A_932 = vector.shape_cast %add3A_927 : vector<16xf32> to vector<1x16xf32>
      tpu.vector_store %arg10[%swap3A_928, %swap3A_929], %swap3A_932 {strides = array<i32>} : memref<32x1024xf32, #tpu.memory_space<vmem>>, vector<1x16xf32>,
    }
    %scan3A_18 = arith.constant 32 : i32
    "tpu.region"() ({
      %run_scoped3A = tpu.sem_alloc : memref<!tpu.dma_semaphore, #tpu.memory_space<semaphore_mem>>
      %dma_start3A_38 = arith.constant 0 : i32
      %dma_start3A_39 = tpu.memref_slice %arg5[%add3A_4, %dma_start3A_38] : memref<2048x1024xf32, #tpu.memory_space<hbm>> -> memref<32x1024xf32, #tpu.memory_space<hbm>>
      %dma_start3A_40 = arith.constant 0 : i32
      %dma_start3A_41 = tpu.memref_slice %arg5[%add3A_4, %dma_start3A_40] : memref<2048x1024xf32, #tpu.memory_space<hbm>> -> memref<32x1024xf32, #tpu.memory_space<hbm>>
      tpu.enqueue_dma source(%arg10 : memref<32x1024xf32, #tpu.memory_space<vmem>>) target(%dma_start3A_41 : memref<32x1024xf32, #tpu.memory_space<hbm>>) target_semaphore(%run_scoped3A : memref<!tpu.dma_semaphore, #tpu.memory_space<semaphore_mem>>)
      %dma_wait3A_42 = arith.constant 0 : i32
      %dma_wait3A_43 = tpu.memref_slice %arg5[%add3A_4, %dma_wait3A_42] : memref<2048x1024xf32, #tpu.memory_space<hbm>> -> memref<32x1024xf32, #tpu.memory_space<hbm>>
      %dma_wait3A_44 = arith.constant 0 : i32
      %dma_wait3A_45 = tpu.memref_slice %arg5[%add3A_4, %dma_wait3A_44] : memref<2048x1024xf32, #tpu.memory_space<hbm>> -> memref<32x1024xf32, #tpu.memory_space<hbm>>
      tpu.wait_dma2 semaphore(%run_scoped3A : memref<!tpu.dma_semaphore, #tpu.memory_space<semaphore_mem>>) src(%arg10 : memref<32x1024xf32, #tpu.memory_space<vmem>>) dst(%dma_wait3A_45 : memref<32x1024xf32, #tpu.memory_space<hbm>>)
      tpu.yield
    }) : () -> ()
    %add3A_19 = arith.constant 32 : i32
    %add3A_20 = arith.addi %mul3A_2, %add3A_19 : i32
    "tpu.region"() ({
      %run_scoped3A = tpu.sem_alloc : memref<!tpu.dma_semaphore, #tpu.memory_space<semaphore_mem>>
      %dma_start3A_38 = tpu.memref_slice %arg3[%add3A_20] : memref<2048xi32, #tpu.memory_space<hbm>> -> memref<32xi32, #tpu.memory_space<hbm>>
      %dma_start3A_39 = tpu.memref_slice %arg3[%add3A_20] : memref<2048xi32, #tpu.memory_space<hbm>> -> memref<32xi32, #tpu.memory_space<hbm>>
      tpu.enqueue_dma source(%dma_start3A_39 : memref<32xi32, #tpu.memory_space<hbm>>) target(%arg6 : memref<32xi32, #tpu.memory_space<vmem>>) target_semaphore(%run_scoped3A : memref<!tpu.dma_semaphore, #tpu.memory_space<semaphore_mem>>)
      %dma_wait3A_40 = tpu.memref_slice %arg3[%add3A_20] : memref<2048xi32, #tpu.memory_space<hbm>> -> memref<32xi32, #tpu.memory_space<hbm>>
      %dma_wait3A_41 = tpu.memref_slice %arg3[%add3A_20] : memref<2048xi32, #tpu.memory_space<hbm>> -> memref<32xi32, #tpu.memory_space<hbm>>
      tpu.wait_dma2 semaphore(%run_scoped3A : memref<!tpu.dma_semaphore, #tpu.memory_space<semaphore_mem>>) src(%dma_wait3A_41 : memref<32xi32, #tpu.memory_space<hbm>>) dst(%arg6 : memref<32xi32, #tpu.memory_space<vmem>>)
      tpu.yield
    }) : () -> ()
    "tpu.region"() ({
      %run_scoped3A = tpu.sem_alloc : memref<!tpu.dma_semaphore, #tpu.memory_space<semaphore_mem>>
      %dma_start3A_38 = tpu.memref_slice %arg4[%add3A_20] : memref<2048xi32, #tpu.memory_space<hbm>> -> memref<32xi32, #tpu.memory_space<hbm>>
      %dma_start3A_39 = tpu.memref_slice %arg4[%add3A_20] : memref<2048xi32, #tpu.memory_space<hbm>> -> memref<32xi32, #tpu.memory_space<hbm>>
      tpu.enqueue_dma source(%dma_start3A_39 : memref<32xi32, #tpu.memory_space<hbm>>) target(%arg7 : memref<32xi32, #tpu.memory_space<vmem>>) target_semaphore(%run_scoped3A : memref<!tpu.dma_semaphore, #tpu.memory_space<semaphore_mem>>)
      %dma_wait3A_40 = tpu.memref_slice %arg4[%add3A_20] : memref<2048xi32, #tpu.memory_space<hbm>> -> memref<32xi32, #tpu.memory_space<hbm>>
      %dma_wait3A_41 = tpu.memref_slice %arg4[%add3A_20] : memref<2048xi32, #tpu.memory_space<hbm>> -> memref<32xi32, #tpu.memory_space<hbm>>
      tpu.wait_dma2 semaphore(%run_scoped3A : memref<!tpu.dma_semaphore, #tpu.memory_space<semaphore_mem>>) src(%dma_wait3A_41 : memref<32xi32, #tpu.memory_space<hbm>>) dst(%arg7 : memref<32xi32, #tpu.memory_space<vmem>>)
      tpu.yield
    }) : () -> ()
    %dma_start3A_21 = arith.constant 0 : i32
    %dma_start3A_22 = arith.constant 0 : i32
    %dma_start3A_23 = tpu.memref_slice %arg2[%dma_start3A_21, %dma_start3A_22] : memref<8192x1024xf32, #tpu.memory_space<hbm>> -> memref<8192x1024xf32, #tpu.memory_space<hbm>>
    tpu.enqueue_indirect_dma source(%dma_start3A_23 : memref<8192x1024xf32, #tpu.memory_space<hbm>>) target(%arg8 : memref<32x1024xf32, #tpu.memory_space<vmem>>) offsets(%arg6 : memref<32xi32, #tpu.memory_space<vmem>>) semaphore(%arg11 : memref<!tpu.dma_semaphore, #tpu.memory_space<semaphore_mem>>)
    %dma_wait3A_24 = arith.constant 0 : i32
    %dma_wait3A_25 = arith.constant 0 : i32
    %dma_wait3A_26 = tpu.memref_slice %arg2[%dma_wait3A_24, %dma_wait3A_25] : memref<8192x1024xf32, #tpu.memory_space<hbm>> -> memref<8192x1024xf32, #tpu.memory_space<hbm>>
    tpu.wait_indirect_dma semaphore(%arg11 : memref<!tpu.dma_semaphore, #tpu.memory_space<semaphore_mem>>) src(%dma_wait3A_26 : memref<8192x1024xf32, #tpu.memory_space<hbm>>) dst(%arg8 : memref<32x1024xf32, #tpu.memory_space<vmem>>)
    %dma_start3A_27 = arith.constant 0 : i32
    %dma_start3A_28 = arith.constant 0 : i32
    %dma_start3A_29 = tpu.memref_slice %arg2[%dma_start3A_27, %dma_start3A_28] : memref<8192x1024xf32, #tpu.memory_space<hbm>> -> memref<8192x1024xf32, #tpu.memory_space<hbm>>
    tpu.enqueue_indirect_dma source(%dma_start3A_29 : memref<8192x1024xf32, #tpu.memory_space<hbm>>) target(%arg9 : memref<32x1024xf32, #tpu.memory_space<vmem>>) offsets(%arg7 : memref<32xi32, #tpu.memory_space<vmem>>) semaphore(%arg11 : memref<!tpu.dma_semaphore, #tpu.memory_space<semaphore_mem>>)
    %dma_wait3A_30 = arith.constant 0 : i32
    %dma_wait3A_31 = arith.constant 0 : i32
    %dma_wait3A_32 = tpu.memref_slice %arg2[%dma_wait3A_30, %dma_wait3A_31] : memref<8192x1024xf32, #tpu.memory_space<hbm>> -> memref<8192x1024xf32, #tpu.memory_space<hbm>>
    tpu.wait_indirect_dma semaphore(%arg11 : memref<!tpu.dma_semaphore, #tpu.memory_space<semaphore_mem>>) src(%dma_wait3A_32 : memref<8192x1024xf32, #tpu.memory_space<hbm>>) dst(%arg9 : memref<32x1024xf32, #tpu.memory_space<vmem>>)
    %scan3A_33 = arith.constant 0 : i32
    %scan3A_34 = arith.constant 32 : i32
    %scan3A_35 = arith.addi %scan3A_33, %scan3A_34 : i32
    %scan3A_36 = arith.constant 1 : i32
    scf.for %scan3A_38 = %scan3A_33 to %scan3A_35 step %scan3A_36  : i32 {
      %get3A = arith.index_cast %scan3A_38 : i32 to index
      %get3A_39 = arith.constant 0 : index
      %get3A_40 = tpu.vector_load %arg8[%get3A, %get3A_39] {strides = array<i32>} : memref<32x1024xf32, #tpu.memory_space<vmem>>, vector<1x16xf32>,
      %get3A_41 = vector.shape_cast %get3A_40 : vector<1x16xf32> to vector<16xf32>
      %get3A_42 = arith.index_cast %scan3A_38 : i32 to index
      %get3A_43 = arith.constant 0 : index
      %get3A_44 = tpu.vector_load %arg9[%get3A_42, %get3A_43] {strides = array<i32>} : memref<32x1024xf32, #tpu.memory_space<vmem>>, vector<1x16xf32>,
      %get3A_45 = vector.shape_cast %get3A_44 : vector<1x16xf32> to vector<16xf32>
      %add3A_46 = arith.addf %get3A_41, %get3A_45 : vector<16xf32>
      %swap3A = arith.index_cast %scan3A_38 : i32 to index
      %swap3A_47 = arith.constant 0 : index
      %swap3A_48 = tpu.vector_load %arg10[%swap3A, %swap3A_47] {strides = array<i32>} : memref<32x1024xf32, #tpu.memory_space<vmem>>, vector<1x16xf32>,
      %swap3A_49 = vector.shape_cast %swap3A_48 : vector<1x16xf32> to vector<16xf32>
      %swap3A_50 = vector.shape_cast %add3A_46 : vector<16xf32> to vector<1x16xf32>
      tpu.vector_store %arg10[%swap3A, %swap3A_47], %swap3A_50 {strides = array<i32>} : memref<32x1024xf32, #tpu.memory_space<vmem>>, vector<1x16xf32>,
      %get3A_51 = arith.index_cast %scan3A_38 : i32 to index
      %get3A_52 = arith.constant 16 : index
      %get3A_53 = tpu.vector_load %arg8[%get3A_51, %get3A_52] {strides = array<i32>} : memref<32x1024xf32, #tpu.memory_space<vmem>>, vector<1x16xf32>,
      %get3A_54 = vector.shape_cast %get3A_53 : vector<1x16xf32> to vector<16xf32>
      %get3A_55 = arith.index_cast %scan3A_38 : i32 to index
      %get3A_56 = arith.constant 16 : index
      %get3A_57 = tpu.vector_load %arg9[%get3A_55, %get3A_56] {strides = array<i32>} : memref<32x1024xf32, #tpu.memory_space<vmem>>, vector<1x16xf32>,
      %get3A_58 = vector.shape_cast %get3A_57 : vector<1x16xf32> to vector<16xf32>
      %add3A_59 = arith.addf %get3A_54, %get3A_58 : vector<16xf32>
      %swap3A_60 = arith.index_cast %scan3A_38 : i32 to index
      %swap3A_61 = arith.constant 16 : index
      %swap3A_62 = tpu.vector_load %arg10[%swap3A_60, %swap3A_61] {strides = array<i32>} : memref<32x1024xf32, #tpu.memory_space<vmem>>, vector<1x16xf32>,
      %swap3A_63 = vector.shape_cast %swap3A_62 : vector<1x16xf32> to vector<16xf32>
      %swap3A_64 = vector.shape_cast %add3A_59 : vector<16xf32> to vector<1x16xf32>
      tpu.vector_store %arg10[%swap3A_60, %swap3A_61], %swap3A_64 {strides = array<i32>} : memref<32x1024xf32, #tpu.memory_space<vmem>>, vector<1x16xf32>,
      %get3A_65 = arith.index_cast %scan3A_38 : i32 to index
      %get3A_66 = arith.constant 32 : index
      %get3A_67 = tpu.vector_load %arg8[%get3A_65, %get3A_66] {strides = array<i32>} : memref<32x1024xf32, #tpu.memory_space<vmem>>, vector<1x16xf32>,
      %get3A_68 = vector.shape_cast %get3A_67 : vector<1x16xf32> to vector<16xf32>
      %get3A_69 = arith.index_cast %scan3A_38 : i32 to index
      %get3A_70 = arith.constant 32 : index
      %get3A_71 = tpu.vector_load %arg9[%get3A_69, %get3A_70] {strides = array<i32>} : memref<32x1024xf32, #tpu.memory_space<vmem>>, vector<1x16xf32>,
      %get3A_72 = vector.shape_cast %get3A_71 : vector<1x16xf32> to vector<16xf32>
      %add3A_73 = arith.addf %get3A_68, %get3A_72 : vector<16xf32>
      %swap3A_74 = arith.index_cast %scan3A_38 : i32 to index
      %swap3A_75 = arith.constant 32 : index
      %swap3A_76 = tpu.vector_load %arg10[%swap3A_74, %swap3A_75] {strides = array<i32>} : memref<32x1024xf32, #tpu.memory_space<vmem>>, vector<1x16xf32>,
      %swap3A_77 = vector.shape_cast %swap3A_76 : vector<1x16xf32> to vector<16xf32>
      %swap3A_78 = vector.shape_cast %add3A_73 : vector<16xf32> to vector<1x16xf32>
      tpu.vector_store %arg10[%swap3A_74, %swap3A_75], %swap3A_78 {strides = array<i32>} : memref<32x1024xf32, #tpu.memory_space<vmem>>, vector<1x16xf32>,
      %get3A_79 = arith.index_cast %scan3A_38 : i32 to index
      %get3A_80 = arith.constant 48 : index
      %get3A_81 = tpu.vector_load %arg8[%get3A_79, %get3A_80] {strides = array<i32>} : memref<32x1024xf32, #tpu.memory_space<vmem>>, vector<1x16xf32>,
      %get3A_82 = vector.shape_cast %get3A_81 : vector<1x16xf32> to vector<16xf32>
      %get3A_83 = arith.index_cast %scan3A_38 : i32 to index
      %get3A_84 = arith.constant 48 : index
      %get3A_85 = tpu.vector_load %arg9[%get3A_83, %get3A_84] {strides = array<i32>} : memref<32x1024xf32, #tpu.memory_space<vmem>>, vector<1x16xf32>,
      %get3A_86 = vector.shape_cast %get3A_85 : vector<1x16xf32> to vector<16xf32>
      %add3A_87 = arith.addf %get3A_82, %get3A_86 : vector<16xf32>
      %swap3A_88 = arith.index_cast %scan3A_38 : i32 to index
      %swap3A_89 = arith.constant 48 : index
      %swap3A_90 = tpu.vector_load %arg10[%swap3A_88, %swap3A_89] {strides = array<i32>} : memref<32x1024xf32, #tpu.memory_space<vmem>>, vector<1x16xf32>,
      %swap3A_91 = vector.shape_cast %swap3A_90 : vector<1x16xf32> to vector<16xf32>
      %swap3A_92 = vector.shape_cast %add3A_87 : vector<16xf32> to vector<1x16xf32>
      tpu.vector_store %arg10[%swap3A_88, %swap3A_89], %swap3A_92 {strides = array<i32>} : memref<32x1024xf32, #tpu.memory_space<vmem>>, vector<1x16xf32>,
      %get3A_93 = arith.index_cast %scan3A_38 : i32 to index
      %get3A_94 = arith.constant 64 : index
      %get3A_95 = tpu.vector_load %arg8[%get3A_93, %get3A_94] {strides = array<i32>} : memref<32x1024xf32, #tpu.memory_space<vmem>>, vector<1x16xf32>,
      %get3A_96 = vector.shape_cast %get3A_95 : vector<1x16xf32> to vector<16xf32>
      %get3A_97 = arith.index_cast %scan3A_38 : i32 to index
      %get3A_98 = arith.constant 64 : index
      %get3A_99 = tpu.vector_load %arg9[%get3A_97, %get3A_98] {strides = array<i32>} : memref<32x1024xf32, #tpu.memory_space<vmem>>, vector<1x16xf32>,
      %get3A_100 = vector.shape_cast %get3A_99 : vector<1x16xf32> to vector<16xf32>
      %add3A_101 = arith.addf %get3A_96, %get3A_100 : vector<16xf32>
      %swap3A_102 = arith.index_cast %scan3A_38 : i32 to index
      %swap3A_103 = arith.constant 64 : index
      %swap3A_104 = tpu.vector_load %arg10[%swap3A_102, %swap3A_103] {strides = array<i32>} : memref<32x1024xf32, #tpu.memory_space<vmem>>, vector<1x16xf32>,
      %swap3A_105 = vector.shape_cast %swap3A_104 : vector<1x16xf32> to vector<16xf32>
      %swap3A_106 = vector.shape_cast %add3A_101 : vector<16xf32> to vector<1x16xf32>
      tpu.vector_store %arg10[%swap3A_102, %swap3A_103], %swap3A_106 {strides = array<i32>} : memref<32x1024xf32, #tpu.memory_space<vmem>>, vector<1x16xf32>,
      %get3A_107 = arith.index_cast %scan3A_38 : i32 to index
      %get3A_108 = arith.constant 80 : index
      %get3A_109 = tpu.vector_load %arg8[%get3A_107, %get3A_108] {strides = array<i32>} : memref<32x1024xf32, #tpu.memory_space<vmem>>, vector<1x16xf32>,
      %get3A_110 = vector.shape_cast %get3A_109 : vector<1x16xf32> to vector<16xf32>
      %get3A_111 = arith.index_cast %scan3A_38 : i32 to index
      %get3A_112 = arith.constant 80 : index
      %get3A_113 = tpu.vector_load %arg9[%get3A_111, %get3A_112] {strides = array<i32>} : memref<32x1024xf32, #tpu.memory_space<vmem>>, vector<1x16xf32>,
      %get3A_114 = vector.shape_cast %get3A_113 : vector<1x16xf32> to vector<16xf32>
      %add3A_115 = arith.addf %get3A_110, %get3A_114 : vector<16xf32>
      %swap3A_116 = arith.index_cast %scan3A_38 : i32 to index
      %swap3A_117 = arith.constant 80 : index
      %swap3A_118 = tpu.vector_load %arg10[%swap3A_116, %swap3A_117] {strides = array<i32>} : memref<32x1024xf32, #tpu.memory_space<vmem>>, vector<1x16xf32>,
      %swap3A_119 = vector.shape_cast %swap3A_118 : vector<1x16xf32> to vector<16xf32>
      %swap3A_120 = vector.shape_cast %add3A_115 : vector<16xf32> to vector<1x16xf32>
      tpu.vector_store %arg10[%swap3A_116, %swap3A_117], %swap3A_120 {strides = array<i32>} : memref<32x1024xf32, #tpu.memory_space<vmem>>, vector<1x16xf32>,
      %get3A_121 = arith.index_cast %scan3A_38 : i32 to index
      %get3A_122 = arith.constant 96 : index
      %get3A_123 = tpu.vector_load %arg8[%get3A_121, %get3A_122] {strides = array<i32>} : memref<32x1024xf32, #tpu.memory_space<vmem>>, vector<1x16xf32>,
      %get3A_124 = vector.shape_cast %get3A_123 : vector<1x16xf32> to vector<16xf32>
      %get3A_125 = arith.index_cast %scan3A_38 : i32 to index
      %get3A_126 = arith.constant 96 : index
      %get3A_127 = tpu.vector_load %arg9[%get3A_125, %get3A_126] {strides = array<i32>} : memref<32x1024xf32, #tpu.memory_space<vmem>>, vector<1x16xf32>,
      %get3A_128 = vector.shape_cast %get3A_127 : vector<1x16xf32> to vector<16xf32>
      %add3A_129 = arith.addf %get3A_124, %get3A_128 : vector<16xf32>
      %swap3A_130 = arith.index_cast %scan3A_38 : i32 to index
      %swap3A_131 = arith.constant 96 : index
      %swap3A_132 = tpu.vector_load %arg10[%swap3A_130, %swap3A_131] {strides = array<i32>} : memref<32x1024xf32, #tpu.memory_space<vmem>>, vector<1x16xf32>,
      %swap3A_133 = vector.shape_cast %swap3A_132 : vector<1x16xf32> to vector<16xf32>
      %swap3A_134 = vector.shape_cast %add3A_129 : vector<16xf32> to vector<1x16xf32>
      tpu.vector_store %arg10[%swap3A_130, %swap3A_131], %swap3A_134 {strides = array<i32>} : memref<32x1024xf32, #tpu.memory_space<vmem>>, vector<1x16xf32>,
      %get3A_135 = arith.index_cast %scan3A_38 : i32 to index
      %get3A_136 = arith.constant 112 : index
      %get3A_137 = tpu.vector_load %arg8[%get3A_135, %get3A_136] {strides = array<i32>} : memref<32x1024xf32, #tpu.memory_space<vmem>>, vector<1x16xf32>,
      %get3A_138 = vector.shape_cast %get3A_137 : vector<1x16xf32> to vector<16xf32>
      %get3A_139 = arith.index_cast %scan3A_38 : i32 to index
      %get3A_140 = arith.constant 112 : index
      %get3A_141 = tpu.vector_load %arg9[%get3A_139, %get3A_140] {strides = array<i32>} : memref<32x1024xf32, #tpu.memory_space<vmem>>, vector<1x16xf32>,
      %get3A_142 = vector.shape_cast %get3A_141 : vector<1x16xf32> to vector<16xf32>
      %add3A_143 = arith.addf %get3A_138, %get3A_142 : vector<16xf32>
      %swap3A_144 = arith.index_cast %scan3A_38 : i32 to index
      %swap3A_145 = arith.constant 112 : index
      %swap3A_146 = tpu.vector_load %arg10[%swap3A_144, %swap3A_145] {strides = array<i32>} : memref<32x1024xf32, #tpu.memory_space<vmem>>, vector<1x16xf32>,
      %swap3A_147 = vector.shape_cast %swap3A_146 : vector<1x16xf32> to vector<16xf32>
      %swap3A_148 = vector.shape_cast %add3A_143 : vector<16xf32> to vector<1x16xf32>
      tpu.vector_store %arg10[%swap3A_144, %swap3A_145], %swap3A_148 {strides = array<i32>} : memref<32x1024xf32, #tpu.memory_space<vmem>>, vector<1x16xf32>,
      %get3A_149 = arith.index_cast %scan3A_38 : i32 to index
      %get3A_150 = arith.constant 128 : index
      %get3A_151 = tpu.vector_load %arg8[%get3A_149, %get3A_150] {strides = array<i32>} : memref<32x1024xf32, #tpu.memory_space<vmem>>, vector<1x16xf32>,
      %get3A_152 = vector.shape_cast %get3A_151 : vector<1x16xf32> to vector<16xf32>
      %get3A_153 = arith.index_cast %scan3A_38 : i32 to index
      %get3A_154 = arith.constant 128 : index
      %get3A_155 = tpu.vector_load %arg9[%get3A_153, %get3A_154] {strides = array<i32>} : memref<32x1024xf32, #tpu.memory_space<vmem>>, vector<1x16xf32>,
      %get3A_156 = vector.shape_cast %get3A_155 : vector<1x16xf32> to vector<16xf32>
      %add3A_157 = arith.addf %get3A_152, %get3A_156 : vector<16xf32>
      %swap3A_158 = arith.index_cast %scan3A_38 : i32 to index
      %swap3A_159 = arith.constant 128 : index
      %swap3A_160 = tpu.vector_load %arg10[%swap3A_158, %swap3A_159] {strides = array<i32>} : memref<32x1024xf32, #tpu.memory_space<vmem>>, vector<1x16xf32>,
      %swap3A_161 = vector.shape_cast %swap3A_160 : vector<1x16xf32> to vector<16xf32>
      %swap3A_162 = vector.shape_cast %add3A_157 : vector<16xf32> to vector<1x16xf32>
      tpu.vector_store %arg10[%swap3A_158, %swap3A_159], %swap3A_162 {strides = array<i32>} : memref<32x1024xf32, #tpu.memory_space<vmem>>, vector<1x16xf32>,
      %get3A_163 = arith.index_cast %scan3A_38 : i32 to index
      %get3A_164 = arith.constant 144 : index
      %get3A_165 = tpu.vector_load %arg8[%get3A_163, %get3A_164] {strides = array<i32>} : memref<32x1024xf32, #tpu.memory_space<vmem>>, vector<1x16xf32>,
      %get3A_166 = vector.shape_cast %get3A_165 : vector<1x16xf32> to vector<16xf32>
      %get3A_167 = arith.index_cast %scan3A_38 : i32 to index
      %get3A_168 = arith.constant 144 : index
      %get3A_169 = tpu.vector_load %arg9[%get3A_167, %get3A_168] {strides = array<i32>} : memref<32x1024xf32, #tpu.memory_space<vmem>>, vector<1x16xf32>,
      %get3A_170 = vector.shape_cast %get3A_169 : vector<1x16xf32> to vector<16xf32>
      %add3A_171 = arith.addf %get3A_166, %get3A_170 : vector<16xf32>
      %swap3A_172 = arith.index_cast %scan3A_38 : i32 to index
      %swap3A_173 = arith.constant 144 : index
      %swap3A_174 = tpu.vector_load %arg10[%swap3A_172, %swap3A_173] {strides = array<i32>} : memref<32x1024xf32, #tpu.memory_space<vmem>>, vector<1x16xf32>,
      %swap3A_175 = vector.shape_cast %swap3A_174 : vector<1x16xf32> to vector<16xf32>
      %swap3A_176 = vector.shape_cast %add3A_171 : vector<16xf32> to vector<1x16xf32>
      tpu.vector_store %arg10[%swap3A_172, %swap3A_173], %swap3A_176 {strides = array<i32>} : memref<32x1024xf32, #tpu.memory_space<vmem>>, vector<1x16xf32>,
      %get3A_177 = arith.index_cast %scan3A_38 : i32 to index
      %get3A_178 = arith.constant 160 : index
      %get3A_179 = tpu.vector_load %arg8[%get3A_177, %get3A_178] {strides = array<i32>} : memref<32x1024xf32, #tpu.memory_space<vmem>>, vector<1x16xf32>,
      %get3A_180 = vector.shape_cast %get3A_179 : vector<1x16xf32> to vector<16xf32>
      %get3A_181 = arith.index_cast %scan3A_38 : i32 to index
      %get3A_182 = arith.constant 160 : index
      %get3A_183 = tpu.vector_load %arg9[%get3A_181, %get3A_182] {strides = array<i32>} : memref<32x1024xf32, #tpu.memory_space<vmem>>, vector<1x16xf32>,
      %get3A_184 = vector.shape_cast %get3A_183 : vector<1x16xf32> to vector<16xf32>
      %add3A_185 = arith.addf %get3A_180, %get3A_184 : vector<16xf32>
      %swap3A_186 = arith.index_cast %scan3A_38 : i32 to index
      %swap3A_187 = arith.constant 160 : index
      %swap3A_188 = tpu.vector_load %arg10[%swap3A_186, %swap3A_187] {strides = array<i32>} : memref<32x1024xf32, #tpu.memory_space<vmem>>, vector<1x16xf32>,
      %swap3A_189 = vector.shape_cast %swap3A_188 : vector<1x16xf32> to vector<16xf32>
      %swap3A_190 = vector.shape_cast %add3A_185 : vector<16xf32> to vector<1x16xf32>
      tpu.vector_store %arg10[%swap3A_186, %swap3A_187], %swap3A_190 {strides = array<i32>} : memref<32x1024xf32, #tpu.memory_space<vmem>>, vector<1x16xf32>,
      %get3A_191 = arith.index_cast %scan3A_38 : i32 to index
      %get3A_192 = arith.constant 176 : index
      %get3A_193 = tpu.vector_load %arg8[%get3A_191, %get3A_192] {strides = array<i32>} : memref<32x1024xf32, #tpu.memory_space<vmem>>, vector<1x16xf32>,
      %get3A_194 = vector.shape_cast %get3A_193 : vector<1x16xf32> to vector<16xf32>
      %get3A_195 = arith.index_cast %scan3A_38 : i32 to index
      %get3A_196 = arith.constant 176 : index
      %get3A_197 = tpu.vector_load %arg9[%get3A_195, %get3A_196] {strides = array<i32>} : memref<32x1024xf32, #tpu.memory_space<vmem>>, vector<1x16xf32>,
      %get3A_198 = vector.shape_cast %get3A_197 : vector<1x16xf32> to vector<16xf32>
      %add3A_199 = arith.addf %get3A_194, %get3A_198 : vector<16xf32>
      %swap3A_200 = arith.index_cast %scan3A_38 : i32 to index
      %swap3A_201 = arith.constant 176 : index
      %swap3A_202 = tpu.vector_load %arg10[%swap3A_200, %swap3A_201] {strides = array<i32>} : memref<32x1024xf32, #tpu.memory_space<vmem>>, vector<1x16xf32>,
      %swap3A_203 = vector.shape_cast %swap3A_202 : vector<1x16xf32> to vector<16xf32>
      %swap3A_204 = vector.shape_cast %add3A_199 : vector<16xf32> to vector<1x16xf32>
      tpu.vector_store %arg10[%swap3A_200, %swap3A_201], %swap3A_204 {strides = array<i32>} : memref<32x1024xf32, #tpu.memory_space<vmem>>, vector<1x16xf32>,
      %get3A_205 = arith.index_cast %scan3A_38 : i32 to index
      %get3A_206 = arith.constant 192 : index
      %get3A_207 = tpu.vector_load %arg8[%get3A_205, %get3A_206] {strides = array<i32>} : memref<32x1024xf32, #tpu.memory_space<vmem>>, vector<1x16xf32>,
      %get3A_208 = vector.shape_cast %get3A_207 : vector<1x16xf32> to vector<16xf32>
      %get3A_209 = arith.index_cast %scan3A_38 : i32 to index
      %get3A_210 = arith.constant 192 : index
      %get3A_211 = tpu.vector_load %arg9[%get3A_209, %get3A_210] {strides = array<i32>} : memref<32x1024xf32, #tpu.memory_space<vmem>>, vector<1x16xf32>,
      %get3A_212 = vector.shape_cast %get3A_211 : vector<1x16xf32> to vector<16xf32>
      %add3A_213 = arith.addf %get3A_208, %get3A_212 : vector<16xf32>
      %swap3A_214 = arith.index_cast %scan3A_38 : i32 to index
      %swap3A_215 = arith.constant 192 : index
      %swap3A_216 = tpu.vector_load %arg10[%swap3A_214, %swap3A_215] {strides = array<i32>} : memref<32x1024xf32, #tpu.memory_space<vmem>>, vector<1x16xf32>,
      %swap3A_217 = vector.shape_cast %swap3A_216 : vector<1x16xf32> to vector<16xf32>
      %swap3A_218 = vector.shape_cast %add3A_213 : vector<16xf32> to vector<1x16xf32>
      tpu.vector_store %arg10[%swap3A_214, %swap3A_215], %swap3A_218 {strides = array<i32>} : memref<32x1024xf32, #tpu.memory_space<vmem>>, vector<1x16xf32>,
      %get3A_219 = arith.index_cast %scan3A_38 : i32 to index
      %get3A_220 = arith.constant 208 : index
      %get3A_221 = tpu.vector_load %arg8[%get3A_219, %get3A_220] {strides = array<i32>} : memref<32x1024xf32, #tpu.memory_space<vmem>>, vector<1x16xf32>,
      %get3A_222 = vector.shape_cast %get3A_221 : vector<1x16xf32> to vector<16xf32>
      %get3A_223 = arith.index_cast %scan3A_38 : i32 to index
      %get3A_224 = arith.constant 208 : index
      %get3A_225 = tpu.vector_load %arg9[%get3A_223, %get3A_224] {strides = array<i32>} : memref<32x1024xf32, #tpu.memory_space<vmem>>, vector<1x16xf32>,
      %get3A_226 = vector.shape_cast %get3A_225 : vector<1x16xf32> to vector<16xf32>
      %add3A_227 = arith.addf %get3A_222, %get3A_226 : vector<16xf32>
      %swap3A_228 = arith.index_cast %scan3A_38 : i32 to index
      %swap3A_229 = arith.constant 208 : index
      %swap3A_230 = tpu.vector_load %arg10[%swap3A_228, %swap3A_229] {strides = array<i32>} : memref<32x1024xf32, #tpu.memory_space<vmem>>, vector<1x16xf32>,
      %swap3A_231 = vector.shape_cast %swap3A_230 : vector<1x16xf32> to vector<16xf32>
      %swap3A_232 = vector.shape_cast %add3A_227 : vector<16xf32> to vector<1x16xf32>
      tpu.vector_store %arg10[%swap3A_228, %swap3A_229], %swap3A_232 {strides = array<i32>} : memref<32x1024xf32, #tpu.memory_space<vmem>>, vector<1x16xf32>,
      %get3A_233 = arith.index_cast %scan3A_38 : i32 to index
      %get3A_234 = arith.constant 224 : index
      %get3A_235 = tpu.vector_load %arg8[%get3A_233, %get3A_234] {strides = array<i32>} : memref<32x1024xf32, #tpu.memory_space<vmem>>, vector<1x16xf32>,
      %get3A_236 = vector.shape_cast %get3A_235 : vector<1x16xf32> to vector<16xf32>
      %get3A_237 = arith.index_cast %scan3A_38 : i32 to index
      %get3A_238 = arith.constant 224 : index
      %get3A_239 = tpu.vector_load %arg9[%get3A_237, %get3A_238] {strides = array<i32>} : memref<32x1024xf32, #tpu.memory_space<vmem>>, vector<1x16xf32>,
      %get3A_240 = vector.shape_cast %get3A_239 : vector<1x16xf32> to vector<16xf32>
      %add3A_241 = arith.addf %get3A_236, %get3A_240 : vector<16xf32>
      %swap3A_242 = arith.index_cast %scan3A_38 : i32 to index
      %swap3A_243 = arith.constant 224 : index
      %swap3A_244 = tpu.vector_load %arg10[%swap3A_242, %swap3A_243] {strides = array<i32>} : memref<32x1024xf32, #tpu.memory_space<vmem>>, vector<1x16xf32>,
      %swap3A_245 = vector.shape_cast %swap3A_244 : vector<1x16xf32> to vector<16xf32>
      %swap3A_246 = vector.shape_cast %add3A_241 : vector<16xf32> to vector<1x16xf32>
      tpu.vector_store %arg10[%swap3A_242, %swap3A_243], %swap3A_246 {strides = array<i32>} : memref<32x1024xf32, #tpu.memory_space<vmem>>, vector<1x16xf32>,
      %get3A_247 = arith.index_cast %scan3A_38 : i32 to index
      %get3A_248 = arith.constant 240 : index
      %get3A_249 = tpu.vector_load %arg8[%get3A_247, %get3A_248] {strides = array<i32>} : memref<32x1024xf32, #tpu.memory_space<vmem>>, vector<1x16xf32>,
      %get3A_250 = vector.shape_cast %get3A_249 : vector<1x16xf32> to vector<16xf32>
      %get3A_251 = arith.index_cast %scan3A_38 : i32 to index
      %get3A_252 = arith.constant 240 : index
      %get3A_253 = tpu.vector_load %arg9[%get3A_251, %get3A_252] {strides = array<i32>} : memref<32x1024xf32, #tpu.memory_space<vmem>>, vector<1x16xf32>,
      %get3A_254 = vector.shape_cast %get3A_253 : vector<1x16xf32> to vector<16xf32>
      %add3A_255 = arith.addf %get3A_250, %get3A_254 : vector<16xf32>
      %swap3A_256 = arith.index_cast %scan3A_38 : i32 to index
      %swap3A_257 = arith.constant 240 : index
      %swap3A_258 = tpu.vector_load %arg10[%swap3A_256, %swap3A_257] {strides = array<i32>} : memref<32x1024xf32, #tpu.memory_space<vmem>>, vector<1x16xf32>,
      %swap3A_259 = vector.shape_cast %swap3A_258 : vector<1x16xf32> to vector<16xf32>
      %swap3A_260 = vector.shape_cast %add3A_255 : vector<16xf32> to vector<1x16xf32>
      tpu.vector_store %arg10[%swap3A_256, %swap3A_257], %swap3A_260 {strides = array<i32>} : memref<32x1024xf32, #tpu.memory_space<vmem>>, vector<1x16xf32>,
      %get3A_261 = arith.index_cast %scan3A_38 : i32 to index
      %get3A_262 = arith.constant 256 : index
      %get3A_263 = tpu.vector_load %arg8[%get3A_261, %get3A_262] {strides = array<i32>} : memref<32x1024xf32, #tpu.memory_space<vmem>>, vector<1x16xf32>,
      %get3A_264 = vector.shape_cast %get3A_263 : vector<1x16xf32> to vector<16xf32>
      %get3A_265 = arith.index_cast %scan3A_38 : i32 to index
      %get3A_266 = arith.constant 256 : index
      %get3A_267 = tpu.vector_load %arg9[%get3A_265, %get3A_266] {strides = array<i32>} : memref<32x1024xf32, #tpu.memory_space<vmem>>, vector<1x16xf32>,
      %get3A_268 = vector.shape_cast %get3A_267 : vector<1x16xf32> to vector<16xf32>
      %add3A_269 = arith.addf %get3A_264, %get3A_268 : vector<16xf32>
      %swap3A_270 = arith.index_cast %scan3A_38 : i32 to index
      %swap3A_271 = arith.constant 256 : index
      %swap3A_272 = tpu.vector_load %arg10[%swap3A_270, %swap3A_271] {strides = array<i32>} : memref<32x1024xf32, #tpu.memory_space<vmem>>, vector<1x16xf32>,
      %swap3A_273 = vector.shape_cast %swap3A_272 : vector<1x16xf32> to vector<16xf32>
      %swap3A_274 = vector.shape_cast %add3A_269 : vector<16xf32> to vector<1x16xf32>
      tpu.vector_store %arg10[%swap3A_270, %swap3A_271], %swap3A_274 {strides = array<i32>} : memref<32x1024xf32, #tpu.memory_space<vmem>>, vector<1x16xf32>,
      %get3A_275 = arith.index_cast %scan3A_38 : i32 to index
      %get3A_276 = arith.constant 272 : index
      %get3A_277 = tpu.vector_load %arg8[%get3A_275, %get3A_276] {strides = array<i32>} : memref<32x1024xf32, #tpu.memory_space<vmem>>, vector<1x16xf32>,
      %get3A_278 = vector.shape_cast %get3A_277 : vector<1x16xf32> to vector<16xf32>
      %get3A_279 = arith.index_cast %scan3A_38 : i32 to index
      %get3A_280 = arith.constant 272 : index
      %get3A_281 = tpu.vector_load %arg9[%get3A_279, %get3A_280] {strides = array<i32>} : memref<32x1024xf32, #tpu.memory_space<vmem>>, vector<1x16xf32>,
      %get3A_282 = vector.shape_cast %get3A_281 : vector<1x16xf32> to vector<16xf32>
      %add3A_283 = arith.addf %get3A_278, %get3A_282 : vector<16xf32>
      %swap3A_284 = arith.index_cast %scan3A_38 : i32 to index
      %swap3A_285 = arith.constant 272 : index
      %swap3A_286 = tpu.vector_load %arg10[%swap3A_284, %swap3A_285] {strides = array<i32>} : memref<32x1024xf32, #tpu.memory_space<vmem>>, vector<1x16xf32>,
      %swap3A_287 = vector.shape_cast %swap3A_286 : vector<1x16xf32> to vector<16xf32>
      %swap3A_288 = vector.shape_cast %add3A_283 : vector<16xf32> to vector<1x16xf32>
      tpu.vector_store %arg10[%swap3A_284, %swap3A_285], %swap3A_288 {strides = array<i32>} : memref<32x1024xf32, #tpu.memory_space<vmem>>, vector<1x16xf32>,
      %get3A_289 = arith.index_cast %scan3A_38 : i32 to index
      %get3A_290 = arith.constant 288 : index
      %get3A_291 = tpu.vector_load %arg8[%get3A_289, %get3A_290] {strides = array<i32>} : memref<32x1024xf32, #tpu.memory_space<vmem>>, vector<1x16xf32>,
      %get3A_292 = vector.shape_cast %get3A_291 : vector<1x16xf32> to vector<16xf32>
      %get3A_293 = arith.index_cast %scan3A_38 : i32 to index
      %get3A_294 = arith.constant 288 : index
      %get3A_295 = tpu.vector_load %arg9[%get3A_293, %get3A_294] {strides = array<i32>} : memref<32x1024xf32, #tpu.memory_space<vmem>>, vector<1x16xf32>,
      %get3A_296 = vector.shape_cast %get3A_295 : vector<1x16xf32> to vector<16xf32>
      %add3A_297 = arith.addf %get3A_292, %get3A_296 : vector<16xf32>
      %swap3A_298 = arith.index_cast %scan3A_38 : i32 to index
      %swap3A_299 = arith.constant 288 : index
      %swap3A_300 = tpu.vector_load %arg10[%swap3A_298, %swap3A_299] {strides = array<i32>} : memref<32x1024xf32, #tpu.memory_space<vmem>>, vector<1x16xf32>,
      %swap3A_301 = vector.shape_cast %swap3A_300 : vector<1x16xf32> to vector<16xf32>
      %swap3A_302 = vector.shape_cast %add3A_297 : vector<16xf32> to vector<1x16xf32>
      tpu.vector_store %arg10[%swap3A_298, %swap3A_299], %swap3A_302 {strides = array<i32>} : memref<32x1024xf32, #tpu.memory_space<vmem>>, vector<1x16xf32>,
      %get3A_303 = arith.index_cast %scan3A_38 : i32 to index
      %get3A_304 = arith.constant 304 : index
      %get3A_305 = tpu.vector_load %arg8[%get3A_303, %get3A_304] {strides = array<i32>} : memref<32x1024xf32, #tpu.memory_space<vmem>>, vector<1x16xf32>,
      %get3A_306 = vector.shape_cast %get3A_305 : vector<1x16xf32> to vector<16xf32>
      %get3A_307 = arith.index_cast %scan3A_38 : i32 to index
      %get3A_308 = arith.constant 304 : index
      %get3A_309 = tpu.vector_load %arg9[%get3A_307, %get3A_308] {strides = array<i32>} : memref<32x1024xf32, #tpu.memory_space<vmem>>, vector<1x16xf32>,
      %get3A_310 = vector.shape_cast %get3A_309 : vector<1x16xf32> to vector<16xf32>
      %add3A_311 = arith.addf %get3A_306, %get3A_310 : vector<16xf32>
      %swap3A_312 = arith.index_cast %scan3A_38 : i32 to index
      %swap3A_313 = arith.constant 304 : index
      %swap3A_314 = tpu.vector_load %arg10[%swap3A_312, %swap3A_313] {strides = array<i32>} : memref<32x1024xf32, #tpu.memory_space<vmem>>, vector<1x16xf32>,
      %swap3A_315 = vector.shape_cast %swap3A_314 : vector<1x16xf32> to vector<16xf32>
      %swap3A_316 = vector.shape_cast %add3A_311 : vector<16xf32> to vector<1x16xf32>
      tpu.vector_store %arg10[%swap3A_312, %swap3A_313], %swap3A_316 {strides = array<i32>} : memref<32x1024xf32, #tpu.memory_space<vmem>>, vector<1x16xf32>,
      %get3A_317 = arith.index_cast %scan3A_38 : i32 to index
      %get3A_318 = arith.constant 320 : index
      %get3A_319 = tpu.vector_load %arg8[%get3A_317, %get3A_318] {strides = array<i32>} : memref<32x1024xf32, #tpu.memory_space<vmem>>, vector<1x16xf32>,
      %get3A_320 = vector.shape_cast %get3A_319 : vector<1x16xf32> to vector<16xf32>
      %get3A_321 = arith.index_cast %scan3A_38 : i32 to index
      %get3A_322 = arith.constant 320 : index
      %get3A_323 = tpu.vector_load %arg9[%get3A_321, %get3A_322] {strides = array<i32>} : memref<32x1024xf32, #tpu.memory_space<vmem>>, vector<1x16xf32>,
      %get3A_324 = vector.shape_cast %get3A_323 : vector<1x16xf32> to vector<16xf32>
      %add3A_325 = arith.addf %get3A_320, %get3A_324 : vector<16xf32>
      %swap3A_326 = arith.index_cast %scan3A_38 : i32 to index
      %swap3A_327 = arith.constant 320 : index
      %swap3A_328 = tpu.vector_load %arg10[%swap3A_326, %swap3A_327] {strides = array<i32>} : memref<32x1024xf32, #tpu.memory_space<vmem>>, vector<1x16xf32>,
      %swap3A_329 = vector.shape_cast %swap3A_328 : vector<1x16xf32> to vector<16xf32>
      %swap3A_330 = vector.shape_cast %add3A_325 : vector<16xf32> to vector<1x16xf32>
      tpu.vector_store %arg10[%swap3A_326, %swap3A_327], %swap3A_330 {strides = array<i32>} : memref<32x1024xf32, #tpu.memory_space<vmem>>, vector<1x16xf32>,
      %get3A_331 = arith.index_cast %scan3A_38 : i32 to index
      %get3A_332 = arith.constant 336 : index
      %get3A_333 = tpu.vector_load %arg8[%get3A_331, %get3A_332] {strides = array<i32>} : memref<32x1024xf32, #tpu.memory_space<vmem>>, vector<1x16xf32>,
      %get3A_334 = vector.shape_cast %get3A_333 : vector<1x16xf32> to vector<16xf32>
      %get3A_335 = arith.index_cast %scan3A_38 : i32 to index
      %get3A_336 = arith.constant 336 : index
      %get3A_337 = tpu.vector_load %arg9[%get3A_335, %get3A_336] {strides = array<i32>} : memref<32x1024xf32, #tpu.memory_space<vmem>>, vector<1x16xf32>,
      %get3A_338 = vector.shape_cast %get3A_337 : vector<1x16xf32> to vector<16xf32>
      %add3A_339 = arith.addf %get3A_334, %get3A_338 : vector<16xf32>
      %swap3A_340 = arith.index_cast %scan3A_38 : i32 to index
      %swap3A_341 = arith.constant 336 : index
      %swap3A_342 = tpu.vector_load %arg10[%swap3A_340, %swap3A_341] {strides = array<i32>} : memref<32x1024xf32, #tpu.memory_space<vmem>>, vector<1x16xf32>,
      %swap3A_343 = vector.shape_cast %swap3A_342 : vector<1x16xf32> to vector<16xf32>
      %swap3A_344 = vector.shape_cast %add3A_339 : vector<16xf32> to vector<1x16xf32>
      tpu.vector_store %arg10[%swap3A_340, %swap3A_341], %swap3A_344 {strides = array<i32>} : memref<32x1024xf32, #tpu.memory_space<vmem>>, vector<1x16xf32>,
      %get3A_345 = arith.index_cast %scan3A_38 : i32 to index
      %get3A_346 = arith.constant 352 : index
      %get3A_347 = tpu.vector_load %arg8[%get3A_345, %get3A_346] {strides = array<i32>} : memref<32x1024xf32, #tpu.memory_space<vmem>>, vector<1x16xf32>,
      %get3A_348 = vector.shape_cast %get3A_347 : vector<1x16xf32> to vector<16xf32>
      %get3A_349 = arith.index_cast %scan3A_38 : i32 to index
      %get3A_350 = arith.constant 352 : index
      %get3A_351 = tpu.vector_load %arg9[%get3A_349, %get3A_350] {strides = array<i32>} : memref<32x1024xf32, #tpu.memory_space<vmem>>, vector<1x16xf32>,
      %get3A_352 = vector.shape_cast %get3A_351 : vector<1x16xf32> to vector<16xf32>
      %add3A_353 = arith.addf %get3A_348, %get3A_352 : vector<16xf32>
      %swap3A_354 = arith.index_cast %scan3A_38 : i32 to index
      %swap3A_355 = arith.constant 352 : index
      %swap3A_356 = tpu.vector_load %arg10[%swap3A_354, %swap3A_355] {strides = array<i32>} : memref<32x1024xf32, #tpu.memory_space<vmem>>, vector<1x16xf32>,
      %swap3A_357 = vector.shape_cast %swap3A_356 : vector<1x16xf32> to vector<16xf32>
      %swap3A_358 = vector.shape_cast %add3A_353 : vector<16xf32> to vector<1x16xf32>
      tpu.vector_store %arg10[%swap3A_354, %swap3A_355], %swap3A_358 {strides = array<i32>} : memref<32x1024xf32, #tpu.memory_space<vmem>>, vector<1x16xf32>,
      %get3A_359 = arith.index_cast %scan3A_38 : i32 to index
      %get3A_360 = arith.constant 368 : index
      %get3A_361 = tpu.vector_load %arg8[%get3A_359, %get3A_360] {strides = array<i32>} : memref<32x1024xf32, #tpu.memory_space<vmem>>, vector<1x16xf32>,
      %get3A_362 = vector.shape_cast %get3A_361 : vector<1x16xf32> to vector<16xf32>
      %get3A_363 = arith.index_cast %scan3A_38 : i32 to index
      %get3A_364 = arith.constant 368 : index
      %get3A_365 = tpu.vector_load %arg9[%get3A_363, %get3A_364] {strides = array<i32>} : memref<32x1024xf32, #tpu.memory_space<vmem>>, vector<1x16xf32>,
      %get3A_366 = vector.shape_cast %get3A_365 : vector<1x16xf32> to vector<16xf32>
      %add3A_367 = arith.addf %get3A_362, %get3A_366 : vector<16xf32>
      %swap3A_368 = arith.index_cast %scan3A_38 : i32 to index
      %swap3A_369 = arith.constant 368 : index
      %swap3A_370 = tpu.vector_load %arg10[%swap3A_368, %swap3A_369] {strides = array<i32>} : memref<32x1024xf32, #tpu.memory_space<vmem>>, vector<1x16xf32>,
      %swap3A_371 = vector.shape_cast %swap3A_370 : vector<1x16xf32> to vector<16xf32>
      %swap3A_372 = vector.shape_cast %add3A_367 : vector<16xf32> to vector<1x16xf32>
      tpu.vector_store %arg10[%swap3A_368, %swap3A_369], %swap3A_372 {strides = array<i32>} : memref<32x1024xf32, #tpu.memory_space<vmem>>, vector<1x16xf32>,
      %get3A_373 = arith.index_cast %scan3A_38 : i32 to index
      %get3A_374 = arith.constant 384 : index
      %get3A_375 = tpu.vector_load %arg8[%get3A_373, %get3A_374] {strides = array<i32>} : memref<32x1024xf32, #tpu.memory_space<vmem>>, vector<1x16xf32>,
      %get3A_376 = vector.shape_cast %get3A_375 : vector<1x16xf32> to vector<16xf32>
      %get3A_377 = arith.index_cast %scan3A_38 : i32 to index
      %get3A_378 = arith.constant 384 : index
      %get3A_379 = tpu.vector_load %arg9[%get3A_377, %get3A_378] {strides = array<i32>} : memref<32x1024xf32, #tpu.memory_space<vmem>>, vector<1x16xf32>,
      %get3A_380 = vector.shape_cast %get3A_379 : vector<1x16xf32> to vector<16xf32>
      %add3A_381 = arith.addf %get3A_376, %get3A_380 : vector<16xf32>
      %swap3A_382 = arith.index_cast %scan3A_38 : i32 to index
      %swap3A_383 = arith.constant 384 : index
      %swap3A_384 = tpu.vector_load %arg10[%swap3A_382, %swap3A_383] {strides = array<i32>} : memref<32x1024xf32, #tpu.memory_space<vmem>>, vector<1x16xf32>,
      %swap3A_385 = vector.shape_cast %swap3A_384 : vector<1x16xf32> to vector<16xf32>
      %swap3A_386 = vector.shape_cast %add3A_381 : vector<16xf32> to vector<1x16xf32>
      tpu.vector_store %arg10[%swap3A_382, %swap3A_383], %swap3A_386 {strides = array<i32>} : memref<32x1024xf32, #tpu.memory_space<vmem>>, vector<1x16xf32>,
      %get3A_387 = arith.index_cast %scan3A_38 : i32 to index
      %get3A_388 = arith.constant 400 : index
      %get3A_389 = tpu.vector_load %arg8[%get3A_387, %get3A_388] {strides = array<i32>} : memref<32x1024xf32, #tpu.memory_space<vmem>>, vector<1x16xf32>,
      %get3A_390 = vector.shape_cast %get3A_389 : vector<1x16xf32> to vector<16xf32>
      %get3A_391 = arith.index_cast %scan3A_38 : i32 to index
      %get3A_392 = arith.constant 400 : index
      %get3A_393 = tpu.vector_load %arg9[%get3A_391, %get3A_392] {strides = array<i32>} : memref<32x1024xf32, #tpu.memory_space<vmem>>, vector<1x16xf32>,
      %get3A_394 = vector.shape_cast %get3A_393 : vector<1x16xf32> to vector<16xf32>
      %add3A_395 = arith.addf %get3A_390, %get3A_394 : vector<16xf32>
      %swap3A_396 = arith.index_cast %scan3A_38 : i32 to index
      %swap3A_397 = arith.constant 400 : index
      %swap3A_398 = tpu.vector_load %arg10[%swap3A_396, %swap3A_397] {strides = array<i32>} : memref<32x1024xf32, #tpu.memory_space<vmem>>, vector<1x16xf32>,
      %swap3A_399 = vector.shape_cast %swap3A_398 : vector<1x16xf32> to vector<16xf32>
      %swap3A_400 = vector.shape_cast %add3A_395 : vector<16xf32> to vector<1x16xf32>
      tpu.vector_store %arg10[%swap3A_396, %swap3A_397], %swap3A_400 {strides = array<i32>} : memref<32x1024xf32, #tpu.memory_space<vmem>>, vector<1x16xf32>,
      %get3A_401 = arith.index_cast %scan3A_38 : i32 to index
      %get3A_402 = arith.constant 416 : index
      %get3A_403 = tpu.vector_load %arg8[%get3A_401, %get3A_402] {strides = array<i32>} : memref<32x1024xf32, #tpu.memory_space<vmem>>, vector<1x16xf32>,
      %get3A_404 = vector.shape_cast %get3A_403 : vector<1x16xf32> to vector<16xf32>
      %get3A_405 = arith.index_cast %scan3A_38 : i32 to index
      %get3A_406 = arith.constant 416 : index
      %get3A_407 = tpu.vector_load %arg9[%get3A_405, %get3A_406] {strides = array<i32>} : memref<32x1024xf32, #tpu.memory_space<vmem>>, vector<1x16xf32>,
      %get3A_408 = vector.shape_cast %get3A_407 : vector<1x16xf32> to vector<16xf32>
      %add3A_409 = arith.addf %get3A_404, %get3A_408 : vector<16xf32>
      %swap3A_410 = arith.index_cast %scan3A_38 : i32 to index
      %swap3A_411 = arith.constant 416 : index
      %swap3A_412 = tpu.vector_load %arg10[%swap3A_410, %swap3A_411] {strides = array<i32>} : memref<32x1024xf32, #tpu.memory_space<vmem>>, vector<1x16xf32>,
      %swap3A_413 = vector.shape_cast %swap3A_412 : vector<1x16xf32> to vector<16xf32>
      %swap3A_414 = vector.shape_cast %add3A_409 : vector<16xf32> to vector<1x16xf32>
      tpu.vector_store %arg10[%swap3A_410, %swap3A_411], %swap3A_414 {strides = array<i32>} : memref<32x1024xf32, #tpu.memory_space<vmem>>, vector<1x16xf32>,
      %get3A_415 = arith.index_cast %scan3A_38 : i32 to index
      %get3A_416 = arith.constant 432 : index
      %get3A_417 = tpu.vector_load %arg8[%get3A_415, %get3A_416] {strides = array<i32>} : memref<32x1024xf32, #tpu.memory_space<vmem>>, vector<1x16xf32>,
      %get3A_418 = vector.shape_cast %get3A_417 : vector<1x16xf32> to vector<16xf32>
      %get3A_419 = arith.index_cast %scan3A_38 : i32 to index
      %get3A_420 = arith.constant 432 : index
      %get3A_421 = tpu.vector_load %arg9[%get3A_419, %get3A_420] {strides = array<i32>} : memref<32x1024xf32, #tpu.memory_space<vmem>>, vector<1x16xf32>,
      %get3A_422 = vector.shape_cast %get3A_421 : vector<1x16xf32> to vector<16xf32>
      %add3A_423 = arith.addf %get3A_418, %get3A_422 : vector<16xf32>
      %swap3A_424 = arith.index_cast %scan3A_38 : i32 to index
      %swap3A_425 = arith.constant 432 : index
      %swap3A_426 = tpu.vector_load %arg10[%swap3A_424, %swap3A_425] {strides = array<i32>} : memref<32x1024xf32, #tpu.memory_space<vmem>>, vector<1x16xf32>,
      %swap3A_427 = vector.shape_cast %swap3A_426 : vector<1x16xf32> to vector<16xf32>
      %swap3A_428 = vector.shape_cast %add3A_423 : vector<16xf32> to vector<1x16xf32>
      tpu.vector_store %arg10[%swap3A_424, %swap3A_425], %swap3A_428 {strides = array<i32>} : memref<32x1024xf32, #tpu.memory_space<vmem>>, vector<1x16xf32>,
      %get3A_429 = arith.index_cast %scan3A_38 : i32 to index
      %get3A_430 = arith.constant 448 : index
      %get3A_431 = tpu.vector_load %arg8[%get3A_429, %get3A_430] {strides = array<i32>} : memref<32x1024xf32, #tpu.memory_space<vmem>>, vector<1x16xf32>,
      %get3A_432 = vector.shape_cast %get3A_431 : vector<1x16xf32> to vector<16xf32>
      %get3A_433 = arith.index_cast %scan3A_38 : i32 to index
      %get3A_434 = arith.constant 448 : index
      %get3A_435 = tpu.vector_load %arg9[%get3A_433, %get3A_434] {strides = array<i32>} : memref<32x1024xf32, #tpu.memory_space<vmem>>, vector<1x16xf32>,
      %get3A_436 = vector.shape_cast %get3A_435 : vector<1x16xf32> to vector<16xf32>
      %add3A_437 = arith.addf %get3A_432, %get3A_436 : vector<16xf32>
      %swap3A_438 = arith.index_cast %scan3A_38 : i32 to index
      %swap3A_439 = arith.constant 448 : index
      %swap3A_440 = tpu.vector_load %arg10[%swap3A_438, %swap3A_439] {strides = array<i32>} : memref<32x1024xf32, #tpu.memory_space<vmem>>, vector<1x16xf32>,
      %swap3A_441 = vector.shape_cast %swap3A_440 : vector<1x16xf32> to vector<16xf32>
      %swap3A_442 = vector.shape_cast %add3A_437 : vector<16xf32> to vector<1x16xf32>
      tpu.vector_store %arg10[%swap3A_438, %swap3A_439], %swap3A_442 {strides = array<i32>} : memref<32x1024xf32, #tpu.memory_space<vmem>>, vector<1x16xf32>,
      %get3A_443 = arith.index_cast %scan3A_38 : i32 to index
      %get3A_444 = arith.constant 464 : index
      %get3A_445 = tpu.vector_load %arg8[%get3A_443, %get3A_444] {strides = array<i32>} : memref<32x1024xf32, #tpu.memory_space<vmem>>, vector<1x16xf32>,
      %get3A_446 = vector.shape_cast %get3A_445 : vector<1x16xf32> to vector<16xf32>
      %get3A_447 = arith.index_cast %scan3A_38 : i32 to index
      %get3A_448 = arith.constant 464 : index
      %get3A_449 = tpu.vector_load %arg9[%get3A_447, %get3A_448] {strides = array<i32>} : memref<32x1024xf32, #tpu.memory_space<vmem>>, vector<1x16xf32>,
      %get3A_450 = vector.shape_cast %get3A_449 : vector<1x16xf32> to vector<16xf32>
      %add3A_451 = arith.addf %get3A_446, %get3A_450 : vector<16xf32>
      %swap3A_452 = arith.index_cast %scan3A_38 : i32 to index
      %swap3A_453 = arith.constant 464 : index
      %swap3A_454 = tpu.vector_load %arg10[%swap3A_452, %swap3A_453] {strides = array<i32>} : memref<32x1024xf32, #tpu.memory_space<vmem>>, vector<1x16xf32>,
      %swap3A_455 = vector.shape_cast %swap3A_454 : vector<1x16xf32> to vector<16xf32>
      %swap3A_456 = vector.shape_cast %add3A_451 : vector<16xf32> to vector<1x16xf32>
      tpu.vector_store %arg10[%swap3A_452, %swap3A_453], %swap3A_456 {strides = array<i32>} : memref<32x1024xf32, #tpu.memory_space<vmem>>, vector<1x16xf32>,
      %get3A_457 = arith.index_cast %scan3A_38 : i32 to index
      %get3A_458 = arith.constant 480 : index
      %get3A_459 = tpu.vector_load %arg8[%get3A_457, %get3A_458] {strides = array<i32>} : memref<32x1024xf32, #tpu.memory_space<vmem>>, vector<1x16xf32>,
      %get3A_460 = vector.shape_cast %get3A_459 : vector<1x16xf32> to vector<16xf32>
      %get3A_461 = arith.index_cast %scan3A_38 : i32 to index
      %get3A_462 = arith.constant 480 : index
      %get3A_463 = tpu.vector_load %arg9[%get3A_461, %get3A_462] {strides = array<i32>} : memref<32x1024xf32, #tpu.memory_space<vmem>>, vector<1x16xf32>,
      %get3A_464 = vector.shape_cast %get3A_463 : vector<1x16xf32> to vector<16xf32>
      %add3A_465 = arith.addf %get3A_460, %get3A_464 : vector<16xf32>
      %swap3A_466 = arith.index_cast %scan3A_38 : i32 to index
      %swap3A_467 = arith.constant 480 : index
      %swap3A_468 = tpu.vector_load %arg10[%swap3A_466, %swap3A_467] {strides = array<i32>} : memref<32x1024xf32, #tpu.memory_space<vmem>>, vector<1x16xf32>,
      %swap3A_469 = vector.shape_cast %swap3A_468 : vector<1x16xf32> to vector<16xf32>
      %swap3A_470 = vector.shape_cast %add3A_465 : vector<16xf32> to vector<1x16xf32>
      tpu.vector_store %arg10[%swap3A_466, %swap3A_467], %swap3A_470 {strides = array<i32>} : memref<32x1024xf32, #tpu.memory_space<vmem>>, vector<1x16xf32>,
      %get3A_471 = arith.index_cast %scan3A_38 : i32 to index
      %get3A_472 = arith.constant 496 : index
      %get3A_473 = tpu.vector_load %arg8[%get3A_471, %get3A_472] {strides = array<i32>} : memref<32x1024xf32, #tpu.memory_space<vmem>>, vector<1x16xf32>,
      %get3A_474 = vector.shape_cast %get3A_473 : vector<1x16xf32> to vector<16xf32>
      %get3A_475 = arith.index_cast %scan3A_38 : i32 to index
      %get3A_476 = arith.constant 496 : index
      %get3A_477 = tpu.vector_load %arg9[%get3A_475, %get3A_476] {strides = array<i32>} : memref<32x1024xf32, #tpu.memory_space<vmem>>, vector<1x16xf32>,
      %get3A_478 = vector.shape_cast %get3A_477 : vector<1x16xf32> to vector<16xf32>
      %add3A_479 = arith.addf %get3A_474, %get3A_478 : vector<16xf32>
      %swap3A_480 = arith.index_cast %scan3A_38 : i32 to index
      %swap3A_481 = arith.constant 496 : index
      %swap3A_482 = tpu.vector_load %arg10[%swap3A_480, %swap3A_481] {strides = array<i32>} : memref<32x1024xf32, #tpu.memory_space<vmem>>, vector<1x16xf32>,
      %swap3A_483 = vector.shape_cast %swap3A_482 : vector<1x16xf32> to vector<16xf32>
      %swap3A_484 = vector.shape_cast %add3A_479 : vector<16xf32> to vector<1x16xf32>
      tpu.vector_store %arg10[%swap3A_480, %swap3A_481], %swap3A_484 {strides = array<i32>} : memref<32x1024xf32, #tpu.memory_space<vmem>>, vector<1x16xf32>,
      %get3A_485 = arith.index_cast %scan3A_38 : i32 to index
      %get3A_486 = arith.constant 512 : index
      %get3A_487 = tpu.vector_load %arg8[%get3A_485, %get3A_486] {strides = array<i32>} : memref<32x1024xf32, #tpu.memory_space<vmem>>, vector<1x16xf32>,
      %get3A_488 = vector.shape_cast %get3A_487 : vector<1x16xf32> to vector<16xf32>
      %get3A_489 = arith.index_cast %scan3A_38 : i32 to index
      %get3A_490 = arith.constant 512 : index
      %get3A_491 = tpu.vector_load %arg9[%get3A_489, %get3A_490] {strides = array<i32>} : memref<32x1024xf32, #tpu.memory_space<vmem>>, vector<1x16xf32>,
      %get3A_492 = vector.shape_cast %get3A_491 : vector<1x16xf32> to vector<16xf32>
      %add3A_493 = arith.addf %get3A_488, %get3A_492 : vector<16xf32>
      %swap3A_494 = arith.index_cast %scan3A_38 : i32 to index
      %swap3A_495 = arith.constant 512 : index
      %swap3A_496 = tpu.vector_load %arg10[%swap3A_494, %swap3A_495] {strides = array<i32>} : memref<32x1024xf32, #tpu.memory_space<vmem>>, vector<1x16xf32>,
      %swap3A_497 = vector.shape_cast %swap3A_496 : vector<1x16xf32> to vector<16xf32>
      %swap3A_498 = vector.shape_cast %add3A_493 : vector<16xf32> to vector<1x16xf32>
      tpu.vector_store %arg10[%swap3A_494, %swap3A_495], %swap3A_498 {strides = array<i32>} : memref<32x1024xf32, #tpu.memory_space<vmem>>, vector<1x16xf32>,
      %get3A_499 = arith.index_cast %scan3A_38 : i32 to index
      %get3A_500 = arith.constant 528 : index
      %get3A_501 = tpu.vector_load %arg8[%get3A_499, %get3A_500] {strides = array<i32>} : memref<32x1024xf32, #tpu.memory_space<vmem>>, vector<1x16xf32>,
      %get3A_502 = vector.shape_cast %get3A_501 : vector<1x16xf32> to vector<16xf32>
      %get3A_503 = arith.index_cast %scan3A_38 : i32 to index
      %get3A_504 = arith.constant 528 : index
      %get3A_505 = tpu.vector_load %arg9[%get3A_503, %get3A_504] {strides = array<i32>} : memref<32x1024xf32, #tpu.memory_space<vmem>>, vector<1x16xf32>,
      %get3A_506 = vector.shape_cast %get3A_505 : vector<1x16xf32> to vector<16xf32>
      %add3A_507 = arith.addf %get3A_502, %get3A_506 : vector<16xf32>
      %swap3A_508 = arith.index_cast %scan3A_38 : i32 to index
      %swap3A_509 = arith.constant 528 : index
      %swap3A_510 = tpu.vector_load %arg10[%swap3A_508, %swap3A_509] {strides = array<i32>} : memref<32x1024xf32, #tpu.memory_space<vmem>>, vector<1x16xf32>,
      %swap3A_511 = vector.shape_cast %swap3A_510 : vector<1x16xf32> to vector<16xf32>
      %swap3A_512 = vector.shape_cast %add3A_507 : vector<16xf32> to vector<1x16xf32>
      tpu.vector_store %arg10[%swap3A_508, %swap3A_509], %swap3A_512 {strides = array<i32>} : memref<32x1024xf32, #tpu.memory_space<vmem>>, vector<1x16xf32>,
      %get3A_513 = arith.index_cast %scan3A_38 : i32 to index
      %get3A_514 = arith.constant 544 : index
      %get3A_515 = tpu.vector_load %arg8[%get3A_513, %get3A_514] {strides = array<i32>} : memref<32x1024xf32, #tpu.memory_space<vmem>>, vector<1x16xf32>,
      %get3A_516 = vector.shape_cast %get3A_515 : vector<1x16xf32> to vector<16xf32>
      %get3A_517 = arith.index_cast %scan3A_38 : i32 to index
      %get3A_518 = arith.constant 544 : index
      %get3A_519 = tpu.vector_load %arg9[%get3A_517, %get3A_518] {strides = array<i32>} : memref<32x1024xf32, #tpu.memory_space<vmem>>, vector<1x16xf32>,
      %get3A_520 = vector.shape_cast %get3A_519 : vector<1x16xf32> to vector<16xf32>
      %add3A_521 = arith.addf %get3A_516, %get3A_520 : vector<16xf32>
      %swap3A_522 = arith.index_cast %scan3A_38 : i32 to index
      %swap3A_523 = arith.constant 544 : index
      %swap3A_524 = tpu.vector_load %arg10[%swap3A_522, %swap3A_523] {strides = array<i32>} : memref<32x1024xf32, #tpu.memory_space<vmem>>, vector<1x16xf32>,
      %swap3A_525 = vector.shape_cast %swap3A_524 : vector<1x16xf32> to vector<16xf32>
      %swap3A_526 = vector.shape_cast %add3A_521 : vector<16xf32> to vector<1x16xf32>
      tpu.vector_store %arg10[%swap3A_522, %swap3A_523], %swap3A_526 {strides = array<i32>} : memref<32x1024xf32, #tpu.memory_space<vmem>>, vector<1x16xf32>,
      %get3A_527 = arith.index_cast %scan3A_38 : i32 to index
      %get3A_528 = arith.constant 560 : index
      %get3A_529 = tpu.vector_load %arg8[%get3A_527, %get3A_528] {strides = array<i32>} : memref<32x1024xf32, #tpu.memory_space<vmem>>, vector<1x16xf32>,
      %get3A_530 = vector.shape_cast %get3A_529 : vector<1x16xf32> to vector<16xf32>
      %get3A_531 = arith.index_cast %scan3A_38 : i32 to index
      %get3A_532 = arith.constant 560 : index
      %get3A_533 = tpu.vector_load %arg9[%get3A_531, %get3A_532] {strides = array<i32>} : memref<32x1024xf32, #tpu.memory_space<vmem>>, vector<1x16xf32>,
      %get3A_534 = vector.shape_cast %get3A_533 : vector<1x16xf32> to vector<16xf32>
      %add3A_535 = arith.addf %get3A_530, %get3A_534 : vector<16xf32>
      %swap3A_536 = arith.index_cast %scan3A_38 : i32 to index
      %swap3A_537 = arith.constant 560 : index
      %swap3A_538 = tpu.vector_load %arg10[%swap3A_536, %swap3A_537] {strides = array<i32>} : memref<32x1024xf32, #tpu.memory_space<vmem>>, vector<1x16xf32>,
      %swap3A_539 = vector.shape_cast %swap3A_538 : vector<1x16xf32> to vector<16xf32>
      %swap3A_540 = vector.shape_cast %add3A_535 : vector<16xf32> to vector<1x16xf32>
      tpu.vector_store %arg10[%swap3A_536, %swap3A_537], %swap3A_540 {strides = array<i32>} : memref<32x1024xf32, #tpu.memory_space<vmem>>, vector<1x16xf32>,
      %get3A_541 = arith.index_cast %scan3A_38 : i32 to index
      %get3A_542 = arith.constant 576 : index
      %get3A_543 = tpu.vector_load %arg8[%get3A_541, %get3A_542] {strides = array<i32>} : memref<32x1024xf32, #tpu.memory_space<vmem>>, vector<1x16xf32>,
      %get3A_544 = vector.shape_cast %get3A_543 : vector<1x16xf32> to vector<16xf32>
      %get3A_545 = arith.index_cast %scan3A_38 : i32 to index
      %get3A_546 = arith.constant 576 : index
      %get3A_547 = tpu.vector_load %arg9[%get3A_545, %get3A_546] {strides = array<i32>} : memref<32x1024xf32, #tpu.memory_space<vmem>>, vector<1x16xf32>,
      %get3A_548 = vector.shape_cast %get3A_547 : vector<1x16xf32> to vector<16xf32>
      %add3A_549 = arith.addf %get3A_544, %get3A_548 : vector<16xf32>
      %swap3A_550 = arith.index_cast %scan3A_38 : i32 to index
      %swap3A_551 = arith.constant 576 : index
      %swap3A_552 = tpu.vector_load %arg10[%swap3A_550, %swap3A_551] {strides = array<i32>} : memref<32x1024xf32, #tpu.memory_space<vmem>>, vector<1x16xf32>,
      %swap3A_553 = vector.shape_cast %swap3A_552 : vector<1x16xf32> to vector<16xf32>
      %swap3A_554 = vector.shape_cast %add3A_549 : vector<16xf32> to vector<1x16xf32>
      tpu.vector_store %arg10[%swap3A_550, %swap3A_551], %swap3A_554 {strides = array<i32>} : memref<32x1024xf32, #tpu.memory_space<vmem>>, vector<1x16xf32>,
      %get3A_555 = arith.index_cast %scan3A_38 : i32 to index
      %get3A_556 = arith.constant 592 : index
      %get3A_557 = tpu.vector_load %arg8[%get3A_555, %get3A_556] {strides = array<i32>} : memref<32x1024xf32, #tpu.memory_space<vmem>>, vector<1x16xf32>,
      %get3A_558 = vector.shape_cast %get3A_557 : vector<1x16xf32> to vector<16xf32>
      %get3A_559 = arith.index_cast %scan3A_38 : i32 to index
      %get3A_560 = arith.constant 592 : index
      %get3A_561 = tpu.vector_load %arg9[%get3A_559, %get3A_560] {strides = array<i32>} : memref<32x1024xf32, #tpu.memory_space<vmem>>, vector<1x16xf32>,
      %get3A_562 = vector.shape_cast %get3A_561 : vector<1x16xf32> to vector<16xf32>
      %add3A_563 = arith.addf %get3A_558, %get3A_562 : vector<16xf32>
      %swap3A_564 = arith.index_cast %scan3A_38 : i32 to index
      %swap3A_565 = arith.constant 592 : index
      %swap3A_566 = tpu.vector_load %arg10[%swap3A_564, %swap3A_565] {strides = array<i32>} : memref<32x1024xf32, #tpu.memory_space<vmem>>, vector<1x16xf32>,
      %swap3A_567 = vector.shape_cast %swap3A_566 : vector<1x16xf32> to vector<16xf32>
      %swap3A_568 = vector.shape_cast %add3A_563 : vector<16xf32> to vector<1x16xf32>
      tpu.vector_store %arg10[%swap3A_564, %swap3A_565], %swap3A_568 {strides = array<i32>} : memref<32x1024xf32, #tpu.memory_space<vmem>>, vector<1x16xf32>,
      %get3A_569 = arith.index_cast %scan3A_38 : i32 to index
      %get3A_570 = arith.constant 608 : index
      %get3A_571 = tpu.vector_load %arg8[%get3A_569, %get3A_570] {strides = array<i32>} : memref<32x1024xf32, #tpu.memory_space<vmem>>, vector<1x16xf32>,
      %get3A_572 = vector.shape_cast %get3A_571 : vector<1x16xf32> to vector<16xf32>
      %get3A_573 = arith.index_cast %scan3A_38 : i32 to index
      %get3A_574 = arith.constant 608 : index
      %get3A_575 = tpu.vector_load %arg9[%get3A_573, %get3A_574] {strides = array<i32>} : memref<32x1024xf32, #tpu.memory_space<vmem>>, vector<1x16xf32>,
      %get3A_576 = vector.shape_cast %get3A_575 : vector<1x16xf32> to vector<16xf32>
      %add3A_577 = arith.addf %get3A_572, %get3A_576 : vector<16xf32>
      %swap3A_578 = arith.index_cast %scan3A_38 : i32 to index
      %swap3A_579 = arith.constant 608 : index
      %swap3A_580 = tpu.vector_load %arg10[%swap3A_578, %swap3A_579] {strides = array<i32>} : memref<32x1024xf32, #tpu.memory_space<vmem>>, vector<1x16xf32>,
      %swap3A_581 = vector.shape_cast %swap3A_580 : vector<1x16xf32> to vector<16xf32>
      %swap3A_582 = vector.shape_cast %add3A_577 : vector<16xf32> to vector<1x16xf32>
      tpu.vector_store %arg10[%swap3A_578, %swap3A_579], %swap3A_582 {strides = array<i32>} : memref<32x1024xf32, #tpu.memory_space<vmem>>, vector<1x16xf32>,
      %get3A_583 = arith.index_cast %scan3A_38 : i32 to index
      %get3A_584 = arith.constant 624 : index
      %get3A_585 = tpu.vector_load %arg8[%get3A_583, %get3A_584] {strides = array<i32>} : memref<32x1024xf32, #tpu.memory_space<vmem>>, vector<1x16xf32>,
      %get3A_586 = vector.shape_cast %get3A_585 : vector<1x16xf32> to vector<16xf32>
      %get3A_587 = arith.index_cast %scan3A_38 : i32 to index
      %get3A_588 = arith.constant 624 : index
      %get3A_589 = tpu.vector_load %arg9[%get3A_587, %get3A_588] {strides = array<i32>} : memref<32x1024xf32, #tpu.memory_space<vmem>>, vector<1x16xf32>,
      %get3A_590 = vector.shape_cast %get3A_589 : vector<1x16xf32> to vector<16xf32>
      %add3A_591 = arith.addf %get3A_586, %get3A_590 : vector<16xf32>
      %swap3A_592 = arith.index_cast %scan3A_38 : i32 to index
      %swap3A_593 = arith.constant 624 : index
      %swap3A_594 = tpu.vector_load %arg10[%swap3A_592, %swap3A_593] {strides = array<i32>} : memref<32x1024xf32, #tpu.memory_space<vmem>>, vector<1x16xf32>,
      %swap3A_595 = vector.shape_cast %swap3A_594 : vector<1x16xf32> to vector<16xf32>
      %swap3A_596 = vector.shape_cast %add3A_591 : vector<16xf32> to vector<1x16xf32>
      tpu.vector_store %arg10[%swap3A_592, %swap3A_593], %swap3A_596 {strides = array<i32>} : memref<32x1024xf32, #tpu.memory_space<vmem>>, vector<1x16xf32>,
      %get3A_597 = arith.index_cast %scan3A_38 : i32 to index
      %get3A_598 = arith.constant 640 : index
      %get3A_599 = tpu.vector_load %arg8[%get3A_597, %get3A_598] {strides = array<i32>} : memref<32x1024xf32, #tpu.memory_space<vmem>>, vector<1x16xf32>,
      %get3A_600 = vector.shape_cast %get3A_599 : vector<1x16xf32> to vector<16xf32>
      %get3A_601 = arith.index_cast %scan3A_38 : i32 to index
      %get3A_602 = arith.constant 640 : index
      %get3A_603 = tpu.vector_load %arg9[%get3A_601, %get3A_602] {strides = array<i32>} : memref<32x1024xf32, #tpu.memory_space<vmem>>, vector<1x16xf32>,
      %get3A_604 = vector.shape_cast %get3A_603 : vector<1x16xf32> to vector<16xf32>
      %add3A_605 = arith.addf %get3A_600, %get3A_604 : vector<16xf32>
      %swap3A_606 = arith.index_cast %scan3A_38 : i32 to index
      %swap3A_607 = arith.constant 640 : index
      %swap3A_608 = tpu.vector_load %arg10[%swap3A_606, %swap3A_607] {strides = array<i32>} : memref<32x1024xf32, #tpu.memory_space<vmem>>, vector<1x16xf32>,
      %swap3A_609 = vector.shape_cast %swap3A_608 : vector<1x16xf32> to vector<16xf32>
      %swap3A_610 = vector.shape_cast %add3A_605 : vector<16xf32> to vector<1x16xf32>
      tpu.vector_store %arg10[%swap3A_606, %swap3A_607], %swap3A_610 {strides = array<i32>} : memref<32x1024xf32, #tpu.memory_space<vmem>>, vector<1x16xf32>,
      %get3A_611 = arith.index_cast %scan3A_38 : i32 to index
      %get3A_612 = arith.constant 656 : index
      %get3A_613 = tpu.vector_load %arg8[%get3A_611, %get3A_612] {strides = array<i32>} : memref<32x1024xf32, #tpu.memory_space<vmem>>, vector<1x16xf32>,
      %get3A_614 = vector.shape_cast %get3A_613 : vector<1x16xf32> to vector<16xf32>
      %get3A_615 = arith.index_cast %scan3A_38 : i32 to index
      %get3A_616 = arith.constant 656 : index
      %get3A_617 = tpu.vector_load %arg9[%get3A_615, %get3A_616] {strides = array<i32>} : memref<32x1024xf32, #tpu.memory_space<vmem>>, vector<1x16xf32>,
      %get3A_618 = vector.shape_cast %get3A_617 : vector<1x16xf32> to vector<16xf32>
      %add3A_619 = arith.addf %get3A_614, %get3A_618 : vector<16xf32>
      %swap3A_620 = arith.index_cast %scan3A_38 : i32 to index
      %swap3A_621 = arith.constant 656 : index
      %swap3A_622 = tpu.vector_load %arg10[%swap3A_620, %swap3A_621] {strides = array<i32>} : memref<32x1024xf32, #tpu.memory_space<vmem>>, vector<1x16xf32>,
      %swap3A_623 = vector.shape_cast %swap3A_622 : vector<1x16xf32> to vector<16xf32>
      %swap3A_624 = vector.shape_cast %add3A_619 : vector<16xf32> to vector<1x16xf32>
      tpu.vector_store %arg10[%swap3A_620, %swap3A_621], %swap3A_624 {strides = array<i32>} : memref<32x1024xf32, #tpu.memory_space<vmem>>, vector<1x16xf32>,
      %get3A_625 = arith.index_cast %scan3A_38 : i32 to index
      %get3A_626 = arith.constant 672 : index
      %get3A_627 = tpu.vector_load %arg8[%get3A_625, %get3A_626] {strides = array<i32>} : memref<32x1024xf32, #tpu.memory_space<vmem>>, vector<1x16xf32>,
      %get3A_628 = vector.shape_cast %get3A_627 : vector<1x16xf32> to vector<16xf32>
      %get3A_629 = arith.index_cast %scan3A_38 : i32 to index
      %get3A_630 = arith.constant 672 : index
      %get3A_631 = tpu.vector_load %arg9[%get3A_629, %get3A_630] {strides = array<i32>} : memref<32x1024xf32, #tpu.memory_space<vmem>>, vector<1x16xf32>,
      %get3A_632 = vector.shape_cast %get3A_631 : vector<1x16xf32> to vector<16xf32>
      %add3A_633 = arith.addf %get3A_628, %get3A_632 : vector<16xf32>
      %swap3A_634 = arith.index_cast %scan3A_38 : i32 to index
      %swap3A_635 = arith.constant 672 : index
      %swap3A_636 = tpu.vector_load %arg10[%swap3A_634, %swap3A_635] {strides = array<i32>} : memref<32x1024xf32, #tpu.memory_space<vmem>>, vector<1x16xf32>,
      %swap3A_637 = vector.shape_cast %swap3A_636 : vector<1x16xf32> to vector<16xf32>
      %swap3A_638 = vector.shape_cast %add3A_633 : vector<16xf32> to vector<1x16xf32>
      tpu.vector_store %arg10[%swap3A_634, %swap3A_635], %swap3A_638 {strides = array<i32>} : memref<32x1024xf32, #tpu.memory_space<vmem>>, vector<1x16xf32>,
      %get3A_639 = arith.index_cast %scan3A_38 : i32 to index
      %get3A_640 = arith.constant 688 : index
      %get3A_641 = tpu.vector_load %arg8[%get3A_639, %get3A_640] {strides = array<i32>} : memref<32x1024xf32, #tpu.memory_space<vmem>>, vector<1x16xf32>,
      %get3A_642 = vector.shape_cast %get3A_641 : vector<1x16xf32> to vector<16xf32>
      %get3A_643 = arith.index_cast %scan3A_38 : i32 to index
      %get3A_644 = arith.constant 688 : index
      %get3A_645 = tpu.vector_load %arg9[%get3A_643, %get3A_644] {strides = array<i32>} : memref<32x1024xf32, #tpu.memory_space<vmem>>, vector<1x16xf32>,
      %get3A_646 = vector.shape_cast %get3A_645 : vector<1x16xf32> to vector<16xf32>
      %add3A_647 = arith.addf %get3A_642, %get3A_646 : vector<16xf32>
      %swap3A_648 = arith.index_cast %scan3A_38 : i32 to index
      %swap3A_649 = arith.constant 688 : index
      %swap3A_650 = tpu.vector_load %arg10[%swap3A_648, %swap3A_649] {strides = array<i32>} : memref<32x1024xf32, #tpu.memory_space<vmem>>, vector<1x16xf32>,
      %swap3A_651 = vector.shape_cast %swap3A_650 : vector<1x16xf32> to vector<16xf32>
      %swap3A_652 = vector.shape_cast %add3A_647 : vector<16xf32> to vector<1x16xf32>
      tpu.vector_store %arg10[%swap3A_648, %swap3A_649], %swap3A_652 {strides = array<i32>} : memref<32x1024xf32, #tpu.memory_space<vmem>>, vector<1x16xf32>,
      %get3A_653 = arith.index_cast %scan3A_38 : i32 to index
      %get3A_654 = arith.constant 704 : index
      %get3A_655 = tpu.vector_load %arg8[%get3A_653, %get3A_654] {strides = array<i32>} : memref<32x1024xf32, #tpu.memory_space<vmem>>, vector<1x16xf32>,
      %get3A_656 = vector.shape_cast %get3A_655 : vector<1x16xf32> to vector<16xf32>
      %get3A_657 = arith.index_cast %scan3A_38 : i32 to index
      %get3A_658 = arith.constant 704 : index
      %get3A_659 = tpu.vector_load %arg9[%get3A_657, %get3A_658] {strides = array<i32>} : memref<32x1024xf32, #tpu.memory_space<vmem>>, vector<1x16xf32>,
      %get3A_660 = vector.shape_cast %get3A_659 : vector<1x16xf32> to vector<16xf32>
      %add3A_661 = arith.addf %get3A_656, %get3A_660 : vector<16xf32>
      %swap3A_662 = arith.index_cast %scan3A_38 : i32 to index
      %swap3A_663 = arith.constant 704 : index
      %swap3A_664 = tpu.vector_load %arg10[%swap3A_662, %swap3A_663] {strides = array<i32>} : memref<32x1024xf32, #tpu.memory_space<vmem>>, vector<1x16xf32>,
      %swap3A_665 = vector.shape_cast %swap3A_664 : vector<1x16xf32> to vector<16xf32>
      %swap3A_666 = vector.shape_cast %add3A_661 : vector<16xf32> to vector<1x16xf32>
      tpu.vector_store %arg10[%swap3A_662, %swap3A_663], %swap3A_666 {strides = array<i32>} : memref<32x1024xf32, #tpu.memory_space<vmem>>, vector<1x16xf32>,
      %get3A_667 = arith.index_cast %scan3A_38 : i32 to index
      %get3A_668 = arith.constant 720 : index
      %get3A_669 = tpu.vector_load %arg8[%get3A_667, %get3A_668] {strides = array<i32>} : memref<32x1024xf32, #tpu.memory_space<vmem>>, vector<1x16xf32>,
      %get3A_670 = vector.shape_cast %get3A_669 : vector<1x16xf32> to vector<16xf32>
      %get3A_671 = arith.index_cast %scan3A_38 : i32 to index
      %get3A_672 = arith.constant 720 : index
      %get3A_673 = tpu.vector_load %arg9[%get3A_671, %get3A_672] {strides = array<i32>} : memref<32x1024xf32, #tpu.memory_space<vmem>>, vector<1x16xf32>,
      %get3A_674 = vector.shape_cast %get3A_673 : vector<1x16xf32> to vector<16xf32>
      %add3A_675 = arith.addf %get3A_670, %get3A_674 : vector<16xf32>
      %swap3A_676 = arith.index_cast %scan3A_38 : i32 to index
      %swap3A_677 = arith.constant 720 : index
      %swap3A_678 = tpu.vector_load %arg10[%swap3A_676, %swap3A_677] {strides = array<i32>} : memref<32x1024xf32, #tpu.memory_space<vmem>>, vector<1x16xf32>,
      %swap3A_679 = vector.shape_cast %swap3A_678 : vector<1x16xf32> to vector<16xf32>
      %swap3A_680 = vector.shape_cast %add3A_675 : vector<16xf32> to vector<1x16xf32>
      tpu.vector_store %arg10[%swap3A_676, %swap3A_677], %swap3A_680 {strides = array<i32>} : memref<32x1024xf32, #tpu.memory_space<vmem>>, vector<1x16xf32>,
      %get3A_681 = arith.index_cast %scan3A_38 : i32 to index
      %get3A_682 = arith.constant 736 : index
      %get3A_683 = tpu.vector_load %arg8[%get3A_681, %get3A_682] {strides = array<i32>} : memref<32x1024xf32, #tpu.memory_space<vmem>>, vector<1x16xf32>,
      %get3A_684 = vector.shape_cast %get3A_683 : vector<1x16xf32> to vector<16xf32>
      %get3A_685 = arith.index_cast %scan3A_38 : i32 to index
      %get3A_686 = arith.constant 736 : index
      %get3A_687 = tpu.vector_load %arg9[%get3A_685, %get3A_686] {strides = array<i32>} : memref<32x1024xf32, #tpu.memory_space<vmem>>, vector<1x16xf32>,
      %get3A_688 = vector.shape_cast %get3A_687 : vector<1x16xf32> to vector<16xf32>
      %add3A_689 = arith.addf %get3A_684, %get3A_688 : vector<16xf32>
      %swap3A_690 = arith.index_cast %scan3A_38 : i32 to index
      %swap3A_691 = arith.constant 736 : index
      %swap3A_692 = tpu.vector_load %arg10[%swap3A_690, %swap3A_691] {strides = array<i32>} : memref<32x1024xf32, #tpu.memory_space<vmem>>, vector<1x16xf32>,
      %swap3A_693 = vector.shape_cast %swap3A_692 : vector<1x16xf32> to vector<16xf32>
      %swap3A_694 = vector.shape_cast %add3A_689 : vector<16xf32> to vector<1x16xf32>
      tpu.vector_store %arg10[%swap3A_690, %swap3A_691], %swap3A_694 {strides = array<i32>} : memref<32x1024xf32, #tpu.memory_space<vmem>>, vector<1x16xf32>,
      %get3A_695 = arith.index_cast %scan3A_38 : i32 to index
      %get3A_696 = arith.constant 752 : index
      %get3A_697 = tpu.vector_load %arg8[%get3A_695, %get3A_696] {strides = array<i32>} : memref<32x1024xf32, #tpu.memory_space<vmem>>, vector<1x16xf32>,
      %get3A_698 = vector.shape_cast %get3A_697 : vector<1x16xf32> to vector<16xf32>
      %get3A_699 = arith.index_cast %scan3A_38 : i32 to index
      %get3A_700 = arith.constant 752 : index
      %get3A_701 = tpu.vector_load %arg9[%get3A_699, %get3A_700] {strides = array<i32>} : memref<32x1024xf32, #tpu.memory_space<vmem>>, vector<1x16xf32>,
      %get3A_702 = vector.shape_cast %get3A_701 : vector<1x16xf32> to vector<16xf32>
      %add3A_703 = arith.addf %get3A_698, %get3A_702 : vector<16xf32>
      %swap3A_704 = arith.index_cast %scan3A_38 : i32 to index
      %swap3A_705 = arith.constant 752 : index
      %swap3A_706 = tpu.vector_load %arg10[%swap3A_704, %swap3A_705] {strides = array<i32>} : memref<32x1024xf32, #tpu.memory_space<vmem>>, vector<1x16xf32>,
      %swap3A_707 = vector.shape_cast %swap3A_706 : vector<1x16xf32> to vector<16xf32>
      %swap3A_708 = vector.shape_cast %add3A_703 : vector<16xf32> to vector<1x16xf32>
      tpu.vector_store %arg10[%swap3A_704, %swap3A_705], %swap3A_708 {strides = array<i32>} : memref<32x1024xf32, #tpu.memory_space<vmem>>, vector<1x16xf32>,
      %get3A_709 = arith.index_cast %scan3A_38 : i32 to index
      %get3A_710 = arith.constant 768 : index
      %get3A_711 = tpu.vector_load %arg8[%get3A_709, %get3A_710] {strides = array<i32>} : memref<32x1024xf32, #tpu.memory_space<vmem>>, vector<1x16xf32>,
      %get3A_712 = vector.shape_cast %get3A_711 : vector<1x16xf32> to vector<16xf32>
      %get3A_713 = arith.index_cast %scan3A_38 : i32 to index
      %get3A_714 = arith.constant 768 : index
      %get3A_715 = tpu.vector_load %arg9[%get3A_713, %get3A_714] {strides = array<i32>} : memref<32x1024xf32, #tpu.memory_space<vmem>>, vector<1x16xf32>,
      %get3A_716 = vector.shape_cast %get3A_715 : vector<1x16xf32> to vector<16xf32>
      %add3A_717 = arith.addf %get3A_712, %get3A_716 : vector<16xf32>
      %swap3A_718 = arith.index_cast %scan3A_38 : i32 to index
      %swap3A_719 = arith.constant 768 : index
      %swap3A_720 = tpu.vector_load %arg10[%swap3A_718, %swap3A_719] {strides = array<i32>} : memref<32x1024xf32, #tpu.memory_space<vmem>>, vector<1x16xf32>,
      %swap3A_721 = vector.shape_cast %swap3A_720 : vector<1x16xf32> to vector<16xf32>
      %swap3A_722 = vector.shape_cast %add3A_717 : vector<16xf32> to vector<1x16xf32>
      tpu.vector_store %arg10[%swap3A_718, %swap3A_719], %swap3A_722 {strides = array<i32>} : memref<32x1024xf32, #tpu.memory_space<vmem>>, vector<1x16xf32>,
      %get3A_723 = arith.index_cast %scan3A_38 : i32 to index
      %get3A_724 = arith.constant 784 : index
      %get3A_725 = tpu.vector_load %arg8[%get3A_723, %get3A_724] {strides = array<i32>} : memref<32x1024xf32, #tpu.memory_space<vmem>>, vector<1x16xf32>,
      %get3A_726 = vector.shape_cast %get3A_725 : vector<1x16xf32> to vector<16xf32>
      %get3A_727 = arith.index_cast %scan3A_38 : i32 to index
      %get3A_728 = arith.constant 784 : index
      %get3A_729 = tpu.vector_load %arg9[%get3A_727, %get3A_728] {strides = array<i32>} : memref<32x1024xf32, #tpu.memory_space<vmem>>, vector<1x16xf32>,
      %get3A_730 = vector.shape_cast %get3A_729 : vector<1x16xf32> to vector<16xf32>
      %add3A_731 = arith.addf %get3A_726, %get3A_730 : vector<16xf32>
      %swap3A_732 = arith.index_cast %scan3A_38 : i32 to index
      %swap3A_733 = arith.constant 784 : index
      %swap3A_734 = tpu.vector_load %arg10[%swap3A_732, %swap3A_733] {strides = array<i32>} : memref<32x1024xf32, #tpu.memory_space<vmem>>, vector<1x16xf32>,
      %swap3A_735 = vector.shape_cast %swap3A_734 : vector<1x16xf32> to vector<16xf32>
      %swap3A_736 = vector.shape_cast %add3A_731 : vector<16xf32> to vector<1x16xf32>
      tpu.vector_store %arg10[%swap3A_732, %swap3A_733], %swap3A_736 {strides = array<i32>} : memref<32x1024xf32, #tpu.memory_space<vmem>>, vector<1x16xf32>,
      %get3A_737 = arith.index_cast %scan3A_38 : i32 to index
      %get3A_738 = arith.constant 800 : index
      %get3A_739 = tpu.vector_load %arg8[%get3A_737, %get3A_738] {strides = array<i32>} : memref<32x1024xf32, #tpu.memory_space<vmem>>, vector<1x16xf32>,
      %get3A_740 = vector.shape_cast %get3A_739 : vector<1x16xf32> to vector<16xf32>
      %get3A_741 = arith.index_cast %scan3A_38 : i32 to index
      %get3A_742 = arith.constant 800 : index
      %get3A_743 = tpu.vector_load %arg9[%get3A_741, %get3A_742] {strides = array<i32>} : memref<32x1024xf32, #tpu.memory_space<vmem>>, vector<1x16xf32>,
      %get3A_744 = vector.shape_cast %get3A_743 : vector<1x16xf32> to vector<16xf32>
      %add3A_745 = arith.addf %get3A_740, %get3A_744 : vector<16xf32>
      %swap3A_746 = arith.index_cast %scan3A_38 : i32 to index
      %swap3A_747 = arith.constant 800 : index
      %swap3A_748 = tpu.vector_load %arg10[%swap3A_746, %swap3A_747] {strides = array<i32>} : memref<32x1024xf32, #tpu.memory_space<vmem>>, vector<1x16xf32>,
      %swap3A_749 = vector.shape_cast %swap3A_748 : vector<1x16xf32> to vector<16xf32>
      %swap3A_750 = vector.shape_cast %add3A_745 : vector<16xf32> to vector<1x16xf32>
      tpu.vector_store %arg10[%swap3A_746, %swap3A_747], %swap3A_750 {strides = array<i32>} : memref<32x1024xf32, #tpu.memory_space<vmem>>, vector<1x16xf32>,
      %get3A_751 = arith.index_cast %scan3A_38 : i32 to index
      %get3A_752 = arith.constant 816 : index
      %get3A_753 = tpu.vector_load %arg8[%get3A_751, %get3A_752] {strides = array<i32>} : memref<32x1024xf32, #tpu.memory_space<vmem>>, vector<1x16xf32>,
      %get3A_754 = vector.shape_cast %get3A_753 : vector<1x16xf32> to vector<16xf32>
      %get3A_755 = arith.index_cast %scan3A_38 : i32 to index
      %get3A_756 = arith.constant 816 : index
      %get3A_757 = tpu.vector_load %arg9[%get3A_755, %get3A_756] {strides = array<i32>} : memref<32x1024xf32, #tpu.memory_space<vmem>>, vector<1x16xf32>,
      %get3A_758 = vector.shape_cast %get3A_757 : vector<1x16xf32> to vector<16xf32>
      %add3A_759 = arith.addf %get3A_754, %get3A_758 : vector<16xf32>
      %swap3A_760 = arith.index_cast %scan3A_38 : i32 to index
      %swap3A_761 = arith.constant 816 : index
      %swap3A_762 = tpu.vector_load %arg10[%swap3A_760, %swap3A_761] {strides = array<i32>} : memref<32x1024xf32, #tpu.memory_space<vmem>>, vector<1x16xf32>,
      %swap3A_763 = vector.shape_cast %swap3A_762 : vector<1x16xf32> to vector<16xf32>
      %swap3A_764 = vector.shape_cast %add3A_759 : vector<16xf32> to vector<1x16xf32>
      tpu.vector_store %arg10[%swap3A_760, %swap3A_761], %swap3A_764 {strides = array<i32>} : memref<32x1024xf32, #tpu.memory_space<vmem>>, vector<1x16xf32>,
      %get3A_765 = arith.index_cast %scan3A_38 : i32 to index
      %get3A_766 = arith.constant 832 : index
      %get3A_767 = tpu.vector_load %arg8[%get3A_765, %get3A_766] {strides = array<i32>} : memref<32x1024xf32, #tpu.memory_space<vmem>>, vector<1x16xf32>,
      %get3A_768 = vector.shape_cast %get3A_767 : vector<1x16xf32> to vector<16xf32>
      %get3A_769 = arith.index_cast %scan3A_38 : i32 to index
      %get3A_770 = arith.constant 832 : index
      %get3A_771 = tpu.vector_load %arg9[%get3A_769, %get3A_770] {strides = array<i32>} : memref<32x1024xf32, #tpu.memory_space<vmem>>, vector<1x16xf32>,
      %get3A_772 = vector.shape_cast %get3A_771 : vector<1x16xf32> to vector<16xf32>
      %add3A_773 = arith.addf %get3A_768, %get3A_772 : vector<16xf32>
      %swap3A_774 = arith.index_cast %scan3A_38 : i32 to index
      %swap3A_775 = arith.constant 832 : index
      %swap3A_776 = tpu.vector_load %arg10[%swap3A_774, %swap3A_775] {strides = array<i32>} : memref<32x1024xf32, #tpu.memory_space<vmem>>, vector<1x16xf32>,
      %swap3A_777 = vector.shape_cast %swap3A_776 : vector<1x16xf32> to vector<16xf32>
      %swap3A_778 = vector.shape_cast %add3A_773 : vector<16xf32> to vector<1x16xf32>
      tpu.vector_store %arg10[%swap3A_774, %swap3A_775], %swap3A_778 {strides = array<i32>} : memref<32x1024xf32, #tpu.memory_space<vmem>>, vector<1x16xf32>,
      %get3A_779 = arith.index_cast %scan3A_38 : i32 to index
      %get3A_780 = arith.constant 848 : index
      %get3A_781 = tpu.vector_load %arg8[%get3A_779, %get3A_780] {strides = array<i32>} : memref<32x1024xf32, #tpu.memory_space<vmem>>, vector<1x16xf32>,
      %get3A_782 = vector.shape_cast %get3A_781 : vector<1x16xf32> to vector<16xf32>
      %get3A_783 = arith.index_cast %scan3A_38 : i32 to index
      %get3A_784 = arith.constant 848 : index
      %get3A_785 = tpu.vector_load %arg9[%get3A_783, %get3A_784] {strides = array<i32>} : memref<32x1024xf32, #tpu.memory_space<vmem>>, vector<1x16xf32>,
      %get3A_786 = vector.shape_cast %get3A_785 : vector<1x16xf32> to vector<16xf32>
      %add3A_787 = arith.addf %get3A_782, %get3A_786 : vector<16xf32>
      %swap3A_788 = arith.index_cast %scan3A_38 : i32 to index
      %swap3A_789 = arith.constant 848 : index
      %swap3A_790 = tpu.vector_load %arg10[%swap3A_788, %swap3A_789] {strides = array<i32>} : memref<32x1024xf32, #tpu.memory_space<vmem>>, vector<1x16xf32>,
      %swap3A_791 = vector.shape_cast %swap3A_790 : vector<1x16xf32> to vector<16xf32>
      %swap3A_792 = vector.shape_cast %add3A_787 : vector<16xf32> to vector<1x16xf32>
      tpu.vector_store %arg10[%swap3A_788, %swap3A_789], %swap3A_792 {strides = array<i32>} : memref<32x1024xf32, #tpu.memory_space<vmem>>, vector<1x16xf32>,
      %get3A_793 = arith.index_cast %scan3A_38 : i32 to index
      %get3A_794 = arith.constant 864 : index
      %get3A_795 = tpu.vector_load %arg8[%get3A_793, %get3A_794] {strides = array<i32>} : memref<32x1024xf32, #tpu.memory_space<vmem>>, vector<1x16xf32>,
      %get3A_796 = vector.shape_cast %get3A_795 : vector<1x16xf32> to vector<16xf32>
      %get3A_797 = arith.index_cast %scan3A_38 : i32 to index
      %get3A_798 = arith.constant 864 : index
      %get3A_799 = tpu.vector_load %arg9[%get3A_797, %get3A_798] {strides = array<i32>} : memref<32x1024xf32, #tpu.memory_space<vmem>>, vector<1x16xf32>,
      %get3A_800 = vector.shape_cast %get3A_799 : vector<1x16xf32> to vector<16xf32>
      %add3A_801 = arith.addf %get3A_796, %get3A_800 : vector<16xf32>
      %swap3A_802 = arith.index_cast %scan3A_38 : i32 to index
      %swap3A_803 = arith.constant 864 : index
      %swap3A_804 = tpu.vector_load %arg10[%swap3A_802, %swap3A_803] {strides = array<i32>} : memref<32x1024xf32, #tpu.memory_space<vmem>>, vector<1x16xf32>,
      %swap3A_805 = vector.shape_cast %swap3A_804 : vector<1x16xf32> to vector<16xf32>
      %swap3A_806 = vector.shape_cast %add3A_801 : vector<16xf32> to vector<1x16xf32>
      tpu.vector_store %arg10[%swap3A_802, %swap3A_803], %swap3A_806 {strides = array<i32>} : memref<32x1024xf32, #tpu.memory_space<vmem>>, vector<1x16xf32>,
      %get3A_807 = arith.index_cast %scan3A_38 : i32 to index
      %get3A_808 = arith.constant 880 : index
      %get3A_809 = tpu.vector_load %arg8[%get3A_807, %get3A_808] {strides = array<i32>} : memref<32x1024xf32, #tpu.memory_space<vmem>>, vector<1x16xf32>,
      %get3A_810 = vector.shape_cast %get3A_809 : vector<1x16xf32> to vector<16xf32>
      %get3A_811 = arith.index_cast %scan3A_38 : i32 to index
      %get3A_812 = arith.constant 880 : index
      %get3A_813 = tpu.vector_load %arg9[%get3A_811, %get3A_812] {strides = array<i32>} : memref<32x1024xf32, #tpu.memory_space<vmem>>, vector<1x16xf32>,
      %get3A_814 = vector.shape_cast %get3A_813 : vector<1x16xf32> to vector<16xf32>
      %add3A_815 = arith.addf %get3A_810, %get3A_814 : vector<16xf32>
      %swap3A_816 = arith.index_cast %scan3A_38 : i32 to index
      %swap3A_817 = arith.constant 880 : index
      %swap3A_818 = tpu.vector_load %arg10[%swap3A_816, %swap3A_817] {strides = array<i32>} : memref<32x1024xf32, #tpu.memory_space<vmem>>, vector<1x16xf32>,
      %swap3A_819 = vector.shape_cast %swap3A_818 : vector<1x16xf32> to vector<16xf32>
      %swap3A_820 = vector.shape_cast %add3A_815 : vector<16xf32> to vector<1x16xf32>
      tpu.vector_store %arg10[%swap3A_816, %swap3A_817], %swap3A_820 {strides = array<i32>} : memref<32x1024xf32, #tpu.memory_space<vmem>>, vector<1x16xf32>,
      %get3A_821 = arith.index_cast %scan3A_38 : i32 to index
      %get3A_822 = arith.constant 896 : index
      %get3A_823 = tpu.vector_load %arg8[%get3A_821, %get3A_822] {strides = array<i32>} : memref<32x1024xf32, #tpu.memory_space<vmem>>, vector<1x16xf32>,
      %get3A_824 = vector.shape_cast %get3A_823 : vector<1x16xf32> to vector<16xf32>
      %get3A_825 = arith.index_cast %scan3A_38 : i32 to index
      %get3A_826 = arith.constant 896 : index
      %get3A_827 = tpu.vector_load %arg9[%get3A_825, %get3A_826] {strides = array<i32>} : memref<32x1024xf32, #tpu.memory_space<vmem>>, vector<1x16xf32>,
      %get3A_828 = vector.shape_cast %get3A_827 : vector<1x16xf32> to vector<16xf32>
      %add3A_829 = arith.addf %get3A_824, %get3A_828 : vector<16xf32>
      %swap3A_830 = arith.index_cast %scan3A_38 : i32 to index
      %swap3A_831 = arith.constant 896 : index
      %swap3A_832 = tpu.vector_load %arg10[%swap3A_830, %swap3A_831] {strides = array<i32>} : memref<32x1024xf32, #tpu.memory_space<vmem>>, vector<1x16xf32>,
      %swap3A_833 = vector.shape_cast %swap3A_832 : vector<1x16xf32> to vector<16xf32>
      %swap3A_834 = vector.shape_cast %add3A_829 : vector<16xf32> to vector<1x16xf32>
      tpu.vector_store %arg10[%swap3A_830, %swap3A_831], %swap3A_834 {strides = array<i32>} : memref<32x1024xf32, #tpu.memory_space<vmem>>, vector<1x16xf32>,
      %get3A_835 = arith.index_cast %scan3A_38 : i32 to index
      %get3A_836 = arith.constant 912 : index
      %get3A_837 = tpu.vector_load %arg8[%get3A_835, %get3A_836] {strides = array<i32>} : memref<32x1024xf32, #tpu.memory_space<vmem>>, vector<1x16xf32>,
      %get3A_838 = vector.shape_cast %get3A_837 : vector<1x16xf32> to vector<16xf32>
      %get3A_839 = arith.index_cast %scan3A_38 : i32 to index
      %get3A_840 = arith.constant 912 : index
      %get3A_841 = tpu.vector_load %arg9[%get3A_839, %get3A_840] {strides = array<i32>} : memref<32x1024xf32, #tpu.memory_space<vmem>>, vector<1x16xf32>,
      %get3A_842 = vector.shape_cast %get3A_841 : vector<1x16xf32> to vector<16xf32>
      %add3A_843 = arith.addf %get3A_838, %get3A_842 : vector<16xf32>
      %swap3A_844 = arith.index_cast %scan3A_38 : i32 to index
      %swap3A_845 = arith.constant 912 : index
      %swap3A_846 = tpu.vector_load %arg10[%swap3A_844, %swap3A_845] {strides = array<i32>} : memref<32x1024xf32, #tpu.memory_space<vmem>>, vector<1x16xf32>,
      %swap3A_847 = vector.shape_cast %swap3A_846 : vector<1x16xf32> to vector<16xf32>
      %swap3A_848 = vector.shape_cast %add3A_843 : vector<16xf32> to vector<1x16xf32>
      tpu.vector_store %arg10[%swap3A_844, %swap3A_845], %swap3A_848 {strides = array<i32>} : memref<32x1024xf32, #tpu.memory_space<vmem>>, vector<1x16xf32>,
      %get3A_849 = arith.index_cast %scan3A_38 : i32 to index
      %get3A_850 = arith.constant 928 : index
      %get3A_851 = tpu.vector_load %arg8[%get3A_849, %get3A_850] {strides = array<i32>} : memref<32x1024xf32, #tpu.memory_space<vmem>>, vector<1x16xf32>,
      %get3A_852 = vector.shape_cast %get3A_851 : vector<1x16xf32> to vector<16xf32>
      %get3A_853 = arith.index_cast %scan3A_38 : i32 to index
      %get3A_854 = arith.constant 928 : index
      %get3A_855 = tpu.vector_load %arg9[%get3A_853, %get3A_854] {strides = array<i32>} : memref<32x1024xf32, #tpu.memory_space<vmem>>, vector<1x16xf32>,
      %get3A_856 = vector.shape_cast %get3A_855 : vector<1x16xf32> to vector<16xf32>
      %add3A_857 = arith.addf %get3A_852, %get3A_856 : vector<16xf32>
      %swap3A_858 = arith.index_cast %scan3A_38 : i32 to index
      %swap3A_859 = arith.constant 928 : index
      %swap3A_860 = tpu.vector_load %arg10[%swap3A_858, %swap3A_859] {strides = array<i32>} : memref<32x1024xf32, #tpu.memory_space<vmem>>, vector<1x16xf32>,
      %swap3A_861 = vector.shape_cast %swap3A_860 : vector<1x16xf32> to vector<16xf32>
      %swap3A_862 = vector.shape_cast %add3A_857 : vector<16xf32> to vector<1x16xf32>
      tpu.vector_store %arg10[%swap3A_858, %swap3A_859], %swap3A_862 {strides = array<i32>} : memref<32x1024xf32, #tpu.memory_space<vmem>>, vector<1x16xf32>,
      %get3A_863 = arith.index_cast %scan3A_38 : i32 to index
      %get3A_864 = arith.constant 944 : index
      %get3A_865 = tpu.vector_load %arg8[%get3A_863, %get3A_864] {strides = array<i32>} : memref<32x1024xf32, #tpu.memory_space<vmem>>, vector<1x16xf32>,
      %get3A_866 = vector.shape_cast %get3A_865 : vector<1x16xf32> to vector<16xf32>
      %get3A_867 = arith.index_cast %scan3A_38 : i32 to index
      %get3A_868 = arith.constant 944 : index
      %get3A_869 = tpu.vector_load %arg9[%get3A_867, %get3A_868] {strides = array<i32>} : memref<32x1024xf32, #tpu.memory_space<vmem>>, vector<1x16xf32>,
      %get3A_870 = vector.shape_cast %get3A_869 : vector<1x16xf32> to vector<16xf32>
      %add3A_871 = arith.addf %get3A_866, %get3A_870 : vector<16xf32>
      %swap3A_872 = arith.index_cast %scan3A_38 : i32 to index
      %swap3A_873 = arith.constant 944 : index
      %swap3A_874 = tpu.vector_load %arg10[%swap3A_872, %swap3A_873] {strides = array<i32>} : memref<32x1024xf32, #tpu.memory_space<vmem>>, vector<1x16xf32>,
      %swap3A_875 = vector.shape_cast %swap3A_874 : vector<1x16xf32> to vector<16xf32>
      %swap3A_876 = vector.shape_cast %add3A_871 : vector<16xf32> to vector<1x16xf32>
      tpu.vector_store %arg10[%swap3A_872, %swap3A_873], %swap3A_876 {strides = array<i32>} : memref<32x1024xf32, #tpu.memory_space<vmem>>, vector<1x16xf32>,
      %get3A_877 = arith.index_cast %scan3A_38 : i32 to index
      %get3A_878 = arith.constant 960 : index
      %get3A_879 = tpu.vector_load %arg8[%get3A_877, %get3A_878] {strides = array<i32>} : memref<32x1024xf32, #tpu.memory_space<vmem>>, vector<1x16xf32>,
      %get3A_880 = vector.shape_cast %get3A_879 : vector<1x16xf32> to vector<16xf32>
      %get3A_881 = arith.index_cast %scan3A_38 : i32 to index
      %get3A_882 = arith.constant 960 : index
      %get3A_883 = tpu.vector_load %arg9[%get3A_881, %get3A_882] {strides = array<i32>} : memref<32x1024xf32, #tpu.memory_space<vmem>>, vector<1x16xf32>,
      %get3A_884 = vector.shape_cast %get3A_883 : vector<1x16xf32> to vector<16xf32>
      %add3A_885 = arith.addf %get3A_880, %get3A_884 : vector<16xf32>
      %swap3A_886 = arith.index_cast %scan3A_38 : i32 to index
      %swap3A_887 = arith.constant 960 : index
      %swap3A_888 = tpu.vector_load %arg10[%swap3A_886, %swap3A_887] {strides = array<i32>} : memref<32x1024xf32, #tpu.memory_space<vmem>>, vector<1x16xf32>,
      %swap3A_889 = vector.shape_cast %swap3A_888 : vector<1x16xf32> to vector<16xf32>
      %swap3A_890 = vector.shape_cast %add3A_885 : vector<16xf32> to vector<1x16xf32>
      tpu.vector_store %arg10[%swap3A_886, %swap3A_887], %swap3A_890 {strides = array<i32>} : memref<32x1024xf32, #tpu.memory_space<vmem>>, vector<1x16xf32>,
      %get3A_891 = arith.index_cast %scan3A_38 : i32 to index
      %get3A_892 = arith.constant 976 : index
      %get3A_893 = tpu.vector_load %arg8[%get3A_891, %get3A_892] {strides = array<i32>} : memref<32x1024xf32, #tpu.memory_space<vmem>>, vector<1x16xf32>,
      %get3A_894 = vector.shape_cast %get3A_893 : vector<1x16xf32> to vector<16xf32>
      %get3A_895 = arith.index_cast %scan3A_38 : i32 to index
      %get3A_896 = arith.constant 976 : index
      %get3A_897 = tpu.vector_load %arg9[%get3A_895, %get3A_896] {strides = array<i32>} : memref<32x1024xf32, #tpu.memory_space<vmem>>, vector<1x16xf32>,
      %get3A_898 = vector.shape_cast %get3A_897 : vector<1x16xf32> to vector<16xf32>
      %add3A_899 = arith.addf %get3A_894, %get3A_898 : vector<16xf32>
      %swap3A_900 = arith.index_cast %scan3A_38 : i32 to index
      %swap3A_901 = arith.constant 976 : index
      %swap3A_902 = tpu.vector_load %arg10[%swap3A_900, %swap3A_901] {strides = array<i32>} : memref<32x1024xf32, #tpu.memory_space<vmem>>, vector<1x16xf32>,
      %swap3A_903 = vector.shape_cast %swap3A_902 : vector<1x16xf32> to vector<16xf32>
      %swap3A_904 = vector.shape_cast %add3A_899 : vector<16xf32> to vector<1x16xf32>
      tpu.vector_store %arg10[%swap3A_900, %swap3A_901], %swap3A_904 {strides = array<i32>} : memref<32x1024xf32, #tpu.memory_space<vmem>>, vector<1x16xf32>,
      %get3A_905 = arith.index_cast %scan3A_38 : i32 to index
      %get3A_906 = arith.constant 992 : index
      %get3A_907 = tpu.vector_load %arg8[%get3A_905, %get3A_906] {strides = array<i32>} : memref<32x1024xf32, #tpu.memory_space<vmem>>, vector<1x16xf32>,
      %get3A_908 = vector.shape_cast %get3A_907 : vector<1x16xf32> to vector<16xf32>
      %get3A_909 = arith.index_cast %scan3A_38 : i32 to index
      %get3A_910 = arith.constant 992 : index
      %get3A_911 = tpu.vector_load %arg9[%get3A_909, %get3A_910] {strides = array<i32>} : memref<32x1024xf32, #tpu.memory_space<vmem>>, vector<1x16xf32>,
      %get3A_912 = vector.shape_cast %get3A_911 : vector<1x16xf32> to vector<16xf32>
      %add3A_913 = arith.addf %get3A_908, %get3A_912 : vector<16xf32>
      %swap3A_914 = arith.index_cast %scan3A_38 : i32 to index
      %swap3A_915 = arith.constant 992 : index
      %swap3A_916 = tpu.vector_load %arg10[%swap3A_914, %swap3A_915] {strides = array<i32>} : memref<32x1024xf32, #tpu.memory_space<vmem>>, vector<1x16xf32>,
      %swap3A_917 = vector.shape_cast %swap3A_916 : vector<1x16xf32> to vector<16xf32>
      %swap3A_918 = vector.shape_cast %add3A_913 : vector<16xf32> to vector<1x16xf32>
      tpu.vector_store %arg10[%swap3A_914, %swap3A_915], %swap3A_918 {strides = array<i32>} : memref<32x1024xf32, #tpu.memory_space<vmem>>, vector<1x16xf32>,
      %get3A_919 = arith.index_cast %scan3A_38 : i32 to index
      %get3A_920 = arith.constant 1008 : index
      %get3A_921 = tpu.vector_load %arg8[%get3A_919, %get3A_920] {strides = array<i32>} : memref<32x1024xf32, #tpu.memory_space<vmem>>, vector<1x16xf32>,
      %get3A_922 = vector.shape_cast %get3A_921 : vector<1x16xf32> to vector<16xf32>
      %get3A_923 = arith.index_cast %scan3A_38 : i32 to index
      %get3A_924 = arith.constant 1008 : index
      %get3A_925 = tpu.vector_load %arg9[%get3A_923, %get3A_924] {strides = array<i32>} : memref<32x1024xf32, #tpu.memory_space<vmem>>, vector<1x16xf32>,
      %get3A_926 = vector.shape_cast %get3A_925 : vector<1x16xf32> to vector<16xf32>
      %add3A_927 = arith.addf %get3A_922, %get3A_926 : vector<16xf32>
      %swap3A_928 = arith.index_cast %scan3A_38 : i32 to index
      %swap3A_929 = arith.constant 1008 : index
      %swap3A_930 = tpu.vector_load %arg10[%swap3A_928, %swap3A_929] {strides = array<i32>} : memref<32x1024xf32, #tpu.memory_space<vmem>>, vector<1x16xf32>,
      %swap3A_931 = vector.shape_cast %swap3A_930 : vector<1x16xf32> to vector<16xf32>
      %swap3A_932 = vector.shape_cast %add3A_927 : vector<16xf32> to vector<1x16xf32>
      tpu.vector_store %arg10[%swap3A_928, %swap3A_929], %swap3A_932 {strides = array<i32>} : memref<32x1024xf32, #tpu.memory_space<vmem>>, vector<1x16xf32>,
    }
    %scan3A_37 = arith.constant 32 : i32
    "tpu.region"() ({
      %run_scoped3A = tpu.sem_alloc : memref<!tpu.dma_semaphore, #tpu.memory_space<semaphore_mem>>
      %dma_start3A_38 = arith.constant 0 : i32
      %dma_start3A_39 = tpu.memref_slice %arg5[%add3A_20, %dma_start3A_38] : memref<2048x1024xf32, #tpu.memory_space<hbm>> -> memref<32x1024xf32, #tpu.memory_space<hbm>>
      %dma_start3A_40 = arith.constant 0 : i32
      %dma_start3A_41 = tpu.memref_slice %arg5[%add3A_20, %dma_start3A_40] : memref<2048x1024xf32, #tpu.memory_space<hbm>> -> memref<32x1024xf32, #tpu.memory_space<hbm>>
      tpu.enqueue_dma source(%arg10 : memref<32x1024xf32, #tpu.memory_space<vmem>>) target(%dma_start3A_41 : memref<32x1024xf32, #tpu.memory_space<hbm>>) target_semaphore(%run_scoped3A : memref<!tpu.dma_semaphore, #tpu.memory_space<semaphore_mem>>)
      %dma_wait3A_42 = arith.constant 0 : i32
      %dma_wait3A_43 = tpu.memref_slice %arg5[%add3A_20, %dma_wait3A_42] : memref<2048x1024xf32, #tpu.memory_space<hbm>> -> memref<32x1024xf32, #tpu.memory_space<hbm>>
      %dma_wait3A_44 = arith.constant 0 : i32
      %dma_wait3A_45 = tpu.memref_slice %arg5[%add3A_20, %dma_wait3A_44] : memref<2048x1024xf32, #tpu.memory_space<hbm>> -> memref<32x1024xf32, #tpu.memory_space<hbm>>
      tpu.wait_dma2 semaphore(%run_scoped3A : memref<!tpu.dma_semaphore, #tpu.memory_space<semaphore_mem>>) src(%arg10 : memref<32x1024xf32, #tpu.memory_space<vmem>>) dst(%dma_wait3A_45 : memref<32x1024xf32, #tpu.memory_space<hbm>>)
      tpu.yield
    }) : () -> ()
    return
  }
}

module attributes {stable_mosaic.version = 14 : i64} {
  func.func @_router_body(%arg0: memref<2048x1024xf32, #tpu.memory_space<vmem>>, %arg1: memref<8x1024xf32, #tpu.memory_space<vmem>>, %arg2: memref<2048x2xf32, #tpu.memory_space<vmem>>, %arg3: memref<2048x2xi32, #tpu.memory_space<vmem>>, %arg4: memref<1x32xi32, #tpu.memory_space<vmem>>, %arg5: memref<2048x512xi32, #tpu.memory_space<vmem>>) attributes {dimension_semantics = [], scalar_prefetch = 0 : i64, scratch_operands = 0 : i64, tpu.core_type = #tpu.core_type<tc>} {
    %get3A = arith.constant 0 : index
    %get3A_0 = arith.constant 0 : index
    %get3A_1 = vector.load %arg0[%get3A, %get3A_0] : memref<2048x1024xf32, #tpu.memory_space<vmem>>, vector<2048x1024xf32>
    %get3A_2 = arith.constant 0 : index
    %get3A_3 = arith.constant 0 : index
    %get3A_4 = vector.load %arg1[%get3A_2, %get3A_3] : memref<8x1024xf32, #tpu.memory_space<vmem>>, vector<8x1024xf32>
    %dot_general3A = arith.constant dense<0.000000e+00> : vector<2048x8xf32>
    %dot_general3A_5 = tpu.matmul %get3A_1, %get3A_4, %dot_general3A {dimension_numbers = #tpu.dot_dimension_numbers<[1], [1], [0], [0], [0, 0, 1, 0], [], []>, transpose_lhs_hint = false} : vector<2048x1024xf32>, vector<8x1024xf32>, vector<2048x8xf32> -> vector<2048x8xf32>
    %reduce_max3A = arith.constant dense<0xFF800000> : vector<2048xf32>
    %reduce_max3A_6 = vector.multi_reduction <maximumf>, %dot_general3A_5, %reduce_max3A [1] : vector<2048x8xf32> to vector<2048xf32>
    %broadcast_in_dim3A = vector.shape_cast %reduce_max3A_6 : vector<2048xf32> to vector<2048x1xf32>
    %sub3A = vector.broadcast %broadcast_in_dim3A : vector<2048x1xf32> to vector<2048x8xf32>
    %sub3A_7 = arith.subf %dot_general3A_5, %sub3A : vector<2048x8xf32>
    %exp3A = math.exp %sub3A_7 : vector<2048x8xf32>
    %reduce_sum3A = arith.constant dense<0.000000e+00> : vector<2048xf32>
    %reduce_sum3A_8 = vector.multi_reduction <add>, %exp3A, %reduce_sum3A [1] : vector<2048x8xf32> to vector<2048xf32>
    %broadcast_in_dim3A_9 = vector.shape_cast %reduce_sum3A_8 : vector<2048xf32> to vector<2048x1xf32>
    %div3A = vector.broadcast %broadcast_in_dim3A_9 : vector<2048x1xf32> to vector<2048x8xf32>
    %div3A_10 = arith.divf %exp3A, %div3A : vector<2048x8xf32>
    %iota3A = tpu.iota {dimensions = array<i32: 1>} : vector<2048x8xi32>
    %reduce_max3A_11 = arith.constant dense<0xFF800000> : vector<2048xf32>
    %reduce_max3A_12 = vector.multi_reduction <maximumf>, %div3A_10, %reduce_max3A_11 [1] : vector<2048x8xf32> to vector<2048xf32>
    %broadcast_in_dim3A_13 = vector.shape_cast %reduce_max3A_12 : vector<2048xf32> to vector<2048x1xf32>
    %eq3A = vector.broadcast %broadcast_in_dim3A_13 : vector<2048x1xf32> to vector<2048x8xf32>
    %eq3A_14 = arith.cmpf oeq, %div3A_10, %eq3A : vector<2048x8xf32>
    %jit3A = arith.constant 8 : i32
    %broadcast_in_dim3A_15 = vector.broadcast %jit3A : i32 to vector<2048x8xi32>
    %select_n3A = arith.select %eq3A_14, %iota3A, %broadcast_in_dim3A_15 : vector<2048x8xi1>, vector<2048x8xi32>
    %reduce_min3A = arith.constant dense<2147483647> : vector<2048xi32>
    %reduce_min3A_16 = vector.multi_reduction <minsi>, %select_n3A, %reduce_min3A [1] : vector<2048x8xi32> to vector<2048xi32>
    %broadcast_in_dim3A_17 = vector.shape_cast %reduce_min3A_16 : vector<2048xi32> to vector<2048x1xi32>
    %eq3A_18 = vector.broadcast %broadcast_in_dim3A_17 : vector<2048x1xi32> to vector<2048x8xi32>
    %eq3A_19 = arith.cmpi eq, %iota3A, %eq3A_18 : vector<2048x8xi32>
    %jit3A_20 = arith.constant -1.000000e+00 : f32
    %broadcast_in_dim3A_21 = vector.broadcast %jit3A_20 : f32 to vector<2048x8xf32>
    %select_n3A_22 = arith.select %eq3A_19, %broadcast_in_dim3A_21, %div3A_10 : vector<2048x8xi1>, vector<2048x8xf32>
    %reduce_max3A_23 = arith.constant dense<0xFF800000> : vector<2048xf32>
    %reduce_max3A_24 = vector.multi_reduction <maximumf>, %select_n3A_22, %reduce_max3A_23 [1] : vector<2048x8xf32> to vector<2048xf32>
    %broadcast_in_dim3A_25 = vector.shape_cast %reduce_max3A_24 : vector<2048xf32> to vector<2048x1xf32>
    %eq3A_26 = vector.broadcast %broadcast_in_dim3A_25 : vector<2048x1xf32> to vector<2048x8xf32>
    %eq3A_27 = arith.cmpf oeq, %select_n3A_22, %eq3A_26 : vector<2048x8xf32>
    %jit3A_28 = arith.constant 8 : i32
    %broadcast_in_dim3A_29 = vector.broadcast %jit3A_28 : i32 to vector<2048x8xi32>
    %select_n3A_30 = arith.select %eq3A_27, %iota3A, %broadcast_in_dim3A_29 : vector<2048x8xi1>, vector<2048x8xi32>
    %reduce_min3A_31 = arith.constant dense<2147483647> : vector<2048xi32>
    %reduce_min3A_32 = vector.multi_reduction <minsi>, %select_n3A_30, %reduce_min3A_31 [1] : vector<2048x8xi32> to vector<2048xi32>
    %broadcast_in_dim3A_33 = vector.shape_cast %reduce_min3A_32 : vector<2048xi32> to vector<2048x1xi32>
    %add3A = arith.addf %broadcast_in_dim3A_13, %broadcast_in_dim3A_25 : vector<2048x1xf32>
    %div3A_34 = arith.divf %broadcast_in_dim3A_13, %add3A : vector<2048x1xf32>
    %div3A_35 = arith.divf %broadcast_in_dim3A_25, %add3A : vector<2048x1xf32>
    %concatenate3A = tpu.concatenate %div3A_34, %div3A_35 in 1 : vector<2048x1xf32>, vector<2048x1xf32> -> vector<2048x2xf32>
    %swap3A = arith.constant 0 : index
    %swap3A_36 = arith.constant 0 : index
    %swap3A_37 = vector.load %arg2[%swap3A, %swap3A_36] : memref<2048x2xf32, #tpu.memory_space<vmem>>, vector<2048x2xf32>
    tpu.vector_store %arg2[%swap3A, %swap3A_36], %concatenate3A {strides = array<i32>} : memref<2048x2xf32, #tpu.memory_space<vmem>>, vector<2048x2xf32>,
    %eq3A_38 = vector.broadcast %broadcast_in_dim3A_17 : vector<2048x1xi32> to vector<2048x8xi32>
    %eq3A_39 = arith.cmpi eq, %iota3A, %eq3A_38 : vector<2048x8xi32>
    %convert_element_type3A = arith.extui %eq3A_39 : vector<2048x8xi1> to vector<2048x8xi32>
    %convert_element_type3A_40 = arith.sitofp %convert_element_type3A : vector<2048x8xi32> to vector<2048x8xf32>
    %eq3A_41 = vector.broadcast %broadcast_in_dim3A_33 : vector<2048x1xi32> to vector<2048x8xi32>
    %eq3A_42 = arith.cmpi eq, %iota3A, %eq3A_41 : vector<2048x8xi32>
    %convert_element_type3A_43 = arith.extui %eq3A_42 : vector<2048x8xi1> to vector<2048x8xi32>
    %convert_element_type3A_44 = arith.sitofp %convert_element_type3A_43 : vector<2048x8xi32> to vector<2048x8xf32>
    %add3A_45 = arith.addf %convert_element_type3A_40, %convert_element_type3A_44 : vector<2048x8xf32>
    %broadcast_in_dim3A_46 = arith.constant 0.000000e+00 : f32
    %broadcast_in_dim3A_47 = vector.broadcast %broadcast_in_dim3A_46 : f32 to vector<1x8xf32>
    %slice3A = vector.extract_strided_slice %add3A_45 {offsets = [0, 0], sizes = [2047, 8], strides = [1, 1]} : vector<2048x8xf32> to vector<2047x8xf32>
    %concatenate3A_48 = tpu.concatenate %broadcast_in_dim3A_47, %slice3A in 0 : vector<1x8xf32>, vector<2047x8xf32> -> vector<2048x8xf32>
    %add3A_49 = arith.addf %add3A_45, %concatenate3A_48 : vector<2048x8xf32>
    %broadcast_in_dim3A_50 = arith.constant 0.000000e+00 : f32
    %broadcast_in_dim3A_51 = vector.broadcast %broadcast_in_dim3A_50 : f32 to vector<2x8xf32>
    %slice3A_52 = vector.extract_strided_slice %add3A_49 {offsets = [0, 0], sizes = [2046, 8], strides = [1, 1]} : vector<2048x8xf32> to vector<2046x8xf32>
    %concatenate3A_53 = tpu.concatenate %broadcast_in_dim3A_51, %slice3A_52 in 0 : vector<2x8xf32>, vector<2046x8xf32> -> vector<2048x8xf32>
    %add3A_54 = arith.addf %add3A_49, %concatenate3A_53 : vector<2048x8xf32>
    %broadcast_in_dim3A_55 = arith.constant 0.000000e+00 : f32
    %broadcast_in_dim3A_56 = vector.broadcast %broadcast_in_dim3A_55 : f32 to vector<4x8xf32>
    %slice3A_57 = vector.extract_strided_slice %add3A_54 {offsets = [0, 0], sizes = [2044, 8], strides = [1, 1]} : vector<2048x8xf32> to vector<2044x8xf32>
    %concatenate3A_58 = tpu.concatenate %broadcast_in_dim3A_56, %slice3A_57 in 0 : vector<4x8xf32>, vector<2044x8xf32> -> vector<2048x8xf32>
    %add3A_59 = arith.addf %add3A_54, %concatenate3A_58 : vector<2048x8xf32>
    %broadcast_in_dim3A_60 = arith.constant 0.000000e+00 : f32
    %broadcast_in_dim3A_61 = vector.broadcast %broadcast_in_dim3A_60 : f32 to vector<8x8xf32>
    %slice3A_62 = vector.extract_strided_slice %add3A_59 {offsets = [0, 0], sizes = [2040, 8], strides = [1, 1]} : vector<2048x8xf32> to vector<2040x8xf32>
    %concatenate3A_63 = tpu.concatenate %broadcast_in_dim3A_61, %slice3A_62 in 0 : vector<8x8xf32>, vector<2040x8xf32> -> vector<2048x8xf32>
    %add3A_64 = arith.addf %add3A_59, %concatenate3A_63 : vector<2048x8xf32>
    %broadcast_in_dim3A_65 = arith.constant 0.000000e+00 : f32
    %broadcast_in_dim3A_66 = vector.broadcast %broadcast_in_dim3A_65 : f32 to vector<16x8xf32>
    %slice3A_67 = vector.extract_strided_slice %add3A_64 {offsets = [0, 0], sizes = [2032, 8], strides = [1, 1]} : vector<2048x8xf32> to vector<2032x8xf32>
    %concatenate3A_68 = tpu.concatenate %broadcast_in_dim3A_66, %slice3A_67 in 0 : vector<16x8xf32>, vector<2032x8xf32> -> vector<2048x8xf32>
    %add3A_69 = arith.addf %add3A_64, %concatenate3A_68 : vector<2048x8xf32>
    %broadcast_in_dim3A_70 = arith.constant 0.000000e+00 : f32
    %broadcast_in_dim3A_71 = vector.broadcast %broadcast_in_dim3A_70 : f32 to vector<32x8xf32>
    %slice3A_72 = vector.extract_strided_slice %add3A_69 {offsets = [0, 0], sizes = [2016, 8], strides = [1, 1]} : vector<2048x8xf32> to vector<2016x8xf32>
    %concatenate3A_73 = tpu.concatenate %broadcast_in_dim3A_71, %slice3A_72 in 0 : vector<32x8xf32>, vector<2016x8xf32> -> vector<2048x8xf32>
    %add3A_74 = arith.addf %add3A_69, %concatenate3A_73 : vector<2048x8xf32>
    %broadcast_in_dim3A_75 = arith.constant 0.000000e+00 : f32
    %broadcast_in_dim3A_76 = vector.broadcast %broadcast_in_dim3A_75 : f32 to vector<64x8xf32>
    %slice3A_77 = vector.extract_strided_slice %add3A_74 {offsets = [0, 0], sizes = [1984, 8], strides = [1, 1]} : vector<2048x8xf32> to vector<1984x8xf32>
    %concatenate3A_78 = tpu.concatenate %broadcast_in_dim3A_76, %slice3A_77 in 0 : vector<64x8xf32>, vector<1984x8xf32> -> vector<2048x8xf32>
    %add3A_79 = arith.addf %add3A_74, %concatenate3A_78 : vector<2048x8xf32>
    %broadcast_in_dim3A_80 = arith.constant 0.000000e+00 : f32
    %broadcast_in_dim3A_81 = vector.broadcast %broadcast_in_dim3A_80 : f32 to vector<128x8xf32>
    %slice3A_82 = vector.extract_strided_slice %add3A_79 {offsets = [0, 0], sizes = [1920, 8], strides = [1, 1]} : vector<2048x8xf32> to vector<1920x8xf32>
    %concatenate3A_83 = tpu.concatenate %broadcast_in_dim3A_81, %slice3A_82 in 0 : vector<128x8xf32>, vector<1920x8xf32> -> vector<2048x8xf32>
    %add3A_84 = arith.addf %add3A_79, %concatenate3A_83 : vector<2048x8xf32>
    %broadcast_in_dim3A_85 = arith.constant 0.000000e+00 : f32
    %broadcast_in_dim3A_86 = vector.broadcast %broadcast_in_dim3A_85 : f32 to vector<256x8xf32>
    %slice3A_87 = vector.extract_strided_slice %add3A_84 {offsets = [0, 0], sizes = [1792, 8], strides = [1, 1]} : vector<2048x8xf32> to vector<1792x8xf32>
    %concatenate3A_88 = tpu.concatenate %broadcast_in_dim3A_86, %slice3A_87 in 0 : vector<256x8xf32>, vector<1792x8xf32> -> vector<2048x8xf32>
    %add3A_89 = arith.addf %add3A_84, %concatenate3A_88 : vector<2048x8xf32>
    %broadcast_in_dim3A_90 = arith.constant 0.000000e+00 : f32
    %broadcast_in_dim3A_91 = vector.broadcast %broadcast_in_dim3A_90 : f32 to vector<512x8xf32>
    %slice3A_92 = vector.extract_strided_slice %add3A_89 {offsets = [0, 0], sizes = [1536, 8], strides = [1, 1]} : vector<2048x8xf32> to vector<1536x8xf32>
    %concatenate3A_93 = tpu.concatenate %broadcast_in_dim3A_91, %slice3A_92 in 0 : vector<512x8xf32>, vector<1536x8xf32> -> vector<2048x8xf32>
    %add3A_94 = arith.addf %add3A_89, %concatenate3A_93 : vector<2048x8xf32>
    %broadcast_in_dim3A_95 = arith.constant 0.000000e+00 : f32
    %broadcast_in_dim3A_96 = vector.broadcast %broadcast_in_dim3A_95 : f32 to vector<1024x8xf32>
    %slice3A_97 = vector.extract_strided_slice %add3A_94 {offsets = [0, 0], sizes = [1024, 8], strides = [1, 1]} : vector<2048x8xf32> to vector<1024x8xf32>
    %concatenate3A_98 = tpu.concatenate %broadcast_in_dim3A_96, %slice3A_97 in 0 : vector<1024x8xf32>, vector<1024x8xf32> -> vector<2048x8xf32>
    %add3A_99 = arith.addf %add3A_94, %concatenate3A_98 : vector<2048x8xf32>
    %sub3A_100 = arith.subf %add3A_99, %add3A_45 : vector<2048x8xf32>
    %slice3A_101 = vector.extract_strided_slice %add3A_99 {offsets = [2047, 0], sizes = [1, 8], strides = [1, 1]} : vector<2048x8xf32> to vector<1x8xf32>
    %add3A_102 = arith.constant 5.110000e+02 : f32
    %add3A_103 = vector.broadcast %add3A_102 : f32 to vector<1x8xf32>
    %add3A_104 = arith.addf %slice3A_101, %add3A_103 : vector<1x8xf32>
    %mul3A = arith.constant 0.001953125 : f32
    %mul3A_105 = vector.broadcast %mul3A : f32 to vector<1x8xf32>
    %mul3A_106 = arith.mulf %add3A_104, %mul3A_105 : vector<1x8xf32>
    %floor3A = math.floor %mul3A_106 : vector<1x8xf32>
    %broadcast_in_dim3A_107 = arith.constant 0.000000e+00 : f32
    %broadcast_in_dim3A_108 = vector.broadcast %broadcast_in_dim3A_107 : f32 to vector<1x1xf32>
    %slice3A_109 = vector.extract_strided_slice %floor3A {offsets = [0, 0], sizes = [1, 7], strides = [1, 1]} : vector<1x8xf32> to vector<1x7xf32>
    %concatenate3A_110 = tpu.concatenate %broadcast_in_dim3A_108, %slice3A_109 in 1 : vector<1x1xf32>, vector<1x7xf32> -> vector<1x8xf32>
    %add3A_111 = arith.addf %floor3A, %concatenate3A_110 : vector<1x8xf32>
    %broadcast_in_dim3A_112 = arith.constant 0.000000e+00 : f32
    %broadcast_in_dim3A_113 = vector.broadcast %broadcast_in_dim3A_112 : f32 to vector<1x2xf32>
    %slice3A_114 = vector.extract_strided_slice %add3A_111 {offsets = [0, 0], sizes = [1, 6], strides = [1, 1]} : vector<1x8xf32> to vector<1x6xf32>
    %concatenate3A_115 = tpu.concatenate %broadcast_in_dim3A_113, %slice3A_114 in 1 : vector<1x2xf32>, vector<1x6xf32> -> vector<1x8xf32>
    %add3A_116 = arith.addf %add3A_111, %concatenate3A_115 : vector<1x8xf32>
    %broadcast_in_dim3A_117 = arith.constant 0.000000e+00 : f32
    %broadcast_in_dim3A_118 = vector.broadcast %broadcast_in_dim3A_117 : f32 to vector<1x4xf32>
    %slice3A_119 = vector.extract_strided_slice %add3A_116 {offsets = [0, 0], sizes = [1, 4], strides = [1, 1]} : vector<1x8xf32> to vector<1x4xf32>
    %concatenate3A_120 = tpu.concatenate %broadcast_in_dim3A_118, %slice3A_119 in 1 : vector<1x4xf32>, vector<1x4xf32> -> vector<1x8xf32>
    %add3A_121 = arith.addf %add3A_116, %concatenate3A_120 : vector<1x8xf32>
    %sub3A_122 = arith.subf %add3A_121, %floor3A : vector<1x8xf32>
    %mul3A_123 = arith.constant 5.120000e+02 : f32
    %mul3A_124 = vector.broadcast %mul3A_123 : f32 to vector<1x8xf32>
    %mul3A_125 = arith.mulf %sub3A_122, %mul3A_124 : vector<1x8xf32>
    %add3A_126 = vector.broadcast %mul3A_125 : vector<1x8xf32> to vector<2048x8xf32>
    %add3A_127 = arith.addf %add3A_126, %sub3A_100 : vector<2048x8xf32>
    %mul3A_128 = arith.mulf %convert_element_type3A_40, %add3A_127 : vector<2048x8xf32>
    %reduce_sum3A_129 = arith.constant dense<0.000000e+00> : vector<2048xf32>
    %reduce_sum3A_130 = vector.multi_reduction <add>, %mul3A_128, %reduce_sum3A_129 [1] : vector<2048x8xf32> to vector<2048xf32>
    %broadcast_in_dim3A_131 = vector.shape_cast %reduce_sum3A_130 : vector<2048xf32> to vector<2048x1xf32>
    %mul3A_132 = arith.mulf %convert_element_type3A_44, %add3A_127 : vector<2048x8xf32>
    %reduce_sum3A_133 = arith.constant dense<0.000000e+00> : vector<2048xf32>
    %reduce_sum3A_134 = vector.multi_reduction <add>, %mul3A_132, %reduce_sum3A_133 [1] : vector<2048x8xf32> to vector<2048xf32>
    %broadcast_in_dim3A_135 = vector.shape_cast %reduce_sum3A_134 : vector<2048xf32> to vector<2048x1xf32>
    %concatenate3A_136 = tpu.concatenate %broadcast_in_dim3A_131, %broadcast_in_dim3A_135 in 1 : vector<2048x1xf32>, vector<2048x1xf32> -> vector<2048x2xf32>
    %convert_element_type3A_137 = arith.fptosi %concatenate3A_136 : vector<2048x2xf32> to vector<2048x2xi32>
    %swap3A_138 = arith.constant 0 : index
    %swap3A_139 = arith.constant 0 : index
    %swap3A_140 = vector.load %arg3[%swap3A_138, %swap3A_139] : memref<2048x2xi32, #tpu.memory_space<vmem>>, vector<2048x2xi32>
    tpu.vector_store %arg3[%swap3A_138, %swap3A_139], %convert_element_type3A_137 {strides = array<i32>} : memref<2048x2xi32, #tpu.memory_space<vmem>>, vector<2048x2xi32>,
    %iota3A_141 = tpu.iota {dimensions = array<i32: 1>} : vector<1x32xi32>
    %convert_element_type3A_142 = arith.sitofp %iota3A_141 : vector<1x32xi32> to vector<1x32xf32>
    %broadcast_in_dim3A_143 = arith.constant 0.000000e+00 : f32
    %broadcast_in_dim3A_144 = vector.broadcast %broadcast_in_dim3A_143 : f32 to vector<1x32xf32>
    %slice3A_145 = vector.extract_strided_slice %add3A_121 {offsets = [0, 0], sizes = [1, 1], strides = [1, 1]} : vector<1x8xf32> to vector<1x1xf32>
    %ge3A = vector.broadcast %slice3A_145 : vector<1x1xf32> to vector<1x32xf32>
    %ge3A_146 = arith.cmpf oge, %convert_element_type3A_142, %ge3A : vector<1x32xf32>
    %convert_element_type3A_147 = arith.extui %ge3A_146 : vector<1x32xi1> to vector<1x32xi32>
    %convert_element_type3A_148 = arith.sitofp %convert_element_type3A_147 : vector<1x32xi32> to vector<1x32xf32>
    %add3A_149 = arith.addf %broadcast_in_dim3A_144, %convert_element_type3A_148 : vector<1x32xf32>
    %slice3A_150 = vector.extract_strided_slice %add3A_121 {offsets = [0, 1], sizes = [1, 1], strides = [1, 1]} : vector<1x8xf32> to vector<1x1xf32>
    %ge3A_151 = vector.broadcast %slice3A_150 : vector<1x1xf32> to vector<1x32xf32>
    %ge3A_152 = arith.cmpf oge, %convert_element_type3A_142, %ge3A_151 : vector<1x32xf32>
    %convert_element_type3A_153 = arith.extui %ge3A_152 : vector<1x32xi1> to vector<1x32xi32>
    %convert_element_type3A_154 = arith.sitofp %convert_element_type3A_153 : vector<1x32xi32> to vector<1x32xf32>
    %add3A_155 = arith.addf %add3A_149, %convert_element_type3A_154 : vector<1x32xf32>
    %slice3A_156 = vector.extract_strided_slice %add3A_121 {offsets = [0, 2], sizes = [1, 1], strides = [1, 1]} : vector<1x8xf32> to vector<1x1xf32>
    %ge3A_157 = vector.broadcast %slice3A_156 : vector<1x1xf32> to vector<1x32xf32>
    %ge3A_158 = arith.cmpf oge, %convert_element_type3A_142, %ge3A_157 : vector<1x32xf32>
    %convert_element_type3A_159 = arith.extui %ge3A_158 : vector<1x32xi1> to vector<1x32xi32>
    %convert_element_type3A_160 = arith.sitofp %convert_element_type3A_159 : vector<1x32xi32> to vector<1x32xf32>
    %add3A_161 = arith.addf %add3A_155, %convert_element_type3A_160 : vector<1x32xf32>
    %slice3A_162 = vector.extract_strided_slice %add3A_121 {offsets = [0, 3], sizes = [1, 1], strides = [1, 1]} : vector<1x8xf32> to vector<1x1xf32>
    %ge3A_163 = vector.broadcast %slice3A_162 : vector<1x1xf32> to vector<1x32xf32>
    %ge3A_164 = arith.cmpf oge, %convert_element_type3A_142, %ge3A_163 : vector<1x32xf32>
    %convert_element_type3A_165 = arith.extui %ge3A_164 : vector<1x32xi1> to vector<1x32xi32>
    %convert_element_type3A_166 = arith.sitofp %convert_element_type3A_165 : vector<1x32xi32> to vector<1x32xf32>
    %add3A_167 = arith.addf %add3A_161, %convert_element_type3A_166 : vector<1x32xf32>
    %slice3A_168 = vector.extract_strided_slice %add3A_121 {offsets = [0, 4], sizes = [1, 1], strides = [1, 1]} : vector<1x8xf32> to vector<1x1xf32>
    %ge3A_169 = vector.broadcast %slice3A_168 : vector<1x1xf32> to vector<1x32xf32>
    %ge3A_170 = arith.cmpf oge, %convert_element_type3A_142, %ge3A_169 : vector<1x32xf32>
    %convert_element_type3A_171 = arith.extui %ge3A_170 : vector<1x32xi1> to vector<1x32xi32>
    %convert_element_type3A_172 = arith.sitofp %convert_element_type3A_171 : vector<1x32xi32> to vector<1x32xf32>
    %add3A_173 = arith.addf %add3A_167, %convert_element_type3A_172 : vector<1x32xf32>
    %slice3A_174 = vector.extract_strided_slice %add3A_121 {offsets = [0, 5], sizes = [1, 1], strides = [1, 1]} : vector<1x8xf32> to vector<1x1xf32>
    %ge3A_175 = vector.broadcast %slice3A_174 : vector<1x1xf32> to vector<1x32xf32>
    %ge3A_176 = arith.cmpf oge, %convert_element_type3A_142, %ge3A_175 : vector<1x32xf32>
    %convert_element_type3A_177 = arith.extui %ge3A_176 : vector<1x32xi1> to vector<1x32xi32>
    %convert_element_type3A_178 = arith.sitofp %convert_element_type3A_177 : vector<1x32xi32> to vector<1x32xf32>
    %add3A_179 = arith.addf %add3A_173, %convert_element_type3A_178 : vector<1x32xf32>
    %slice3A_180 = vector.extract_strided_slice %add3A_121 {offsets = [0, 6], sizes = [1, 1], strides = [1, 1]} : vector<1x8xf32> to vector<1x1xf32>
    %ge3A_181 = vector.broadcast %slice3A_180 : vector<1x1xf32> to vector<1x32xf32>
    %ge3A_182 = arith.cmpf oge, %convert_element_type3A_142, %ge3A_181 : vector<1x32xf32>
    %convert_element_type3A_183 = arith.extui %ge3A_182 : vector<1x32xi1> to vector<1x32xi32>
    %convert_element_type3A_184 = arith.sitofp %convert_element_type3A_183 : vector<1x32xi32> to vector<1x32xf32>
    %add3A_185 = arith.addf %add3A_179, %convert_element_type3A_184 : vector<1x32xf32>
    %slice3A_186 = vector.extract_strided_slice %add3A_121 {offsets = [0, 7], sizes = [1, 1], strides = [1, 1]} : vector<1x8xf32> to vector<1x1xf32>
    %ge3A_187 = vector.broadcast %slice3A_186 : vector<1x1xf32> to vector<1x32xf32>
    %ge3A_188 = arith.cmpf oge, %convert_element_type3A_142, %ge3A_187 : vector<1x32xf32>
    %convert_element_type3A_189 = arith.extui %ge3A_188 : vector<1x32xi1> to vector<1x32xi32>
    %convert_element_type3A_190 = arith.sitofp %convert_element_type3A_189 : vector<1x32xi32> to vector<1x32xf32>
    %add3A_191 = arith.addf %add3A_185, %convert_element_type3A_190 : vector<1x32xf32>
    %gt3A = arith.constant 7.500000e+00 : f32
    %gt3A_192 = vector.broadcast %gt3A : f32 to vector<1x32xf32>
    %gt3A_193 = arith.cmpf ogt, %add3A_191, %gt3A_192 : vector<1x32xf32>
    %jit3A_194 = arith.constant -1.000000e+00 : f32
    %broadcast_in_dim3A_195 = vector.broadcast %jit3A_194 : f32 to vector<1x32xf32>
    %select_n3A_196 = arith.select %gt3A_193, %broadcast_in_dim3A_195, %add3A_191 : vector<1x32xi1>, vector<1x32xf32>
    %convert_element_type3A_197 = arith.fptosi %select_n3A_196 : vector<1x32xf32> to vector<1x32xi32>
    %swap3A_198 = arith.constant 0 : index
    %swap3A_199 = arith.constant 0 : index
    %swap3A_200 = vector.load %arg4[%swap3A_198, %swap3A_199] : memref<1x32xi32, #tpu.memory_space<vmem>>, vector<1x32xi32>
    tpu.vector_store %arg4[%swap3A_198, %swap3A_199], %convert_element_type3A_197 {strides = array<i32>} : memref<1x32xi32, #tpu.memory_space<vmem>>, vector<1x32xi32>,
    %slice3A_201 = vector.extract_strided_slice %get3A_1 {offsets = [0, 0], sizes = [2048, 512], strides = [1, 1]} : vector<2048x1024xf32> to vector<2048x512xf32>
    %convert_element_type3A_202 = arith.truncf %slice3A_201 : vector<2048x512xf32> to vector<2048x512xbf16>
    %convert_element_type3A_203 = arith.extf %convert_element_type3A_202 : vector<2048x512xbf16> to vector<2048x512xf32>
    %bitcast_convert_type3A = tpu.bitcast %convert_element_type3A_203 : vector<2048x512xf32> -> vector<2048x512xi32>
    %slice3A_204 = vector.extract_strided_slice %get3A_1 {offsets = [0, 512], sizes = [2048, 512], strides = [1, 1]} : vector<2048x1024xf32> to vector<2048x512xf32>
    %convert_element_type3A_205 = arith.truncf %slice3A_204 : vector<2048x512xf32> to vector<2048x512xbf16>
    %convert_element_type3A_206 = arith.extf %convert_element_type3A_205 : vector<2048x512xbf16> to vector<2048x512xf32>
    %bitcast_convert_type3A_207 = tpu.bitcast %convert_element_type3A_206 : vector<2048x512xf32> -> vector<2048x512xi32>
    %shift_right_logical3A = arith.constant 16 : i32
    %shift_right_logical3A_208 = vector.broadcast %shift_right_logical3A : i32 to vector<2048x512xi32>
    %shift_right_logical3A_209 = arith.shrui %bitcast_convert_type3A, %shift_right_logical3A_208 : vector<2048x512xi32>
    %and3A = arith.constant -65536 : i32
    %and3A_210 = vector.broadcast %and3A : i32 to vector<2048x512xi32>
    %and3A_211 = arith.andi %bitcast_convert_type3A_207, %and3A_210 : vector<2048x512xi32>
    %or3A = arith.ori %shift_right_logical3A_209, %and3A_211 : vector<2048x512xi32>
    %swap3A_212 = arith.constant 0 : index
    %swap3A_213 = arith.constant 0 : index
    %swap3A_214 = vector.load %arg5[%swap3A_212, %swap3A_213] : memref<2048x512xi32, #tpu.memory_space<vmem>>, vector<2048x512xi32>
    tpu.vector_store %arg5[%swap3A_212, %swap3A_213], %or3A {strides = array<i32>} : memref<2048x512xi32, #tpu.memory_space<vmem>>, vector<2048x512xi32>,
    return
  }
}

module attributes {stable_mosaic.version = 14 : i64} {
  func.func @_ffn_body(%arg0: i32, %arg1: i32, %arg2: memref<1x32xi32, #tpu.memory_space<smem>>, %arg3: memref<512x512xi32, #tpu.memory_space<vmem>>, %arg4: memref<1x896x1024xf32, #tpu.memory_space<vmem>>, %arg5: memref<1x896x1024xf32, #tpu.memory_space<vmem>>, %arg6: memref<1x1024x896xf32, #tpu.memory_space<vmem>>, %arg7: memref<512x1xf32, #tpu.memory_space<vmem>>, %arg8: memref<8192x1024xf32, #tpu.memory_space<vmem>>) attributes {dimension_semantics = [#tpu.dimension_semantics<arbitrary>, #tpu.dimension_semantics<arbitrary>], iteration_bounds = array<i64: 4, 16>, scalar_prefetch = 1 : i64, scratch_operands = 0 : i64, tpu.core_type = #tpu.core_type<tc>, window_params = [{transform_indices = @transform_0, window_bounds = array<i64: 512, 512>}, {transform_indices = @transform_1, window_bounds = array<i64: 1, 896, 1024>}, {transform_indices = @transform_2, window_bounds = array<i64: 1, 896, 1024>}, {transform_indices = @transform_3, window_bounds = array<i64: 1, 1024, 896>}, {transform_indices = @transform_4, window_bounds = array<i64: 512, 1>}, {pipeline_mode = #tpu.pipeline_mode<synchronous>, transform_indices = @transform_5, window_bounds = array<i64: 8192, 1024>}]} {
    %get3A = arith.constant 0 : index
    %get3A_0 = arith.index_cast %arg1 : i32 to index
    %get3A_1 = memref.load %arg2[%get3A, %get3A_0] : memref<1x32xi32, #tpu.memory_space<smem>>
    %ge3A = arith.constant 0 : i32
    %ge3A_2 = arith.cmpi sge, %get3A_1, %ge3A : i32
    %convert_element_type3A = arith.extui %ge3A_2 : i1 to i32
    %cond3A = arith.constant 0 : i32
    %cond3A_3 = arith.cmpi ne, %convert_element_type3A, %cond3A : i32
    scf.if %cond3A_3 {
      %get3A_4 = arith.constant 0 : index
      %get3A_5 = arith.constant 0 : index
      %get3A_6 = vector.load %arg3[%get3A_4, %get3A_5] : memref<512x512xi32, #tpu.memory_space<vmem>>, vector<512x512xi32>
      %shift_left3A = arith.constant 16 : i32
      %shift_left3A_7 = vector.broadcast %shift_left3A : i32 to vector<512x512xi32>
      %shift_left3A_8 = arith.shli %get3A_6, %shift_left3A_7 : vector<512x512xi32>
      %bitcast_convert_type3A = tpu.bitcast %shift_left3A_8 : vector<512x512xi32> -> vector<512x512xf32>
      %and3A = arith.constant -65536 : i32
      %and3A_9 = vector.broadcast %and3A : i32 to vector<512x512xi32>
      %and3A_10 = arith.andi %get3A_6, %and3A_9 : vector<512x512xi32>
      %bitcast_convert_type3A_11 = tpu.bitcast %and3A_10 : vector<512x512xi32> -> vector<512x512xf32>
      %concatenate3A = tpu.concatenate %bitcast_convert_type3A, %bitcast_convert_type3A_11 in 1 : vector<512x512xf32>, vector<512x512xf32> -> vector<512x1024xf32>
      %convert_element_type3A_12 = arith.truncf %concatenate3A : vector<512x1024xf32> to vector<512x1024xbf16>
      %get3A_13 = arith.constant 0 : index
      %get3A_14 = arith.constant 0 : index
      %get3A_15 = arith.constant 0 : index
      %get3A_16 = vector.load %arg4[%get3A_13, %get3A_14, %get3A_15] : memref<1x896x1024xf32, #tpu.memory_space<vmem>>, vector<1x896x1024xf32>
      %get3A_17 = vector.shape_cast %get3A_16 : vector<1x896x1024xf32> to vector<896x1024xf32>
      %convert_element_type3A_18 = arith.truncf %get3A_17 : vector<896x1024xf32> to vector<896x1024xbf16>
      %dot_general3A = arith.constant dense<0.000000e+00> : vector<512x896xf32>
      %dot_general3A_19 = tpu.matmul %convert_element_type3A_12, %convert_element_type3A_18, %dot_general3A {dimension_numbers = #tpu.dot_dimension_numbers<[1], [1], [0], [0], [0, 0, 1, 0], [], []>, transpose_lhs_hint = false} : vector<512x1024xbf16>, vector<896x1024xbf16>, vector<512x896xf32> -> vector<512x896xf32>
      %get3A_20 = arith.constant 0 : index
      %get3A_21 = arith.constant 0 : index
      %get3A_22 = arith.constant 0 : index
      %get3A_23 = vector.load %arg5[%get3A_20, %get3A_21, %get3A_22] : memref<1x896x1024xf32, #tpu.memory_space<vmem>>, vector<1x896x1024xf32>
      %get3A_24 = vector.shape_cast %get3A_23 : vector<1x896x1024xf32> to vector<896x1024xf32>
      %convert_element_type3A_25 = arith.truncf %get3A_24 : vector<896x1024xf32> to vector<896x1024xbf16>
      %dot_general3A_26 = arith.constant dense<0.000000e+00> : vector<512x896xf32>
      %dot_general3A_27 = tpu.matmul %convert_element_type3A_12, %convert_element_type3A_25, %dot_general3A_26 {dimension_numbers = #tpu.dot_dimension_numbers<[1], [1], [0], [0], [0, 0, 1, 0], [], []>, transpose_lhs_hint = false} : vector<512x1024xbf16>, vector<896x1024xbf16>, vector<512x896xf32> -> vector<512x896xf32>
      %neg3A = arith.constant 0.000000e+00 : f32
      %neg3A_28 = vector.broadcast %neg3A : f32 to vector<512x896xf32>
      %neg3A_29 = arith.subf %neg3A_28, %dot_general3A_19 : vector<512x896xf32>
      %exp3A = math.exp %neg3A_29 : vector<512x896xf32>
      %add3A = arith.constant 1.000000e+00 : f32
      %add3A_30 = vector.broadcast %add3A : f32 to vector<512x896xf32>
      %add3A_31 = arith.addf %add3A_30, %exp3A : vector<512x896xf32>
      %div3A = arith.constant 1.000000e+00 : f32
      %div3A_32 = vector.broadcast %div3A : f32 to vector<512x896xf32>
      %div3A_33 = arith.divf %div3A_32, %add3A_31 : vector<512x896xf32>
      %mul3A = arith.mulf %dot_general3A_19, %div3A_33 : vector<512x896xf32>
      %mul3A_34 = arith.mulf %mul3A, %dot_general3A_27 : vector<512x896xf32>
      %get3A_35 = arith.constant 0 : index
      %get3A_36 = arith.constant 0 : index
      %get3A_37 = vector.load %arg7[%get3A_35, %get3A_36] : memref<512x1xf32, #tpu.memory_space<vmem>>, vector<512x1xf32>
      %mul3A_38 = vector.broadcast %get3A_37 : vector<512x1xf32> to vector<512x896xf32>
      %mul3A_39 = arith.mulf %mul3A_34, %mul3A_38 : vector<512x896xf32>
      %convert_element_type3A_40 = arith.truncf %mul3A_39 : vector<512x896xf32> to vector<512x896xbf16>
      %get3A_41 = arith.constant 0 : index
      %get3A_42 = arith.constant 0 : index
      %get3A_43 = arith.constant 0 : index
      %get3A_44 = vector.load %arg6[%get3A_41, %get3A_42, %get3A_43] : memref<1x1024x896xf32, #tpu.memory_space<vmem>>, vector<1x1024x896xf32>
      %get3A_45 = vector.shape_cast %get3A_44 : vector<1x1024x896xf32> to vector<1024x896xf32>
      %convert_element_type3A_46 = arith.truncf %get3A_45 : vector<1024x896xf32> to vector<1024x896xbf16>
      %dot_general3A_47 = arith.constant dense<0.000000e+00> : vector<512x1024xf32>
      %dot_general3A_48 = tpu.matmul %convert_element_type3A_40, %convert_element_type3A_46, %dot_general3A_47 {dimension_numbers = #tpu.dot_dimension_numbers<[1], [1], [0], [0], [0, 0, 1, 0], [], []>, transpose_lhs_hint = false} : vector<512x896xbf16>, vector<1024x896xbf16>, vector<512x1024xf32> -> vector<512x1024xf32>
      %mul3A_49 = arith.constant 512 : i32
      %mul3A_50 = arith.muli %arg1, %mul3A_49 : i32
      %eq3A = arith.constant 0 : i32
      %eq3A_51 = arith.cmpi eq, %arg0, %eq3A : i32
      %convert_element_type3A_52 = arith.extui %eq3A_51 : i1 to i32
      %cond3A_53 = arith.constant 0 : i32
      %cond3A_54 = arith.cmpi ne, %convert_element_type3A_52, %cond3A_53 : i32
      scf.if %cond3A_54 {
        %swap3A = arith.index_cast %mul3A_50 : i32 to index
        %swap3A_59 = arith.constant 0 : index
        %swap3A_60 = vector.load %arg8[%swap3A, %swap3A_59] : memref<8192x1024xf32, #tpu.memory_space<vmem>>, vector<512x1024xf32>
        tpu.vector_store %arg8[%swap3A, %swap3A_59], %dot_general3A_48 {strides = array<i32>} : memref<8192x1024xf32, #tpu.memory_space<vmem>>, vector<512x1024xf32>,
      } else {
      }
      %gt3A = arith.constant 0 : i32
      %gt3A_55 = arith.cmpi sgt, %arg0, %gt3A : i32
      %convert_element_type3A_56 = arith.extui %gt3A_55 : i1 to i32
      %cond3A_57 = arith.constant 0 : i32
      %cond3A_58 = arith.cmpi ne, %convert_element_type3A_56, %cond3A_57 : i32
      scf.if %cond3A_58 {
        %get3A_59 = arith.index_cast %mul3A_50 : i32 to index
        %get3A_60 = arith.constant 0 : index
        %get3A_61 = vector.load %arg8[%get3A_59, %get3A_60] : memref<8192x1024xf32, #tpu.memory_space<vmem>>, vector<512x1024xf32>
        %add3A_62 = arith.addf %get3A_61, %dot_general3A_48 : vector<512x1024xf32>
        %swap3A = arith.index_cast %mul3A_50 : i32 to index
        %swap3A_63 = arith.constant 0 : index
        %swap3A_64 = vector.load %arg8[%swap3A, %swap3A_63] : memref<8192x1024xf32, #tpu.memory_space<vmem>>, vector<512x1024xf32>
        tpu.vector_store %arg8[%swap3A, %swap3A_63], %add3A_62 {strides = array<i32>} : memref<8192x1024xf32, #tpu.memory_space<vmem>>, vector<512x1024xf32>,
      } else {
      }
    } else {
    }
    return
  }
  func.func @transform_0(%arg0: i32, %arg1: i32, %arg2: memref<1x32xi32, #tpu.memory_space<smem>>) -> (i32, i32) {
    %c0_i32 = arith.constant 0 : i32
    %c0_i32_0 = arith.constant 0 : i32
    return %arg1, %c0_i32 : i32, i32
  }
  func.func @transform_1(%arg0: i32, %arg1: i32, %arg2: memref<1x32xi32, #tpu.memory_space<smem>>) -> (i32, i32, i32) {
    %get3A = arith.constant 0 : index
    %get3A_0 = arith.index_cast %arg1 : i32 to index
    %get3A_1 = memref.load %arg2[%get3A, %get3A_0] : memref<1x32xi32, #tpu.memory_space<smem>>
    %max3A = arith.constant 0 : i32
    %max3A_2 = arith.maxsi %get3A_1, %max3A : i32
    %c0_i32 = arith.constant 0 : i32
    %c0_i32_3 = arith.constant 0 : i32
    return %max3A_2, %arg0, %c0_i32 : i32, i32, i32
  }
  func.func @transform_2(%arg0: i32, %arg1: i32, %arg2: memref<1x32xi32, #tpu.memory_space<smem>>) -> (i32, i32, i32) {
    %get3A = arith.constant 0 : index
    %get3A_0 = arith.index_cast %arg1 : i32 to index
    %get3A_1 = memref.load %arg2[%get3A, %get3A_0] : memref<1x32xi32, #tpu.memory_space<smem>>
    %max3A = arith.constant 0 : i32
    %max3A_2 = arith.maxsi %get3A_1, %max3A : i32
    %add3A = arith.constant 4 : i32
    %add3A_3 = arith.addi %add3A, %arg0 : i32
    %c0_i32 = arith.constant 0 : i32
    %c0_i32_4 = arith.constant 0 : i32
    return %max3A_2, %add3A_3, %c0_i32 : i32, i32, i32
  }
  func.func @transform_3(%arg0: i32, %arg1: i32, %arg2: memref<1x32xi32, #tpu.memory_space<smem>>) -> (i32, i32, i32) {
    %get3A = arith.constant 0 : index
    %get3A_0 = arith.index_cast %arg1 : i32 to index
    %get3A_1 = memref.load %arg2[%get3A, %get3A_0] : memref<1x32xi32, #tpu.memory_space<smem>>
    %max3A = arith.constant 0 : i32
    %max3A_2 = arith.maxsi %get3A_1, %max3A : i32
    %c0_i32 = arith.constant 0 : i32
    %c0_i32_3 = arith.constant 0 : i32
    return %max3A_2, %c0_i32, %arg0 : i32, i32, i32
  }
  func.func @transform_4(%arg0: i32, %arg1: i32, %arg2: memref<1x32xi32, #tpu.memory_space<smem>>) -> (i32, i32) {
    %c0_i32 = arith.constant 0 : i32
    %c0_i32_0 = arith.constant 0 : i32
    return %arg1, %c0_i32 : i32, i32
  }
  func.func @transform_5(%arg0: i32, %arg1: i32, %arg2: memref<1x32xi32, #tpu.memory_space<smem>>) -> (i32, i32) {
    %c0_i32 = arith.constant 0 : i32
    %c0_i32_0 = arith.constant 0 : i32
    %c0_i32_1 = arith.constant 0 : i32
    return %c0_i32, %c0_i32_0 : i32, i32
  }
}

</mosaic_0001>

<sc_bundles>
// kernel: kernel.6.cloned.1.call-start
scs
__scs_entry_jumppad:
0x0: {  	(pc) =	sbr.rel $0x88, $3  }
0x1: {  	(tag) =	ssettag $0x0;
	lr =	simm.s32 $0x1  }
0x2: {  	[smem:$0x3F9D] =	sst lr;
	_ =	strace $0xD0000000  }
0x3: {  	_ = 	snop  }
0x4: {  	_ = 	snop  }
0x5: {  	_ = 	snop  }
0x6: {  	_ = 	snop  }
0x7: {  	_ = 	snop  }
__scs_overlays_trampoline_lowered:
0x8: {  	[smem:$0x3FAC] =	sst s0  }
0x9: {  	[smem:$0x3FAD] =	sst s1  }
0xa: {  	[smem:$0x3FAE] =	sst s2  }
0xb: {  	[smem:$0x3FAF] =	sst s3  }
0xc: {  	[smem:$0x3FB0] =	sst s4  }
0xd: {  	[smem:$0x3FB1] =	sst s5  }
0xe: {  	[smem:$0x3FB2] =	sst s6  }
0xf: {  	[smem:$0x3FB3] =	sst s7  }
0x10: {  	[smem:$0x3FB4] =	sst s8  }
0x11: {  	[smem:$0x3FB5] =	sst s9;
	s0 =	simm.s32 @!p0 $0x0  }
0x12: {  	s1 =	sld [smem:$0x3F9B];
	s0 =	simm.s32 @p0 $0x1  }
0x13: {  	[smem:$0x3FB6] =	sst s0;
	s0 =	simm.s32 @!p1 $0x0  }
0x14: {  	s2 =	sld [smem:$0x3F9A];
	s0 =	simm.s32 @p1 $0x1  }
0x15: {  	[smem:$0x3FB7] =	sst s0;
	s0 =	simm.s32 @!p2 $0x0  }
0x16: {  	s3 =	sld [smem:$0x3FDB];
	s0 =	simm.s32 @p2 $0x1  }
0x17: {  	s4 =	simm.s32 $0x1BF5;
	[smem:$0x3FB9] =	sst s0  }
0x18: {  	s0 =	sld [smem:$0x3F9C];
	_ =	swait.ge [sflag:s4], $0x0  }
0x19: {  	s7 =	sld [smem:$0x3F9D]  }
0x1a: {  	s8 =	sadd.s32 $0xFFFFE003, lr  }
0x1b: {  	s9 =	sadd.s32 $0xFFFFFEF7, lr;
	s5 =	simm.s32 $0xFFFFFFFF;
	p2 =	slt.u32 s8, $0xFFFFF086  }
0x1c: {  	p1 =	slt.u32 s9, $0xF7A;
	s5 =	simm.s32 @!p2 $0x0  }
0x1d: {  	s5 =	simm.s32 @p1 $0x1;
	p0 =	seq.s32 s7, s2  }
0x1e: {  	s7 =	smul.u32 @!p0 $0xF7A, s2;
	p2 =	seq.s32 @!p0 s5, $0x0  }
0x1f: {  	s9 =	smul.u32 $0xF7A, s1;
	s8 =	simm.s32 @!p0 $0x1BF5;
	p2 =	por !p2, p0  }
0x20: {  	[sflag:s8] =	ssyncset.s32 @!p0 $0xFFFFF086;
	s6 =	sadd.s32 @!p0 s3, s7;
	s7 =	simm.s32 @!p0 $0x108  }
0x21: {  	s3 =	sadd.s32 s3, s9;
	s6 =	sadd.s32 @!p0 $0x88, s6;
	s7 =	simm.s32 @p2 $0x1082  }
0x22: {  	[simem:s7], [sflag:s8] =	dma.local @!p0 [hbm:s6], $0xF7A  }
0x23: {  	s9 =	sor.u32 $0xD0000000, s2;
	s6 =	simm.s32 $0x108;
	_ =	swait.ge @!p0 [sflag:s8], $0x0  }
0x24: {  	s3 =	sadd.s32 $0x88, s3;
	s6 =	simm.s32 @!p1 $0x1082;
	[sflag:s4] =	ssyncset.s32 $0xFFFFF086  }
0x25: {  	[simem:s6], [sflag:s4] =	dma.local [hbm:s3], $0xF7A  }
0x26: {  	[smem:$0x3F9D] =	sst s1;
	(tag) =	ssettag s2;
	_ =	strace s9  }
0x27: {  	s1 =	sld [smem:$0x3FAD]  }
0x28: {  	s2 =	sld [smem:$0x3FAE]  }
0x29: {  	s4 =	sld [smem:$0x3FB0]  }
0x2a: {  	p0 =	seq.s32 s5, $0x0;
	s5 =	sld [smem:$0x3FB1]  }
0x2b: {  	s6 =	sld [smem:$0x3FB2]  }
0x2c: {  	s7 =	sld [smem:$0x3FB3]  }
0x2d: {  	s3 =	simm.s32 $0x108;
	s8 =	sld [smem:$0x3FB4]  }
0x2e: {  	s3 =	simm.s32 @!p0 $0x1082;
	s9 =	sld [smem:$0x3FB5]  }
0x2f: {  	lr =	sadd.s32 s0, s3;
	s0 =	sld [smem:$0x3FAC]  }
0x30: {  	s3 =	sld [smem:$0x3FAF]  }
0x31: {  	[smem:$0x3FB8] =	sst s10  }
0x32: {  	s10 =	sld [smem:$0x3FB6];
	_ =	sdelay $0x3  }
0x33: {  	p0 =	seq.s32 s10, $0x1;
	s10 =	sld [smem:$0x3FB8];
	_ =	sdelay $0x3  }
0x34: {  	[smem:$0x3FB8] =	sst s10  }
0x35: {  	s10 =	sld [smem:$0x3FB7];
	_ =	sdelay $0x3  }
0x36: {  	p1 =	seq.s32 s10, $0x1;
	s10 =	sld [smem:$0x3FB8];
	_ =	sdelay $0x3  }
0x37: {  	[smem:$0x3FB8] =	sst s10  }
0x38: {  	s10 =	sld [smem:$0x3FB9]  }
0x39: {  	_ = 	snop;
	(pc) =	sbr.ind lr, $3  }
0x3a: {  	_ = 	snop  }
0x3b: {  	_ = 	snop  }
0x3c: {  	p2 =	seq.s32 s10, $0x1;
	s10 =	sld [smem:$0x3FB8]  }
0x3d: {  	_ =	shalt  }
0x3e: {  	_ =	shalt  }
0x3f: {  	_ =	shalt  }
0x40: {  	_ =	shalt  }
0x41: {  	_ =	shalt  }
0x42: {  	_ =	shalt  }
0x43: {  	_ =	shalt  }
0x44: {  	_ =	shalt  }
0x45: {  	_ =	shalt  }
0x46: {  	_ =	shalt  }
0x47: {  	_ =	shalt  }
0x48: {  	_ =	shalt  }
0x49: {  	_ =	shalt  }
0x4a: {  	_ =	shalt  }
0x4b: {  	_ =	shalt  }
0x4c: {  	_ =	shalt  }
0x4d: {  	_ =	shalt  }
0x4e: {  	_ =	shalt  }
0x4f: {  	_ =	shalt  }
0x50: {  	_ =	shalt  }
0x51: {  	_ =	shalt  }
0x52: {  	_ =	shalt  }
0x53: {  	_ =	shalt  }
0x54: {  	_ =	shalt  }
0x55: {  	_ =	shalt  }
0x56: {  	_ =	shalt  }
0x57: {  	_ =	shalt  }
0x58: {  	_ =	shalt  }
0x59: {  	_ =	shalt  }
0x5a: {  	_ =	shalt  }
0x5b: {  	_ =	shalt  }
0x5c: {  	_ =	shalt  }
0x5d: {  	_ =	shalt  }
0x5e: {  	_ =	shalt  }
0x5f: {  	_ =	shalt  }
0x60: {  	_ =	shalt  }
0x61: {  	_ =	shalt  }
0x62: {  	_ =	shalt  }
0x63: {  	_ =	shalt  }
0x64: {  	_ =	shalt  }
0x65: {  	_ =	shalt  }
0x66: {  	_ =	shalt  }
0x67: {  	_ =	shalt  }
0x68: {  	_ =	shalt  }
0x69: {  	_ =	shalt  }
0x6a: {  	_ =	shalt  }
0x6b: {  	_ =	shalt  }
0x6c: {  	_ =	shalt  }
0x6d: {  	_ =	shalt  }
0x6e: {  	_ =	shalt  }
0x6f: {  	_ =	shalt  }
0x70: {  	_ =	shalt  }
0x71: {  	_ =	shalt  }
0x72: {  	_ =	shalt  }
0x73: {  	_ =	shalt  }
0x74: {  	_ =	shalt  }
0x75: {  	_ =	shalt  }
0x76: {  	_ =	shalt  }
0x77: {  	_ =	shalt  }
0x78: {  	_ =	shalt  }
0x79: {  	_ =	shalt  }
0x7a: {  	_ =	shalt  }
0x7b: {  	_ =	shalt  }
0x7c: {  	_ =	shalt  }
0x7d: {  	_ =	shalt  }
0x7e: {  	_ =	shalt  }
0x7f: {  	_ =	shalt  }
0x80: {  	_ =	shalt  }
0x81: {  	_ =	shalt  }
0x82: {  	_ =	shalt  }
0x83: {  	_ =	shalt  }
0x84: {  	_ =	shalt  }
0x85: {  	_ =	shalt  }
0x86: {  	_ =	shalt  }
0x87: {  	_ =	shalt  }
.Lfunc_end0:
.L_simem_size_0:
called_computation_lowered:
.L_overlay_start_0:
0x88: {  	s2 =	sld [smem:$0x3FD9]  }
0x89: {  	s3 =	sld [smem:$0x3FFE];
	_ =	sdelay $0x1  }
0x8a: {  	s1 =	srdreg.scid  }
0x8b: {  	s0 =	sand.u32 $0x1, s1  }
0x8c: {  	s14 =	sshll.u32 s0, $0xA;
	s2 =	sadd.s32 s3, s2  }
0x8d: {  	s2 =	sadd.s32 s2, s14  }
0x8e: {  	[smem:$0x3FC4] =	sst s2  }
0x8f: {  	_ = 	snop  }
0x90: {  	s2 =	sld [smem:$0x3FD0];
	_ =	sdelay $0x2  }
0x91: {  	s15 =	simm.s32 $0xA;
	s4 =	simm.s32 $0x10  }
0x92: {  	[smem:s4], [sflag:s15] =	dma.local [hbm:s2], $0x1  }
0x93: {  	_ =	swait.eq [sflag:s15], $0x1  }
0x94: {  	[sflag:s15] =	ssyncset.done $0x0  }
0x95: {  	s16 =	sld [smem:$0x10];
	[sflag:s15] =	ssyncadd.s32 $0xFFFFFFFF  }
0x96: {  	s17 =	sld [smem:$0x11];
	(tm) =	ssettm $0x1  }
0x97: {  	s18 =	sld [smem:$0x3FFB];
	_ =	sdelay $0x3  }
0x98: {  	_ =	strace s18  }
0x99: {  	s4 =	sld [smem:$0x3FFC];
	_ =	sdelay $0x3  }
0x9a: {  	_ =	strace s4  }
0x9b: {  	s4 =	sld [smem:$0x3FFD];
	_ =	sdelay $0x3  }
0x9c: {  	_ =	strace s4  }
0x9d: {  	_ =	strace $0x8FFFFFFF  }
0x9e: {  	s19 =	sld [smem:$0x3FDB];
	_ =	sdelay $0x1  }
0x9f: {  	s5 =	simm.s32 $_scs_section_size  }
0xa0: {  	s6 =	simm.s32 $_size__tile_overlayer_lowered;
	s7 =	simm.s32 $_tile_overlayer_lowered  }
0xa1: {  	s22 =	simm.s32 $0x1BFF;
	s21 =	sshll.u32 s7, $0x1;
	s4 =	sadd.s32 s5, s19  }
0xa2: {  	s8 =	simm.s32 $0x0;
	s20 =	sshll.u32 s6, $0x1;
	s6 =	sadd.s32 s21, s4  }
0xa3: {  	[timem:s8], [sflag:s22] =	dma.local [hbm:s6], s20  }
0xa4: {  	_ =	swait.ge [sflag:s22], s20  }
0xa5: {  	s5 =	ssub.s32 $0x0, s20;
	[sflag:s22] =	ssyncset.done $0x0  }
0xa6: {  	[sflag:s22] =	ssyncadd.s32 s5;
	_ =	sdelay $0x1  }
0xa7: {  	s23 =	simm.s32 $0x1B8B  }
0xa8: {  	_ =	swait.ge [sflag:s23], $0x1  }
0xa9: {  	[sflag:s23] =	ssyncset.done $0x0  }
0xaa: {  	s25 =	simm.s32 $0x1B8E;
	s24 =	sld [smem:$0x3FFE];
	[sflag:s23] =	ssyncadd.s32 $0xFFFFFFFF  }
0xab: {  	s26 =	simm.s32 $execute0_lowered;
	[smem:$0x3FD2] =	sst s25  }
0xac: {  	s6 =	sshll.u32 s26, $0x1;
	_ =	strace $0x80000046;
	[dreg:$0x1] =	wrdreg $0xFFFFFFFF  }
0xad: {  	s28 =	simm.s32 $_size_execute0_lowered;
	s4 =	sadd.s32 s4, s6;
	[dreg:$0x0] =	wrdreg $0x0  }
0xae: {  	s6 =	sshll.u32 s28, $0x1;
	[dreg:$0x2] =	wrdreg s4  }
0xaf: {  	[dreg:$0x3] =	wrdreg s6  }
0xb0: {  	[dreg:$0x4] =	wrdreg $0xC0  }
0xb1: {  	_ =	task [dreg:s8], $0x5FFFF  }
0xb2: {  	[dreg:$0x1] =	wrdreg $0xFFFFFFFF  }
0xb3: {  	[dreg:$0x0] =	wrdreg $0x60  }
0xb4: {  	[dreg:$0x2] =	wrdreg s16  }
0xb5: {  	[dreg:$0x3] =	wrdreg s17  }
0xb6: {  	[dreg:$0x4] =	wrdreg s24  }
0xb7: {  	[dreg:$0x5] =	wrdreg $0x9  }
0xb8: {  	_ =	task.clear_ibuf [dreg:s8], $0x6FFFF;
	_ =	strace $0x90000046  }
0xb9: {  	s29 =	simm.s32 $0x9;
	_ =	strace $0x80000048  }
0xba: {  	_ =	swait.ge [sflag:s29], $0x1  }
0xbb: {  	[sflag:s29] =	ssyncadd.s32 $0xFFFFFFFF  }
0xbc: {  	_ =	strace $0x90000048  }
0xbd: {  	_ =	sfence  }
0xbe: {  	s30 =	sld [smem:$0x0];
	_ =	sdelay $0x2  }
0xbf: {  	s31 =	sshll.u32 s1, $0xD;
	s1 =	sshrl.u32 s1, $0x2  }
0xc0: {  	s3 =	sand.u32 $0x4000, s31;
	s1 =	sadd.s32 s1, s30  }
0xc1: {  	s0 =	sor.u32 s3, s0;
	s1 =	sshll.u32 s1, $0x11  }
0xc2: {  	s0 =	sor.u32 s1, s0  }
0xc3: {  	s0 =	sadd.s32 $0x8F2B, s0  }
0xc4: {  	[sflag:s0] =	ssyncadd.remote.s32 $0x1  }
0xc5: {  	_ =	sfence.sel $0xFFFF  }
0xc6: {  	[dreg:$0x0] =	wrdreg $0xFFFFFFFF;
	(pc) =	sbr.abs _section_cstart, $3  }
0xc7: {  	[dreg:$0x1] =	wrdreg $0xFFFFFFFF  }
0xc8: {  	_ =	task.clear_ibuf [dreg:s8], $0x2FFFF;
	_ =	strace $0x9FFFFFFF  }
0xc9: {  	(tm) =	ssettm $0x7FFFFFFF  }
tec
execute0_lowered:
.L_overlay_start_1:
0x0: {  	(tag) =	ssettag $0x1  }
0x1: {  	s1 =	rddreg [dreg:$0x0]  }
0x2: {  	s0 =	rddreg [dreg:$0x1]  }
0x3: {  	s2 =	rddreg [dreg:$0x2];
	s3 =	simm.s32 $0x0;
	s4 =	srdreg.scid  }
0x4: {  	s7 =	stileid.u32;
	s31 =	simm.s32 $0x2300;
	s17 =	simm.s32 $0x7300  }
0x5: {  	s18 =	simm.s32 $0x7B00;
	s19 =	simm.s32 $0x8300;
	s20 =	simm.s32 $0x8B00  }
0x6: {  	s21 =	simm.s32 $0x9300;
	s22 =	simm.s32 $0x9B00;
	[smem:$0x7FF] =	sst s3  }
0x7: {  	s5 =	sand.u32 $0x1, s4;
	s6 =	sadd.s32 $0x9400, s2;
	s7 =	sshll.u32 s7, $0x8  }
0x8: {  	s4 =	sadd.s32 $0x9A00, s2;
	s23 =	sadd.s32 $0x9600, s2;
	_ =	strace $0x80000047  }
0x9: {  	s8 =	sshll.u32 s5, $0x7;
	s9 =	ssub.s32 $0x2, s5;
	[dreg:$0x8] =	wrdreg s23  }
0xa: {  	s5 =	simm.s32 $0x2B00;
	s23 =	simm.s32 $0xAB00;
	s10 =	sor.u32 s8, s7  }
0xb: {  	s24 =	sshrl.u32 s9, $0x1;
	s7 =	sadd.s32 $0x9B00, s2;
	s2 =	simm.s32 $0x3300  }
0xc: {  	s8 =	sshrl.u32 s10, $0x3;
	s9 =	ssub.s32 s9, s24;
	s11 =	sor.u32 $0x40, s10  }
0xd: {  	s12 =	sor.u32 $0x10, s10;
	s13 =	sor.u32 $0x20, s10;
	s14 =	sor.u32 $0x30, s10  }
0xe: {  	v10 =	vlaneseq.u32;
	s30 =	sor.u32 $0x50, s10;
	s15 =	sor.u32 $0x60, s10;
	s16 =	sor.u32 $0x70, s10  }
0xf: {  	vm0 =	vmmov $0xffff;
	v9 =	vshrl.u32 v10, $0x3;
	v0 =	vor.u32 s10, v10;
	s10 =	simm.s32 $0x3B00;
	s24 =	simm.s32 $0xB300;
	s25 =	sadd.s32 s0, s8  }
0x10: {  	v8 =	vand.u32 $0x7, v10;
	v9 =	vmul.u32 $0x8, v9;
	s26 =	sadd.s32 s6, s8;
	s28 =	sshrl.u32 s11, $0x3;
	s8 =	smax.u32 s9, $0x1;
	v1 =	vor.u32 s12, v10  }
0x11: {  	s9 =	simm.s32 $0x4;
	v2 =	vor.u32 s13, v10;
	v3 =	vor.u32 s14, v10;
	v4 =	vor.u32 s11, v10;
	s11 =	simm.s32 $0x4300;
	s12 =	simm.s32 $0x4B00  }
0x12: {  	v5 =	vor.u32 s30, v10;
	v6 =	vor.u32 s15, v10;
	v7 =	vor.u32 s16, v10;
	s13 =	simm.s32 $0x5300;
	s14 =	simm.s32 $0x5B00;
	[dreg:$0x4] =	wrdreg s25  }
0x13: {  	v0 =	vshrl.u32 v0, $0x1;
	v10 =	vor.u32 $0x8, v10;
	s15 =	simm.s32 $0x6300;
	[dreg:$0x5] =	wrdreg s26;
	s0 =	sadd.s32 s0, s28;
	v1 =	vshrl.u32 v1, $0x1  }
0x14: {  	s16 =	simm.s32 $0x6B00;
	s29 =	sadd.s32 s6, s28;
	v2 =	vshrl.u32 v2, $0x1;
	v3 =	vshrl.u32 v3, $0x1;
	v4 =	vshrl.u32 v4, $0x1;
	[dreg:$0x6] =	wrdreg s0  }
0x15: {  	s6 =	sadd.s32 $0x100, s1;
	v5 =	vshrl.u32 v5, $0x1;
	v6 =	vshrl.u32 v6, $0x1;
	v7 =	vshrl.u32 v7, $0x1;
	s25 =	simm.s32 $0xBB00;
	[dreg:$0x7] =	wrdreg s29  }
.LBB2_1:
0x16: {  	s26 =	rddreg [dreg:$0x4]  }
0x17: {  	[tilespmem:s3], [sflag:$0x4] =	stream.linear.gather [hbm4b:s26+s3], $0x40, $0x38;
	[tilespmem:$0x10300] =	vst v63  }
0x18: {  	_ =	swait.ge [sflag:s9], $0x40  }
0x19: {  	[sflag:s9] =	ssyncset.done $0x0  }
0x1a: {  	s28 =	simm.s32 $0x100;
	s29 =	rddreg [dreg:$0x5];
	[sflag:s9] =	ssyncadd.s32 $0xFFFFFFC0  }
0x1b: {  	[tilespmem:s28], [sflag:$0x4] =	stream.linear.gather [hbm4b:s29+s3], $0x40, $0x38;
	[tilespmem:$0x10300] =	vst v63  }
0x1c: {  	_ =	swait.ge [sflag:s9], $0x40  }
0x1d: {  	[sflag:s9] =	ssyncset.done $0x0  }
0x1e: {  	[sflag:s9] =	ssyncadd.s32 $0xFFFFFFC0  }
0x1f: {  	[tilespmem:$0x200] =	vst v0  }
0x20: {  	[tilespmem:$0x210] =	vst v1  }
0x21: {  	[tilespmem:$0x220] =	vst v2  }
0x22: {  	s29 =	simm.s32 $0x80;
	s30 =	rddreg [dreg:$0x6];
	[tilespmem:$0x230] =	vst v3  }
0x23: {  	[tilespmem:s29], [sflag:$0x4] =	stream.linear.gather [hbm4b:s30+s3], $0x40, $0x38;
	[tilespmem:$0x10300] =	vst v63  }
0x24: {  	_ =	swait.ge [sflag:s9], $0x40  }
0x25: {  	[sflag:s9] =	ssyncset.done $0x0  }
0x26: {  	s30 =	simm.s32 $0x180;
	s0 =	rddreg [dreg:$0x7];
	[sflag:s9] =	ssyncadd.s32 $0xFFFFFFC0  }
0x27: {  	[tilespmem:s30], [sflag:$0x4] =	stream.linear.gather [hbm4b:s0+s3], $0x40, $0x38;
	[tilespmem:$0x10300] =	vst v63  }
0x28: {  	_ =	swait.ge [sflag:s9], $0x40  }
0x29: {  	[sflag:s9] =	ssyncset.done $0x0  }
0x2a: {  	[sflag:s9] =	ssyncadd.s32 $0xFFFFFFC0  }
0x2b: {  	[tilespmem:$0x280] =	vst v4  }
0x2c: {  	[tilespmem:$0x290] =	vst v5  }
0x2d: {  	[tilespmem:$0x2A0] =	vst v6  }
0x2e: {  	s26 =	simm.s32 $0x40;
	s0 =	rddreg [dreg:$0x8];
	[tilespmem:$0x2B0] =	vst v7  }
0x2f: {  	[hbm4b:s0+s26] =	stream.indirect.scatter [tilespmem:s28], [sflag:$0x1], $0x1, s3, s26, $0xb8;
	[tilespmem:$0x10300] =	vst v63  }
0x30: {  	_ = 	snop  }
0x31: {  	[hbm4b:s0+s26] =	stream.indirect.scatter [tilespmem:s30], [sflag:$0x1], $0x1, s29, s26, $0xb8;
	[tilespmem:$0x10300] =	vst v63  }
0x32: {  	v11 =	vld [tilespmem:$0x200];
	_ =	sdelay $0x4  }
0x33: {  	v12 =	vshll.u32 v11, $0x2  }
0x34: {  	v11 =	vand.u32 $0x7, v11;
	v12 =	vand.u32 $0xFFFFFFE0, v12  }
0x35: {  	v11 =	vor.u32 v11, v12  }
0x36: {  	v12 =	vperm.xlane v11, v8;
	_ =	sdelay $0x1  }
0x37: {  	v12 =	vadd.s32 v9, v12;
	_ =	sdelay $0x1  }
0x38: {  	v11 =	vperm.xlane v11, v10;
	_ =	sdelay $0x1  }
0x39: {  	s26 =	simm.s32 $0x300;
	v11 =	vadd.s32 v9, v11  }
0x3a: {  	[tilespmem:s26], [sflag:$0x2] =	stream.indirect_vreg.gather [hbm4b:s1+s3], $0x80, v12, vm0, $0xb8;
	[tilespmem:$0x10300] =	vst v63  }
0x3b: {  	s28 =	simm.s32 $0xB00  }
0x3c: {  	[tilespmem:s28], [sflag:$0x2] =	stream.indirect_vreg.gather [hbm4b:s6+s3], $0x80, v12, vm0, $0xb8;
	[tilespmem:$0x10300] =	vst v63  }
0x3d: {  	s29 =	simm.s32 $0x1300  }
0x3e: {  	[tilespmem:s29], [sflag:$0x2] =	stream.indirect_vreg.gather [hbm4b:s1+s3], $0x80, v11, vm0, $0xb8;
	[tilespmem:$0x10300] =	vst v63  }
0x3f: {  	s30 =	simm.s32 $0x1B00  }
0x40: {  	[tilespmem:s30], [sflag:$0x2] =	stream.indirect_vreg.gather [hbm4b:s6+s3], $0x80, v11, vm0, $0xb8;
	[tilespmem:$0x10300] =	vst v63  }
0x41: {  	v11 =	vld [tilespmem:$0x210];
	_ =	sdelay $0x4  }
0x42: {  	v49 =	vshll.u32 v11, $0x2  }
0x43: {  	v11 =	vand.u32 $0x7, v11;
	v12 =	vand.u32 $0xFFFFFFE0, v49  }
0x44: {  	v11 =	vor.u32 v11, v12  }
0x45: {  	v12 =	vperm.xlane v11, v8;
	_ =	sdelay $0x1  }
0x46: {  	v12 =	vadd.s32 v9, v12;
	_ =	sdelay $0x1  }
0x47: {  	v11 =	vperm.xlane v11, v10;
	_ =	sdelay $0x1  }
0x48: {  	v11 =	vadd.s32 v9, v11  }
0x49: {  	[tilespmem:s31], [sflag:$0x2] =	stream.indirect_vreg.gather [hbm4b:s1+s3], $0x80, v12, vm0, $0xb8;
	[tilespmem:$0x10300] =	vst v63  }
0x4a: {  	_ = 	snop  }
0x4b: {  	[tilespmem:s5], [sflag:$0x2] =	stream.indirect_vreg.gather [hbm4b:s6+s3], $0x80, v12, vm0, $0xb8;
	[tilespmem:$0x10300] =	vst v63  }
0x4c: {  	_ = 	snop  }
0x4d: {  	[tilespmem:s2], [sflag:$0x2] =	stream.indirect_vreg.gather [hbm4b:s1+s3], $0x80, v11, vm0, $0xb8;
	[tilespmem:$0x10300] =	vst v63  }
0x4e: {  	_ = 	snop  }
0x4f: {  	[tilespmem:s10], [sflag:$0x2] =	stream.indirect_vreg.gather [hbm4b:s6+s3], $0x80, v11, vm0, $0xb8;
	[tilespmem:$0x10300] =	vst v63  }
0x50: {  	v11 =	vld [tilespmem:$0x220];
	_ =	sdelay $0x4  }
0x51: {  	v50 =	vshll.u32 v11, $0x2  }
0x52: {  	v11 =	vand.u32 $0x7, v11;
	v12 =	vand.u32 $0xFFFFFFE0, v50  }
0x53: {  	v11 =	vor.u32 v11, v12  }
0x54: {  	v12 =	vperm.xlane v11, v8;
	_ =	sdelay $0x1  }
0x55: {  	v12 =	vadd.s32 v9, v12;
	_ =	sdelay $0x1  }
0x56: {  	v11 =	vperm.xlane v11, v10;
	_ =	sdelay $0x1  }
0x57: {  	v11 =	vadd.s32 v9, v11  }
0x58: {  	[tilespmem:s11], [sflag:$0x2] =	stream.indirect_vreg.gather [hbm4b:s1+s3], $0x80, v12, vm0, $0xb8;
	[tilespmem:$0x10300] =	vst v63  }
0x59: {  	_ = 	snop  }
0x5a: {  	[tilespmem:s12], [sflag:$0x2] =	stream.indirect_vreg.gather [hbm4b:s6+s3], $0x80, v12, vm0, $0xb8;
	[tilespmem:$0x10300] =	vst v63  }
0x5b: {  	_ = 	snop  }
0x5c: {  	[tilespmem:s13], [sflag:$0x2] =	stream.indirect_vreg.gather [hbm4b:s1+s3], $0x80, v11, vm0, $0xb8;
	[tilespmem:$0x10300] =	vst v63  }
0x5d: {  	_ = 	snop  }
0x5e: {  	[tilespmem:s14], [sflag:$0x2] =	stream.indirect_vreg.gather [hbm4b:s6+s3], $0x80, v11, vm0, $0xb8;
	[tilespmem:$0x10300] =	vst v63  }
0x5f: {  	v11 =	vld [tilespmem:$0x230];
	_ =	sdelay $0x4  }
0x60: {  	v51 =	vshll.u32 v11, $0x2  }
0x61: {  	v11 =	vand.u32 $0x7, v11;
	v12 =	vand.u32 $0xFFFFFFE0, v51  }
0x62: {  	v11 =	vor.u32 v11, v12  }
0x63: {  	v12 =	vperm.xlane v11, v8;
	_ =	sdelay $0x1  }
0x64: {  	v12 =	vadd.s32 v9, v12;
	_ =	sdelay $0x1  }
0x65: {  	v11 =	vperm.xlane v11, v10;
	_ =	sdelay $0x1  }
0x66: {  	v11 =	vadd.s32 v9, v11  }
0x67: {  	[tilespmem:s15], [sflag:$0x2] =	stream.indirect_vreg.gather [hbm4b:s1+s3], $0x80, v12, vm0, $0xb8;
	[tilespmem:$0x10300] =	vst v63  }
0x68: {  	_ = 	snop  }
0x69: {  	[tilespmem:s16], [sflag:$0x2] =	stream.indirect_vreg.gather [hbm4b:s6+s3], $0x80, v12, vm0, $0xb8;
	[tilespmem:$0x10300] =	vst v63  }
0x6a: {  	_ = 	snop  }
0x6b: {  	[tilespmem:s17], [sflag:$0x2] =	stream.indirect_vreg.gather [hbm4b:s1+s3], $0x80, v11, vm0, $0xb8;
	[tilespmem:$0x10300] =	vst v63  }
0x6c: {  	_ = 	snop  }
0x6d: {  	[tilespmem:s18], [sflag:$0x2] =	stream.indirect_vreg.gather [hbm4b:s6+s3], $0x80, v11, vm0, $0xb8;
	[tilespmem:$0x10300] =	vst v63  }
0x6e: {  	v11 =	vld [tilespmem:$0x280];
	_ =	sdelay $0x4  }
0x6f: {  	v52 =	vshll.u32 v11, $0x2  }
0x70: {  	v11 =	vand.u32 $0x7, v11;
	v12 =	vand.u32 $0xFFFFFFE0, v52  }
0x71: {  	v11 =	vor.u32 v11, v12  }
0x72: {  	v12 =	vperm.xlane v11, v8;
	_ =	sdelay $0x1  }
0x73: {  	v12 =	vadd.s32 v9, v12;
	_ =	sdelay $0x1  }
0x74: {  	v11 =	vperm.xlane v11, v10;
	_ =	sdelay $0x1  }
0x75: {  	v11 =	vadd.s32 v9, v11  }
0x76: {  	[tilespmem:s19], [sflag:$0x2] =	stream.indirect_vreg.gather [hbm4b:s1+s3], $0x80, v12, vm0, $0xb8;
	[tilespmem:$0x10300] =	vst v63  }
0x77: {  	_ = 	snop  }
0x78: {  	[tilespmem:s20], [sflag:$0x2] =	stream.indirect_vreg.gather [hbm4b:s6+s3], $0x80, v12, vm0, $0xb8;
	[tilespmem:$0x10300] =	vst v63  }
0x79: {  	_ = 	snop  }
0x7a: {  	[tilespmem:s21], [sflag:$0x2] =	stream.indirect_vreg.gather [hbm4b:s1+s3], $0x80, v11, vm0, $0xb8;
	[tilespmem:$0x10300] =	vst v63  }
0x7b: {  	_ = 	snop  }
0x7c: {  	[tilespmem:s22], [sflag:$0x2] =	stream.indirect_vreg.gather [hbm4b:s6+s3], $0x80, v11, vm0, $0xb8;
	[tilespmem:$0x10300] =	vst v63  }
0x7d: {  	v11 =	vld [tilespmem:$0x290];
	_ =	sdelay $0x4  }
0x7e: {  	v53 =	vshll.u32 v11, $0x2  }
0x7f: {  	v11 =	vand.u32 $0x7, v11;
	v12 =	vand.u32 $0xFFFFFFE0, v53  }
0x80: {  	v11 =	vor.u32 v11, v12  }
0x81: {  	v12 =	vperm.xlane v11, v8;
	_ =	sdelay $0x1  }
0x82: {  	v12 =	vadd.s32 v9, v12;
	_ =	sdelay $0x1  }
0x83: {  	v11 =	vperm.xlane v11, v10;
	_ =	sdelay $0x1  }
0x84: {  	s0 =	simm.s32 $0xA300;
	v11 =	vadd.s32 v9, v11  }
0x85: {  	[tilespmem:s0], [sflag:$0x2] =	stream.indirect_vreg.gather [hbm4b:s1+s3], $0x80, v12, vm0, $0xb8;
	[tilespmem:$0x10300] =	vst v63  }
0x86: {  	_ = 	snop  }
0x87: {  	[tilespmem:s23], [sflag:$0x2] =	stream.indirect_vreg.gather [hbm4b:s6+s3], $0x80, v12, vm0, $0xb8;
	[tilespmem:$0x10300] =	vst v63  }
0x88: {  	_ = 	snop  }
0x89: {  	[tilespmem:s24], [sflag:$0x2] =	stream.indirect_vreg.gather [hbm4b:s1+s3], $0x80, v11, vm0, $0xb8;
	[tilespmem:$0x10300] =	vst v63  }
0x8a: {  	_ = 	snop  }
0x8b: {  	[tilespmem:s25], [sflag:$0x2] =	stream.indirect_vreg.gather [hbm4b:s6+s3], $0x80, v11, vm0, $0xb8;
	[tilespmem:$0x10300] =	vst v63  }
0x8c: {  	v11 =	vld [tilespmem:$0x2A0];
	_ =	sdelay $0x4  }
0x8d: {  	v54 =	vshll.u32 v11, $0x2  }
0x8e: {  	v11 =	vand.u32 $0x7, v11;
	v12 =	vand.u32 $0xFFFFFFE0, v54  }
0x8f: {  	v11 =	vor.u32 v11, v12  }
0x90: {  	v12 =	vperm.xlane v11, v8;
	_ =	sdelay $0x1  }
0x91: {  	v12 =	vadd.s32 v9, v12;
	_ =	sdelay $0x1  }
0x92: {  	v11 =	vperm.xlane v11, v10;
	_ =	sdelay $0x1  }
0x93: {  	s0 =	simm.s32 $0xC300;
	v11 =	vadd.s32 v9, v11  }
0x94: {  	[tilespmem:s0], [sflag:$0x2] =	stream.indirect_vreg.gather [hbm4b:s1+s3], $0x80, v12, vm0, $0xb8;
	[tilespmem:$0x10300] =	vst v63  }
0x95: {  	s0 =	simm.s32 $0xCB00  }
0x96: {  	[tilespmem:s0], [sflag:$0x2] =	stream.indirect_vreg.gather [hbm4b:s6+s3], $0x80, v12, vm0, $0xb8;
	[tilespmem:$0x10300] =	vst v63  }
0x97: {  	s0 =	simm.s32 $0xD300  }
0x98: {  	[tilespmem:s0], [sflag:$0x2] =	stream.indirect_vreg.gather [hbm4b:s1+s3], $0x80, v11, vm0, $0xb8;
	[tilespmem:$0x10300] =	vst v63  }
0x99: {  	s0 =	simm.s32 $0xDB00  }
0x9a: {  	[tilespmem:s0], [sflag:$0x2] =	stream.indirect_vreg.gather [hbm4b:s6+s3], $0x80, v11, vm0, $0xb8;
	[tilespmem:$0x10300] =	vst v63  }
0x9b: {  	v11 =	vld [tilespmem:$0x2B0];
	_ =	sdelay $0x4  }
0x9c: {  	v55 =	vshll.u32 v11, $0x2  }
0x9d: {  	v11 =	vand.u32 $0x7, v11;
	v12 =	vand.u32 $0xFFFFFFE0, v55  }
0x9e: {  	v11 =	vor.u32 v11, v12  }
0x9f: {  	v12 =	vperm.xlane v11, v8;
	_ =	sdelay $0x1  }
0xa0: {  	v12 =	vadd.s32 v9, v12;
	_ =	sdelay $0x1  }
0xa1: {  	v11 =	vperm.xlane v11, v10;
	_ =	sdelay $0x1  }
0xa2: {  	s0 =	simm.s32 $0xE300;
	v11 =	vadd.s32 v9, v11  }
0xa3: {  	[tilespmem:s0], [sflag:$0x2] =	stream.indirect_vreg.gather [hbm4b:s1+s3], $0x80, v12, vm0, $0xb8;
	[tilespmem:$0x10300] =	vst v63  }
0xa4: {  	s0 =	simm.s32 $0xEB00  }
0xa5: {  	[tilespmem:s0], [sflag:$0x2] =	stream.indirect_vreg.gather [hbm4b:s6+s3], $0x80, v12, vm0, $0xb8;
	[tilespmem:$0x10300] =	vst v63  }
0xa6: {  	s0 =	simm.s32 $0xF300  }
0xa7: {  	[tilespmem:s0], [sflag:$0x2] =	stream.indirect_vreg.gather [hbm4b:s1+s3], $0x80, v11, vm0, $0xb8;
	[tilespmem:$0x10300] =	vst v63  }
0xa8: {  	s0 =	simm.s32 $0xFB00  }
0xa9: {  	[tilespmem:s0], [sflag:$0x2] =	stream.indirect_vreg.gather [hbm4b:s6+s3], $0x80, v11, vm0, $0xb8;
	[tilespmem:$0x10300] =	vst v63  }
0xaa: {  	s0 =	simm.s32 $0x2  }
0xab: {  	_ =	swait.ge [sflag:s0], $0x8000  }
0xac: {  	[sflag:s0] =	ssyncset.done $0x0  }
0xad: {  	[sflag:s0] =	ssyncadd.s32 $0xFFFF8000  }
0xae: {  	v11 =	vld [tilespmem:$0x0];
	_ =	sdelay $0x4  }
0xaf: {  	v56 =	vshll.u32 v11, $0x2  }
0xb0: {  	v11 =	vand.u32 $0x7, v11;
	v12 =	vand.u32 $0xFFFFFFE0, v56  }
0xb1: {  	v11 =	vor.u32 v11, v12  }
0xb2: {  	v12 =	vperm.xlane v11, v8;
	_ =	sdelay $0x1  }
0xb3: {  	v12 =	vadd.s32 v9, v12;
	_ =	sdelay $0x1  }
0xb4: {  	v11 =	vperm.xlane v11, v10;
	_ =	sdelay $0x1  }
0xb5: {  	v11 =	vadd.s32 v9, v11  }
0xb6: {  	[hbm4b:s4+s3] =	stream.indirect_vreg.scatter [tilespmem:s26], [sflag:$0x3], $0x80, v12, vm0, $0xb8;
	[tilespmem:$0x10300] =	vst v63  }
0xb7: {  	_ = 	snop  }
0xb8: {  	[hbm4b:s7+s3] =	stream.indirect_vreg.scatter [tilespmem:s28], [sflag:$0x3], $0x80, v12, vm0, $0xb8;
	[tilespmem:$0x10300] =	vst v63  }
0xb9: {  	_ = 	snop  }
0xba: {  	[hbm4b:s4+s3] =	stream.indirect_vreg.scatter [tilespmem:s29], [sflag:$0x3], $0x80, v11, vm0, $0xb8;
	[tilespmem:$0x10300] =	vst v63  }
0xbb: {  	_ = 	snop  }
0xbc: {  	[hbm4b:s7+s3] =	stream.indirect_vreg.scatter [tilespmem:s30], [sflag:$0x3], $0x80, v11, vm0, $0xb8;
	[tilespmem:$0x10300] =	vst v63  }
0xbd: {  	v11 =	vld [tilespmem:$0x10];
	_ =	sdelay $0x4  }
0xbe: {  	v57 =	vshll.u32 v11, $0x2  }
0xbf: {  	v11 =	vand.u32 $0x7, v11;
	v12 =	vand.u32 $0xFFFFFFE0, v57  }
0xc0: {  	v11 =	vor.u32 v11, v12  }
0xc1: {  	v12 =	vperm.xlane v11, v8;
	_ =	sdelay $0x1  }
0xc2: {  	v12 =	vadd.s32 v9, v12;
	_ =	sdelay $0x1  }
0xc3: {  	v11 =	vperm.xlane v11, v10;
	_ =	sdelay $0x1  }
0xc4: {  	v11 =	vadd.s32 v9, v11  }
0xc5: {  	[hbm4b:s4+s3] =	stream.indirect_vreg.scatter [tilespmem:s31], [sflag:$0x3], $0x80, v12, vm0, $0xb8;
	[tilespmem:$0x10300] =	vst v63  }
0xc6: {  	_ = 	snop  }
0xc7: {  	[hbm4b:s7+s3] =	stream.indirect_vreg.scatter [tilespmem:s5], [sflag:$0x3], $0x80, v12, vm0, $0xb8;
	[tilespmem:$0x10300] =	vst v63  }
0xc8: {  	_ = 	snop  }
0xc9: {  	[hbm4b:s4+s3] =	stream.indirect_vreg.scatter [tilespmem:s2], [sflag:$0x3], $0x80, v11, vm0, $0xb8;
	[tilespmem:$0x10300] =	vst v63  }
0xca: {  	_ = 	snop  }
0xcb: {  	[hbm4b:s7+s3] =	stream.indirect_vreg.scatter [tilespmem:s10], [sflag:$0x3], $0x80, v11, vm0, $0xb8;
	[tilespmem:$0x10300] =	vst v63  }
0xcc: {  	v11 =	vld [tilespmem:$0x20];
	_ =	sdelay $0x4  }
0xcd: {  	v58 =	vshll.u32 v11, $0x2  }
0xce: {  	v11 =	vand.u32 $0x7, v11;
	v12 =	vand.u32 $0xFFFFFFE0, v58  }
0xcf: {  	v11 =	vor.u32 v11, v12  }
0xd0: {  	v12 =	vperm.xlane v11, v8;
	_ =	sdelay $0x1  }
0xd1: {  	v12 =	vadd.s32 v9, v12;
	_ =	sdelay $0x1  }
0xd2: {  	v11 =	vperm.xlane v11, v10;
	_ =	sdelay $0x1  }
0xd3: {  	v11 =	vadd.s32 v9, v11  }
0xd4: {  	[hbm4b:s4+s3] =	stream.indirect_vreg.scatter [tilespmem:s11], [sflag:$0x3], $0x80, v12, vm0, $0xb8;
	[tilespmem:$0x10300] =	vst v63  }
0xd5: {  	_ = 	snop  }
0xd6: {  	[hbm4b:s7+s3] =	stream.indirect_vreg.scatter [tilespmem:s12], [sflag:$0x3], $0x80, v12, vm0, $0xb8;
	[tilespmem:$0x10300] =	vst v63  }
0xd7: {  	_ = 	snop  }
0xd8: {  	[hbm4b:s4+s3] =	stream.indirect_vreg.scatter [tilespmem:s13], [sflag:$0x3], $0x80, v11, vm0, $0xb8;
	[tilespmem:$0x10300] =	vst v63  }
0xd9: {  	_ = 	snop  }
0xda: {  	[hbm4b:s7+s3] =	stream.indirect_vreg.scatter [tilespmem:s14], [sflag:$0x3], $0x80, v11, vm0, $0xb8;
	[tilespmem:$0x10300] =	vst v63  }
0xdb: {  	v11 =	vld [tilespmem:$0x30];
	_ =	sdelay $0x4  }
0xdc: {  	v59 =	vshll.u32 v11, $0x2  }
0xdd: {  	v11 =	vand.u32 $0x7, v11;
	v12 =	vand.u32 $0xFFFFFFE0, v59  }
0xde: {  	v11 =	vor.u32 v11, v12  }
0xdf: {  	v12 =	vperm.xlane v11, v8;
	_ =	sdelay $0x1  }
0xe0: {  	v12 =	vadd.s32 v9, v12;
	_ =	sdelay $0x1  }
0xe1: {  	v11 =	vperm.xlane v11, v10;
	_ =	sdelay $0x1  }
0xe2: {  	v11 =	vadd.s32 v9, v11  }
0xe3: {  	[hbm4b:s4+s3] =	stream.indirect_vreg.scatter [tilespmem:s15], [sflag:$0x3], $0x80, v12, vm0, $0xb8;
	[tilespmem:$0x10300] =	vst v63  }
0xe4: {  	_ = 	snop  }
0xe5: {  	[hbm4b:s7+s3] =	stream.indirect_vreg.scatter [tilespmem:s16], [sflag:$0x3], $0x80, v12, vm0, $0xb8;
	[tilespmem:$0x10300] =	vst v63  }
0xe6: {  	_ = 	snop  }
0xe7: {  	[hbm4b:s4+s3] =	stream.indirect_vreg.scatter [tilespmem:s17], [sflag:$0x3], $0x80, v11, vm0, $0xb8;
	[tilespmem:$0x10300] =	vst v63  }
0xe8: {  	_ = 	snop  }
0xe9: {  	[hbm4b:s7+s3] =	stream.indirect_vreg.scatter [tilespmem:s18], [sflag:$0x3], $0x80, v11, vm0, $0xb8;
	[tilespmem:$0x10300] =	vst v63  }
0xea: {  	_ =	swait.ge [sflag:s0], $0x8000  }
0xeb: {  	[sflag:s0] =	ssyncset.done $0x0  }
0xec: {  	[sflag:s0] =	ssyncadd.s32 $0xFFFF8000  }
0xed: {  	v11 =	vld [tilespmem:$0x80];
	_ =	sdelay $0x4  }
0xee: {  	v60 =	vshll.u32 v11, $0x2  }
0xef: {  	v11 =	vand.u32 $0x7, v11;
	v12 =	vand.u32 $0xFFFFFFE0, v60  }
0xf0: {  	v11 =	vor.u32 v11, v12  }
0xf1: {  	v12 =	vperm.xlane v11, v8;
	_ =	sdelay $0x1  }
0xf2: {  	v12 =	vadd.s32 v9, v12;
	_ =	sdelay $0x1  }
0xf3: {  	v11 =	vperm.xlane v11, v10;
	_ =	sdelay $0x1  }
0xf4: {  	v11 =	vadd.s32 v9, v11  }
0xf5: {  	[hbm4b:s4+s3] =	stream.indirect_vreg.scatter [tilespmem:s19], [sflag:$0x3], $0x80, v12, vm0, $0xb8;
	[tilespmem:$0x10300] =	vst v63  }
0xf6: {  	_ = 	snop  }
0xf7: {  	[hbm4b:s7+s3] =	stream.indirect_vreg.scatter [tilespmem:s20], [sflag:$0x3], $0x80, v12, vm0, $0xb8;
	[tilespmem:$0x10300] =	vst v63  }
0xf8: {  	_ = 	snop  }
0xf9: {  	[hbm4b:s4+s3] =	stream.indirect_vreg.scatter [tilespmem:s21], [sflag:$0x3], $0x80, v11, vm0, $0xb8;
	[tilespmem:$0x10300] =	vst v63  }
0xfa: {  	_ = 	snop  }
0xfb: {  	[hbm4b:s7+s3] =	stream.indirect_vreg.scatter [tilespmem:s22], [sflag:$0x3], $0x80, v11, vm0, $0xb8;
	[tilespmem:$0x10300] =	vst v63  }
0xfc: {  	v11 =	vld [tilespmem:$0x90];
	_ =	sdelay $0x4  }
0xfd: {  	v61 =	vshll.u32 v11, $0x2  }
0xfe: {  	v11 =	vand.u32 $0x7, v11;
	v12 =	vand.u32 $0xFFFFFFE0, v61  }
0xff: {  	v11 =	vor.u32 v11, v12  }
0x100: {  	v12 =	vperm.xlane v11, v8;
	_ =	sdelay $0x1  }
0x101: {  	v12 =	vadd.s32 v9, v12;
	_ =	sdelay $0x1  }
0x102: {  	v11 =	vperm.xlane v11, v10;
	_ =	sdelay $0x1  }
0x103: {  	s28 =	simm.s32 $0xA300;
	v11 =	vadd.s32 v9, v11  }
0x104: {  	[hbm4b:s4+s3] =	stream.indirect_vreg.scatter [tilespmem:s28], [sflag:$0x3], $0x80, v12, vm0, $0xb8;
	[tilespmem:$0x10300] =	vst v63  }
0x105: {  	_ = 	snop  }
0x106: {  	[hbm4b:s7+s3] =	stream.indirect_vreg.scatter [tilespmem:s23], [sflag:$0x3], $0x80, v12, vm0, $0xb8;
	[tilespmem:$0x10300] =	vst v63  }
0x107: {  	_ = 	snop  }
0x108: {  	[hbm4b:s4+s3] =	stream.indirect_vreg.scatter [tilespmem:s24], [sflag:$0x3], $0x80, v11, vm0, $0xb8;
	[tilespmem:$0x10300] =	vst v63  }
0x109: {  	_ = 	snop  }
0x10a: {  	[hbm4b:s7+s3] =	stream.indirect_vreg.scatter [tilespmem:s25], [sflag:$0x3], $0x80, v11, vm0, $0xb8;
	[tilespmem:$0x10300] =	vst v63  }
0x10b: {  	v11 =	vld [tilespmem:$0xA0];
	_ =	sdelay $0x4  }
0x10c: {  	v62 =	vshll.u32 v11, $0x2  }
0x10d: {  	v11 =	vand.u32 $0x7, v11;
	v12 =	vand.u32 $0xFFFFFFE0, v62  }
0x10e: {  	v11 =	vor.u32 v11, v12  }
0x10f: {  	v12 =	vperm.xlane v11, v8;
	_ =	sdelay $0x1  }
0x110: {  	v12 =	vadd.s32 v9, v12;
	_ =	sdelay $0x1  }
0x111: {  	v11 =	vperm.xlane v11, v10;
	_ =	sdelay $0x1  }
0x112: {  	s29 =	simm.s32 $0xC300;
	v11 =	vadd.s32 v9, v11  }
0x113: {  	[hbm4b:s4+s3] =	stream.indirect_vreg.scatter [tilespmem:s29], [sflag:$0x3], $0x80, v12, vm0, $0xb8;
	[tilespmem:$0x10300] =	vst v63  }
0x114: {  	s30 =	simm.s32 $0xCB00  }
0x115: {  	[hbm4b:s7+s3] =	stream.indirect_vreg.scatter [tilespmem:s30], [sflag:$0x3], $0x80, v12, vm0, $0xb8;
	[tilespmem:$0x10300] =	vst v63  }
0x116: {  	s26 =	simm.s32 $0xD300  }
0x117: {  	[hbm4b:s4+s3] =	stream.indirect_vreg.scatter [tilespmem:s26], [sflag:$0x3], $0x80, v11, vm0, $0xb8;
	[tilespmem:$0x10300] =	vst v63  }
0x118: {  	s28 =	simm.s32 $0xDB00  }
0x119: {  	[hbm4b:s7+s3] =	stream.indirect_vreg.scatter [tilespmem:s28], [sflag:$0x3], $0x80, v11, vm0, $0xb8;
	[tilespmem:$0x10300] =	vst v63  }
0x11a: {  	v11 =	vld [tilespmem:$0xB0];
	_ =	sdelay $0x4  }
0x11b: {  	v63 =	vshll.u32 v11, $0x2  }
0x11c: {  	v11 =	vand.u32 $0x7, v11;
	v12 =	vand.u32 $0xFFFFFFE0, v63  }
0x11d: {  	v11 =	vor.u32 v11, v12  }
0x11e: {  	v12 =	vperm.xlane v11, v8;
	_ =	sdelay $0x1  }
0x11f: {  	v12 =	vadd.s32 v9, v12;
	_ =	sdelay $0x1  }
0x120: {  	v11 =	vperm.xlane v11, v10;
	_ =	sdelay $0x1  }
0x121: {  	s29 =	simm.s32 $0xE300;
	v11 =	vadd.s32 v9, v11  }
0x122: {  	[hbm4b:s4+s3] =	stream.indirect_vreg.scatter [tilespmem:s29], [sflag:$0x3], $0x80, v12, vm0, $0xb8;
	[tilespmem:$0x10300] =	vst v63  }
0x123: {  	s30 =	simm.s32 $0xEB00  }
0x124: {  	[hbm4b:s7+s3] =	stream.indirect_vreg.scatter [tilespmem:s30], [sflag:$0x3], $0x80, v12, vm0, $0xb8;
	[tilespmem:$0x10300] =	vst v63  }
0x125: {  	s26 =	simm.s32 $0xF300  }
0x126: {  	[hbm4b:s4+s3] =	stream.indirect_vreg.scatter [tilespmem:s26], [sflag:$0x3], $0x80, v11, vm0, $0xb8;
	[tilespmem:$0x10300] =	vst v63  }
0x127: {  	s28 =	simm.s32 $0xFB00;
	s29 =	simm.s32 $0x3  }
0x128: {  	[hbm4b:s7+s3] =	stream.indirect_vreg.scatter [tilespmem:s28], [sflag:$0x3], $0x80, v11, vm0, $0xb8;
	[tilespmem:$0x10300] =	vst v63  }
0x129: {  	_ =	swait.ge [sflag:s29], $0x8000  }
0x12a: {  	[sflag:s29] =	ssyncset.done $0x0  }
0x12b: {  	[sflag:s29] =	ssyncadd.s32 $0xFFFF8000  }
0x12c: {  	_ =	swait.ge [sflag:s29], $0x8000  }
0x12d: {  	[sflag:s29] =	ssyncset.done $0x0  }
0x12e: {  	s30 =	simm.s32 $0x1;
	[sflag:s29] =	ssyncadd.s32 $0xFFFF8000  }
0x12f: {  	p0 =	sne.s32 s8, $0x1;
	_ =	swait.ge [sflag:s30], $0x40  }
.Ltmp0:
0x130: {  	[sflag:s30] =	ssyncset.done $0x0;
	(pc) =	sbr.rel @p0 .LBB2_1-.Ltmp0, $4  }
0x131: {  	[sflag:s30] =	ssyncadd.s32 $0xFFFFFFC0  }
0x132: {  	_ =	swait.ge [sflag:s30], $0x40  }
0x133: {  	[sflag:s30] =	ssyncset.done $0x0  }
0x134: {  	s8 =	sadd.s32 $0xFFFFFFFF, s8;
	[sflag:s30] =	ssyncadd.s32 $0xFFFFFFC0  }
0x135: {  	_ =	sfence.sel $0x180000  }
0x136: {  	[bflag:$0x0] =	sbarrier.arrive $0xFFFF  }
0x137: {  	_ =	strace $0x90000047  }
0x138: {  	s0 =	stileid.u32;
	[bflag:$0x2] =	sbarrier.arrive $0xFFFF  }
0x139: {  	p0 =	sne.s32 s0, $0x0;
	s0 =	rddreg [dreg:$0x3]  }
0x13a: {  	s0 =	sadd.s32 @!p0 $0x100000, s0  }
0x13b: {  	[sflag:s0] =	ssyncadd.tile.s32 @!p0 $0x1;
	_ =	shalt  }
.Lfunc_end2:
_tile_overlayer_lowered:
.L_overlay_start_2:
0x13c: {  	(tag) =	ssettag $0x2  }
0x13d: {  	s0 =	rddreg [dreg:$0x0];
	s2 =	stileid.u32  }
0x13e: {  	s1 =	rddreg [dreg:$0x1];
	p0 =	sne.s32 s2, $0x0  }
0x13f: {  	s3 =	rddreg [dreg:$0x2];
	[bflag:$0x3] =	sbarrier.arrive $0xFFFF;
	s2 =	simm.s32 @!p0 $0x1C04  }
0x140: {  	[timem:s3], [sflag:s2] =	dma.local @!p0 [hbm:s0], s1  }
0x141: {  	s0 =	simm.s32 @!p0 $0x4  }
0x142: {  	_ =	swait.ge @!p0 [sflag:s0], s1  }
0x143: {  	s1 =	ssub.s32 @!p0 $0x0, s1;
	[sflag:s0] =	ssyncset.done @!p0 $0x0  }
0x144: {  	[sflag:s0] =	ssyncadd.s32 @!p0 s1  }
0x145: {  	[bflag:$0x3] =	sbarrier.arrive $0xFFFF  }
0x146: {  	_ =	shalt  }

// kernel: kernel.9.cloned.1.call-start
scs
__scs_entry_jumppad:
0x0: {  	(pc) =	sbr.rel $0x88, $3  }
0x1: {  	(tag) =	ssettag $0x0;
	lr =	simm.s32 $0x1  }
0x2: {  	[smem:$0x3F9D] =	sst lr;
	_ =	strace $0xD0000000  }
0x3: {  	_ = 	snop  }
0x4: {  	_ = 	snop  }
0x5: {  	_ = 	snop  }
0x6: {  	_ = 	snop  }
0x7: {  	_ = 	snop  }
__scs_overlays_trampoline_lowered:
0x8: {  	[smem:$0x3FAC] =	sst s0  }
0x9: {  	[smem:$0x3FAD] =	sst s1  }
0xa: {  	[smem:$0x3FAE] =	sst s2  }
0xb: {  	[smem:$0x3FAF] =	sst s3  }
0xc: {  	[smem:$0x3FB0] =	sst s4  }
0xd: {  	[smem:$0x3FB1] =	sst s5  }
0xe: {  	[smem:$0x3FB2] =	sst s6  }
0xf: {  	[smem:$0x3FB3] =	sst s7  }
0x10: {  	[smem:$0x3FB4] =	sst s8  }
0x11: {  	[smem:$0x3FB5] =	sst s9;
	s0 =	simm.s32 @!p0 $0x0  }
0x12: {  	s1 =	sld [smem:$0x3F9B];
	s0 =	simm.s32 @p0 $0x1  }
0x13: {  	[smem:$0x3FB6] =	sst s0;
	s0 =	simm.s32 @!p1 $0x0  }
0x14: {  	s2 =	sld [smem:$0x3F9A];
	s0 =	simm.s32 @p1 $0x1  }
0x15: {  	[smem:$0x3FB7] =	sst s0;
	s0 =	simm.s32 @!p2 $0x0  }
0x16: {  	s3 =	sld [smem:$0x3FDB];
	s0 =	simm.s32 @p2 $0x1  }
0x17: {  	s4 =	simm.s32 $0x1BF5;
	[smem:$0x3FB9] =	sst s0  }
0x18: {  	s0 =	sld [smem:$0x3F9C];
	_ =	swait.ge [sflag:s4], $0x0  }
0x19: {  	s7 =	sld [smem:$0x3F9D]  }
0x1a: {  	s8 =	sadd.s32 $0xFFFFE003, lr  }
0x1b: {  	s9 =	sadd.s32 $0xFFFFFEF7, lr;
	s5 =	simm.s32 $0xFFFFFFFF;
	p2 =	slt.u32 s8, $0xFFFFF086  }
0x1c: {  	p1 =	slt.u32 s9, $0xF7A;
	s5 =	simm.s32 @!p2 $0x0  }
0x1d: {  	s5 =	simm.s32 @p1 $0x1;
	p0 =	seq.s32 s7, s2  }
0x1e: {  	s7 =	smul.u32 @!p0 $0xF7A, s2;
	p2 =	seq.s32 @!p0 s5, $0x0  }
0x1f: {  	s9 =	smul.u32 $0xF7A, s1;
	s8 =	simm.s32 @!p0 $0x1BF5;
	p2 =	por !p2, p0  }
0x20: {  	[sflag:s8] =	ssyncset.s32 @!p0 $0xFFFFF086;
	s6 =	sadd.s32 @!p0 s3, s7;
	s7 =	simm.s32 @!p0 $0x108  }
0x21: {  	s3 =	sadd.s32 s3, s9;
	s6 =	sadd.s32 @!p0 $0x88, s6;
	s7 =	simm.s32 @p2 $0x1082  }
0x22: {  	[simem:s7], [sflag:s8] =	dma.local @!p0 [hbm:s6], $0xF7A  }
0x23: {  	s9 =	sor.u32 $0xD0000000, s2;
	s6 =	simm.s32 $0x108;
	_ =	swait.ge @!p0 [sflag:s8], $0x0  }
0x24: {  	s3 =	sadd.s32 $0x88, s3;
	s6 =	simm.s32 @!p1 $0x1082;
	[sflag:s4] =	ssyncset.s32 $0xFFFFF086  }
0x25: {  	[simem:s6], [sflag:s4] =	dma.local [hbm:s3], $0xF7A  }
0x26: {  	[smem:$0x3F9D] =	sst s1;
	(tag) =	ssettag s2;
	_ =	strace s9  }
0x27: {  	s1 =	sld [smem:$0x3FAD]  }
0x28: {  	s2 =	sld [smem:$0x3FAE]  }
0x29: {  	s4 =	sld [smem:$0x3FB0]  }
0x2a: {  	p0 =	seq.s32 s5, $0x0;
	s5 =	sld [smem:$0x3FB1]  }
0x2b: {  	s6 =	sld [smem:$0x3FB2]  }
0x2c: {  	s7 =	sld [smem:$0x3FB3]  }
0x2d: {  	s3 =	simm.s32 $0x108;
	s8 =	sld [smem:$0x3FB4]  }
0x2e: {  	s3 =	simm.s32 @!p0 $0x1082;
	s9 =	sld [smem:$0x3FB5]  }
0x2f: {  	lr =	sadd.s32 s0, s3;
	s0 =	sld [smem:$0x3FAC]  }
0x30: {  	s3 =	sld [smem:$0x3FAF]  }
0x31: {  	[smem:$0x3FB8] =	sst s10  }
0x32: {  	s10 =	sld [smem:$0x3FB6];
	_ =	sdelay $0x3  }
0x33: {  	p0 =	seq.s32 s10, $0x1;
	s10 =	sld [smem:$0x3FB8];
	_ =	sdelay $0x3  }
0x34: {  	[smem:$0x3FB8] =	sst s10  }
0x35: {  	s10 =	sld [smem:$0x3FB7];
	_ =	sdelay $0x3  }
0x36: {  	p1 =	seq.s32 s10, $0x1;
	s10 =	sld [smem:$0x3FB8];
	_ =	sdelay $0x3  }
0x37: {  	[smem:$0x3FB8] =	sst s10  }
0x38: {  	s10 =	sld [smem:$0x3FB9]  }
0x39: {  	_ = 	snop;
	(pc) =	sbr.ind lr, $3  }
0x3a: {  	_ = 	snop  }
0x3b: {  	_ = 	snop  }
0x3c: {  	p2 =	seq.s32 s10, $0x1;
	s10 =	sld [smem:$0x3FB8]  }
0x3d: {  	_ =	shalt  }
0x3e: {  	_ =	shalt  }
0x3f: {  	_ =	shalt  }
0x40: {  	_ =	shalt  }
0x41: {  	_ =	shalt  }
0x42: {  	_ =	shalt  }
0x43: {  	_ =	shalt  }
0x44: {  	_ =	shalt  }
0x45: {  	_ =	shalt  }
0x46: {  	_ =	shalt  }
0x47: {  	_ =	shalt  }
0x48: {  	_ =	shalt  }
0x49: {  	_ =	shalt  }
0x4a: {  	_ =	shalt  }
0x4b: {  	_ =	shalt  }
0x4c: {  	_ =	shalt  }
0x4d: {  	_ =	shalt  }
0x4e: {  	_ =	shalt  }
0x4f: {  	_ =	shalt  }
0x50: {  	_ =	shalt  }
0x51: {  	_ =	shalt  }
0x52: {  	_ =	shalt  }
0x53: {  	_ =	shalt  }
0x54: {  	_ =	shalt  }
0x55: {  	_ =	shalt  }
0x56: {  	_ =	shalt  }
0x57: {  	_ =	shalt  }
0x58: {  	_ =	shalt  }
0x59: {  	_ =	shalt  }
0x5a: {  	_ =	shalt  }
0x5b: {  	_ =	shalt  }
0x5c: {  	_ =	shalt  }
0x5d: {  	_ =	shalt  }
0x5e: {  	_ =	shalt  }
0x5f: {  	_ =	shalt  }
0x60: {  	_ =	shalt  }
0x61: {  	_ =	shalt  }
0x62: {  	_ =	shalt  }
0x63: {  	_ =	shalt  }
0x64: {  	_ =	shalt  }
0x65: {  	_ =	shalt  }
0x66: {  	_ =	shalt  }
0x67: {  	_ =	shalt  }
0x68: {  	_ =	shalt  }
0x69: {  	_ =	shalt  }
0x6a: {  	_ =	shalt  }
0x6b: {  	_ =	shalt  }
0x6c: {  	_ =	shalt  }
0x6d: {  	_ =	shalt  }
0x6e: {  	_ =	shalt  }
0x6f: {  	_ =	shalt  }
0x70: {  	_ =	shalt  }
0x71: {  	_ =	shalt  }
0x72: {  	_ =	shalt  }
0x73: {  	_ =	shalt  }
0x74: {  	_ =	shalt  }
0x75: {  	_ =	shalt  }
0x76: {  	_ =	shalt  }
0x77: {  	_ =	shalt  }
0x78: {  	_ =	shalt  }
0x79: {  	_ =	shalt  }
0x7a: {  	_ =	shalt  }
0x7b: {  	_ =	shalt  }
0x7c: {  	_ =	shalt  }
0x7d: {  	_ =	shalt  }
0x7e: {  	_ =	shalt  }
0x7f: {  	_ =	shalt  }
0x80: {  	_ =	shalt  }
0x81: {  	_ =	shalt  }
0x82: {  	_ =	shalt  }
0x83: {  	_ =	shalt  }
0x84: {  	_ =	shalt  }
0x85: {  	_ =	shalt  }
0x86: {  	_ =	shalt  }
0x87: {  	_ =	shalt  }
.Lfunc_end0:
.L_simem_size_0:
called_computation.1_lowered:
.L_overlay_start_0:
0x88: {  	s2 =	sld [smem:$0x3FD9]  }
0x89: {  	s3 =	sld [smem:$0x3FFE];
	_ =	sdelay $0x1  }
0x8a: {  	s1 =	srdreg.scid  }
0x8b: {  	s0 =	sand.u32 $0x1, s1  }
0x8c: {  	s14 =	sshll.u32 s0, $0xA;
	s2 =	sadd.s32 s3, s2  }
0x8d: {  	s2 =	sadd.s32 s2, s14  }
0x8e: {  	[smem:$0x3FC4] =	sst s2  }
0x8f: {  	_ = 	snop  }
0x90: {  	s2 =	sld [smem:$0x3FD0];
	_ =	sdelay $0x2  }
0x91: {  	s15 =	simm.s32 $0xA;
	s4 =	simm.s32 $0x10  }
0x92: {  	[smem:s4], [sflag:s15] =	dma.local [hbm:s2], $0x1  }
0x93: {  	_ =	swait.eq [sflag:s15], $0x1  }
0x94: {  	[sflag:s15] =	ssyncset.done $0x0  }
0x95: {  	[sflag:s15] =	ssyncadd.s32 $0xFFFFFFFF  }
0x96: {  	s16 =	sld [smem:$0x10];
	(tm) =	ssettm $0x1  }
0x97: {  	s17 =	sld [smem:$0x3FFB];
	_ =	sdelay $0x3  }
0x98: {  	_ =	strace s17  }
0x99: {  	s3 =	sld [smem:$0x3FFC];
	_ =	sdelay $0x3  }
0x9a: {  	_ =	strace s3  }
0x9b: {  	s3 =	sld [smem:$0x3FFD];
	_ =	sdelay $0x3  }
0x9c: {  	_ =	strace s3  }
0x9d: {  	_ =	strace $0x8FFFFFFF  }
0x9e: {  	s18 =	sld [smem:$0x3FDB];
	_ =	sdelay $0x1  }
0x9f: {  	s19 =	simm.s32 $_scs_section_size  }
0xa0: {  	s5 =	simm.s32 $_size__tile_overlayer_lowered;
	s6 =	simm.s32 $_tile_overlayer_lowered  }
0xa1: {  	s22 =	simm.s32 $0x1BFF;
	s21 =	sshll.u32 s6, $0x1;
	s3 =	sadd.s32 s19, s18  }
0xa2: {  	s7 =	simm.s32 $0x0;
	s20 =	sshll.u32 s5, $0x1;
	s5 =	sadd.s32 s21, s3  }
0xa3: {  	[timem:s7], [sflag:s22] =	dma.local [hbm:s5], s20  }
0xa4: {  	_ =	swait.ge [sflag:s22], s20  }
0xa5: {  	s4 =	ssub.s32 $0x0, s20;
	[sflag:s22] =	ssyncset.done $0x0  }
0xa6: {  	[sflag:s22] =	ssyncadd.s32 s4;
	_ =	sdelay $0x1  }
0xa7: {  	s23 =	simm.s32 $0x1B8B  }
0xa8: {  	_ =	swait.ge [sflag:s23], $0x1  }
0xa9: {  	[sflag:s23] =	ssyncset.done $0x0  }
0xaa: {  	s25 =	simm.s32 $0x1B8E;
	s24 =	sld [smem:$0x3FFE];
	[sflag:s23] =	ssyncadd.s32 $0xFFFFFFFF  }
0xab: {  	s26 =	simm.s32 $execute0_lowered;
	[smem:$0x3FD2] =	sst s25  }
0xac: {  	s5 =	sshll.u32 s26, $0x1;
	_ =	strace $0x80000049;
	[dreg:$0x1] =	wrdreg $0xFFFFFFFF  }
0xad: {  	s28 =	simm.s32 $_size_execute0_lowered;
	s3 =	sadd.s32 s3, s5;
	[dreg:$0x0] =	wrdreg $0x0  }
0xae: {  	s5 =	sshll.u32 s28, $0x1;
	[dreg:$0x2] =	wrdreg s3  }
0xaf: {  	[dreg:$0x3] =	wrdreg s5  }
0xb0: {  	[dreg:$0x4] =	wrdreg $0xC0  }
0xb1: {  	_ =	task [dreg:s7], $0x5FFFF  }
0xb2: {  	[dreg:$0x1] =	wrdreg $0xFFFFFFFF  }
0xb3: {  	[dreg:$0x0] =	wrdreg $0x60  }
0xb4: {  	[dreg:$0x2] =	wrdreg s24  }
0xb5: {  	[dreg:$0x3] =	wrdreg s16  }
0xb6: {  	[dreg:$0x4] =	wrdreg $0x9  }
0xb7: {  	_ =	task.clear_ibuf [dreg:s7], $0x5FFFF;
	_ =	strace $0x90000049  }
0xb8: {  	s29 =	simm.s32 $0x9;
	_ =	strace $0x8000004B  }
0xb9: {  	_ =	swait.ge [sflag:s29], $0x1  }
0xba: {  	[sflag:s29] =	ssyncadd.s32 $0xFFFFFFFF  }
0xbb: {  	_ =	strace $0x9000004B  }
0xbc: {  	_ =	sfence  }
0xbd: {  	s30 =	sld [smem:$0x0];
	_ =	sdelay $0x2  }
0xbe: {  	s31 =	sshll.u32 s1, $0xD;
	s1 =	sshrl.u32 s1, $0x2  }
0xbf: {  	s3 =	sand.u32 $0x4000, s31;
	s1 =	sadd.s32 s1, s30  }
0xc0: {  	s0 =	sor.u32 s3, s0;
	s1 =	sshll.u32 s1, $0x11  }
0xc1: {  	s0 =	sor.u32 s1, s0  }
0xc2: {  	s0 =	sadd.s32 $0x8F2B, s0  }
0xc3: {  	[sflag:s0] =	ssyncadd.remote.s32 $0x1  }
0xc4: {  	_ =	sfence.sel $0xFFFF  }
0xc5: {  	[dreg:$0x0] =	wrdreg $0xFFFFFFFF;
	(pc) =	sbr.abs _section_cstart, $3  }
0xc6: {  	[dreg:$0x1] =	wrdreg $0xFFFFFFFF  }
0xc7: {  	_ =	task.clear_ibuf [dreg:s7], $0x2FFFF;
	_ =	strace $0x9FFFFFFF  }
0xc8: {  	(tm) =	ssettm $0x7FFFFFFF  }
0xc9: {  	_ =	shalt  }
tec
execute0_lowered:
.L_overlay_start_1:
0x0: {  	(tag) =	ssettag $0x1  }
0x1: {  	s0 =	rddreg [dreg:$0x0]  }
0x2: {  	s2 =	rddreg [dreg:$0x1]  }
0x3: {  	s1 =	simm.s32 $0x0;
	s4 =	srdreg.scid;
	s6 =	stileid.u32  }
0x4: {  	s14 =	simm.s32 $0x2;
	s15 =	simm.s32 $0x9100;
	s16 =	simm.s32 $0x9900  }
0x5: {  	s17 =	simm.s32 $0xA100;
	s18 =	simm.s32 $0xA900;
	s19 =	simm.s32 $0xB100  }
0x6: {  	s20 =	simm.s32 $0xC100;
	s21 =	simm.s32 $0xC900;
	s22 =	simm.s32 $0xD900  }
0x7: {  	s23 =	simm.s32 $0xE900;
	s24 =	simm.s32 $0xF100;
	s12 =	simm.s32 $0xF900  }
0x8: {  	s25 =	simm.s32 $0x10100;
	s13 =	simm.s32 $0x0;
	[smem:$0x7FF] =	sst s1  }
0x9: {  	s3 =	sadd.s32 $0x89E00, s0;
	s4 =	sand.u32 $0x1, s4;
	s6 =	sshll.u32 s6, $0x7  }
0xa: {  	s9 =	sadd.s32 $0x89C00, s0;
	s10 =	sadd.s32 $0x89A00, s0;
	s5 =	ssub.s32 $0x2, s4  }
0xb: {  	s8 =	sadd.s32 $0x8A100, s0;
	s4 =	sshll.u32 s4, $0x6;
	s7 =	sshrl.u32 s5, $0x1  }
0xc: {  	_ =	strace $0x8000004A;
	s4 =	sor.u32 s4, s6;
	s5 =	ssub.s32 s5, s7  }
0xd: {  	s6 =	sshrl.u32 s4, $0x3;
	s7 =	sadd.s32 $0x8A000, s0;
	s11 =	sshll.u32 s4, $0x7  }
0xe: {  	s4 =	sor.u32 $0x20, s4;
	s26 =	sadd.s32 s9, s6;
	s6 =	sadd.s32 s10, s6  }
0xf: {  	s28 =	sadd.s32 s2, s11;
	s29 =	sshrl.u32 s4, $0x3;
	[dreg:$0x3] =	wrdreg s26  }
0x10: {  	s30 =	sshll.u32 s4, $0x7;
	s31 =	smax.u32 s5, $0x1;
	[dreg:$0x4] =	wrdreg s6  }
0x11: {  	s4 =	simm.s32 $0x8100;
	s5 =	simm.s32 $0x8900;
	[dreg:$0x5] =	wrdreg s28  }
0x12: {  	s11 =	simm.s32 $0xE100;
	s9 =	sadd.s32 s9, s29;
	[dreg:$0x9] =	wrdreg s31  }
0x13: {  	v2 =	vlaneseq.u32;
	s6 =	sadd.s32 $0x89F00, s0;
	s0 =	sadd.s32 s10, s29;
	[dreg:$0x6] =	wrdreg s9  }
0x14: {  	vm0 =	vmmov $0xffff;
	v1 =	vshrl.u32 v2, $0x3;
	s10 =	simm.s32 $0xD100;
	[dreg:$0x7] =	wrdreg s0;
	s0 =	sadd.s32 s2, s30  }
0x15: {  	v0 =	vand.u32 $0x7, v2;
	v2 =	vor.u32 $0x8, v2;
	v1 =	vmul.u32 $0x8, v1;
	s2 =	simm.s32 $0x1;
	s9 =	simm.s32 $0xB900;
	[dreg:$0x8] =	wrdreg s0  }
.LBB2_1:
0x16: {  	s0 =	rddreg [dreg:$0x3]  }
0x17: {  	[tilespmem:s1], [sflag:$0x2] =	stream.linear.gather [hbm4b:s0+s1], $0x20, $0x38;
	[tilespmem:$0x18100] =	vst v63  }
0x18: {  	_ =	swait.ge [sflag:s14], $0x20  }
0x19: {  	[sflag:s14] =	ssyncset.done $0x0  }
0x1a: {  	s26 =	simm.s32 $0x80;
	s31 =	rddreg [dreg:$0x4];
	[sflag:s14] =	ssyncadd.s32 $0xFFFFFFE0  }
0x1b: {  	[tilespmem:s26], [sflag:$0x2] =	stream.linear.gather [hbm4b:s31+s1], $0x20, $0x38;
	[tilespmem:$0x18100] =	vst v63  }
0x1c: {  	_ =	swait.ge [sflag:s14], $0x20  }
0x1d: {  	[sflag:s14] =	ssyncset.done $0x0  }
0x1e: {  	[sflag:s14] =	ssyncadd.s32 $0xFFFFFFE0  }
0x1f: {  	v3 =	vld [tilespmem:$0x0];
	_ =	sdelay $0x4  }
0x20: {  	v4 =	vshll.u32 v3, $0x3  }
0x21: {  	v3 =	vand.u32 $0x7, v3;
	v4 =	vand.u32 $0xFFFFFFC0, v4  }
0x22: {  	v3 =	vor.u32 v3, v4  }
0x23: {  	v4 =	vperm.xlane v3, v0;
	_ =	sdelay $0x1  }
0x24: {  	v4 =	vadd.s32 v1, v4;
	_ =	sdelay $0x3  }
0x25: {  	s26 =	simm.s32 $0x100  }
0x26: {  	[tilespmem:s26], [sflag:$0x1] =	stream.indirect_vreg.gather [hbm4b:s3+s1], $0x80, v4, vm0, $0xb8;
	[tilespmem:$0x18100] =	vst v63  }
0x27: {  	s31 =	simm.s32 $0x900;
	v3 =	vperm.xlane v3, v2  }
0x28: {  	[tilespmem:s31], [sflag:$0x1] =	stream.indirect_vreg.gather [hbm4b:s6+s1], $0x80, v4, vm0, $0xb8;
	[tilespmem:$0x18100] =	vst v63  }
0x29: {  	v3 =	vadd.s32 v1, v3;
	s26 =	simm.s32 $0x1100  }
0x2a: {  	[tilespmem:s26], [sflag:$0x1] =	stream.indirect_vreg.gather [hbm4b:s7+s1], $0x80, v4, vm0, $0xb8;
	[tilespmem:$0x18100] =	vst v63  }
0x2b: {  	s31 =	simm.s32 $0x1900  }
0x2c: {  	[tilespmem:s31], [sflag:$0x1] =	stream.indirect_vreg.gather [hbm4b:s8+s1], $0x80, v4, vm0, $0xb8;
	[tilespmem:$0x18100] =	vst v63  }
0x2d: {  	s26 =	simm.s32 $0x2100  }
0x2e: {  	[tilespmem:s26], [sflag:$0x1] =	stream.indirect_vreg.gather [hbm4b:s3+s1], $0x80, v3, vm0, $0xb8;
	[tilespmem:$0x18100] =	vst v63  }
0x2f: {  	s31 =	simm.s32 $0x2900  }
0x30: {  	[tilespmem:s31], [sflag:$0x1] =	stream.indirect_vreg.gather [hbm4b:s6+s1], $0x80, v3, vm0, $0xb8;
	[tilespmem:$0x18100] =	vst v63  }
0x31: {  	s26 =	simm.s32 $0x3100  }
0x32: {  	[tilespmem:s26], [sflag:$0x1] =	stream.indirect_vreg.gather [hbm4b:s7+s1], $0x80, v3, vm0, $0xb8;
	[tilespmem:$0x18100] =	vst v63  }
0x33: {  	s31 =	simm.s32 $0x3900  }
0x34: {  	[tilespmem:s31], [sflag:$0x1] =	stream.indirect_vreg.gather [hbm4b:s8+s1], $0x80, v3, vm0, $0xb8;
	[tilespmem:$0x18100] =	vst v63  }
0x35: {  	v3 =	vld [tilespmem:$0x10];
	_ =	sdelay $0x4  }
0x36: {  	v61 =	vshll.u32 v3, $0x3  }
0x37: {  	v3 =	vand.u32 $0x7, v3;
	v4 =	vand.u32 $0xFFFFFFC0, v61  }
0x38: {  	v3 =	vor.u32 v3, v4  }
0x39: {  	v4 =	vperm.xlane v3, v0;
	_ =	sdelay $0x1  }
0x3a: {  	v4 =	vadd.s32 v1, v4;
	_ =	sdelay $0x3  }
0x3b: {  	s26 =	simm.s32 $0x4100  }
0x3c: {  	[tilespmem:s26], [sflag:$0x1] =	stream.indirect_vreg.gather [hbm4b:s3+s1], $0x80, v4, vm0, $0xb8;
	[tilespmem:$0x18100] =	vst v63  }
0x3d: {  	s31 =	simm.s32 $0x4900;
	v3 =	vperm.xlane v3, v2  }
0x3e: {  	[tilespmem:s31], [sflag:$0x1] =	stream.indirect_vreg.gather [hbm4b:s6+s1], $0x80, v4, vm0, $0xb8;
	[tilespmem:$0x18100] =	vst v63  }
0x3f: {  	v3 =	vadd.s32 v1, v3;
	s26 =	simm.s32 $0x5100  }
0x40: {  	[tilespmem:s26], [sflag:$0x1] =	stream.indirect_vreg.gather [hbm4b:s7+s1], $0x80, v4, vm0, $0xb8;
	[tilespmem:$0x18100] =	vst v63  }
0x41: {  	s31 =	simm.s32 $0x5900  }
0x42: {  	[tilespmem:s31], [sflag:$0x1] =	stream.indirect_vreg.gather [hbm4b:s8+s1], $0x80, v4, vm0, $0xb8;
	[tilespmem:$0x18100] =	vst v63  }
0x43: {  	s26 =	simm.s32 $0x6100  }
0x44: {  	[tilespmem:s26], [sflag:$0x1] =	stream.indirect_vreg.gather [hbm4b:s3+s1], $0x80, v3, vm0, $0xb8;
	[tilespmem:$0x18100] =	vst v63  }
0x45: {  	s31 =	simm.s32 $0x6900  }
0x46: {  	[tilespmem:s31], [sflag:$0x1] =	stream.indirect_vreg.gather [hbm4b:s6+s1], $0x80, v3, vm0, $0xb8;
	[tilespmem:$0x18100] =	vst v63  }
0x47: {  	s26 =	simm.s32 $0x7100  }
0x48: {  	[tilespmem:s26], [sflag:$0x1] =	stream.indirect_vreg.gather [hbm4b:s7+s1], $0x80, v3, vm0, $0xb8;
	[tilespmem:$0x18100] =	vst v63  }
0x49: {  	s31 =	simm.s32 $0x7900  }
0x4a: {  	[tilespmem:s31], [sflag:$0x1] =	stream.indirect_vreg.gather [hbm4b:s8+s1], $0x80, v3, vm0, $0xb8;
	[tilespmem:$0x18100] =	vst v63  }
0x4b: {  	_ =	swait.ge [sflag:s2], $0x8000  }
0x4c: {  	[sflag:s2] =	ssyncset.done $0x0  }
0x4d: {  	[sflag:s2] =	ssyncadd.s32 $0xFFFF8000  }
0x4e: {  	v3 =	vld [tilespmem:$0x80];
	_ =	sdelay $0x4  }
0x4f: {  	v62 =	vshll.u32 v3, $0x3  }
0x50: {  	v3 =	vand.u32 $0x7, v3;
	v4 =	vand.u32 $0xFFFFFFC0, v62  }
0x51: {  	v3 =	vor.u32 v3, v4  }
0x52: {  	v4 =	vperm.xlane v3, v0;
	_ =	sdelay $0x1  }
0x53: {  	v4 =	vadd.s32 v1, v4;
	_ =	sdelay $0x4  }
0x54: {  	[tilespmem:s4], [sflag:$0x1] =	stream.indirect_vreg.gather [hbm4b:s3+s1], $0x80, v4, vm0, $0xb8;
	[tilespmem:$0x18100] =	vst v63  }
0x55: {  	v3 =	vperm.xlane v3, v2  }
0x56: {  	[tilespmem:s5], [sflag:$0x1] =	stream.indirect_vreg.gather [hbm4b:s6+s1], $0x80, v4, vm0, $0xb8;
	[tilespmem:$0x18100] =	vst v63  }
0x57: {  	v3 =	vadd.s32 v1, v3  }
0x58: {  	[tilespmem:s15], [sflag:$0x1] =	stream.indirect_vreg.gather [hbm4b:s7+s1], $0x80, v4, vm0, $0xb8;
	[tilespmem:$0x18100] =	vst v63  }
0x59: {  	_ = 	snop  }
0x5a: {  	[tilespmem:s16], [sflag:$0x1] =	stream.indirect_vreg.gather [hbm4b:s8+s1], $0x80, v4, vm0, $0xb8;
	[tilespmem:$0x18100] =	vst v63  }
0x5b: {  	_ = 	snop  }
0x5c: {  	[tilespmem:s17], [sflag:$0x1] =	stream.indirect_vreg.gather [hbm4b:s3+s1], $0x80, v3, vm0, $0xb8;
	[tilespmem:$0x18100] =	vst v63  }
0x5d: {  	_ = 	snop  }
0x5e: {  	[tilespmem:s18], [sflag:$0x1] =	stream.indirect_vreg.gather [hbm4b:s6+s1], $0x80, v3, vm0, $0xb8;
	[tilespmem:$0x18100] =	vst v63  }
0x5f: {  	_ = 	snop  }
0x60: {  	[tilespmem:s19], [sflag:$0x1] =	stream.indirect_vreg.gather [hbm4b:s7+s1], $0x80, v3, vm0, $0xb8;
	[tilespmem:$0x18100] =	vst v63  }
0x61: {  	_ = 	snop  }
0x62: {  	[tilespmem:s9], [sflag:$0x1] =	stream.indirect_vreg.gather [hbm4b:s8+s1], $0x80, v3, vm0, $0xb8;
	[tilespmem:$0x18100] =	vst v63  }
0x63: {  	v3 =	vld [tilespmem:$0x90];
	_ =	sdelay $0x4  }
0x64: {  	v63 =	vshll.u32 v3, $0x3  }
0x65: {  	v3 =	vand.u32 $0x7, v3;
	v4 =	vand.u32 $0xFFFFFFC0, v63  }
0x66: {  	v3 =	vor.u32 v3, v4  }
0x67: {  	v4 =	vperm.xlane v3, v0;
	_ =	sdelay $0x1  }
0x68: {  	v4 =	vadd.s32 v1, v4;
	_ =	sdelay $0x4  }
0x69: {  	[tilespmem:s20], [sflag:$0x1] =	stream.indirect_vreg.gather [hbm4b:s3+s1], $0x80, v4, vm0, $0xb8;
	[tilespmem:$0x18100] =	vst v63  }
0x6a: {  	v3 =	vperm.xlane v3, v2  }
0x6b: {  	[tilespmem:s21], [sflag:$0x1] =	stream.indirect_vreg.gather [hbm4b:s6+s1], $0x80, v4, vm0, $0xb8;
	[tilespmem:$0x18100] =	vst v63  }
0x6c: {  	v3 =	vadd.s32 v1, v3  }
0x6d: {  	[tilespmem:s10], [sflag:$0x1] =	stream.indirect_vreg.gather [hbm4b:s7+s1], $0x80, v4, vm0, $0xb8;
	[tilespmem:$0x18100] =	vst v63  }
0x6e: {  	_ = 	snop  }
0x6f: {  	[tilespmem:s22], [sflag:$0x1] =	stream.indirect_vreg.gather [hbm4b:s8+s1], $0x80, v4, vm0, $0xb8;
	[tilespmem:$0x18100] =	vst v63  }
0x70: {  	_ = 	snop  }
0x71: {  	[tilespmem:s11], [sflag:$0x1] =	stream.indirect_vreg.gather [hbm4b:s3+s1], $0x80, v3, vm0, $0xb8;
	[tilespmem:$0x18100] =	vst v63  }
0x72: {  	_ = 	snop  }
0x73: {  	[tilespmem:s23], [sflag:$0x1] =	stream.indirect_vreg.gather [hbm4b:s6+s1], $0x80, v3, vm0, $0xb8;
	[tilespmem:$0x18100] =	vst v63  }
0x74: {  	_ = 	snop  }
0x75: {  	[tilespmem:s24], [sflag:$0x1] =	stream.indirect_vreg.gather [hbm4b:s7+s1], $0x80, v3, vm0, $0xb8;
	[tilespmem:$0x18100] =	vst v63  }
0x76: {  	_ = 	snop  }
0x77: {  	[tilespmem:s12], [sflag:$0x1] =	stream.indirect_vreg.gather [hbm4b:s8+s1], $0x80, v3, vm0, $0xb8;
	[tilespmem:$0x18100] =	vst v63  }
0x78: {  	_ =	swait.ge [sflag:s2], $0x8000  }
0x79: {  	s28 =	simm.s32 $0x0;
	s29 =	simm.s32 $0x0;
	[sflag:s2] =	ssyncset.done $0x0  }
0x7a: {  	s30 =	simm.s32 $0x0;
	s26 =	simm.s32 $0xFFFF8000;
	[sflag:s2] =	ssyncadd.s32 $0xFFFF8000  }
.LBB2_2:
0x7b: {  	s31 =	sadd.s32 $0x8000, s26  }
0x7c: {  	s0 =	sand.u32 $0x380, s30;
	s31 =	sand.u32 $0x6000, s31  }
0x7d: {  	s31 =	sor.u32 s0, s31  }
0x7e: {  	v3 =	vld [tilespmem:s31+$0x100]  }
0x7f: {  	v4 =	vld [tilespmem:s31+$0x8100]  }
0x80: {  	v5 =	vld [tilespmem:s31+$0x110]  }
0x81: {  	v6 =	vld [tilespmem:s31+$0x8110]  }
0x82: {  	v7 =	vld [tilespmem:s31+$0x120]  }
0x83: {  	v8 =	vld [tilespmem:s31+$0x8120]  }
0x84: {  	v9 =	vld [tilespmem:s31+$0x130]  }
0x85: {  	v10 =	vld [tilespmem:s31+$0x8130]  }
0x86: {  	v11 =	vld [tilespmem:s31+$0x140]  }
0x87: {  	v12 =	vld [tilespmem:s31+$0x8140]  }
0x88: {  	v13 =	vld [tilespmem:s31+$0x150]  }
0x89: {  	v14 =	vld [tilespmem:s31+$0x8150]  }
0x8a: {  	v15 =	vld [tilespmem:s31+$0x160]  }
0x8b: {  	v16 =	vld [tilespmem:s31+$0x8160]  }
0x8c: {  	v17 =	vld [tilespmem:s31+$0x170]  }
0x8d: {  	v18 =	vld [tilespmem:s31+$0x8170]  }
0x8e: {  	v19 =	vld [tilespmem:s31+$0x500]  }
0x8f: {  	v20 =	vld [tilespmem:s31+$0x8500]  }
0x90: {  	v21 =	vld [tilespmem:s31+$0x510]  }
0x91: {  	v22 =	vld [tilespmem:s31+$0x8510]  }
0x92: {  	v23 =	vld [tilespmem:s31+$0x520]  }
0x93: {  	v24 =	vld [tilespmem:s31+$0x8520]  }
0x94: {  	v25 =	vld [tilespmem:s31+$0x530]  }
0x95: {  	v26 =	vld [tilespmem:s31+$0x8530]  }
0x96: {  	v27 =	vld [tilespmem:s31+$0x540]  }
0x97: {  	v28 =	vld [tilespmem:s31+$0x8540]  }
0x98: {  	v29 =	vld [tilespmem:s31+$0x550]  }
0x99: {  	v30 =	vld [tilespmem:s31+$0x8550]  }
0x9a: {  	v31 =	vld [tilespmem:s31+$0x560]  }
0x9b: {  	v32 =	vld [tilespmem:s31+$0x8560]  }
0x9c: {  	v33 =	vld [tilespmem:s31+$0x570]  }
0x9d: {  	v34 =	vld [tilespmem:s31+$0x8570]  }
0x9e: {  	v35 =	vld [tilespmem:s31+$0x900]  }
0x9f: {  	v36 =	vld [tilespmem:s31+$0x8900]  }
0xa0: {  	v37 =	vld [tilespmem:s31+$0x910]  }
0xa1: {  	v38 =	vld [tilespmem:s31+$0x8910]  }
0xa2: {  	v39 =	vld [tilespmem:s31+$0x920]  }
0xa3: {  	v40 =	vld [tilespmem:s31+$0x8920]  }
0xa4: {  	v41 =	vld [tilespmem:s31+$0x930]  }
0xa5: {  	v42 =	vld [tilespmem:s31+$0x8930]  }
0xa6: {  	v43 =	vld [tilespmem:s31+$0x940]  }
0xa7: {  	v44 =	vld [tilespmem:s31+$0x8940]  }
0xa8: {  	v45 =	vld [tilespmem:s31+$0x950]  }
0xa9: {  	v46 =	vld [tilespmem:s31+$0x8950]  }
0xaa: {  	v47 =	vld [tilespmem:s31+$0x960]  }
0xab: {  	v48 =	vld [tilespmem:s31+$0x8960]  }
0xac: {  	v49 =	vld [tilespmem:s31+$0x970]  }
0xad: {  	v50 =	vld [tilespmem:s31+$0x8970]  }
0xae: {  	v51 =	vld [tilespmem:s31+$0xD00]  }
0xaf: {  	v52 =	vld [tilespmem:s31+$0x8D00]  }
0xb0: {  	v53 =	vld [tilespmem:s31+$0xD10]  }
0xb1: {  	v54 =	vld [tilespmem:s31+$0x8D10]  }
0xb2: {  	v55 =	vld [tilespmem:s31+$0xD20]  }
0xb3: {  	v56 =	vld [tilespmem:s31+$0x8D20]  }
0xb4: {  	v57 =	vld [tilespmem:s31+$0xD30]  }
0xb5: {  	v58 =	vld [tilespmem:s31+$0x8D30]  }
0xb6: {  	v59 =	vld [tilespmem:s31+$0xD40]  }
0xb7: {  	v60 =	vld [tilespmem:s31+$0x8D40]  }
0xb8: {  	v61 =	vld [tilespmem:s31+$0xD50]  }
0xb9: {  	v62 =	vld [tilespmem:s31+$0x8D50]  }
0xba: {  	v63 =	vld [tilespmem:s31+$0xD60]  }
0xbb: {  	v3 =	vadd.f32 v4, v3;
	v4 =	vld [tilespmem:s31+$0x8D60]  }
0xbc: {  	v5 =	vadd.f32 v6, v5;
	v6 =	vld [tilespmem:s31+$0xD70]  }
0xbd: {  	v14 =	vadd.f32 v14, v13;
	v13 =	vld [tilespmem:s31+$0x9120];
	[tilespmem:s31+$0x10100] =	vst v3  }
0xbe: {  	v18 =	vadd.f32 v18, v17;
	v17 =	vld [tilespmem:s31+$0x9140];
	v3 =	vadd.f32 v8, v7;
	[tilespmem:s31+$0x10110] =	vst v5  }
0xbf: {  	v22 =	vadd.f32 v22, v21;
	v21 =	vld [tilespmem:s31+$0x9160];
	[tilespmem:s31+$0x10150] =	vst v14  }
0xc0: {  	v7 =	vld [tilespmem:s31+$0x8D70];
	[tilespmem:s31+$0x10120] =	vst v3;
	v3 =	vadd.f32 v12, v11  }
0xc1: {  	v8 =	vld [tilespmem:s31+$0x1100];
	[tilespmem:s31+$0x10170] =	vst v18  }
0xc2: {  	v5 =	vadd.f32 v10, v9;
	v9 =	vld [tilespmem:s31+$0x9100];
	[tilespmem:s31+$0x10140] =	vst v3;
	v3 =	vadd.f32 v16, v15  }
0xc3: {  	v26 =	vadd.f32 v26, v25;
	v10 =	vld [tilespmem:s31+$0x1110];
	[tilespmem:s31+$0x10510] =	vst v22  }
0xc4: {  	v14 =	vld [tilespmem:s31+$0x1130];
	[tilespmem:s31+$0x10160] =	vst v3;
	v3 =	vadd.f32 v20, v19  }
0xc5: {  	v30 =	vadd.f32 v30, v29;
	[tilespmem:s31+$0x10530] =	vst v26;
	v18 =	vld [tilespmem:s31+$0x1150]  }
0xc6: {  	v19 =	vld [tilespmem:s31+$0x9150];
	[tilespmem:s31+$0x10500] =	vst v3;
	v3 =	vadd.f32 v24, v23  }
0xc7: {  	v34 =	vadd.f32 v34, v33;
	[tilespmem:s31+$0x10550] =	vst v30;
	v22 =	vld [tilespmem:s31+$0x1170]  }
0xc8: {  	v11 =	vld [tilespmem:s31+$0x9110];
	[tilespmem:s31+$0x10520] =	vst v3;
	v3 =	vadd.f32 v28, v27  }
0xc9: {  	[tilespmem:s31+$0x10570] =	vst v34;
	v12 =	vld [tilespmem:s31+$0x1120]  }
0xca: {  	v15 =	vld [tilespmem:s31+$0x9130];
	[tilespmem:s31+$0x10540] =	vst v3;
	v3 =	vadd.f32 v32, v31  }
0xcb: {  	[tilespmem:s31+$0x10130] =	vst v5;
	v16 =	vld [tilespmem:s31+$0x1140];
	v19 =	vadd.f32 v19, v18  }
0xcc: {  	v20 =	vld [tilespmem:s31+$0x1160];
	[tilespmem:s31+$0x10560] =	vst v3;
	v3 =	vadd.f32 v36, v35  }
0xcd: {  	v24 =	vld [tilespmem:s31+$0x1500];
	[tilespmem:s31+$0x11150] =	vst v19;
	v36 =	vadd.f32 v38, v37  }
0xce: {  	v37 =	vld [tilespmem:s31+$0x9170];
	[tilespmem:s31+$0x10900] =	vst v3;
	v3 =	vadd.f32 v40, v39  }
0xcf: {  	v38 =	vadd.f32 v42, v41;
	v41 =	vld [tilespmem:s31+$0x1510];
	[tilespmem:s31+$0x10910] =	vst v36  }
0xd0: {  	v42 =	vld [tilespmem:s31+$0x9510];
	[tilespmem:s31+$0x10920] =	vst v3;
	v3 =	vadd.f32 v44, v43  }
0xd1: {  	v35 =	vld [tilespmem:s31+$0x1910];
	[tilespmem:s31+$0x10930] =	vst v38;
	v40 =	vadd.f32 v46, v45  }
0xd2: {  	v39 =	vld [tilespmem:s31+$0x9500];
	[tilespmem:s31+$0x10940] =	vst v3;
	v3 =	vadd.f32 v48, v47  }
0xd3: {  	v45 =	vld [tilespmem:s31+$0x9520];
	v46 =	vadd.f32 v54, v53;
	[tilespmem:s31+$0x10950] =	vst v40  }
0xd4: {  	v53 =	vld [tilespmem:s31+$0x1550];
	[tilespmem:s31+$0x10960] =	vst v3;
	v3 =	vadd.f32 v52, v51  }
0xd5: {  	v54 =	vld [tilespmem:s31+$0x9550];
	v43 =	vadd.f32 v50, v49;
	[tilespmem:s31+$0x10D10] =	vst v46  }
0xd6: {  	v36 =	vld [tilespmem:s31+$0x9910];
	[tilespmem:s31+$0x10D00] =	vst v3;
	v3 =	vadd.f32 v56, v55  }
0xd7: {  	v38 =	vld [tilespmem:s31+$0x1920];
	v49 =	vadd.f32 v58, v57;
	[tilespmem:s31+$0x10970] =	vst v43  }
0xd8: {  	v44 =	vld [tilespmem:s31+$0x1520];
	[tilespmem:s31+$0x10D20] =	vst v3;
	v3 =	vadd.f32 v60, v59  }
0xd9: {  	v50 =	vld [tilespmem:s31+$0x1540];
	v58 =	vadd.f32 v11, v10;
	[tilespmem:s31+$0x10D30] =	vst v49  }
0xda: {  	v57 =	vld [tilespmem:s31+$0x9560];
	[tilespmem:s31+$0x10D40] =	vst v3;
	v3 =	vadd.f32 v4, v63  }
0xdb: {  	v46 =	vld [tilespmem:s31+$0x1950];
	v37 =	vadd.f32 v37, v22;
	[tilespmem:s31+$0x11110] =	vst v58  }
0xdc: {  	v40 =	vadd.f32 v42, v41;
	v41 =	vld [tilespmem:s31+$0x1930];
	[tilespmem:s31+$0x10D60] =	vst v3;
	v3 =	vadd.f32 v9, v8  }
0xdd: {  	v42 =	vld [tilespmem:s31+$0x9930];
	[tilespmem:s31+$0x11170] =	vst v37  }
0xde: {  	v47 =	vld [tilespmem:s31+$0x1530];
	[tilespmem:s31+$0x11100] =	vst v3;
	v3 =	vadd.f32 v13, v12  }
0xdf: {  	v48 =	vld [tilespmem:s31+$0x9530];
	[tilespmem:s31+$0x11510] =	vst v40;
	v52 =	vadd.f32 v62, v61  }
0xe0: {  	v49 =	vld [tilespmem:s31+$0x1960];
	[tilespmem:s31+$0x11120] =	vst v3;
	v3 =	vadd.f32 v17, v16  }
0xe1: {  	v51 =	vld [tilespmem:s31+$0x9540];
	v61 =	vadd.f32 v15, v14;
	[tilespmem:s31+$0x10D50] =	vst v52  }
0xe2: {  	v62 =	vld [tilespmem:s31+$0x1900];
	[tilespmem:s31+$0x11140] =	vst v3;
	v3 =	vadd.f32 v21, v20  }
0xe3: {  	v55 =	vadd.f32 v7, v6;
	v56 =	vld [tilespmem:s31+$0x1560];
	[tilespmem:s31+$0x11130] =	vst v61  }
0xe4: {  	v52 =	vld [tilespmem:s31+$0x1970];
	[tilespmem:s31+$0x11160] =	vst v3;
	v3 =	vadd.f32 v39, v24  }
0xe5: {  	v43 =	vadd.f32 v48, v47;
	v47 =	vld [tilespmem:s31+$0x9950];
	[tilespmem:s31+$0x10D70] =	vst v55  }
0xe6: {  	v59 =	vld [tilespmem:s31+$0x1570];
	[tilespmem:s31+$0x11500] =	vst v3;
	v3 =	vadd.f32 v45, v44  }
0xe7: {  	[tilespmem:s31+$0x11530] =	vst v43;
	v63 =	vld [tilespmem:s31+$0x9900];
	v4 =	vadd.f32 v54, v53  }
0xe8: {  	v60 =	vld [tilespmem:s31+$0x9570];
	[tilespmem:s31+$0x11520] =	vst v3;
	v3 =	vadd.f32 v51, v50  }
0xe9: {  	v54 =	vadd.f32 v42, v41;
	[tilespmem:s31+$0x11550] =	vst v4;
	v39 =	vld [tilespmem:s31+$0x9920]  }
0xea: {  	v44 =	vld [tilespmem:s31+$0x1940];
	[tilespmem:s31+$0x11540] =	vst v3;
	v3 =	vadd.f32 v57, v56  }
0xeb: {  	[tilespmem:s31+$0x11930] =	vst v54;
	v55 =	vadd.f32 v47, v46;
	v45 =	vld [tilespmem:s31+$0x9940]  }
0xec: {  	v53 =	vld [tilespmem:s31+$0x9970];
	[tilespmem:s31+$0x11560] =	vst v3;
	v3 =	vadd.f32 v63, v62  }
0xed: {  	v48 =	vadd.f32 v60, v59;
	[tilespmem:s31+$0x11950] =	vst v55;
	v50 =	vld [tilespmem:s31+$0x9960]  }
0xee: {  	[tilespmem:s31+$0x11900] =	vst v3;
	v3 =	vadd.f32 v39, v38  }
0xef: {  	[tilespmem:s31+$0x11570] =	vst v48;
	v51 =	vadd.f32 v36, v35  }
0xf0: {  	[tilespmem:s31+$0x11920] =	vst v3;
	v3 =	vadd.f32 v45, v44  }
0xf1: {  	s0 =	sand.u32 $0x7, s28;
	[tilespmem:s31+$0x11910] =	vst v51;
	v56 =	vadd.f32 v53, v52  }
0xf2: {  	s0 =	sshll.u32 s0, $0x7;
	[tilespmem:s31+$0x11940] =	vst v3;
	v3 =	vadd.f32 v50, v49  }
0xf3: {  	s0 =	sadd.s32 s0, s29;
	[tilespmem:s31+$0x11970] =	vst v56  }
0xf4: {  	[tilespmem:s31+$0x11960] =	vst v3;
	s31 =	sor.u32 $0x1C00, s0  }
0xf5: {  	v3 =	vld [tilespmem:s31+$0x100]  }
0xf6: {  	v4 =	vld [tilespmem:s31+$0x8100];
	_ =	sdelay $0x4  }
0xf7: {  	v3 =	vadd.f32 v4, v3;
	_ =	sdelay $0x1  }
0xf8: {  	[tilespmem:s31+$0x10100] =	vst v3;
	s31 =	sor.u32 $0x1C10, s0  }
0xf9: {  	v3 =	vld [tilespmem:s31+$0x100]  }
0xfa: {  	v57 =	vld [tilespmem:s31+$0x8100];
	_ =	sdelay $0x4  }
0xfb: {  	v3 =	vadd.f32 v57, v3;
	_ =	sdelay $0x1  }
0xfc: {  	[tilespmem:s31+$0x10100] =	vst v3;
	s31 =	sor.u32 $0x1C20, s0  }
0xfd: {  	v3 =	vld [tilespmem:s31+$0x100]  }
0xfe: {  	v58 =	vld [tilespmem:s31+$0x8100];
	_ =	sdelay $0x4  }
0xff: {  	v3 =	vadd.f32 v58, v3;
	_ =	sdelay $0x1  }
0x100: {  	[tilespmem:s31+$0x10100] =	vst v3;
	s31 =	sor.u32 $0x1C30, s0  }
0x101: {  	v3 =	vld [tilespmem:s31+$0x100]  }
0x102: {  	v59 =	vld [tilespmem:s31+$0x8100];
	_ =	sdelay $0x4  }
0x103: {  	v3 =	vadd.f32 v59, v3;
	_ =	sdelay $0x1  }
0x104: {  	[tilespmem:s31+$0x10100] =	vst v3;
	s31 =	sor.u32 $0x1C40, s0  }
0x105: {  	v3 =	vld [tilespmem:s31+$0x100]  }
0x106: {  	v60 =	vld [tilespmem:s31+$0x8100];
	_ =	sdelay $0x4  }
0x107: {  	v3 =	vadd.f32 v60, v3;
	_ =	sdelay $0x1  }
0x108: {  	[tilespmem:s31+$0x10100] =	vst v3;
	s31 =	sor.u32 $0x1C50, s0  }
0x109: {  	v3 =	vld [tilespmem:s31+$0x100]  }
0x10a: {  	v61 =	vld [tilespmem:s31+$0x8100];
	_ =	sdelay $0x4  }
0x10b: {  	v3 =	vadd.f32 v61, v3;
	_ =	sdelay $0x1  }
0x10c: {  	[tilespmem:s31+$0x10100] =	vst v3;
	s31 =	sor.u32 $0x1C60, s0  }
0x10d: {  	v3 =	vld [tilespmem:s31+$0x100]  }
0x10e: {  	v62 =	vld [tilespmem:s31+$0x8100];
	_ =	sdelay $0x4  }
0x10f: {  	v3 =	vadd.f32 v62, v3;
	_ =	sdelay $0x1  }
0x110: {  	s0 =	sor.u32 $0x1C70, s0;
	[tilespmem:s31+$0x10100] =	vst v3  }
0x111: {  	v3 =	vld [tilespmem:s0+$0x100]  }
0x112: {  	v63 =	vld [tilespmem:s0+$0x8100];
	_ =	sdelay $0x1  }
0x113: {  	p0 =	sne.s32 s30, $0xF80  }
.Ltmp0:
0x114: {  	_ = 	snop;
	(pc) =	sbr.rel @p0 .LBB2_2-.Ltmp0, $4  }
0x115: {  	_ = 	snop  }
0x116: {  	v3 =	vadd.f32 v63, v3  }
0x117: {  	s26 =	sadd.s32 $0x400, s26  }
0x118: {  	s30 =	sadd.s32 $0x80, s30;
	s28 =	sadd.s32 $0x1, s28;
	s29 =	sadd.s32 $0x400, s29;
	[tilespmem:s0+$0x10100] =	vst v3  }
0x119: {  	s26 =	simm.s32 $0x0;
	s0 =	rddreg [dreg:$0x5]  }
0x11a: {  	[hbm4b:s0+s26] =	stream.linear.scatter [tilespmem:s25], [sflag:$0x2], $0x8000, $0x38;
	[tilespmem:$0x18100] =	vst v63  }
0x11b: {  	_ =	swait.ge [sflag:s14], $0x8000  }
0x11c: {  	[sflag:s14] =	ssyncset.done $0x0  }
0x11d: {  	s31 =	rddreg [dreg:$0x6];
	[sflag:s14] =	ssyncadd.s32 $0xFFFF8000  }
0x11e: {  	[tilespmem:s26], [sflag:$0x2] =	stream.linear.gather [hbm4b:s31+s26], $0x20, $0x38;
	[tilespmem:$0x18100] =	vst v63  }
0x11f: {  	_ =	swait.ge [sflag:s14], $0x20  }
0x120: {  	[sflag:s14] =	ssyncset.done $0x0  }
0x121: {  	s28 =	simm.s32 $0x80;
	s31 =	rddreg [dreg:$0x7];
	[sflag:s14] =	ssyncadd.s32 $0xFFFFFFE0  }
0x122: {  	[tilespmem:s28], [sflag:$0x2] =	stream.linear.gather [hbm4b:s31+s26], $0x20, $0x38;
	[tilespmem:$0x18100] =	vst v63  }
0x123: {  	_ =	swait.ge [sflag:s14], $0x20  }
0x124: {  	[sflag:s14] =	ssyncset.done $0x0  }
0x125: {  	[sflag:s14] =	ssyncadd.s32 $0xFFFFFFE0  }
0x126: {  	v3 =	vld [tilespmem:$0x0];
	_ =	sdelay $0x4  }
0x127: {  	v4 =	vshll.u32 v3, $0x3  }
0x128: {  	v3 =	vand.u32 $0x7, v3;
	v4 =	vand.u32 $0xFFFFFFC0, v4  }
0x129: {  	v3 =	vor.u32 v3, v4  }
0x12a: {  	v4 =	vperm.xlane v3, v0;
	_ =	sdelay $0x1  }
0x12b: {  	v4 =	vadd.s32 v1, v4;
	_ =	sdelay $0x3  }
0x12c: {  	s31 =	simm.s32 $0x100  }
0x12d: {  	[tilespmem:s31], [sflag:$0x1] =	stream.indirect_vreg.gather [hbm4b:s3+s26], $0x80, v4, vm0, $0xb8;
	[tilespmem:$0x18100] =	vst v63  }
0x12e: {  	v3 =	vperm.xlane v3, v2;
	s31 =	simm.s32 $0x900  }
0x12f: {  	[tilespmem:s31], [sflag:$0x1] =	stream.indirect_vreg.gather [hbm4b:s6+s26], $0x80, v4, vm0, $0xb8;
	[tilespmem:$0x18100] =	vst v63  }
0x130: {  	v3 =	vadd.s32 v1, v3;
	s31 =	simm.s32 $0x1100  }
0x131: {  	[tilespmem:s31], [sflag:$0x1] =	stream.indirect_vreg.gather [hbm4b:s7+s26], $0x80, v4, vm0, $0xb8;
	[tilespmem:$0x18100] =	vst v63  }
0x132: {  	s31 =	simm.s32 $0x1900  }
0x133: {  	[tilespmem:s31], [sflag:$0x1] =	stream.indirect_vreg.gather [hbm4b:s8+s26], $0x80, v4, vm0, $0xb8;
	[tilespmem:$0x18100] =	vst v63  }
0x134: {  	s31 =	simm.s32 $0x2100  }
0x135: {  	[tilespmem:s31], [sflag:$0x1] =	stream.indirect_vreg.gather [hbm4b:s3+s26], $0x80, v3, vm0, $0xb8;
	[tilespmem:$0x18100] =	vst v63  }
0x136: {  	s31 =	simm.s32 $0x2900  }
0x137: {  	[tilespmem:s31], [sflag:$0x1] =	stream.indirect_vreg.gather [hbm4b:s6+s26], $0x80, v3, vm0, $0xb8;
	[tilespmem:$0x18100] =	vst v63  }
0x138: {  	s31 =	simm.s32 $0x3100  }
0x139: {  	[tilespmem:s31], [sflag:$0x1] =	stream.indirect_vreg.gather [hbm4b:s7+s26], $0x80, v3, vm0, $0xb8;
	[tilespmem:$0x18100] =	vst v63  }
0x13a: {  	s31 =	simm.s32 $0x3900  }
0x13b: {  	[tilespmem:s31], [sflag:$0x1] =	stream.indirect_vreg.gather [hbm4b:s8+s26], $0x80, v3, vm0, $0xb8;
	[tilespmem:$0x18100] =	vst v63  }
0x13c: {  	v3 =	vld [tilespmem:$0x10];
	_ =	sdelay $0x4  }
0x13d: {  	v61 =	vshll.u32 v3, $0x3  }
0x13e: {  	v3 =	vand.u32 $0x7, v3;
	v4 =	vand.u32 $0xFFFFFFC0, v61  }
0x13f: {  	v3 =	vor.u32 v3, v4  }
0x140: {  	v4 =	vperm.xlane v3, v0;
	_ =	sdelay $0x1  }
0x141: {  	v4 =	vadd.s32 v1, v4;
	_ =	sdelay $0x3  }
0x142: {  	s31 =	simm.s32 $0x4100  }
0x143: {  	[tilespmem:s31], [sflag:$0x1] =	stream.indirect_vreg.gather [hbm4b:s3+s26], $0x80, v4, vm0, $0xb8;
	[tilespmem:$0x18100] =	vst v63  }
0x144: {  	v3 =	vperm.xlane v3, v2;
	s31 =	simm.s32 $0x4900  }
0x145: {  	[tilespmem:s31], [sflag:$0x1] =	stream.indirect_vreg.gather [hbm4b:s6+s26], $0x80, v4, vm0, $0xb8;
	[tilespmem:$0x18100] =	vst v63  }
0x146: {  	v3 =	vadd.s32 v1, v3;
	s31 =	simm.s32 $0x5100  }
0x147: {  	[tilespmem:s31], [sflag:$0x1] =	stream.indirect_vreg.gather [hbm4b:s7+s26], $0x80, v4, vm0, $0xb8;
	[tilespmem:$0x18100] =	vst v63  }
0x148: {  	s31 =	simm.s32 $0x5900  }
0x149: {  	[tilespmem:s31], [sflag:$0x1] =	stream.indirect_vreg.gather [hbm4b:s8+s26], $0x80, v4, vm0, $0xb8;
	[tilespmem:$0x18100] =	vst v63  }
0x14a: {  	s31 =	simm.s32 $0x6100  }
0x14b: {  	[tilespmem:s31], [sflag:$0x1] =	stream.indirect_vreg.gather [hbm4b:s3+s26], $0x80, v3, vm0, $0xb8;
	[tilespmem:$0x18100] =	vst v63  }
0x14c: {  	s31 =	simm.s32 $0x6900  }
0x14d: {  	[tilespmem:s31], [sflag:$0x1] =	stream.indirect_vreg.gather [hbm4b:s6+s26], $0x80, v3, vm0, $0xb8;
	[tilespmem:$0x18100] =	vst v63  }
0x14e: {  	s31 =	simm.s32 $0x7100  }
0x14f: {  	[tilespmem:s31], [sflag:$0x1] =	stream.indirect_vreg.gather [hbm4b:s7+s26], $0x80, v3, vm0, $0xb8;
	[tilespmem:$0x18100] =	vst v63  }
0x150: {  	s31 =	simm.s32 $0x7900  }
0x151: {  	[tilespmem:s31], [sflag:$0x1] =	stream.indirect_vreg.gather [hbm4b:s8+s26], $0x80, v3, vm0, $0xb8;
	[tilespmem:$0x18100] =	vst v63  }
0x152: {  	_ =	swait.ge [sflag:s2], $0x8000  }
0x153: {  	[sflag:s2] =	ssyncset.done $0x0  }
0x154: {  	[sflag:s2] =	ssyncadd.s32 $0xFFFF8000  }
0x155: {  	v3 =	vld [tilespmem:$0x80];
	_ =	sdelay $0x4  }
0x156: {  	v62 =	vshll.u32 v3, $0x3  }
0x157: {  	v3 =	vand.u32 $0x7, v3;
	v4 =	vand.u32 $0xFFFFFFC0, v62  }
0x158: {  	v3 =	vor.u32 v3, v4  }
0x159: {  	v4 =	vperm.xlane v3, v0;
	_ =	sdelay $0x1  }
0x15a: {  	v4 =	vadd.s32 v1, v4;
	_ =	sdelay $0x4  }
0x15b: {  	[tilespmem:s4], [sflag:$0x1] =	stream.indirect_vreg.gather [hbm4b:s3+s26], $0x80, v4, vm0, $0xb8;
	[tilespmem:$0x18100] =	vst v63  }
0x15c: {  	v3 =	vperm.xlane v3, v2  }
0x15d: {  	[tilespmem:s5], [sflag:$0x1] =	stream.indirect_vreg.gather [hbm4b:s6+s26], $0x80, v4, vm0, $0xb8;
	[tilespmem:$0x18100] =	vst v63  }
0x15e: {  	v3 =	vadd.s32 v1, v3  }
0x15f: {  	[tilespmem:s15], [sflag:$0x1] =	stream.indirect_vreg.gather [hbm4b:s7+s26], $0x80, v4, vm0, $0xb8;
	[tilespmem:$0x18100] =	vst v63  }
0x160: {  	_ = 	snop  }
0x161: {  	[tilespmem:s16], [sflag:$0x1] =	stream.indirect_vreg.gather [hbm4b:s8+s26], $0x80, v4, vm0, $0xb8;
	[tilespmem:$0x18100] =	vst v63  }
0x162: {  	_ = 	snop  }
0x163: {  	[tilespmem:s17], [sflag:$0x1] =	stream.indirect_vreg.gather [hbm4b:s3+s26], $0x80, v3, vm0, $0xb8;
	[tilespmem:$0x18100] =	vst v63  }
0x164: {  	_ = 	snop  }
0x165: {  	[tilespmem:s18], [sflag:$0x1] =	stream.indirect_vreg.gather [hbm4b:s6+s26], $0x80, v3, vm0, $0xb8;
	[tilespmem:$0x18100] =	vst v63  }
0x166: {  	_ = 	snop  }
0x167: {  	[tilespmem:s19], [sflag:$0x1] =	stream.indirect_vreg.gather [hbm4b:s7+s26], $0x80, v3, vm0, $0xb8;
	[tilespmem:$0x18100] =	vst v63  }
0x168: {  	_ = 	snop  }
0x169: {  	[tilespmem:s9], [sflag:$0x1] =	stream.indirect_vreg.gather [hbm4b:s8+s26], $0x80, v3, vm0, $0xb8;
	[tilespmem:$0x18100] =	vst v63  }
0x16a: {  	v3 =	vld [tilespmem:$0x90];
	_ =	sdelay $0x4  }
0x16b: {  	v63 =	vshll.u32 v3, $0x3  }
0x16c: {  	v3 =	vand.u32 $0x7, v3;
	v4 =	vand.u32 $0xFFFFFFC0, v63  }
0x16d: {  	v3 =	vor.u32 v3, v4  }
0x16e: {  	v4 =	vperm.xlane v3, v0;
	_ =	sdelay $0x1  }
0x16f: {  	v4 =	vadd.s32 v1, v4;
	_ =	sdelay $0x4  }
0x170: {  	[tilespmem:s20], [sflag:$0x1] =	stream.indirect_vreg.gather [hbm4b:s3+s26], $0x80, v4, vm0, $0xb8;
	[tilespmem:$0x18100] =	vst v63  }
0x171: {  	v3 =	vperm.xlane v3, v2  }
0x172: {  	[tilespmem:s21], [sflag:$0x1] =	stream.indirect_vreg.gather [hbm4b:s6+s26], $0x80, v4, vm0, $0xb8;
	[tilespmem:$0x18100] =	vst v63  }
0x173: {  	v3 =	vadd.s32 v1, v3  }
0x174: {  	[tilespmem:s10], [sflag:$0x1] =	stream.indirect_vreg.gather [hbm4b:s7+s26], $0x80, v4, vm0, $0xb8;
	[tilespmem:$0x18100] =	vst v63  }
0x175: {  	_ = 	snop  }
0x176: {  	[tilespmem:s22], [sflag:$0x1] =	stream.indirect_vreg.gather [hbm4b:s8+s26], $0x80, v4, vm0, $0xb8;
	[tilespmem:$0x18100] =	vst v63  }
0x177: {  	_ = 	snop  }
0x178: {  	[tilespmem:s11], [sflag:$0x1] =	stream.indirect_vreg.gather [hbm4b:s3+s26], $0x80, v3, vm0, $0xb8;
	[tilespmem:$0x18100] =	vst v63  }
0x179: {  	_ = 	snop  }
0x17a: {  	[tilespmem:s23], [sflag:$0x1] =	stream.indirect_vreg.gather [hbm4b:s6+s26], $0x80, v3, vm0, $0xb8;
	[tilespmem:$0x18100] =	vst v63  }
0x17b: {  	_ = 	snop  }
0x17c: {  	[tilespmem:s24], [sflag:$0x1] =	stream.indirect_vreg.gather [hbm4b:s7+s26], $0x80, v3, vm0, $0xb8;
	[tilespmem:$0x18100] =	vst v63  }
0x17d: {  	_ = 	snop  }
0x17e: {  	[tilespmem:s12], [sflag:$0x1] =	stream.indirect_vreg.gather [hbm4b:s8+s26], $0x80, v3, vm0, $0xb8;
	[tilespmem:$0x18100] =	vst v63  }
0x17f: {  	_ =	swait.ge [sflag:s2], $0x8000  }
0x180: {  	s29 =	simm.s32 $0x0;
	[sflag:s2] =	ssyncset.done $0x0  }
0x181: {  	s30 =	simm.s32 $0x0;
	s28 =	simm.s32 $0xFFFF8000;
	[sflag:s2] =	ssyncadd.s32 $0xFFFF8000  }
.LBB2_4:
0x182: {  	s0 =	sadd.s32 $0x8000, s28  }
0x183: {  	s31 =	sand.u32 $0x380, s30;
	s0 =	sand.u32 $0x6000, s0  }
0x184: {  	s31 =	sor.u32 s31, s0  }
0x185: {  	v3 =	vld [tilespmem:s31+$0x100]  }
0x186: {  	v4 =	vld [tilespmem:s31+$0x8100]  }
0x187: {  	v5 =	vld [tilespmem:s31+$0x110]  }
0x188: {  	v6 =	vld [tilespmem:s31+$0x8110]  }
0x189: {  	v7 =	vld [tilespmem:s31+$0x120]  }
0x18a: {  	v8 =	vld [tilespmem:s31+$0x8120]  }
0x18b: {  	v9 =	vld [tilespmem:s31+$0x130]  }
0x18c: {  	v10 =	vld [tilespmem:s31+$0x8130]  }
0x18d: {  	v11 =	vld [tilespmem:s31+$0x140]  }
0x18e: {  	v12 =	vld [tilespmem:s31+$0x8140]  }
0x18f: {  	v13 =	vld [tilespmem:s31+$0x150]  }
0x190: {  	v14 =	vld [tilespmem:s31+$0x8150]  }
0x191: {  	v15 =	vld [tilespmem:s31+$0x160]  }
0x192: {  	v16 =	vld [tilespmem:s31+$0x8160]  }
0x193: {  	v17 =	vld [tilespmem:s31+$0x170]  }
0x194: {  	v18 =	vld [tilespmem:s31+$0x8170]  }
0x195: {  	v19 =	vld [tilespmem:s31+$0x500]  }
0x196: {  	v20 =	vld [tilespmem:s31+$0x8500]  }
0x197: {  	v21 =	vld [tilespmem:s31+$0x510]  }
0x198: {  	v22 =	vld [tilespmem:s31+$0x8510]  }
0x199: {  	v23 =	vld [tilespmem:s31+$0x520]  }
0x19a: {  	v24 =	vld [tilespmem:s31+$0x8520]  }
0x19b: {  	v25 =	vld [tilespmem:s31+$0x530]  }
0x19c: {  	v26 =	vld [tilespmem:s31+$0x8530]  }
0x19d: {  	v27 =	vld [tilespmem:s31+$0x540]  }
0x19e: {  	v28 =	vld [tilespmem:s31+$0x8540]  }
0x19f: {  	v29 =	vld [tilespmem:s31+$0x550]  }
0x1a0: {  	v30 =	vld [tilespmem:s31+$0x8550]  }
0x1a1: {  	v31 =	vld [tilespmem:s31+$0x560]  }
0x1a2: {  	v32 =	vld [tilespmem:s31+$0x8560]  }
0x1a3: {  	v33 =	vld [tilespmem:s31+$0x570]  }
0x1a4: {  	v34 =	vld [tilespmem:s31+$0x8570]  }
0x1a5: {  	v35 =	vld [tilespmem:s31+$0x900]  }
0x1a6: {  	v36 =	vld [tilespmem:s31+$0x8900]  }
0x1a7: {  	v37 =	vld [tilespmem:s31+$0x910]  }
0x1a8: {  	v38 =	vld [tilespmem:s31+$0x8910]  }
0x1a9: {  	v39 =	vld [tilespmem:s31+$0x920]  }
0x1aa: {  	v40 =	vld [tilespmem:s31+$0x8920]  }
0x1ab: {  	v41 =	vld [tilespmem:s31+$0x930]  }
0x1ac: {  	v42 =	vld [tilespmem:s31+$0x8930]  }
0x1ad: {  	v43 =	vld [tilespmem:s31+$0x940]  }
0x1ae: {  	v44 =	vld [tilespmem:s31+$0x8940]  }
0x1af: {  	v45 =	vld [tilespmem:s31+$0x950]  }
0x1b0: {  	v46 =	vld [tilespmem:s31+$0x8950]  }
0x1b1: {  	v47 =	vld [tilespmem:s31+$0x960]  }
0x1b2: {  	v48 =	vld [tilespmem:s31+$0x8960]  }
0x1b3: {  	v49 =	vld [tilespmem:s31+$0x970]  }
0x1b4: {  	v50 =	vld [tilespmem:s31+$0x8970]  }
0x1b5: {  	v51 =	vld [tilespmem:s31+$0xD00]  }
0x1b6: {  	v52 =	vld [tilespmem:s31+$0x8D00]  }
0x1b7: {  	v53 =	vld [tilespmem:s31+$0xD10]  }
0x1b8: {  	v54 =	vld [tilespmem:s31+$0x8D10]  }
0x1b9: {  	v55 =	vld [tilespmem:s31+$0xD20]  }
0x1ba: {  	v56 =	vld [tilespmem:s31+$0x8D20]  }
0x1bb: {  	v57 =	vld [tilespmem:s31+$0xD30]  }
0x1bc: {  	v58 =	vld [tilespmem:s31+$0x8D30]  }
0x1bd: {  	v59 =	vld [tilespmem:s31+$0xD40]  }
0x1be: {  	v60 =	vld [tilespmem:s31+$0x8D40]  }
0x1bf: {  	v61 =	vld [tilespmem:s31+$0xD50]  }
0x1c0: {  	v62 =	vld [tilespmem:s31+$0x8D50]  }
0x1c1: {  	v63 =	vld [tilespmem:s31+$0xD60]  }
0x1c2: {  	v3 =	vadd.f32 v4, v3;
	v4 =	vld [tilespmem:s31+$0x8D60]  }
0x1c3: {  	v5 =	vadd.f32 v6, v5;
	v6 =	vld [tilespmem:s31+$0xD70]  }
0x1c4: {  	v14 =	vadd.f32 v14, v13;
	v13 =	vld [tilespmem:s31+$0x9120];
	[tilespmem:s31+$0x10100] =	vst v3  }
0x1c5: {  	v18 =	vadd.f32 v18, v17;
	v17 =	vld [tilespmem:s31+$0x9140];
	v3 =	vadd.f32 v8, v7;
	[tilespmem:s31+$0x10110] =	vst v5  }
0x1c6: {  	v22 =	vadd.f32 v22, v21;
	v21 =	vld [tilespmem:s31+$0x9160];
	[tilespmem:s31+$0x10150] =	vst v14  }
0x1c7: {  	v7 =	vld [tilespmem:s31+$0x8D70];
	[tilespmem:s31+$0x10120] =	vst v3;
	v3 =	vadd.f32 v12, v11  }
0x1c8: {  	v8 =	vld [tilespmem:s31+$0x1100];
	[tilespmem:s31+$0x10170] =	vst v18  }
0x1c9: {  	v5 =	vadd.f32 v10, v9;
	v9 =	vld [tilespmem:s31+$0x9100];
	[tilespmem:s31+$0x10140] =	vst v3;
	v3 =	vadd.f32 v16, v15  }
0x1ca: {  	v26 =	vadd.f32 v26, v25;
	v10 =	vld [tilespmem:s31+$0x1110];
	[tilespmem:s31+$0x10510] =	vst v22  }
0x1cb: {  	v14 =	vld [tilespmem:s31+$0x1130];
	[tilespmem:s31+$0x10160] =	vst v3;
	v3 =	vadd.f32 v20, v19  }
0x1cc: {  	v30 =	vadd.f32 v30, v29;
	[tilespmem:s31+$0x10530] =	vst v26;
	v18 =	vld [tilespmem:s31+$0x1150]  }
0x1cd: {  	v19 =	vld [tilespmem:s31+$0x9150];
	[tilespmem:s31+$0x10500] =	vst v3;
	v3 =	vadd.f32 v24, v23  }
0x1ce: {  	v34 =	vadd.f32 v34, v33;
	[tilespmem:s31+$0x10550] =	vst v30;
	v22 =	vld [tilespmem:s31+$0x1170]  }
0x1cf: {  	v11 =	vld [tilespmem:s31+$0x9110];
	[tilespmem:s31+$0x10520] =	vst v3;
	v3 =	vadd.f32 v28, v27  }
0x1d0: {  	[tilespmem:s31+$0x10570] =	vst v34;
	v12 =	vld [tilespmem:s31+$0x1120]  }
0x1d1: {  	v15 =	vld [tilespmem:s31+$0x9130];
	[tilespmem:s31+$0x10540] =	vst v3;
	v3 =	vadd.f32 v32, v31  }
0x1d2: {  	[tilespmem:s31+$0x10130] =	vst v5;
	v16 =	vld [tilespmem:s31+$0x1140];
	v19 =	vadd.f32 v19, v18  }
0x1d3: {  	v20 =	vld [tilespmem:s31+$0x1160];
	[tilespmem:s31+$0x10560] =	vst v3;
	v3 =	vadd.f32 v36, v35  }
0x1d4: {  	v24 =	vld [tilespmem:s31+$0x1500];
	[tilespmem:s31+$0x11150] =	vst v19;
	v36 =	vadd.f32 v38, v37  }
0x1d5: {  	v37 =	vld [tilespmem:s31+$0x9170];
	[tilespmem:s31+$0x10900] =	vst v3;
	v3 =	vadd.f32 v40, v39  }
0x1d6: {  	v38 =	vadd.f32 v42, v41;
	v41 =	vld [tilespmem:s31+$0x1510];
	[tilespmem:s31+$0x10910] =	vst v36  }
0x1d7: {  	v42 =	vld [tilespmem:s31+$0x9510];
	[tilespmem:s31+$0x10920] =	vst v3;
	v3 =	vadd.f32 v44, v43  }
0x1d8: {  	v35 =	vld [tilespmem:s31+$0x1910];
	[tilespmem:s31+$0x10930] =	vst v38;
	v40 =	vadd.f32 v46, v45  }
0x1d9: {  	v39 =	vld [tilespmem:s31+$0x9500];
	[tilespmem:s31+$0x10940] =	vst v3;
	v3 =	vadd.f32 v48, v47  }
0x1da: {  	v45 =	vld [tilespmem:s31+$0x9520];
	v46 =	vadd.f32 v54, v53;
	[tilespmem:s31+$0x10950] =	vst v40  }
0x1db: {  	v53 =	vld [tilespmem:s31+$0x1550];
	[tilespmem:s31+$0x10960] =	vst v3;
	v3 =	vadd.f32 v52, v51  }
0x1dc: {  	v54 =	vld [tilespmem:s31+$0x9550];
	v43 =	vadd.f32 v50, v49;
	[tilespmem:s31+$0x10D10] =	vst v46  }
0x1dd: {  	v36 =	vld [tilespmem:s31+$0x9910];
	[tilespmem:s31+$0x10D00] =	vst v3;
	v3 =	vadd.f32 v56, v55  }
0x1de: {  	v38 =	vld [tilespmem:s31+$0x1920];
	v49 =	vadd.f32 v58, v57;
	[tilespmem:s31+$0x10970] =	vst v43  }
0x1df: {  	v44 =	vld [tilespmem:s31+$0x1520];
	[tilespmem:s31+$0x10D20] =	vst v3;
	v3 =	vadd.f32 v60, v59  }
0x1e0: {  	v50 =	vld [tilespmem:s31+$0x1540];
	v58 =	vadd.f32 v11, v10;
	[tilespmem:s31+$0x10D30] =	vst v49  }
0x1e1: {  	v57 =	vld [tilespmem:s31+$0x9560];
	[tilespmem:s31+$0x10D40] =	vst v3;
	v3 =	vadd.f32 v4, v63  }
0x1e2: {  	v46 =	vld [tilespmem:s31+$0x1950];
	v37 =	vadd.f32 v37, v22;
	[tilespmem:s31+$0x11110] =	vst v58  }
0x1e3: {  	v40 =	vadd.f32 v42, v41;
	v41 =	vld [tilespmem:s31+$0x1930];
	[tilespmem:s31+$0x10D60] =	vst v3;
	v3 =	vadd.f32 v9, v8  }
0x1e4: {  	v42 =	vld [tilespmem:s31+$0x9930];
	[tilespmem:s31+$0x11170] =	vst v37  }
0x1e5: {  	v47 =	vld [tilespmem:s31+$0x1530];
	[tilespmem:s31+$0x11100] =	vst v3;
	v3 =	vadd.f32 v13, v12  }
0x1e6: {  	v48 =	vld [tilespmem:s31+$0x9530];
	[tilespmem:s31+$0x11510] =	vst v40;
	v52 =	vadd.f32 v62, v61  }
0x1e7: {  	v49 =	vld [tilespmem:s31+$0x1960];
	[tilespmem:s31+$0x11120] =	vst v3;
	v3 =	vadd.f32 v17, v16  }
0x1e8: {  	v51 =	vld [tilespmem:s31+$0x9540];
	v61 =	vadd.f32 v15, v14;
	[tilespmem:s31+$0x10D50] =	vst v52  }
0x1e9: {  	v62 =	vld [tilespmem:s31+$0x1900];
	[tilespmem:s31+$0x11140] =	vst v3;
	v3 =	vadd.f32 v21, v20  }
0x1ea: {  	v55 =	vadd.f32 v7, v6;
	v56 =	vld [tilespmem:s31+$0x1560];
	[tilespmem:s31+$0x11130] =	vst v61  }
0x1eb: {  	v52 =	vld [tilespmem:s31+$0x1970];
	[tilespmem:s31+$0x11160] =	vst v3;
	v3 =	vadd.f32 v39, v24  }
0x1ec: {  	v43 =	vadd.f32 v48, v47;
	v47 =	vld [tilespmem:s31+$0x9950];
	[tilespmem:s31+$0x10D70] =	vst v55  }
0x1ed: {  	v59 =	vld [tilespmem:s31+$0x1570];
	[tilespmem:s31+$0x11500] =	vst v3;
	v3 =	vadd.f32 v45, v44  }
0x1ee: {  	[tilespmem:s31+$0x11530] =	vst v43;
	v63 =	vld [tilespmem:s31+$0x9900];
	v4 =	vadd.f32 v54, v53  }
0x1ef: {  	v60 =	vld [tilespmem:s31+$0x9570];
	[tilespmem:s31+$0x11520] =	vst v3;
	v3 =	vadd.f32 v51, v50  }
0x1f0: {  	v54 =	vadd.f32 v42, v41;
	[tilespmem:s31+$0x11550] =	vst v4;
	v39 =	vld [tilespmem:s31+$0x9920]  }
0x1f1: {  	v44 =	vld [tilespmem:s31+$0x1940];
	[tilespmem:s31+$0x11540] =	vst v3;
	v3 =	vadd.f32 v57, v56  }
0x1f2: {  	[tilespmem:s31+$0x11930] =	vst v54;
	v55 =	vadd.f32 v47, v46;
	v45 =	vld [tilespmem:s31+$0x9940]  }
0x1f3: {  	v53 =	vld [tilespmem:s31+$0x9970];
	[tilespmem:s31+$0x11560] =	vst v3;
	v3 =	vadd.f32 v63, v62  }
0x1f4: {  	v48 =	vadd.f32 v60, v59;
	[tilespmem:s31+$0x11950] =	vst v55;
	v50 =	vld [tilespmem:s31+$0x9960]  }
0x1f5: {  	[tilespmem:s31+$0x11900] =	vst v3;
	v3 =	vadd.f32 v39, v38  }
0x1f6: {  	[tilespmem:s31+$0x11570] =	vst v48;
	v51 =	vadd.f32 v36, v35  }
0x1f7: {  	[tilespmem:s31+$0x11920] =	vst v3;
	v3 =	vadd.f32 v45, v44  }
0x1f8: {  	s0 =	sand.u32 $0x7, s26;
	[tilespmem:s31+$0x11910] =	vst v51;
	v56 =	vadd.f32 v53, v52  }
0x1f9: {  	s0 =	sshll.u32 s0, $0x7;
	[tilespmem:s31+$0x11940] =	vst v3;
	v3 =	vadd.f32 v50, v49  }
0x1fa: {  	s0 =	sadd.s32 s0, s29;
	[tilespmem:s31+$0x11970] =	vst v56  }
0x1fb: {  	[tilespmem:s31+$0x11960] =	vst v3;
	s31 =	sor.u32 $0x1C00, s0  }
0x1fc: {  	v3 =	vld [tilespmem:s31+$0x100]  }
0x1fd: {  	v4 =	vld [tilespmem:s31+$0x8100];
	_ =	sdelay $0x4  }
0x1fe: {  	v3 =	vadd.f32 v4, v3;
	_ =	sdelay $0x1  }
0x1ff: {  	[tilespmem:s31+$0x10100] =	vst v3;
	s31 =	sor.u32 $0x1C10, s0  }
0x200: {  	v3 =	vld [tilespmem:s31+$0x100]  }
0x201: {  	v57 =	vld [tilespmem:s31+$0x8100];
	_ =	sdelay $0x4  }
0x202: {  	v3 =	vadd.f32 v57, v3;
	_ =	sdelay $0x1  }
0x203: {  	[tilespmem:s31+$0x10100] =	vst v3;
	s31 =	sor.u32 $0x1C20, s0  }
0x204: {  	v3 =	vld [tilespmem:s31+$0x100]  }
0x205: {  	v58 =	vld [tilespmem:s31+$0x8100];
	_ =	sdelay $0x4  }
0x206: {  	v3 =	vadd.f32 v58, v3;
	_ =	sdelay $0x1  }
0x207: {  	[tilespmem:s31+$0x10100] =	vst v3;
	s31 =	sor.u32 $0x1C30, s0  }
0x208: {  	v3 =	vld [tilespmem:s31+$0x100]  }
0x209: {  	v59 =	vld [tilespmem:s31+$0x8100];
	_ =	sdelay $0x4  }
0x20a: {  	v3 =	vadd.f32 v59, v3;
	_ =	sdelay $0x1  }
0x20b: {  	[tilespmem:s31+$0x10100] =	vst v3;
	s31 =	sor.u32 $0x1C40, s0  }
0x20c: {  	v3 =	vld [tilespmem:s31+$0x100]  }
0x20d: {  	v60 =	vld [tilespmem:s31+$0x8100];
	_ =	sdelay $0x4  }
0x20e: {  	v3 =	vadd.f32 v60, v3;
	_ =	sdelay $0x1  }
0x20f: {  	[tilespmem:s31+$0x10100] =	vst v3;
	s31 =	sor.u32 $0x1C50, s0  }
0x210: {  	v3 =	vld [tilespmem:s31+$0x100]  }
0x211: {  	v61 =	vld [tilespmem:s31+$0x8100];
	_ =	sdelay $0x4  }
0x212: {  	v3 =	vadd.f32 v61, v3;
	_ =	sdelay $0x1  }
0x213: {  	[tilespmem:s31+$0x10100] =	vst v3;
	s31 =	sor.u32 $0x1C60, s0  }
0x214: {  	v3 =	vld [tilespmem:s31+$0x100]  }
0x215: {  	v62 =	vld [tilespmem:s31+$0x8100];
	_ =	sdelay $0x4  }
0x216: {  	v3 =	vadd.f32 v62, v3;
	_ =	sdelay $0x1  }
0x217: {  	s0 =	sor.u32 $0x1C70, s0;
	[tilespmem:s31+$0x10100] =	vst v3  }
0x218: {  	v3 =	vld [tilespmem:s0+$0x100]  }
0x219: {  	v63 =	vld [tilespmem:s0+$0x8100];
	_ =	sdelay $0x1  }
0x21a: {  	p0 =	sne.s32 s30, $0xF80  }
.Ltmp1:
0x21b: {  	_ = 	snop;
	(pc) =	sbr.rel @p0 .LBB2_4-.Ltmp1, $4  }
0x21c: {  	_ = 	snop  }
0x21d: {  	v3 =	vadd.f32 v63, v3  }
0x21e: {  	s28 =	sadd.s32 $0x400, s28  }
0x21f: {  	s30 =	sadd.s32 $0x80, s30;
	s26 =	sadd.s32 $0x1, s26;
	s29 =	sadd.s32 $0x400, s29;
	[tilespmem:s0+$0x10100] =	vst v3  }
0x220: {  	s0 =	rddreg [dreg:$0x8]  }
0x221: {  	[hbm4b:s0+s1] =	stream.linear.scatter [tilespmem:s25], [sflag:$0x2], $0x8000, $0x38;
	[tilespmem:$0x18100] =	vst v63  }
0x222: {  	_ =	swait.ge [sflag:s14], $0x8000  }
0x223: {  	s13 =	sadd.s32 $0x1, s13;
	s31 =	rddreg [dreg:$0x9]  }
0x224: {  	p0 =	sne.s32 s13, s31  }
.Ltmp2:
0x225: {  	_ = 	snop;
	(pc) =	sbr.rel @p0 .LBB2_1-.Ltmp2, $3  }
0x226: {  	_ =	sdelay $0x1  }
0x227: {  	[sflag:s14] =	ssyncset.done $0x0  }
0x228: {  	[sflag:s14] =	ssyncadd.s32 $0xFFFF8000  }
0x229: {  	_ =	sfence.sel $0x180000  }
0x22a: {  	[bflag:$0x0] =	sbarrier.arrive $0xFFFF  }
0x22b: {  	_ =	strace $0x9000004A  }
0x22c: {  	s0 =	stileid.u32;
	[bflag:$0x2] =	sbarrier.arrive $0xFFFF  }
0x22d: {  	p0 =	sne.s32 s0, $0x0;
	s0 =	rddreg [dreg:$0x2]  }
0x22e: {  	s0 =	sadd.s32 @!p0 $0x100000, s0  }
0x22f: {  	[sflag:s0] =	ssyncadd.tile.s32 @!p0 $0x1;
	_ =	shalt  }
.Lfunc_end2:
_tile_overlayer_lowered:
.L_overlay_start_2:
0x230: {  	(tag) =	ssettag $0x2  }
0x231: {  	s0 =	rddreg [dreg:$0x0];
	s2 =	stileid.u32  }
0x232: {  	s1 =	rddreg [dreg:$0x1];
	p0 =	sne.s32 s2, $0x0  }
0x233: {  	s3 =	rddreg [dreg:$0x2];
	[bflag:$0x3] =	sbarrier.arrive $0xFFFF;
	s2 =	simm.s32 @!p0 $0x1C02  }
0x234: {  	[timem:s3], [sflag:s2] =	dma.local @!p0 [hbm:s0], s1  }
0x235: {  	s0 =	simm.s32 @!p0 $0x2  }
0x236: {  	_ =	swait.ge @!p0 [sflag:s0], s1  }
0x237: {  	s1 =	ssub.s32 @!p0 $0x0, s1;
	[sflag:s0] =	ssyncset.done @!p0 $0x0  }
0x238: {  	[sflag:s0] =	ssyncadd.s32 @!p0 s1  }
0x239: {  	[bflag:$0x3] =	sbarrier.arrive $0xFFFF  }
0x23a: {  	_ =	shalt  }

</sc_bundles>
